<compile_context>
chip_gen: v7x
topology: tpu7x:2x2x1
jax: 0.10.2.dev20260603
libtpu: 0.0.44.dev20260713+nightly
codegen_flags: <defaults>
</compile_context>

<pallas_src>
import functools

import jax
import jax.numpy as jnp
from jax import lax
from jax.experimental import pallas as pl
from jax.experimental.pallas import tpu as pltpu
from jax.experimental.pallas import tpu_sc as plsc

BATCH = 16384
EMB = 32
HID = 64
NROW = 1000000

NC = 2
NS = 16
NW = NC * NS

NT_FULL = 7812
TAIL_START = NT_FULL * 128
CROWS = 640
NCH = -(-245 * 128 // CROWS)
STAGE = 256
CPS = 7
NSUP = 7
SUBCAP = 496
DUMMY = BATCH
NV = BATCH // 16


def _compact(refs, offset, values, m, trash):
  cum = jnp.cumsum(m.astype(jnp.int32))
  pos = jnp.minimum(jnp.where(m, offset + cum - 1, trash), trash)
  for ref, val in zip(refs, values):
    plsc.store_scatter(ref, [pos], val)
  pc = cum[15]
  return offset + pc, pc


def _one_table(idx_hbm, tab_hbm, out_hbm, idx_v, my_idx, my_j, sub_idx,
               sub_j, chunk_v, st_rows, st_j, st_jx, st_pos,
               sem_i, sem_c, sem_o, rs, re):
  iota = lax.iota(jnp.int32, 16)

  pltpu.async_copy(idx_hbm, idx_v, sem_i).wait()

  def scan_ids(v, cnt):
    ids = idx_v[pl.ds(v * 16, 16)]
    m = (ids >= rs) & (ids < re)

    def hit(c):
      c2, _ = _compact([my_idx, my_j], c, [ids, iota + v * 16], m, BATCH + 8)
      return c2

    return lax.cond(jnp.any(m), hit, lambda c: c, cnt)

  cnt = lax.fori_loop(0, NV, scan_ids, 0, unroll=4)
  nv_mine = (cnt + 15) // 16

  dummy_vec = jnp.full((16,), DUMMY, jnp.int32)
  for t in range(STAGE // 16):
    st_j[pl.ds(t * 16, 16)] = dummy_vec

  def chunk_start(c):
    return pl.multiple_of(
        jnp.minimum(rs + c * CROWS, re - CROWS), 128)

  def copy_chunk(c):
    cs = chunk_start(c)
    return pltpu.make_async_copy(
        tab_hbm.at[:, pl.ds(cs, CROWS)], chunk_v.at[c % 2], sem_c)

  def flush(wcnt):
    for t in range(STAGE // 16):
      st_jx[pl.ds(t * 16, 16)] = st_j[pl.ds(t * 16, 16)]
    pltpu.async_copy(st_rows, out_hbm.at[st_jx], sem_o).wait()
    return 0 * wcnt

  def ss_of(s):
    return pl.multiple_of(
        jnp.minimum(rs + s * (CPS * CROWS), re - CPS * CROWS), 128)

  def copy_chunk2(ss, s, k):
    cs = pl.multiple_of(ss + k * CROWS, 128)
    return pltpu.make_async_copy(
        tab_hbm.at[:, pl.ds(cs, CROWS)], chunk_v.at[(s * CPS + k) & 1], sem_c)

  copy_chunk2(ss_of(0), 0, 0).start()

  def do_super(s, wcnt):
    ss = ss_of(s)

    def scan_sub(v, sc):
      ids = my_idx[pl.ds(v * 16, 16)]
      jv = my_j[pl.ds(v * 16, 16)]
      m = (ids >= ss) & (ids < ss + CPS * CROWS) & (iota + v * 16 < cnt)

      def hit(c):
        c2, _ = _compact([sub_idx, sub_j], c, [ids, jv], m, SUBCAP + 8)
        return c2

      return lax.cond(jnp.any(m), hit, lambda x: x, sc)

    scnt = lax.fori_loop(0, nv_mine, scan_sub, 0)

    def chunks_with(src_idx_ref, src_j_ref):
      def run(wcnt, n_entries):
        def do_chunk(k, wc):
          c = s * CPS + k

          @pl.when(c + 1 < NCH)
          def _prefetch():
            s2 = jnp.where(k + 1 < CPS, s, s + 1)
            k2 = jnp.where(k + 1 < CPS, k + 1, 0)
            copy_chunk2(ss_of(s2), s2, k2).start()

          copy_chunk2(ss, s, k).wait()
          cs = pl.multiple_of(ss + k * CROWS, 128)
          par = c & 1
          nv = (n_entries + 15) // 16

          def scan_mine(v, wc):
            ids = src_idx_ref[pl.ds(v * 16, 16)]
            jv = src_j_ref[pl.ds(v * 16, 16)]
            m = (ids >= cs) & (ids < cs + CROWS) & (iota + v * 16 < n_entries)

            def hit(wc):
              wc = lax.cond(wc > STAGE - 16, flush, lambda w: w, wc)
              _, pc = _compact([st_j, st_pos], wc, [jv, ids - cs], m,
                               STAGE + 8)

              def one_entry(e, _):
                pos = st_pos[pl.ds(wc + e, 16)][0]
                psplat = jnp.full((16,), pos, jnp.int32)
                par_splat = jnp.full((16,), par, jnp.int32)
                row_splat = jnp.full((16,), wc + e, jnp.int32)
                g_lo = plsc.load_gather(chunk_v, [par_splat, iota, psplat])
                g_hi = plsc.load_gather(chunk_v,
                                        [par_splat, iota + 16, psplat])
                plsc.store_scatter(st_rows, [row_splat, iota], g_lo)
                plsc.store_scatter(st_rows, [row_splat, iota + 16], g_hi)
                return _

              lax.fori_loop(0, pc, one_entry, 0)
              return wc + pc

            return lax.cond(jnp.any(m), hit, lambda w: w, wc)

          return lax.fori_loop(0, nv, scan_mine, wc)

        return lax.fori_loop(0, CPS, do_chunk, wcnt)

      return run

    return lax.cond(scnt <= SUBCAP,
                    lambda w: chunks_with(sub_idx, sub_j)(w, scnt),
                    lambda w: chunks_with(my_idx, my_j)(w, cnt), wcnt)

  wcnt_final = lax.fori_loop(0, NSUP, do_super, 0)
  flush(wcnt_final)


def _sc_body(uid_hbm, iid_hbm, utab_hbm, itab_hbm, out_u_hbm, out_i_hbm,
             idx_v, my_idx, my_j, sub_idx, sub_j, chunk_v, st_rows, st_j,
             st_jx, st_pos, sem_i, sem_c, sem_o):
  wid = lax.axis_index("s") * NC + lax.axis_index("c")
  ts = (NT_FULL * wid) // NW
  te = (NT_FULL * (wid + 1)) // NW
  rs = pl.multiple_of(ts * 128, 128)
  re = pl.multiple_of(te * 128, 128)
  _one_table(uid_hbm, utab_hbm, out_u_hbm, idx_v, my_idx, my_j, sub_idx,
             sub_j, chunk_v, st_rows, st_j, st_jx, st_pos,
             sem_i, sem_c, sem_o, rs, re)
  _one_table(iid_hbm, itab_hbm, out_i_hbm, idx_v, my_idx, my_j, sub_idx,
             sub_j, chunk_v, st_rows, st_j, st_jx, st_pos,
             sem_i, sem_c, sem_o, rs, re)


@functools.cache
def _sc_gather():
  return pl.kernel(
      _sc_body,
      out_type=(jax.ShapeDtypeStruct((BATCH + 1, 128), jnp.float32),
                jax.ShapeDtypeStruct((BATCH + 1, 128), jnp.float32)),
      mesh=plsc.VectorSubcoreMesh(
          core_axis_name="c", subcore_axis_name="s",
          num_cores=NC, num_subcores=NS),
      scratch_types=[
          pltpu.VMEM((BATCH,), jnp.int32),
          pltpu.VMEM((BATCH + 16,), jnp.int32),
          pltpu.VMEM((BATCH + 16,), jnp.int32),
          pltpu.VMEM((SUBCAP + 24,), jnp.int32),
          pltpu.VMEM((SUBCAP + 24,), jnp.int32),
          pltpu.VMEM((2, EMB, CROWS), jnp.float32),
          pltpu.VMEM((STAGE, 128), jnp.float32),
          pltpu.VMEM((STAGE + 16,), jnp.int32),
          pltpu.VMEM((STAGE,), jnp.int32),
          pltpu.VMEM((STAGE + 16,), jnp.int32),
          pltpu.SemaphoreType.DMA,
          pltpu.SemaphoreType.DMA,
          pltpu.SemaphoreType.DMA,
      ],
      compiler_params=pltpu.CompilerParams(use_tc_tiling_on_sc=True, needs_layout_passes=False),
  )


def _mlp_body(u_ref, i_ref, uid_ref, iid_ref, tu_ref, ti_ref, w1u_ref,
              w1i_ref, b1_ref, w2_ref, b2_ref, wout_ref, bout_ref, out_ref):
  cols = lax.broadcasted_iota(jnp.int32, (1, 64), 1)
  uid = uid_ref[...]
  iid = iid_ref[...]
  oh_u = (uid - TAIL_START == cols).astype(jnp.float32)
  oh_i = (iid - TAIL_START == cols).astype(jnp.float32)
  u = jnp.where(uid >= TAIL_START, oh_u @ tu_ref[...], u_ref[:, :EMB])
  i = jnp.where(iid >= TAIL_START, oh_i @ ti_ref[...], i_ref[:, :EMB])
  h = u @ w1u_ref[...] + i @ w1i_ref[...] + b1_ref[...]
  h = jnp.maximum(h, 0.0)
  h = jnp.maximum(h @ w2_ref[...] + b2_ref[...], 0.0)
  y = jnp.sum(h * wout_ref[...], axis=1, keepdims=True) + bout_ref[...]
  out_ref[...] = y


def _mlp_call(gu, gi, uid2, iid2, tail_u, tail_i, w1u, w1i, b1, w2, b2,
              wout_t, bout, block_b):
  grid = (BATCH // block_b,)
  full = lambda shape: pl.BlockSpec(shape, lambda b: (0,) * len(shape))
  return pl.pallas_call(
      _mlp_body,
      grid=grid,
      in_specs=[
          pl.BlockSpec((block_b, 128), lambda b: (b, 0)),
          pl.BlockSpec((block_b, 128), lambda b: (b, 0)),
          pl.BlockSpec((block_b, 1), lambda b: (b, 0)),
          pl.BlockSpec((block_b, 1), lambda b: (b, 0)),
          full((64, EMB)),
          full((64, EMB)),
          full((EMB, HID)),
          full((EMB, HID)),
          full((1, HID)),
          full((HID, HID)),
          full((1, HID)),
          full((1, HID)),
          full((1, 1)),
      ],
      out_specs=pl.BlockSpec((block_b, 1), lambda b: (b, 0)),
      out_shape=jax.ShapeDtypeStruct((BATCH, 1), jnp.float32),
  )(gu, gi, uid2, iid2, tail_u, tail_i, w1u, w1i, b1, w2, b2, wout_t, bout)


def kernel(userID, ItemID, user_table, item_table, W1, b1, W2, b2, Wout, bout):
  gu, gi = _sc_gather()(userID, ItemID, user_table.T, item_table.T)
  tail_u = user_table[TAIL_START:]
  tail_i = item_table[TAIL_START:]
  y = _mlp_call(gu, gi, userID.reshape(BATCH, 1), ItemID.reshape(BATCH, 1),
                tail_u, tail_i, W1[:EMB], W1[EMB:], b1.reshape(1, HID),
                W2, b2.reshape(1, HID), Wout.reshape(1, HID),
                bout.reshape(1, 1), block_b=2048)
  return y[:, 0]

# --- scband reference (transcript-rebuilt; emitter-appended) ---
"""Pipeline reference for scband-mf-61658550501933 (READ-ONLY COPY).

The authoritative reference and input builder live on the scoring server;
editing this copy changes nothing except your own understanding.
"""

import jax, jax.numpy as jnp
import numpy as np

USER_MAX = 1000000
ITEM_MAX = 1000000
EMB = 32
BATCH = 16384
HID = 64

def setup_inputs(seed: int = 0) -> dict:
    key = jax.random.key(seed)
    k1, k2, k3, k4, k5, k6, k7, k8, k9, k10 = jax.random.split(key, 10)
    userID = jax.random.randint(k1, (BATCH,), 0, USER_MAX, dtype=jnp.int64 if jax.config.read('jax_enable_x64') else jnp.int32)
    ItemID = jax.random.randint(k2, (BATCH,), 0, ITEM_MAX, dtype=jnp.int64 if jax.config.read('jax_enable_x64') else jnp.int32)
    user_table = jax.random.normal(k3, (USER_MAX, EMB), dtype=jnp.float32) * 0.05
    item_table = jax.random.normal(k4, (ITEM_MAX, EMB), dtype=jnp.float32) * 0.05
    W1 = jax.random.normal(k5, (2 * EMB, HID), dtype=jnp.float32) * (1.0 / np.sqrt(2 * EMB))
    b1 = jnp.zeros((HID,), dtype=jnp.float32)
    W2 = jax.random.normal(k6, (HID, HID), dtype=jnp.float32) * (1.0 / np.sqrt(HID))
    b2 = jnp.zeros((HID,), dtype=jnp.float32)
    Wout = jax.random.normal(k7, (HID, 1), dtype=jnp.float32) * (1.0 / np.sqrt(HID))
    bout = jnp.zeros((1,), dtype=jnp.float32)
    return {"userID": userID, "ItemID": ItemID, "user_table": user_table, "item_table": item_table,
            "W1": W1, "b1": b1, "W2": W2, "b2": b2, "Wout": Wout, "bout": bout}

def reference(userID, ItemID, user_table, item_table, W1, b1, W2, b2, Wout, bout):
    # LatentFactorMapper: embedding lookup
    user_emb = jnp.take(user_table, userID, axis=0)   # [B, EMB]
    item_emb = jnp.take(item_table, ItemID, axis=0)   # [B, EMB]
    # MLPInteraction: concat + MLP
    h = jnp.concatenate([user_emb, item_emb], axis=-1)  # [B, 2*EMB]
    h = jax.nn.relu(h @ W1 + b1)
    h = jax.nn.relu(h @ W2 + b2)
    # RatingPredictionOptimizer: dense to scalar rating
    y_pred = (h @ Wout + bout)[:, 0]  # [B]
    return y_pred

if __name__ == "__main__":
    import jax
    _d = setup_inputs()
    print(jax.jit(kernel)(*tuple(_d.values())))

</pallas_src>

<mosaic_0001>
#map = affine_map<(d0, d1) -> (0)>
#map1 = affine_map<(d0, d1) -> (0, 0)>
module attributes {stable_mosaic.version = 14 : i64} {
  func.func @_sc_body(%arg0: i32, %arg1: i32, %arg2: memref<16384xi32, #tpu.memory_space<hbm>>, %arg3: memref<16384xi32, #tpu.memory_space<hbm>>, %arg4: memref<32x1000000xf32, #tpu.memory_space<hbm>>, %arg5: memref<32x1000000xf32, #tpu.memory_space<hbm>>, %arg6: memref<16385x128xf32, #tpu.memory_space<hbm>>, %arg7: memref<16385x128xf32, #tpu.memory_space<hbm>>, %arg8: memref<16384xi32, #tpu.memory_space<vmem>>, %arg9: memref<16400xi32, #tpu.memory_space<vmem>>, %arg10: memref<16400xi32, #tpu.memory_space<vmem>>, %arg11: memref<520xi32, #tpu.memory_space<vmem>>, %arg12: memref<520xi32, #tpu.memory_space<vmem>>, %arg13: memref<2x32x640xf32, #tpu.memory_space<vmem>>, %arg14: memref<256x128xf32, #tpu.memory_space<vmem>>, %arg15: memref<272xi32, #tpu.memory_space<vmem>>, %arg16: memref<256xi32, #tpu.memory_space<vmem>>, %arg17: memref<272xi32, #tpu.memory_space<vmem>>, %arg18: memref<!tpu.dma_semaphore, #tpu.memory_space<semaphore_mem>>, %arg19: memref<!tpu.dma_semaphore, #tpu.memory_space<semaphore_mem>>, %arg20: memref<!tpu.dma_semaphore, #tpu.memory_space<semaphore_mem>>) attributes {dimension_semantics = [#tpu.dimension_semantics<core_parallel>, #tpu.dimension_semantics<subcore_parallel>], iteration_bounds = array<i64: 2, 16>, scalar_prefetch = 0 : i64, scratch_operands = 13 : i64, tpu.core_type = #tpu.core_type<sc_vector_subcore>, window_params = [{transform_indices = #map}, {transform_indices = #map}, {transform_indices = #map1}, {transform_indices = #map1}, {transform_indices = #map1}, {transform_indices = #map1}]} {
    %mul3A = arith.constant 2 : i32
    %mul3A_0 = arith.muli %arg1, %mul3A : i32
    %add3A = arith.addi %mul3A_0, %arg0 : i32
    %mul3A_1 = arith.constant 7812 : i32
    %mul3A_2 = arith.muli %mul3A_1, %add3A : i32
    %jit3A = arith.constant 32 : i32
    %div3A = arith.divsi %mul3A_2, %jit3A : i32
    %sign3A = arith.constant 0 : i32
    %sign3A_3 = arith.cmpi sgt, %mul3A_2, %sign3A : i32
    %sign3A_4 = arith.extui %sign3A_3 : i1 to i32
    %sign3A_5 = arith.constant 0 : i32
    %sign3A_6 = arith.cmpi slt, %mul3A_2, %sign3A_5 : i32
    %sign3A_7 = arith.extui %sign3A_6 : i1 to i32
    %sign3A_8 = arith.subi %sign3A_4, %sign3A_7 : i32
    %sign3A_9 = arith.constant 0 : i32
    %sign3A_10 = arith.cmpi sgt, %jit3A, %sign3A_9 : i32
    %sign3A_11 = arith.extui %sign3A_10 : i1 to i32
    %sign3A_12 = arith.constant 0 : i32
    %sign3A_13 = arith.cmpi slt, %jit3A, %sign3A_12 : i32
    %sign3A_14 = arith.extui %sign3A_13 : i1 to i32
    %sign3A_15 = arith.subi %sign3A_11, %sign3A_14 : i32
    %ne3A = arith.cmpi ne, %sign3A_8, %sign3A_15 : i32
    %rem3A = arith.remsi %mul3A_2, %jit3A : i32
    %ne3A_16 = arith.constant 0 : i32
    %ne3A_17 = arith.cmpi ne, %rem3A, %ne3A_16 : i32
    %and3A = arith.andi %ne3A, %ne3A_17 : i1
    %sub3A = arith.constant 1 : i32
    %sub3A_18 = arith.subi %div3A, %sub3A : i32
    %select_n3A = arith.select %and3A, %sub3A_18, %div3A : i32
    %add3A_19 = arith.constant 1 : i32
    %add3A_20 = arith.addi %add3A, %add3A_19 : i32
    %mul3A_21 = arith.constant 7812 : i32
    %mul3A_22 = arith.muli %mul3A_21, %add3A_20 : i32
    %jit3A_23 = arith.constant 32 : i32
    %div3A_24 = arith.divsi %mul3A_22, %jit3A_23 : i32
    %sign3A_25 = arith.constant 0 : i32
    %sign3A_26 = arith.cmpi sgt, %mul3A_22, %sign3A_25 : i32
    %sign3A_27 = arith.extui %sign3A_26 : i1 to i32
    %sign3A_28 = arith.constant 0 : i32
    %sign3A_29 = arith.cmpi slt, %mul3A_22, %sign3A_28 : i32
    %sign3A_30 = arith.extui %sign3A_29 : i1 to i32
    %sign3A_31 = arith.subi %sign3A_27, %sign3A_30 : i32
    %sign3A_32 = arith.constant 0 : i32
    %sign3A_33 = arith.cmpi sgt, %jit3A_23, %sign3A_32 : i32
    %sign3A_34 = arith.extui %sign3A_33 : i1 to i32
    %sign3A_35 = arith.constant 0 : i32
    %sign3A_36 = arith.cmpi slt, %jit3A_23, %sign3A_35 : i32
    %sign3A_37 = arith.extui %sign3A_36 : i1 to i32
    %sign3A_38 = arith.subi %sign3A_34, %sign3A_37 : i32
    %ne3A_39 = arith.cmpi ne, %sign3A_31, %sign3A_38 : i32
    %rem3A_40 = arith.remsi %mul3A_22, %jit3A_23 : i32
    %ne3A_41 = arith.constant 0 : i32
    %ne3A_42 = arith.cmpi ne, %rem3A_40, %ne3A_41 : i32
    %and3A_43 = arith.andi %ne3A_39, %ne3A_42 : i1
    %sub3A_44 = arith.constant 1 : i32
    %sub3A_45 = arith.subi %div3A_24, %sub3A_44 : i32
    %select_n3A_46 = arith.select %and3A_43, %sub3A_45, %div3A_24 : i32
    %mul3A_47 = arith.constant 128 : i32
    %mul3A_48 = arith.muli %select_n3A, %mul3A_47 : i32
    %multiple_of3A = tpu.assume_multiple %mul3A_48, 128 : i32
    %mul3A_49 = arith.constant 128 : i32
    %mul3A_50 = arith.muli %select_n3A_46, %mul3A_49 : i32
    %multiple_of3A_51 = tpu.assume_multiple %mul3A_50, 128 : i32
    %iota3A = tpu.iota {dimensions = array<i32: 0>} : vector<16xi32>
    tpu.enqueue_dma source(%arg2 : memref<16384xi32, #tpu.memory_space<hbm>>) target(%arg8 : memref<16384xi32, #tpu.memory_space<vmem>>) target_semaphore(%arg18 : memref<!tpu.dma_semaphore, #tpu.memory_space<semaphore_mem>>)
    tpu.wait_dma2 semaphore(%arg18 : memref<!tpu.dma_semaphore, #tpu.memory_space<semaphore_mem>>) src(%arg2 : memref<16384xi32, #tpu.memory_space<hbm>>) dst(%arg8 : memref<16384xi32, #tpu.memory_space<vmem>>)
    %scan3A = arith.constant 0 : i32
    %scan3A_52 = arith.constant 0 : i32
    %scan3A_53 = arith.constant 1024 : i32
    %scan3A_54 = arith.addi %scan3A_52, %scan3A_53 : i32
    %scan3A_55 = arith.constant 4 : i32
    %scan3A_56 = scf.for %scan3A_382 = %scan3A_52 to %scan3A_54 step %scan3A_55 iter_args(%scan3A_383 = %scan3A) -> (i32)  : i32 {
      %mul3A_384 = arith.constant 16 : i32
      %mul3A_385 = arith.muli %scan3A_382, %mul3A_384 : i32
      %get3A_386 = arith.index_cast %mul3A_385 : i32 to index
      %get3A_387 = tpu.vector_load %arg8[%get3A_386] {strides = array<i32>} : memref<16384xi32, #tpu.memory_space<vmem>>, vector<16xi32>,
      %ge3A = vector.broadcast %multiple_of3A : i32 to vector<16xi32>
      %ge3A_388 = arith.cmpi sge, %get3A_387, %ge3A : vector<16xi32>
      %lt3A = vector.broadcast %multiple_of3A_51 : i32 to vector<16xi32>
      %lt3A_389 = arith.cmpi slt, %get3A_387, %lt3A : vector<16xi32>
      %and3A_390 = arith.andi %ge3A_388, %lt3A_389 : vector<16xi1>
      %reduce_or3A = arith.constant 1.000000e+00 : f32
      %reduce_or3A_391 = arith.constant 0.000000e+00 : f32
      %reduce_or3A_392 = vector.broadcast %reduce_or3A : f32 to vector<16xf32>
      %reduce_or3A_393 = vector.broadcast %reduce_or3A_391 : f32 to vector<16xf32>
      %reduce_or3A_394 = arith.select %and3A_390, %reduce_or3A_392, %reduce_or3A_393 : vector<16xi1>, vector<16xf32>
      %reduce_or3A_395 = arith.constant true
      %reduce_or3A_396 = vector.broadcast %reduce_or3A_395 : i1 to vector<16xi1>
      %reduce_or3A_397 = tpu.scan <max>, %reduce_or3A_394 masked %reduce_or3A_396 : vector<16xf32>, vector<16xi1> -> vector<16xf32>
      %reduce_or3A_398 = vector.extract %reduce_or3A_397[15] : f32 from vector<16xf32>
      %reduce_or3A_399 = arith.constant 0.000000e+00 : f32
      %reduce_or3A_400 = arith.cmpf ogt, %reduce_or3A_398, %reduce_or3A_399 : f32
      %convert_element_type3A = arith.extui %reduce_or3A_400 : i1 to i32
      %cond3A = arith.constant 0 : i32
      %cond3A_401 = arith.cmpi ne, %convert_element_type3A, %cond3A : i32
      %cond3A_402 = scf.if %cond3A_401 -> (i32) {
        %mul3A_481 = arith.constant 16 : i32
        %mul3A_482 = arith.muli %scan3A_382, %mul3A_481 : i32
        %add3A_483 = vector.broadcast %mul3A_482 : i32 to vector<16xi32>
        %add3A_484 = arith.addi %iota3A, %add3A_483 : vector<16xi32>
        %convert_element_type3A_485 = arith.extui %and3A_390 : vector<16xi1> to vector<16xi32>
        %cumsum3A = arith.constant true
        %cumsum3A_486 = vector.broadcast %cumsum3A : i1 to vector<16xi1>
        %cumsum3A_487 = tpu.scan <sum>, %convert_element_type3A_485 masked %cumsum3A_486 : vector<16xi32>, vector<16xi1> -> vector<16xi32>
        %add3A_488 = vector.broadcast %scan3A_383 : i32 to vector<16xi32>
        %add3A_489 = arith.addi %add3A_488, %cumsum3A_487 : vector<16xi32>
        %sub3A_490 = arith.constant 1 : i32
        %sub3A_491 = vector.broadcast %sub3A_490 : i32 to vector<16xi32>
        %sub3A_492 = arith.subi %add3A_489, %sub3A_491 : vector<16xi32>
        %jit3A_493 = arith.constant 16392 : i32
        %broadcast_in_dim3A_494 = vector.broadcast %jit3A_493 : i32 to vector<16xi32>
        %select_n3A_495 = arith.select %and3A_390, %sub3A_492, %broadcast_in_dim3A_494 : vector<16xi1>, vector<16xi32>
        %min3A_496 = arith.constant 16392 : i32
        %min3A_497 = vector.broadcast %min3A_496 : i32 to vector<16xi32>
        %min3A_498 = arith.minsi %select_n3A_495, %min3A_497 : vector<16xi32>
        tpu.vector_store_idx %arg9[%min3A_498], %get3A_387 : memref<16400xi32, #tpu.memory_space<vmem>>[vector<16xi32>], vector<16xi32>,
        tpu.vector_store_idx %arg10[%min3A_498], %add3A_484 : memref<16400xi32, #tpu.memory_space<vmem>>[vector<16xi32>], vector<16xi32>,
        %slice3A = vector.extract_strided_slice %cumsum3A_487 {offsets = [15], sizes = [1], strides = [1]} : vector<16xi32> to vector<1xi32>
        %squeeze3A = vector.extract %slice3A[0] : i32 from vector<1xi32>
        %add3A_499 = arith.addi %scan3A_383, %squeeze3A : i32
        scf.yield %add3A_499 : i32
      } else {
        scf.yield %scan3A_383 : i32
      }
      %scan3A_403 = arith.constant 1 : i32
      %scan3A_404 = arith.addi %scan3A_382, %scan3A_403 : i32
      %mul3A_405 = arith.constant 16 : i32
      %mul3A_406 = arith.muli %scan3A_404, %mul3A_405 : i32
      %get3A_407 = arith.index_cast %mul3A_406 : i32 to index
      %get3A_408 = tpu.vector_load %arg8[%get3A_407] {strides = array<i32>} : memref<16384xi32, #tpu.memory_space<vmem>>, vector<16xi32>,
      %ge3A_409 = vector.broadcast %multiple_of3A : i32 to vector<16xi32>
      %ge3A_410 = arith.cmpi sge, %get3A_408, %ge3A_409 : vector<16xi32>
      %lt3A_411 = vector.broadcast %multiple_of3A_51 : i32 to vector<16xi32>
      %lt3A_412 = arith.cmpi slt, %get3A_408, %lt3A_411 : vector<16xi32>
      %and3A_413 = arith.andi %ge3A_410, %lt3A_412 : vector<16xi1>
      %reduce_or3A_414 = arith.constant 1.000000e+00 : f32
      %reduce_or3A_415 = arith.constant 0.000000e+00 : f32
      %reduce_or3A_416 = vector.broadcast %reduce_or3A_414 : f32 to vector<16xf32>
      %reduce_or3A_417 = vector.broadcast %reduce_or3A_415 : f32 to vector<16xf32>
      %reduce_or3A_418 = arith.select %and3A_413, %reduce_or3A_416, %reduce_or3A_417 : vector<16xi1>, vector<16xf32>
      %reduce_or3A_419 = arith.constant true
      %reduce_or3A_420 = vector.broadcast %reduce_or3A_419 : i1 to vector<16xi1>
      %reduce_or3A_421 = tpu.scan <max>, %reduce_or3A_418 masked %reduce_or3A_420 : vector<16xf32>, vector<16xi1> -> vector<16xf32>
      %reduce_or3A_422 = vector.extract %reduce_or3A_421[15] : f32 from vector<16xf32>
      %reduce_or3A_423 = arith.constant 0.000000e+00 : f32
      %reduce_or3A_424 = arith.cmpf ogt, %reduce_or3A_422, %reduce_or3A_423 : f32
      %convert_element_type3A_425 = arith.extui %reduce_or3A_424 : i1 to i32
      %cond3A_426 = arith.constant 0 : i32
      %cond3A_427 = arith.cmpi ne, %convert_element_type3A_425, %cond3A_426 : i32
      %cond3A_428 = scf.if %cond3A_427 -> (i32) {
        %mul3A_481 = arith.constant 16 : i32
        %mul3A_482 = arith.muli %scan3A_404, %mul3A_481 : i32
        %add3A_483 = vector.broadcast %mul3A_482 : i32 to vector<16xi32>
        %add3A_484 = arith.addi %iota3A, %add3A_483 : vector<16xi32>
        %convert_element_type3A_485 = arith.extui %and3A_413 : vector<16xi1> to vector<16xi32>
        %cumsum3A = arith.constant true
        %cumsum3A_486 = vector.broadcast %cumsum3A : i1 to vector<16xi1>
        %cumsum3A_487 = tpu.scan <sum>, %convert_element_type3A_485 masked %cumsum3A_486 : vector<16xi32>, vector<16xi1> -> vector<16xi32>
        %add3A_488 = vector.broadcast %cond3A_402 : i32 to vector<16xi32>
        %add3A_489 = arith.addi %add3A_488, %cumsum3A_487 : vector<16xi32>
        %sub3A_490 = arith.constant 1 : i32
        %sub3A_491 = vector.broadcast %sub3A_490 : i32 to vector<16xi32>
        %sub3A_492 = arith.subi %add3A_489, %sub3A_491 : vector<16xi32>
        %jit3A_493 = arith.constant 16392 : i32
        %broadcast_in_dim3A_494 = vector.broadcast %jit3A_493 : i32 to vector<16xi32>
        %select_n3A_495 = arith.select %and3A_413, %sub3A_492, %broadcast_in_dim3A_494 : vector<16xi1>, vector<16xi32>
        %min3A_496 = arith.constant 16392 : i32
        %min3A_497 = vector.broadcast %min3A_496 : i32 to vector<16xi32>
        %min3A_498 = arith.minsi %select_n3A_495, %min3A_497 : vector<16xi32>
        tpu.vector_store_idx %arg9[%min3A_498], %get3A_408 : memref<16400xi32, #tpu.memory_space<vmem>>[vector<16xi32>], vector<16xi32>,
        tpu.vector_store_idx %arg10[%min3A_498], %add3A_484 : memref<16400xi32, #tpu.memory_space<vmem>>[vector<16xi32>], vector<16xi32>,
        %slice3A = vector.extract_strided_slice %cumsum3A_487 {offsets = [15], sizes = [1], strides = [1]} : vector<16xi32> to vector<1xi32>
        %squeeze3A = vector.extract %slice3A[0] : i32 from vector<1xi32>
        %add3A_499 = arith.addi %cond3A_402, %squeeze3A : i32
        scf.yield %add3A_499 : i32
      } else {
        scf.yield %cond3A_402 : i32
      }
      %scan3A_429 = arith.constant 2 : i32
      %scan3A_430 = arith.addi %scan3A_382, %scan3A_429 : i32
      %mul3A_431 = arith.constant 16 : i32
      %mul3A_432 = arith.muli %scan3A_430, %mul3A_431 : i32
      %get3A_433 = arith.index_cast %mul3A_432 : i32 to index
      %get3A_434 = tpu.vector_load %arg8[%get3A_433] {strides = array<i32>} : memref<16384xi32, #tpu.memory_space<vmem>>, vector<16xi32>,
      %ge3A_435 = vector.broadcast %multiple_of3A : i32 to vector<16xi32>
      %ge3A_436 = arith.cmpi sge, %get3A_434, %ge3A_435 : vector<16xi32>
      %lt3A_437 = vector.broadcast %multiple_of3A_51 : i32 to vector<16xi32>
      %lt3A_438 = arith.cmpi slt, %get3A_434, %lt3A_437 : vector<16xi32>
      %and3A_439 = arith.andi %ge3A_436, %lt3A_438 : vector<16xi1>
      %reduce_or3A_440 = arith.constant 1.000000e+00 : f32
      %reduce_or3A_441 = arith.constant 0.000000e+00 : f32
      %reduce_or3A_442 = vector.broadcast %reduce_or3A_440 : f32 to vector<16xf32>
      %reduce_or3A_443 = vector.broadcast %reduce_or3A_441 : f32 to vector<16xf32>
      %reduce_or3A_444 = arith.select %and3A_439, %reduce_or3A_442, %reduce_or3A_443 : vector<16xi1>, vector<16xf32>
      %reduce_or3A_445 = arith.constant true
      %reduce_or3A_446 = vector.broadcast %reduce_or3A_445 : i1 to vector<16xi1>
      %reduce_or3A_447 = tpu.scan <max>, %reduce_or3A_444 masked %reduce_or3A_446 : vector<16xf32>, vector<16xi1> -> vector<16xf32>
      %reduce_or3A_448 = vector.extract %reduce_or3A_447[15] : f32 from vector<16xf32>
      %reduce_or3A_449 = arith.constant 0.000000e+00 : f32
      %reduce_or3A_450 = arith.cmpf ogt, %reduce_or3A_448, %reduce_or3A_449 : f32
      %convert_element_type3A_451 = arith.extui %reduce_or3A_450 : i1 to i32
      %cond3A_452 = arith.constant 0 : i32
      %cond3A_453 = arith.cmpi ne, %convert_element_type3A_451, %cond3A_452 : i32
      %cond3A_454 = scf.if %cond3A_453 -> (i32) {
        %mul3A_481 = arith.constant 16 : i32
        %mul3A_482 = arith.muli %scan3A_430, %mul3A_481 : i32
        %add3A_483 = vector.broadcast %mul3A_482 : i32 to vector<16xi32>
        %add3A_484 = arith.addi %iota3A, %add3A_483 : vector<16xi32>
        %convert_element_type3A_485 = arith.extui %and3A_439 : vector<16xi1> to vector<16xi32>
        %cumsum3A = arith.constant true
        %cumsum3A_486 = vector.broadcast %cumsum3A : i1 to vector<16xi1>
        %cumsum3A_487 = tpu.scan <sum>, %convert_element_type3A_485 masked %cumsum3A_486 : vector<16xi32>, vector<16xi1> -> vector<16xi32>
        %add3A_488 = vector.broadcast %cond3A_428 : i32 to vector<16xi32>
        %add3A_489 = arith.addi %add3A_488, %cumsum3A_487 : vector<16xi32>
        %sub3A_490 = arith.constant 1 : i32
        %sub3A_491 = vector.broadcast %sub3A_490 : i32 to vector<16xi32>
        %sub3A_492 = arith.subi %add3A_489, %sub3A_491 : vector<16xi32>
        %jit3A_493 = arith.constant 16392 : i32
        %broadcast_in_dim3A_494 = vector.broadcast %jit3A_493 : i32 to vector<16xi32>
        %select_n3A_495 = arith.select %and3A_439, %sub3A_492, %broadcast_in_dim3A_494 : vector<16xi1>, vector<16xi32>
        %min3A_496 = arith.constant 16392 : i32
        %min3A_497 = vector.broadcast %min3A_496 : i32 to vector<16xi32>
        %min3A_498 = arith.minsi %select_n3A_495, %min3A_497 : vector<16xi32>
        tpu.vector_store_idx %arg9[%min3A_498], %get3A_434 : memref<16400xi32, #tpu.memory_space<vmem>>[vector<16xi32>], vector<16xi32>,
        tpu.vector_store_idx %arg10[%min3A_498], %add3A_484 : memref<16400xi32, #tpu.memory_space<vmem>>[vector<16xi32>], vector<16xi32>,
        %slice3A = vector.extract_strided_slice %cumsum3A_487 {offsets = [15], sizes = [1], strides = [1]} : vector<16xi32> to vector<1xi32>
        %squeeze3A = vector.extract %slice3A[0] : i32 from vector<1xi32>
        %add3A_499 = arith.addi %cond3A_428, %squeeze3A : i32
        scf.yield %add3A_499 : i32
      } else {
        scf.yield %cond3A_428 : i32
      }
      %scan3A_455 = arith.constant 3 : i32
      %scan3A_456 = arith.addi %scan3A_382, %scan3A_455 : i32
      %mul3A_457 = arith.constant 16 : i32
      %mul3A_458 = arith.muli %scan3A_456, %mul3A_457 : i32
      %get3A_459 = arith.index_cast %mul3A_458 : i32 to index
      %get3A_460 = tpu.vector_load %arg8[%get3A_459] {strides = array<i32>} : memref<16384xi32, #tpu.memory_space<vmem>>, vector<16xi32>,
      %ge3A_461 = vector.broadcast %multiple_of3A : i32 to vector<16xi32>
      %ge3A_462 = arith.cmpi sge, %get3A_460, %ge3A_461 : vector<16xi32>
      %lt3A_463 = vector.broadcast %multiple_of3A_51 : i32 to vector<16xi32>
      %lt3A_464 = arith.cmpi slt, %get3A_460, %lt3A_463 : vector<16xi32>
      %and3A_465 = arith.andi %ge3A_462, %lt3A_464 : vector<16xi1>
      %reduce_or3A_466 = arith.constant 1.000000e+00 : f32
      %reduce_or3A_467 = arith.constant 0.000000e+00 : f32
      %reduce_or3A_468 = vector.broadcast %reduce_or3A_466 : f32 to vector<16xf32>
      %reduce_or3A_469 = vector.broadcast %reduce_or3A_467 : f32 to vector<16xf32>
      %reduce_or3A_470 = arith.select %and3A_465, %reduce_or3A_468, %reduce_or3A_469 : vector<16xi1>, vector<16xf32>
      %reduce_or3A_471 = arith.constant true
      %reduce_or3A_472 = vector.broadcast %reduce_or3A_471 : i1 to vector<16xi1>
      %reduce_or3A_473 = tpu.scan <max>, %reduce_or3A_470 masked %reduce_or3A_472 : vector<16xf32>, vector<16xi1> -> vector<16xf32>
      %reduce_or3A_474 = vector.extract %reduce_or3A_473[15] : f32 from vector<16xf32>
      %reduce_or3A_475 = arith.constant 0.000000e+00 : f32
      %reduce_or3A_476 = arith.cmpf ogt, %reduce_or3A_474, %reduce_or3A_475 : f32
      %convert_element_type3A_477 = arith.extui %reduce_or3A_476 : i1 to i32
      %cond3A_478 = arith.constant 0 : i32
      %cond3A_479 = arith.cmpi ne, %convert_element_type3A_477, %cond3A_478 : i32
      %cond3A_480 = scf.if %cond3A_479 -> (i32) {
        %mul3A_481 = arith.constant 16 : i32
        %mul3A_482 = arith.muli %scan3A_456, %mul3A_481 : i32
        %add3A_483 = vector.broadcast %mul3A_482 : i32 to vector<16xi32>
        %add3A_484 = arith.addi %iota3A, %add3A_483 : vector<16xi32>
        %convert_element_type3A_485 = arith.extui %and3A_465 : vector<16xi1> to vector<16xi32>
        %cumsum3A = arith.constant true
        %cumsum3A_486 = vector.broadcast %cumsum3A : i1 to vector<16xi1>
        %cumsum3A_487 = tpu.scan <sum>, %convert_element_type3A_485 masked %cumsum3A_486 : vector<16xi32>, vector<16xi1> -> vector<16xi32>
        %add3A_488 = vector.broadcast %cond3A_454 : i32 to vector<16xi32>
        %add3A_489 = arith.addi %add3A_488, %cumsum3A_487 : vector<16xi32>
        %sub3A_490 = arith.constant 1 : i32
        %sub3A_491 = vector.broadcast %sub3A_490 : i32 to vector<16xi32>
        %sub3A_492 = arith.subi %add3A_489, %sub3A_491 : vector<16xi32>
        %jit3A_493 = arith.constant 16392 : i32
        %broadcast_in_dim3A_494 = vector.broadcast %jit3A_493 : i32 to vector<16xi32>
        %select_n3A_495 = arith.select %and3A_465, %sub3A_492, %broadcast_in_dim3A_494 : vector<16xi1>, vector<16xi32>
        %min3A_496 = arith.constant 16392 : i32
        %min3A_497 = vector.broadcast %min3A_496 : i32 to vector<16xi32>
        %min3A_498 = arith.minsi %select_n3A_495, %min3A_497 : vector<16xi32>
        tpu.vector_store_idx %arg9[%min3A_498], %get3A_460 : memref<16400xi32, #tpu.memory_space<vmem>>[vector<16xi32>], vector<16xi32>,
        tpu.vector_store_idx %arg10[%min3A_498], %add3A_484 : memref<16400xi32, #tpu.memory_space<vmem>>[vector<16xi32>], vector<16xi32>,
        %slice3A = vector.extract_strided_slice %cumsum3A_487 {offsets = [15], sizes = [1], strides = [1]} : vector<16xi32> to vector<1xi32>
        %squeeze3A = vector.extract %slice3A[0] : i32 from vector<1xi32>
        %add3A_499 = arith.addi %cond3A_454, %squeeze3A : i32
        scf.yield %add3A_499 : i32
      } else {
        scf.yield %cond3A_454 : i32
      }
      scf.yield %cond3A_480 : i32
    }
    %scan3A_57 = arith.constant 1024 : i32
    %add3A_58 = arith.constant 15 : i32
    %add3A_59 = arith.addi %scan3A_56, %add3A_58 : i32
    %jit3A_60 = arith.constant 16 : i32
    %div3A_61 = arith.divsi %add3A_59, %jit3A_60 : i32
    %sign3A_62 = arith.constant 0 : i32
    %sign3A_63 = arith.cmpi sgt, %add3A_59, %sign3A_62 : i32
    %sign3A_64 = arith.extui %sign3A_63 : i1 to i32
    %sign3A_65 = arith.constant 0 : i32
    %sign3A_66 = arith.cmpi slt, %add3A_59, %sign3A_65 : i32
    %sign3A_67 = arith.extui %sign3A_66 : i1 to i32
    %sign3A_68 = arith.subi %sign3A_64, %sign3A_67 : i32
    %sign3A_69 = arith.constant 0 : i32
    %sign3A_70 = arith.cmpi sgt, %jit3A_60, %sign3A_69 : i32
    %sign3A_71 = arith.extui %sign3A_70 : i1 to i32
    %sign3A_72 = arith.constant 0 : i32
    %sign3A_73 = arith.cmpi slt, %jit3A_60, %sign3A_72 : i32
    %sign3A_74 = arith.extui %sign3A_73 : i1 to i32
    %sign3A_75 = arith.subi %sign3A_71, %sign3A_74 : i32
    %ne3A_76 = arith.cmpi ne, %sign3A_68, %sign3A_75 : i32
    %rem3A_77 = arith.remsi %add3A_59, %jit3A_60 : i32
    %ne3A_78 = arith.constant 0 : i32
    %ne3A_79 = arith.cmpi ne, %rem3A_77, %ne3A_78 : i32
    %and3A_80 = arith.andi %ne3A_76, %ne3A_79 : i1
    %sub3A_81 = arith.constant 1 : i32
    %sub3A_82 = arith.subi %div3A_61, %sub3A_81 : i32
    %select_n3A_83 = arith.select %and3A_80, %sub3A_82, %div3A_61 : i32
    %broadcast_in_dim3A = arith.constant 16384 : i32
    %broadcast_in_dim3A_84 = vector.broadcast %broadcast_in_dim3A : i32 to vector<16xi32>
    %swap3A = arith.constant 0 : index
    %swap3A_85 = tpu.vector_load %arg15[%swap3A] {strides = array<i32>} : memref<272xi32, #tpu.memory_space<vmem>>, vector<16xi32>,
    tpu.vector_store %arg15[%swap3A], %broadcast_in_dim3A_84 {strides = array<i32>} : memref<272xi32, #tpu.memory_space<vmem>>, vector<16xi32>,
    %swap3A_86 = arith.constant 16 : index
    %swap3A_87 = tpu.vector_load %arg15[%swap3A_86] {strides = array<i32>} : memref<272xi32, #tpu.memory_space<vmem>>, vector<16xi32>,
    tpu.vector_store %arg15[%swap3A_86], %broadcast_in_dim3A_84 {strides = array<i32>} : memref<272xi32, #tpu.memory_space<vmem>>, vector<16xi32>,
    %swap3A_88 = arith.constant 32 : index
    %swap3A_89 = tpu.vector_load %arg15[%swap3A_88] {strides = array<i32>} : memref<272xi32, #tpu.memory_space<vmem>>, vector<16xi32>,
    tpu.vector_store %arg15[%swap3A_88], %broadcast_in_dim3A_84 {strides = array<i32>} : memref<272xi32, #tpu.memory_space<vmem>>, vector<16xi32>,
    %swap3A_90 = arith.constant 48 : index
    %swap3A_91 = tpu.vector_load %arg15[%swap3A_90] {strides = array<i32>} : memref<272xi32, #tpu.memory_space<vmem>>, vector<16xi32>,
    tpu.vector_store %arg15[%swap3A_90], %broadcast_in_dim3A_84 {strides = array<i32>} : memref<272xi32, #tpu.memory_space<vmem>>, vector<16xi32>,
    %swap3A_92 = arith.constant 64 : index
    %swap3A_93 = tpu.vector_load %arg15[%swap3A_92] {strides = array<i32>} : memref<272xi32, #tpu.memory_space<vmem>>, vector<16xi32>,
    tpu.vector_store %arg15[%swap3A_92], %broadcast_in_dim3A_84 {strides = array<i32>} : memref<272xi32, #tpu.memory_space<vmem>>, vector<16xi32>,
    %swap3A_94 = arith.constant 80 : index
    %swap3A_95 = tpu.vector_load %arg15[%swap3A_94] {strides = array<i32>} : memref<272xi32, #tpu.memory_space<vmem>>, vector<16xi32>,
    tpu.vector_store %arg15[%swap3A_94], %broadcast_in_dim3A_84 {strides = array<i32>} : memref<272xi32, #tpu.memory_space<vmem>>, vector<16xi32>,
    %swap3A_96 = arith.constant 96 : index
    %swap3A_97 = tpu.vector_load %arg15[%swap3A_96] {strides = array<i32>} : memref<272xi32, #tpu.memory_space<vmem>>, vector<16xi32>,
    tpu.vector_store %arg15[%swap3A_96], %broadcast_in_dim3A_84 {strides = array<i32>} : memref<272xi32, #tpu.memory_space<vmem>>, vector<16xi32>,
    %swap3A_98 = arith.constant 112 : index
    %swap3A_99 = tpu.vector_load %arg15[%swap3A_98] {strides = array<i32>} : memref<272xi32, #tpu.memory_space<vmem>>, vector<16xi32>,
    tpu.vector_store %arg15[%swap3A_98], %broadcast_in_dim3A_84 {strides = array<i32>} : memref<272xi32, #tpu.memory_space<vmem>>, vector<16xi32>,
    %swap3A_100 = arith.constant 128 : index
    %swap3A_101 = tpu.vector_load %arg15[%swap3A_100] {strides = array<i32>} : memref<272xi32, #tpu.memory_space<vmem>>, vector<16xi32>,
    tpu.vector_store %arg15[%swap3A_100], %broadcast_in_dim3A_84 {strides = array<i32>} : memref<272xi32, #tpu.memory_space<vmem>>, vector<16xi32>,
    %swap3A_102 = arith.constant 144 : index
    %swap3A_103 = tpu.vector_load %arg15[%swap3A_102] {strides = array<i32>} : memref<272xi32, #tpu.memory_space<vmem>>, vector<16xi32>,
    tpu.vector_store %arg15[%swap3A_102], %broadcast_in_dim3A_84 {strides = array<i32>} : memref<272xi32, #tpu.memory_space<vmem>>, vector<16xi32>,
    %swap3A_104 = arith.constant 160 : index
    %swap3A_105 = tpu.vector_load %arg15[%swap3A_104] {strides = array<i32>} : memref<272xi32, #tpu.memory_space<vmem>>, vector<16xi32>,
    tpu.vector_store %arg15[%swap3A_104], %broadcast_in_dim3A_84 {strides = array<i32>} : memref<272xi32, #tpu.memory_space<vmem>>, vector<16xi32>,
    %swap3A_106 = arith.constant 176 : index
    %swap3A_107 = tpu.vector_load %arg15[%swap3A_106] {strides = array<i32>} : memref<272xi32, #tpu.memory_space<vmem>>, vector<16xi32>,
    tpu.vector_store %arg15[%swap3A_106], %broadcast_in_dim3A_84 {strides = array<i32>} : memref<272xi32, #tpu.memory_space<vmem>>, vector<16xi32>,
    %swap3A_108 = arith.constant 192 : index
    %swap3A_109 = tpu.vector_load %arg15[%swap3A_108] {strides = array<i32>} : memref<272xi32, #tpu.memory_space<vmem>>, vector<16xi32>,
    tpu.vector_store %arg15[%swap3A_108], %broadcast_in_dim3A_84 {strides = array<i32>} : memref<272xi32, #tpu.memory_space<vmem>>, vector<16xi32>,
    %swap3A_110 = arith.constant 208 : index
    %swap3A_111 = tpu.vector_load %arg15[%swap3A_110] {strides = array<i32>} : memref<272xi32, #tpu.memory_space<vmem>>, vector<16xi32>,
    tpu.vector_store %arg15[%swap3A_110], %broadcast_in_dim3A_84 {strides = array<i32>} : memref<272xi32, #tpu.memory_space<vmem>>, vector<16xi32>,
    %swap3A_112 = arith.constant 224 : index
    %swap3A_113 = tpu.vector_load %arg15[%swap3A_112] {strides = array<i32>} : memref<272xi32, #tpu.memory_space<vmem>>, vector<16xi32>,
    tpu.vector_store %arg15[%swap3A_112], %broadcast_in_dim3A_84 {strides = array<i32>} : memref<272xi32, #tpu.memory_space<vmem>>, vector<16xi32>,
    %swap3A_114 = arith.constant 240 : index
    %swap3A_115 = tpu.vector_load %arg15[%swap3A_114] {strides = array<i32>} : memref<272xi32, #tpu.memory_space<vmem>>, vector<16xi32>,
    tpu.vector_store %arg15[%swap3A_114], %broadcast_in_dim3A_84 {strides = array<i32>} : memref<272xi32, #tpu.memory_space<vmem>>, vector<16xi32>,
    %add3A_116 = arith.constant 0 : i32
    %add3A_117 = arith.addi %multiple_of3A, %add3A_116 : i32
    %sub3A_118 = arith.constant 4480 : i32
    %sub3A_119 = arith.subi %multiple_of3A_51, %sub3A_118 : i32
    %min3A = arith.minsi %add3A_117, %sub3A_119 : i32
    %multiple_of3A_120 = tpu.assume_multiple %min3A, 128 : i32
    %add3A_121 = arith.constant 0 : i32
    %add3A_122 = arith.addi %multiple_of3A_120, %add3A_121 : i32
    %multiple_of3A_123 = tpu.assume_multiple %add3A_122, 128 : i32
    %dma_start3A = arith.constant 0 : i32
    %dma_start3A_124 = arith.constant 0 : i32
    %dma_start3A_125 = arith.constant 0 : i32
    %dma_start3A_126 = tpu.memref_slice %arg13[%dma_start3A, %dma_start3A_124, %dma_start3A_125] : memref<2x32x640xf32, #tpu.memory_space<vmem>> -> memref<1x32x640xf32, #tpu.memory_space<vmem>>
    %dma_start3A_127 = tpu.memref_squeeze %dma_start3A_126 : memref<1x32x640xf32, #tpu.memory_space<vmem>> -> memref<32x640xf32, #tpu.memory_space<vmem>>
    %dma_start3A_128 = arith.constant 0 : i32
    %dma_start3A_129 = tpu.memref_slice %arg4[%dma_start3A_128, %multiple_of3A_123] : memref<32x1000000xf32, #tpu.memory_space<hbm>> -> memref<32x640xf32, #tpu.memory_space<hbm>>
    %dma_start3A_130 = arith.constant 0 : i32
    %dma_start3A_131 = arith.constant 0 : i32
    %dma_start3A_132 = tpu.memref_slice %arg13[%dma_start3A, %dma_start3A_130, %dma_start3A_131] : memref<2x32x640xf32, #tpu.memory_space<vmem>> -> memref<1x32x640xf32, #tpu.memory_space<vmem>>
    %dma_start3A_133 = tpu.memref_squeeze %dma_start3A_132 : memref<1x32x640xf32, #tpu.memory_space<vmem>> -> memref<32x640xf32, #tpu.memory_space<vmem>>
    %dma_start3A_134 = arith.constant 0 : i32
    %dma_start3A_135 = tpu.memref_slice %arg4[%dma_start3A_134, %multiple_of3A_123] : memref<32x1000000xf32, #tpu.memory_space<hbm>> -> memref<32x640xf32, #tpu.memory_space<hbm>>
    tpu.enqueue_dma source(%dma_start3A_135 : memref<32x640xf32, #tpu.memory_space<hbm>>) target(%dma_start3A_133 : memref<32x640xf32, #tpu.memory_space<vmem>>) target_semaphore(%arg19 : memref<!tpu.dma_semaphore, #tpu.memory_space<semaphore_mem>>)
    %scan3A_136 = arith.constant 0 : i32
    %scan3A_137 = arith.constant 0 : i32
    %scan3A_138 = arith.constant 7 : i32
    %scan3A_139 = arith.addi %scan3A_137, %scan3A_138 : i32
    %scan3A_140 = arith.constant 1 : i32
    %scan3A_141 = scf.for %scan3A_382 = %scan3A_137 to %scan3A_139 step %scan3A_140 iter_args(%scan3A_383 = %scan3A_136) -> (i32)  : i32 {
      %mul3A_384 = arith.constant 4480 : i32
      %mul3A_385 = arith.muli %scan3A_382, %mul3A_384 : i32
      %add3A_386 = arith.addi %multiple_of3A, %mul3A_385 : i32
      %sub3A_387 = arith.constant 4480 : i32
      %sub3A_388 = arith.subi %multiple_of3A_51, %sub3A_387 : i32
      %min3A_389 = arith.minsi %add3A_386, %sub3A_388 : i32
      %multiple_of3A_390 = tpu.assume_multiple %min3A_389, 128 : i32
      %while3A = arith.constant 0 : i32
      %while3A_391 = arith.constant 0 : i32
      %while3A_392 = arith.subi %select_n3A_83, %while3A : i32
      %while3A_393 = arith.addi %while3A, %while3A_392 : i32
      %while3A_394 = arith.constant 1 : i32
      %while3A_395 = arith.divsi %while3A_392, %while3A_394 : i32
      %while3A_396 = arith.muli %while3A_395, %while3A_394 : i32
      %while3A_397 = arith.addi %while3A, %while3A_396 : i32
      %while3A_398 = arith.constant 1 : i32
      %while3A_399 = scf.for %while3A_405 = %while3A to %while3A_397 step %while3A_398 iter_args(%while3A_406 = %while3A_391) -> (i32)  : i32 {
        %mul3A_407 = arith.constant 16 : i32
        %mul3A_408 = arith.muli %while3A_405, %mul3A_407 : i32
        %get3A_409 = arith.index_cast %mul3A_408 : i32 to index
        %get3A_410 = tpu.vector_load %arg9[%get3A_409] {strides = array<i32>} : memref<16400xi32, #tpu.memory_space<vmem>>, vector<16xi32>,
        %mul3A_411 = arith.constant 16 : i32
        %mul3A_412 = arith.muli %while3A_405, %mul3A_411 : i32
        %get3A_413 = arith.index_cast %mul3A_412 : i32 to index
        %get3A_414 = tpu.vector_load %arg10[%get3A_413] {strides = array<i32>} : memref<16400xi32, #tpu.memory_space<vmem>>, vector<16xi32>,
        %ge3A = vector.broadcast %multiple_of3A_390 : i32 to vector<16xi32>
        %ge3A_415 = arith.cmpi sge, %get3A_410, %ge3A : vector<16xi32>
        %add3A_416 = arith.constant 4480 : i32
        %add3A_417 = arith.addi %multiple_of3A_390, %add3A_416 : i32
        %lt3A = vector.broadcast %add3A_417 : i32 to vector<16xi32>
        %lt3A_418 = arith.cmpi slt, %get3A_410, %lt3A : vector<16xi32>
        %and3A_419 = arith.andi %ge3A_415, %lt3A_418 : vector<16xi1>
        %mul3A_420 = arith.constant 16 : i32
        %mul3A_421 = arith.muli %while3A_405, %mul3A_420 : i32
        %add3A_422 = vector.broadcast %mul3A_421 : i32 to vector<16xi32>
        %add3A_423 = arith.addi %iota3A, %add3A_422 : vector<16xi32>
        %lt3A_424 = vector.broadcast %scan3A_56 : i32 to vector<16xi32>
        %lt3A_425 = arith.cmpi slt, %add3A_423, %lt3A_424 : vector<16xi32>
        %and3A_426 = arith.andi %and3A_419, %lt3A_425 : vector<16xi1>
        %reduce_or3A = arith.constant 1.000000e+00 : f32
        %reduce_or3A_427 = arith.constant 0.000000e+00 : f32
        %reduce_or3A_428 = vector.broadcast %reduce_or3A : f32 to vector<16xf32>
        %reduce_or3A_429 = vector.broadcast %reduce_or3A_427 : f32 to vector<16xf32>
        %reduce_or3A_430 = arith.select %and3A_426, %reduce_or3A_428, %reduce_or3A_429 : vector<16xi1>, vector<16xf32>
        %reduce_or3A_431 = arith.constant true
        %reduce_or3A_432 = vector.broadcast %reduce_or3A_431 : i1 to vector<16xi1>
        %reduce_or3A_433 = tpu.scan <max>, %reduce_or3A_430 masked %reduce_or3A_432 : vector<16xf32>, vector<16xi1> -> vector<16xf32>
        %reduce_or3A_434 = vector.extract %reduce_or3A_433[15] : f32 from vector<16xf32>
        %reduce_or3A_435 = arith.constant 0.000000e+00 : f32
        %reduce_or3A_436 = arith.cmpf ogt, %reduce_or3A_434, %reduce_or3A_435 : f32
        %convert_element_type3A_437 = arith.extui %reduce_or3A_436 : i1 to i32
        %cond3A_438 = arith.constant 0 : i32
        %cond3A_439 = arith.cmpi ne, %convert_element_type3A_437, %cond3A_438 : i32
        %cond3A_440 = scf.if %cond3A_439 -> (i32) {
          %convert_element_type3A_441 = arith.extui %and3A_426 : vector<16xi1> to vector<16xi32>
          %cumsum3A = arith.constant true
          %cumsum3A_442 = vector.broadcast %cumsum3A : i1 to vector<16xi1>
          %cumsum3A_443 = tpu.scan <sum>, %convert_element_type3A_441 masked %cumsum3A_442 : vector<16xi32>, vector<16xi1> -> vector<16xi32>
          %add3A_444 = vector.broadcast %while3A_406 : i32 to vector<16xi32>
          %add3A_445 = arith.addi %add3A_444, %cumsum3A_443 : vector<16xi32>
          %sub3A_446 = arith.constant 1 : i32
          %sub3A_447 = vector.broadcast %sub3A_446 : i32 to vector<16xi32>
          %sub3A_448 = arith.subi %add3A_445, %sub3A_447 : vector<16xi32>
          %jit3A_449 = arith.constant 504 : i32
          %broadcast_in_dim3A_450 = vector.broadcast %jit3A_449 : i32 to vector<16xi32>
          %select_n3A_451 = arith.select %and3A_426, %sub3A_448, %broadcast_in_dim3A_450 : vector<16xi1>, vector<16xi32>
          %min3A_452 = arith.constant 504 : i32
          %min3A_453 = vector.broadcast %min3A_452 : i32 to vector<16xi32>
          %min3A_454 = arith.minsi %select_n3A_451, %min3A_453 : vector<16xi32>
          tpu.vector_store_idx %arg11[%min3A_454], %get3A_410 : memref<520xi32, #tpu.memory_space<vmem>>[vector<16xi32>], vector<16xi32>,
          tpu.vector_store_idx %arg12[%min3A_454], %get3A_414 : memref<520xi32, #tpu.memory_space<vmem>>[vector<16xi32>], vector<16xi32>,
          %slice3A = vector.extract_strided_slice %cumsum3A_443 {offsets = [15], sizes = [1], strides = [1]} : vector<16xi32> to vector<1xi32>
          %squeeze3A = vector.extract %slice3A[0] : i32 from vector<1xi32>
          %add3A_455 = arith.addi %while3A_406, %squeeze3A : i32
          scf.yield %add3A_455 : i32
        } else {
          scf.yield %while3A_406 : i32
        }
        scf.yield %cond3A_440 : i32
      }
      %while3A_400 = arith.constant 1 : i32
      %while3A_401 = scf.for %while3A_405 = %while3A_397 to %while3A_393 step %while3A_400 iter_args(%while3A_406 = %while3A_399) -> (i32)  : i32 {
        %mul3A_407 = arith.constant 16 : i32
        %mul3A_408 = arith.muli %while3A_405, %mul3A_407 : i32
        %get3A_409 = arith.index_cast %mul3A_408 : i32 to index
        %get3A_410 = tpu.vector_load %arg9[%get3A_409] {strides = array<i32>} : memref<16400xi32, #tpu.memory_space<vmem>>, vector<16xi32>,
        %mul3A_411 = arith.constant 16 : i32
        %mul3A_412 = arith.muli %while3A_405, %mul3A_411 : i32
        %get3A_413 = arith.index_cast %mul3A_412 : i32 to index
        %get3A_414 = tpu.vector_load %arg10[%get3A_413] {strides = array<i32>} : memref<16400xi32, #tpu.memory_space<vmem>>, vector<16xi32>,
        %ge3A = vector.broadcast %multiple_of3A_390 : i32 to vector<16xi32>
        %ge3A_415 = arith.cmpi sge, %get3A_410, %ge3A : vector<16xi32>
        %add3A_416 = arith.constant 4480 : i32
        %add3A_417 = arith.addi %multiple_of3A_390, %add3A_416 : i32
        %lt3A = vector.broadcast %add3A_417 : i32 to vector<16xi32>
        %lt3A_418 = arith.cmpi slt, %get3A_410, %lt3A : vector<16xi32>
        %and3A_419 = arith.andi %ge3A_415, %lt3A_418 : vector<16xi1>
        %mul3A_420 = arith.constant 16 : i32
        %mul3A_421 = arith.muli %while3A_405, %mul3A_420 : i32
        %add3A_422 = vector.broadcast %mul3A_421 : i32 to vector<16xi32>
        %add3A_423 = arith.addi %iota3A, %add3A_422 : vector<16xi32>
        %lt3A_424 = vector.broadcast %scan3A_56 : i32 to vector<16xi32>
        %lt3A_425 = arith.cmpi slt, %add3A_423, %lt3A_424 : vector<16xi32>
        %and3A_426 = arith.andi %and3A_419, %lt3A_425 : vector<16xi1>
        %reduce_or3A = arith.constant 1.000000e+00 : f32
        %reduce_or3A_427 = arith.constant 0.000000e+00 : f32
        %reduce_or3A_428 = vector.broadcast %reduce_or3A : f32 to vector<16xf32>
        %reduce_or3A_429 = vector.broadcast %reduce_or3A_427 : f32 to vector<16xf32>
        %reduce_or3A_430 = arith.select %and3A_426, %reduce_or3A_428, %reduce_or3A_429 : vector<16xi1>, vector<16xf32>
        %reduce_or3A_431 = arith.constant true
        %reduce_or3A_432 = vector.broadcast %reduce_or3A_431 : i1 to vector<16xi1>
        %reduce_or3A_433 = tpu.scan <max>, %reduce_or3A_430 masked %reduce_or3A_432 : vector<16xf32>, vector<16xi1> -> vector<16xf32>
        %reduce_or3A_434 = vector.extract %reduce_or3A_433[15] : f32 from vector<16xf32>
        %reduce_or3A_435 = arith.constant 0.000000e+00 : f32
        %reduce_or3A_436 = arith.cmpf ogt, %reduce_or3A_434, %reduce_or3A_435 : f32
        %convert_element_type3A_437 = arith.extui %reduce_or3A_436 : i1 to i32
        %cond3A_438 = arith.constant 0 : i32
        %cond3A_439 = arith.cmpi ne, %convert_element_type3A_437, %cond3A_438 : i32
        %cond3A_440 = scf.if %cond3A_439 -> (i32) {
          %convert_element_type3A_441 = arith.extui %and3A_426 : vector<16xi1> to vector<16xi32>
          %cumsum3A = arith.constant true
          %cumsum3A_442 = vector.broadcast %cumsum3A : i1 to vector<16xi1>
          %cumsum3A_443 = tpu.scan <sum>, %convert_element_type3A_441 masked %cumsum3A_442 : vector<16xi32>, vector<16xi1> -> vector<16xi32>
          %add3A_444 = vector.broadcast %while3A_406 : i32 to vector<16xi32>
          %add3A_445 = arith.addi %add3A_444, %cumsum3A_443 : vector<16xi32>
          %sub3A_446 = arith.constant 1 : i32
          %sub3A_447 = vector.broadcast %sub3A_446 : i32 to vector<16xi32>
          %sub3A_448 = arith.subi %add3A_445, %sub3A_447 : vector<16xi32>
          %jit3A_449 = arith.constant 504 : i32
          %broadcast_in_dim3A_450 = vector.broadcast %jit3A_449 : i32 to vector<16xi32>
          %select_n3A_451 = arith.select %and3A_426, %sub3A_448, %broadcast_in_dim3A_450 : vector<16xi1>, vector<16xi32>
          %min3A_452 = arith.constant 504 : i32
          %min3A_453 = vector.broadcast %min3A_452 : i32 to vector<16xi32>
          %min3A_454 = arith.minsi %select_n3A_451, %min3A_453 : vector<16xi32>
          tpu.vector_store_idx %arg11[%min3A_454], %get3A_410 : memref<520xi32, #tpu.memory_space<vmem>>[vector<16xi32>], vector<16xi32>,
          tpu.vector_store_idx %arg12[%min3A_454], %get3A_414 : memref<520xi32, #tpu.memory_space<vmem>>[vector<16xi32>], vector<16xi32>,
          %slice3A = vector.extract_strided_slice %cumsum3A_443 {offsets = [15], sizes = [1], strides = [1]} : vector<16xi32> to vector<1xi32>
          %squeeze3A = vector.extract %slice3A[0] : i32 from vector<1xi32>
          %add3A_455 = arith.addi %while3A_406, %squeeze3A : i32
          scf.yield %add3A_455 : i32
        } else {
          scf.yield %while3A_406 : i32
        }
        scf.yield %cond3A_440 : i32
      }
      %le3A = arith.constant 496 : i32
      %le3A_402 = arith.cmpi sle, %while3A_401, %le3A : i32
      %convert_element_type3A = arith.extui %le3A_402 : i1 to i32
      %cond3A = arith.constant 0 : i32
      %cond3A_403 = arith.cmpi ne, %convert_element_type3A, %cond3A : i32
      %cond3A_404 = scf.if %cond3A_403 -> (i32) {
        %scan3A_405 = arith.constant 0 : i32
        %scan3A_406 = arith.constant 7 : i32
        %scan3A_407 = arith.addi %scan3A_405, %scan3A_406 : i32
        %scan3A_408 = arith.constant 1 : i32
        %scan3A_409 = scf.for %scan3A_411 = %scan3A_405 to %scan3A_407 step %scan3A_408 iter_args(%scan3A_412 = %scan3A_383) -> (i32)  : i32 {
          %mul3A_413 = arith.constant 7 : i32
          %mul3A_414 = arith.muli %scan3A_382, %mul3A_413 : i32
          %add3A_415 = arith.addi %mul3A_414, %scan3A_411 : i32
          %add3A_416 = arith.constant 1 : i32
          %add3A_417 = arith.addi %add3A_415, %add3A_416 : i32
          %lt3A = arith.constant 49 : i32
          %lt3A_418 = arith.cmpi slt, %add3A_417, %lt3A : i32
          %convert_element_type3A_419 = arith.extui %lt3A_418 : i1 to i32
          %cond3A_420 = arith.constant 0 : i32
          %cond3A_421 = arith.cmpi ne, %convert_element_type3A_419, %cond3A_420 : i32
          scf.if %cond3A_421 {
            %add3A_486 = arith.constant 1 : i32
            %add3A_487 = arith.addi %scan3A_411, %add3A_486 : i32
            %lt3A_488 = arith.constant 7 : i32
            %lt3A_489 = arith.cmpi slt, %add3A_487, %lt3A_488 : i32
            %add3A_490 = arith.constant 1 : i32
            %add3A_491 = arith.addi %scan3A_382, %add3A_490 : i32
            %select_n3A_492 = arith.select %lt3A_489, %scan3A_382, %add3A_491 : i32
            %add3A_493 = arith.constant 1 : i32
            %add3A_494 = arith.addi %scan3A_411, %add3A_493 : i32
            %lt3A_495 = arith.constant 7 : i32
            %lt3A_496 = arith.cmpi slt, %add3A_494, %lt3A_495 : i32
            %add3A_497 = arith.constant 1 : i32
            %add3A_498 = arith.addi %scan3A_411, %add3A_497 : i32
            %jit3A_499 = arith.constant 0 : i32
            %select_n3A_500 = arith.select %lt3A_496, %add3A_498, %jit3A_499 : i32
            %mul3A_501 = arith.constant 4480 : i32
            %mul3A_502 = arith.muli %select_n3A_492, %mul3A_501 : i32
            %add3A_503 = arith.addi %multiple_of3A, %mul3A_502 : i32
            %sub3A_504 = arith.constant 4480 : i32
            %sub3A_505 = arith.subi %multiple_of3A_51, %sub3A_504 : i32
            %min3A_506 = arith.minsi %add3A_503, %sub3A_505 : i32
            %multiple_of3A_507 = tpu.assume_multiple %min3A_506, 128 : i32
            %mul3A_508 = arith.constant 640 : i32
            %mul3A_509 = arith.muli %select_n3A_500, %mul3A_508 : i32
            %add3A_510 = arith.addi %multiple_of3A_507, %mul3A_509 : i32
            %multiple_of3A_511 = tpu.assume_multiple %add3A_510, 128 : i32
            %mul3A_512 = arith.constant 7 : i32
            %mul3A_513 = arith.muli %select_n3A_492, %mul3A_512 : i32
            %add3A_514 = arith.addi %mul3A_513, %select_n3A_500 : i32
            %and3A_515 = arith.constant 1 : i32
            %and3A_516 = arith.andi %add3A_514, %and3A_515 : i32
            %dma_start3A_517 = arith.constant 0 : i32
            %dma_start3A_518 = arith.constant 0 : i32
            %dma_start3A_519 = tpu.memref_slice %arg13[%and3A_516, %dma_start3A_517, %dma_start3A_518] : memref<2x32x640xf32, #tpu.memory_space<vmem>> -> memref<1x32x640xf32, #tpu.memory_space<vmem>>
            %dma_start3A_520 = tpu.memref_squeeze %dma_start3A_519 : memref<1x32x640xf32, #tpu.memory_space<vmem>> -> memref<32x640xf32, #tpu.memory_space<vmem>>
            %dma_start3A_521 = arith.constant 0 : i32
            %dma_start3A_522 = tpu.memref_slice %arg4[%dma_start3A_521, %multiple_of3A_511] : memref<32x1000000xf32, #tpu.memory_space<hbm>> -> memref<32x640xf32, #tpu.memory_space<hbm>>
            %dma_start3A_523 = arith.constant 0 : i32
            %dma_start3A_524 = arith.constant 0 : i32
            %dma_start3A_525 = tpu.memref_slice %arg13[%and3A_516, %dma_start3A_523, %dma_start3A_524] : memref<2x32x640xf32, #tpu.memory_space<vmem>> -> memref<1x32x640xf32, #tpu.memory_space<vmem>>
            %dma_start3A_526 = tpu.memref_squeeze %dma_start3A_525 : memref<1x32x640xf32, #tpu.memory_space<vmem>> -> memref<32x640xf32, #tpu.memory_space<vmem>>
            %dma_start3A_527 = arith.constant 0 : i32
            %dma_start3A_528 = tpu.memref_slice %arg4[%dma_start3A_527, %multiple_of3A_511] : memref<32x1000000xf32, #tpu.memory_space<hbm>> -> memref<32x640xf32, #tpu.memory_space<hbm>>
            tpu.enqueue_dma source(%dma_start3A_528 : memref<32x640xf32, #tpu.memory_space<hbm>>) target(%dma_start3A_526 : memref<32x640xf32, #tpu.memory_space<vmem>>) target_semaphore(%arg19 : memref<!tpu.dma_semaphore, #tpu.memory_space<semaphore_mem>>)
          } else {
          }
          %mul3A_422 = arith.constant 640 : i32
          %mul3A_423 = arith.muli %scan3A_411, %mul3A_422 : i32
          %add3A_424 = arith.addi %multiple_of3A_390, %mul3A_423 : i32
          %multiple_of3A_425 = tpu.assume_multiple %add3A_424, 128 : i32
          %mul3A_426 = arith.constant 7 : i32
          %mul3A_427 = arith.muli %scan3A_382, %mul3A_426 : i32
          %add3A_428 = arith.addi %mul3A_427, %scan3A_411 : i32
          %and3A_429 = arith.constant 1 : i32
          %and3A_430 = arith.andi %add3A_428, %and3A_429 : i32
          %dma_wait3A_431 = arith.constant 0 : i32
          %dma_wait3A_432 = arith.constant 0 : i32
          %dma_wait3A_433 = tpu.memref_slice %arg13[%and3A_430, %dma_wait3A_431, %dma_wait3A_432] : memref<2x32x640xf32, #tpu.memory_space<vmem>> -> memref<1x32x640xf32, #tpu.memory_space<vmem>>
          %dma_wait3A_434 = tpu.memref_squeeze %dma_wait3A_433 : memref<1x32x640xf32, #tpu.memory_space<vmem>> -> memref<32x640xf32, #tpu.memory_space<vmem>>
          %dma_wait3A_435 = arith.constant 0 : i32
          %dma_wait3A_436 = tpu.memref_slice %arg4[%dma_wait3A_435, %multiple_of3A_425] : memref<32x1000000xf32, #tpu.memory_space<hbm>> -> memref<32x640xf32, #tpu.memory_space<hbm>>
          %dma_wait3A_437 = arith.constant 0 : i32
          %dma_wait3A_438 = arith.constant 0 : i32
          %dma_wait3A_439 = tpu.memref_slice %arg13[%and3A_430, %dma_wait3A_437, %dma_wait3A_438] : memref<2x32x640xf32, #tpu.memory_space<vmem>> -> memref<1x32x640xf32, #tpu.memory_space<vmem>>
          %dma_wait3A_440 = tpu.memref_squeeze %dma_wait3A_439 : memref<1x32x640xf32, #tpu.memory_space<vmem>> -> memref<32x640xf32, #tpu.memory_space<vmem>>
          %dma_wait3A_441 = arith.constant 0 : i32
          %dma_wait3A_442 = tpu.memref_slice %arg4[%dma_wait3A_441, %multiple_of3A_425] : memref<32x1000000xf32, #tpu.memory_space<hbm>> -> memref<32x640xf32, #tpu.memory_space<hbm>>
          tpu.wait_dma2 semaphore(%arg19 : memref<!tpu.dma_semaphore, #tpu.memory_space<semaphore_mem>>) src(%dma_wait3A_442 : memref<32x640xf32, #tpu.memory_space<hbm>>) dst(%dma_wait3A_440 : memref<32x640xf32, #tpu.memory_space<vmem>>)
          %mul3A_443 = arith.constant 640 : i32
          %mul3A_444 = arith.muli %scan3A_411, %mul3A_443 : i32
          %add3A_445 = arith.addi %multiple_of3A_390, %mul3A_444 : i32
          %multiple_of3A_446 = tpu.assume_multiple %add3A_445, 128 : i32
          %and3A_447 = arith.constant 1 : i32
          %and3A_448 = arith.andi %add3A_415, %and3A_447 : i32
          %add3A_449 = arith.constant 15 : i32
          %add3A_450 = arith.addi %while3A_401, %add3A_449 : i32
          %jit3A_451 = arith.constant 16 : i32
          %div3A_452 = arith.divsi %add3A_450, %jit3A_451 : i32
          %sign3A_453 = arith.constant 0 : i32
          %sign3A_454 = arith.cmpi sgt, %add3A_450, %sign3A_453 : i32
          %sign3A_455 = arith.extui %sign3A_454 : i1 to i32
          %sign3A_456 = arith.constant 0 : i32
          %sign3A_457 = arith.cmpi slt, %add3A_450, %sign3A_456 : i32
          %sign3A_458 = arith.extui %sign3A_457 : i1 to i32
          %sign3A_459 = arith.subi %sign3A_455, %sign3A_458 : i32
          %sign3A_460 = arith.constant 0 : i32
          %sign3A_461 = arith.cmpi sgt, %jit3A_451, %sign3A_460 : i32
          %sign3A_462 = arith.extui %sign3A_461 : i1 to i32
          %sign3A_463 = arith.constant 0 : i32
          %sign3A_464 = arith.cmpi slt, %jit3A_451, %sign3A_463 : i32
          %sign3A_465 = arith.extui %sign3A_464 : i1 to i32
          %sign3A_466 = arith.subi %sign3A_462, %sign3A_465 : i32
          %ne3A_467 = arith.cmpi ne, %sign3A_459, %sign3A_466 : i32
          %rem3A_468 = arith.remsi %add3A_450, %jit3A_451 : i32
          %ne3A_469 = arith.constant 0 : i32
          %ne3A_470 = arith.cmpi ne, %rem3A_468, %ne3A_469 : i32
          %and3A_471 = arith.andi %ne3A_467, %ne3A_470 : i1
          %sub3A_472 = arith.constant 1 : i32
          %sub3A_473 = arith.subi %div3A_452, %sub3A_472 : i32
          %select_n3A_474 = arith.select %and3A_471, %sub3A_473, %div3A_452 : i32
          %while3A_475 = arith.constant 0 : i32
          %while3A_476 = arith.subi %select_n3A_474, %while3A_475 : i32
          %while3A_477 = arith.addi %while3A_475, %while3A_476 : i32
          %while3A_478 = arith.constant 1 : i32
          %while3A_479 = arith.divsi %while3A_476, %while3A_478 : i32
          %while3A_480 = arith.muli %while3A_479, %while3A_478 : i32
          %while3A_481 = arith.addi %while3A_475, %while3A_480 : i32
          %while3A_482 = arith.constant 1 : i32
          %while3A_483 = scf.for %while3A_486 = %while3A_475 to %while3A_481 step %while3A_482 iter_args(%while3A_487 = %scan3A_412) -> (i32)  : i32 {
            %mul3A_488 = arith.constant 16 : i32
            %mul3A_489 = arith.muli %while3A_486, %mul3A_488 : i32
            %get3A_490 = arith.index_cast %mul3A_489 : i32 to index
            %get3A_491 = tpu.vector_load %arg11[%get3A_490] {strides = array<i32>} : memref<520xi32, #tpu.memory_space<vmem>>, vector<16xi32>,
            %mul3A_492 = arith.constant 16 : i32
            %mul3A_493 = arith.muli %while3A_486, %mul3A_492 : i32
            %get3A_494 = arith.index_cast %mul3A_493 : i32 to index
            %get3A_495 = tpu.vector_load %arg12[%get3A_494] {strides = array<i32>} : memref<520xi32, #tpu.memory_space<vmem>>, vector<16xi32>,
            %ge3A = vector.broadcast %multiple_of3A_446 : i32 to vector<16xi32>
            %ge3A_496 = arith.cmpi sge, %get3A_491, %ge3A : vector<16xi32>
            %add3A_497 = arith.constant 640 : i32
            %add3A_498 = arith.addi %multiple_of3A_446, %add3A_497 : i32
            %lt3A_499 = vector.broadcast %add3A_498 : i32 to vector<16xi32>
            %lt3A_500 = arith.cmpi slt, %get3A_491, %lt3A_499 : vector<16xi32>
            %and3A_501 = arith.andi %ge3A_496, %lt3A_500 : vector<16xi1>
            %mul3A_502 = arith.constant 16 : i32
            %mul3A_503 = arith.muli %while3A_486, %mul3A_502 : i32
            %add3A_504 = vector.broadcast %mul3A_503 : i32 to vector<16xi32>
            %add3A_505 = arith.addi %iota3A, %add3A_504 : vector<16xi32>
            %lt3A_506 = vector.broadcast %while3A_401 : i32 to vector<16xi32>
            %lt3A_507 = arith.cmpi slt, %add3A_505, %lt3A_506 : vector<16xi32>
            %and3A_508 = arith.andi %and3A_501, %lt3A_507 : vector<16xi1>
            %reduce_or3A = arith.constant 1.000000e+00 : f32
            %reduce_or3A_509 = arith.constant 0.000000e+00 : f32
            %reduce_or3A_510 = vector.broadcast %reduce_or3A : f32 to vector<16xf32>
            %reduce_or3A_511 = vector.broadcast %reduce_or3A_509 : f32 to vector<16xf32>
            %reduce_or3A_512 = arith.select %and3A_508, %reduce_or3A_510, %reduce_or3A_511 : vector<16xi1>, vector<16xf32>
            %reduce_or3A_513 = arith.constant true
            %reduce_or3A_514 = vector.broadcast %reduce_or3A_513 : i1 to vector<16xi1>
            %reduce_or3A_515 = tpu.scan <max>, %reduce_or3A_512 masked %reduce_or3A_514 : vector<16xf32>, vector<16xi1> -> vector<16xf32>
            %reduce_or3A_516 = vector.extract %reduce_or3A_515[15] : f32 from vector<16xf32>
            %reduce_or3A_517 = arith.constant 0.000000e+00 : f32
            %reduce_or3A_518 = arith.cmpf ogt, %reduce_or3A_516, %reduce_or3A_517 : f32
            %convert_element_type3A_519 = arith.extui %reduce_or3A_518 : i1 to i32
            %cond3A_520 = arith.constant 0 : i32
            %cond3A_521 = arith.cmpi ne, %convert_element_type3A_519, %cond3A_520 : i32
            %cond3A_522 = scf.if %cond3A_521 -> (i32) {
              %gt3A = arith.constant 240 : i32
              %gt3A_523 = arith.cmpi sgt, %while3A_487, %gt3A : i32
              %convert_element_type3A_524 = arith.extui %gt3A_523 : i1 to i32
              %cond3A_525 = arith.constant 0 : i32
              %cond3A_526 = arith.cmpi ne, %convert_element_type3A_524, %cond3A_525 : i32
              %cond3A_527 = scf.if %cond3A_526 -> (i32) {
                %get3A_556 = arith.constant 0 : index
                %get3A_557 = tpu.vector_load %arg15[%get3A_556] {strides = array<i32>} : memref<272xi32, #tpu.memory_space<vmem>>, vector<16xi32>,
                %swap3A_558 = arith.constant 0 : index
                %swap3A_559 = tpu.vector_load %arg16[%swap3A_558] {strides = array<i32>} : memref<256xi32, #tpu.memory_space<vmem>>, vector<16xi32>,
                tpu.vector_store %arg16[%swap3A_558], %get3A_557 {strides = array<i32>} : memref<256xi32, #tpu.memory_space<vmem>>, vector<16xi32>,
                %get3A_560 = arith.constant 16 : index
                %get3A_561 = tpu.vector_load %arg15[%get3A_560] {strides = array<i32>} : memref<272xi32, #tpu.memory_space<vmem>>, vector<16xi32>,
                %swap3A_562 = arith.constant 16 : index
                %swap3A_563 = tpu.vector_load %arg16[%swap3A_562] {strides = array<i32>} : memref<256xi32, #tpu.memory_space<vmem>>, vector<16xi32>,
                tpu.vector_store %arg16[%swap3A_562], %get3A_561 {strides = array<i32>} : memref<256xi32, #tpu.memory_space<vmem>>, vector<16xi32>,
                %get3A_564 = arith.constant 32 : index
                %get3A_565 = tpu.vector_load %arg15[%get3A_564] {strides = array<i32>} : memref<272xi32, #tpu.memory_space<vmem>>, vector<16xi32>,
                %swap3A_566 = arith.constant 32 : index
                %swap3A_567 = tpu.vector_load %arg16[%swap3A_566] {strides = array<i32>} : memref<256xi32, #tpu.memory_space<vmem>>, vector<16xi32>,
                tpu.vector_store %arg16[%swap3A_566], %get3A_565 {strides = array<i32>} : memref<256xi32, #tpu.memory_space<vmem>>, vector<16xi32>,
                %get3A_568 = arith.constant 48 : index
                %get3A_569 = tpu.vector_load %arg15[%get3A_568] {strides = array<i32>} : memref<272xi32, #tpu.memory_space<vmem>>, vector<16xi32>,
                %swap3A_570 = arith.constant 48 : index
                %swap3A_571 = tpu.vector_load %arg16[%swap3A_570] {strides = array<i32>} : memref<256xi32, #tpu.memory_space<vmem>>, vector<16xi32>,
                tpu.vector_store %arg16[%swap3A_570], %get3A_569 {strides = array<i32>} : memref<256xi32, #tpu.memory_space<vmem>>, vector<16xi32>,
                %get3A_572 = arith.constant 64 : index
                %get3A_573 = tpu.vector_load %arg15[%get3A_572] {strides = array<i32>} : memref<272xi32, #tpu.memory_space<vmem>>, vector<16xi32>,
                %swap3A_574 = arith.constant 64 : index
                %swap3A_575 = tpu.vector_load %arg16[%swap3A_574] {strides = array<i32>} : memref<256xi32, #tpu.memory_space<vmem>>, vector<16xi32>,
                tpu.vector_store %arg16[%swap3A_574], %get3A_573 {strides = array<i32>} : memref<256xi32, #tpu.memory_space<vmem>>, vector<16xi32>,
                %get3A_576 = arith.constant 80 : index
                %get3A_577 = tpu.vector_load %arg15[%get3A_576] {strides = array<i32>} : memref<272xi32, #tpu.memory_space<vmem>>, vector<16xi32>,
                %swap3A_578 = arith.constant 80 : index
                %swap3A_579 = tpu.vector_load %arg16[%swap3A_578] {strides = array<i32>} : memref<256xi32, #tpu.memory_space<vmem>>, vector<16xi32>,
                tpu.vector_store %arg16[%swap3A_578], %get3A_577 {strides = array<i32>} : memref<256xi32, #tpu.memory_space<vmem>>, vector<16xi32>,
                %get3A_580 = arith.constant 96 : index
                %get3A_581 = tpu.vector_load %arg15[%get3A_580] {strides = array<i32>} : memref<272xi32, #tpu.memory_space<vmem>>, vector<16xi32>,
                %swap3A_582 = arith.constant 96 : index
                %swap3A_583 = tpu.vector_load %arg16[%swap3A_582] {strides = array<i32>} : memref<256xi32, #tpu.memory_space<vmem>>, vector<16xi32>,
                tpu.vector_store %arg16[%swap3A_582], %get3A_581 {strides = array<i32>} : memref<256xi32, #tpu.memory_space<vmem>>, vector<16xi32>,
                %get3A_584 = arith.constant 112 : index
                %get3A_585 = tpu.vector_load %arg15[%get3A_584] {strides = array<i32>} : memref<272xi32, #tpu.memory_space<vmem>>, vector<16xi32>,
                %swap3A_586 = arith.constant 112 : index
                %swap3A_587 = tpu.vector_load %arg16[%swap3A_586] {strides = array<i32>} : memref<256xi32, #tpu.memory_space<vmem>>, vector<16xi32>,
                tpu.vector_store %arg16[%swap3A_586], %get3A_585 {strides = array<i32>} : memref<256xi32, #tpu.memory_space<vmem>>, vector<16xi32>,
                %get3A_588 = arith.constant 128 : index
                %get3A_589 = tpu.vector_load %arg15[%get3A_588] {strides = array<i32>} : memref<272xi32, #tpu.memory_space<vmem>>, vector<16xi32>,
                %swap3A_590 = arith.constant 128 : index
                %swap3A_591 = tpu.vector_load %arg16[%swap3A_590] {strides = array<i32>} : memref<256xi32, #tpu.memory_space<vmem>>, vector<16xi32>,
                tpu.vector_store %arg16[%swap3A_590], %get3A_589 {strides = array<i32>} : memref<256xi32, #tpu.memory_space<vmem>>, vector<16xi32>,
                %get3A_592 = arith.constant 144 : index
                %get3A_593 = tpu.vector_load %arg15[%get3A_592] {strides = array<i32>} : memref<272xi32, #tpu.memory_space<vmem>>, vector<16xi32>,
                %swap3A_594 = arith.constant 144 : index
                %swap3A_595 = tpu.vector_load %arg16[%swap3A_594] {strides = array<i32>} : memref<256xi32, #tpu.memory_space<vmem>>, vector<16xi32>,
                tpu.vector_store %arg16[%swap3A_594], %get3A_593 {strides = array<i32>} : memref<256xi32, #tpu.memory_space<vmem>>, vector<16xi32>,
                %get3A_596 = arith.constant 160 : index
                %get3A_597 = tpu.vector_load %arg15[%get3A_596] {strides = array<i32>} : memref<272xi32, #tpu.memory_space<vmem>>, vector<16xi32>,
                %swap3A_598 = arith.constant 160 : index
                %swap3A_599 = tpu.vector_load %arg16[%swap3A_598] {strides = array<i32>} : memref<256xi32, #tpu.memory_space<vmem>>, vector<16xi32>,
                tpu.vector_store %arg16[%swap3A_598], %get3A_597 {strides = array<i32>} : memref<256xi32, #tpu.memory_space<vmem>>, vector<16xi32>,
                %get3A_600 = arith.constant 176 : index
                %get3A_601 = tpu.vector_load %arg15[%get3A_600] {strides = array<i32>} : memref<272xi32, #tpu.memory_space<vmem>>, vector<16xi32>,
                %swap3A_602 = arith.constant 176 : index
                %swap3A_603 = tpu.vector_load %arg16[%swap3A_602] {strides = array<i32>} : memref<256xi32, #tpu.memory_space<vmem>>, vector<16xi32>,
                tpu.vector_store %arg16[%swap3A_602], %get3A_601 {strides = array<i32>} : memref<256xi32, #tpu.memory_space<vmem>>, vector<16xi32>,
                %get3A_604 = arith.constant 192 : index
                %get3A_605 = tpu.vector_load %arg15[%get3A_604] {strides = array<i32>} : memref<272xi32, #tpu.memory_space<vmem>>, vector<16xi32>,
                %swap3A_606 = arith.constant 192 : index
                %swap3A_607 = tpu.vector_load %arg16[%swap3A_606] {strides = array<i32>} : memref<256xi32, #tpu.memory_space<vmem>>, vector<16xi32>,
                tpu.vector_store %arg16[%swap3A_606], %get3A_605 {strides = array<i32>} : memref<256xi32, #tpu.memory_space<vmem>>, vector<16xi32>,
                %get3A_608 = arith.constant 208 : index
                %get3A_609 = tpu.vector_load %arg15[%get3A_608] {strides = array<i32>} : memref<272xi32, #tpu.memory_space<vmem>>, vector<16xi32>,
                %swap3A_610 = arith.constant 208 : index
                %swap3A_611 = tpu.vector_load %arg16[%swap3A_610] {strides = array<i32>} : memref<256xi32, #tpu.memory_space<vmem>>, vector<16xi32>,
                tpu.vector_store %arg16[%swap3A_610], %get3A_609 {strides = array<i32>} : memref<256xi32, #tpu.memory_space<vmem>>, vector<16xi32>,
                %get3A_612 = arith.constant 224 : index
                %get3A_613 = tpu.vector_load %arg15[%get3A_612] {strides = array<i32>} : memref<272xi32, #tpu.memory_space<vmem>>, vector<16xi32>,
                %swap3A_614 = arith.constant 224 : index
                %swap3A_615 = tpu.vector_load %arg16[%swap3A_614] {strides = array<i32>} : memref<256xi32, #tpu.memory_space<vmem>>, vector<16xi32>,
                tpu.vector_store %arg16[%swap3A_614], %get3A_613 {strides = array<i32>} : memref<256xi32, #tpu.memory_space<vmem>>, vector<16xi32>,
                %get3A_616 = arith.constant 240 : index
                %get3A_617 = tpu.vector_load %arg15[%get3A_616] {strides = array<i32>} : memref<272xi32, #tpu.memory_space<vmem>>, vector<16xi32>,
                %swap3A_618 = arith.constant 240 : index
                %swap3A_619 = tpu.vector_load %arg16[%swap3A_618] {strides = array<i32>} : memref<256xi32, #tpu.memory_space<vmem>>, vector<16xi32>,
                tpu.vector_store %arg16[%swap3A_618], %get3A_617 {strides = array<i32>} : memref<256xi32, #tpu.memory_space<vmem>>, vector<16xi32>,
                %dma_start3A_620 = arith.constant 0 : i32
                %dma_start3A_621 = arith.constant 0 : i32
                %dma_start3A_622 = tpu.memref_slice %arg6[%dma_start3A_620, %dma_start3A_621] : memref<16385x128xf32, #tpu.memory_space<hbm>> -> memref<16385x128xf32, #tpu.memory_space<hbm>>
                tpu.enqueue_indirect_dma source(%arg14 : memref<256x128xf32, #tpu.memory_space<vmem>>) target(%dma_start3A_622 : memref<16385x128xf32, #tpu.memory_space<hbm>>) offsets(%arg16 : memref<256xi32, #tpu.memory_space<vmem>>) semaphore(%arg20 : memref<!tpu.dma_semaphore, #tpu.memory_space<semaphore_mem>>)
                %dma_wait3A_623 = arith.constant 0 : i32
                %dma_wait3A_624 = arith.constant 0 : i32
                %dma_wait3A_625 = tpu.memref_slice %arg6[%dma_wait3A_623, %dma_wait3A_624] : memref<16385x128xf32, #tpu.memory_space<hbm>> -> memref<16385x128xf32, #tpu.memory_space<hbm>>
                tpu.wait_indirect_dma semaphore(%arg20 : memref<!tpu.dma_semaphore, #tpu.memory_space<semaphore_mem>>) src(%arg14 : memref<256x128xf32, #tpu.memory_space<vmem>>) dst(%dma_wait3A_625 : memref<16385x128xf32, #tpu.memory_space<hbm>>)
                %mul3A_626 = arith.constant 0 : i32
                %mul3A_627 = arith.muli %mul3A_626, %while3A_487 : i32
                scf.yield %mul3A_627 : i32
              } else {
                scf.yield %while3A_487 : i32
              }
              %sub3A_528 = vector.broadcast %multiple_of3A_446 : i32 to vector<16xi32>
              %sub3A_529 = arith.subi %get3A_491, %sub3A_528 : vector<16xi32>
              %convert_element_type3A_530 = arith.extui %and3A_508 : vector<16xi1> to vector<16xi32>
              %cumsum3A = arith.constant true
              %cumsum3A_531 = vector.broadcast %cumsum3A : i1 to vector<16xi1>
              %cumsum3A_532 = tpu.scan <sum>, %convert_element_type3A_530 masked %cumsum3A_531 : vector<16xi32>, vector<16xi1> -> vector<16xi32>
              %add3A_533 = vector.broadcast %cond3A_527 : i32 to vector<16xi32>
              %add3A_534 = arith.addi %add3A_533, %cumsum3A_532 : vector<16xi32>
              %sub3A_535 = arith.constant 1 : i32
              %sub3A_536 = vector.broadcast %sub3A_535 : i32 to vector<16xi32>
              %sub3A_537 = arith.subi %add3A_534, %sub3A_536 : vector<16xi32>
              %jit3A_538 = arith.constant 264 : i32
              %broadcast_in_dim3A_539 = vector.broadcast %jit3A_538 : i32 to vector<16xi32>
              %select_n3A_540 = arith.select %and3A_508, %sub3A_537, %broadcast_in_dim3A_539 : vector<16xi1>, vector<16xi32>
              %min3A_541 = arith.constant 264 : i32
              %min3A_542 = vector.broadcast %min3A_541 : i32 to vector<16xi32>
              %min3A_543 = arith.minsi %select_n3A_540, %min3A_542 : vector<16xi32>
              tpu.vector_store_idx %arg15[%min3A_543], %get3A_495 : memref<272xi32, #tpu.memory_space<vmem>>[vector<16xi32>], vector<16xi32>,
              tpu.vector_store_idx %arg17[%min3A_543], %sub3A_529 : memref<272xi32, #tpu.memory_space<vmem>>[vector<16xi32>], vector<16xi32>,
              %slice3A = vector.extract_strided_slice %cumsum3A_532 {offsets = [15], sizes = [1], strides = [1]} : vector<16xi32> to vector<1xi32>
              %squeeze3A = vector.extract %slice3A[0] : i32 from vector<1xi32>
              %add3A_544 = arith.addi %cond3A_527, %squeeze3A : i32
              %while3A_545 = arith.constant 0 : i32
              %while3A_546 = arith.constant 0 : i32
              %while3A_547 = arith.subi %squeeze3A, %while3A_546 : i32
              %while3A_548 = arith.addi %while3A_546, %while3A_547 : i32
              %while3A_549 = arith.constant 1 : i32
              %while3A_550 = arith.divsi %while3A_547, %while3A_549 : i32
              %while3A_551 = arith.muli %while3A_550, %while3A_549 : i32
              %while3A_552 = arith.addi %while3A_546, %while3A_551 : i32
              %while3A_553 = arith.constant 1 : i32
              scf.for %while3A_556 = %while3A_546 to %while3A_552 step %while3A_553  : i32 {
                %add3A_557 = arith.addi %cond3A_527, %while3A_556 : i32
                %get3A_558 = arith.index_cast %add3A_557 : i32 to index
                %get3A_559 = tpu.vector_load %arg17[%get3A_558] {strides = array<i32>} : memref<272xi32, #tpu.memory_space<vmem>>, vector<16xi32>,
                %slice3A_560 = vector.extract_strided_slice %get3A_559 {offsets = [0], sizes = [1], strides = [1]} : vector<16xi32> to vector<1xi32>
                %squeeze3A_561 = vector.extract %slice3A_560[0] : i32 from vector<1xi32>
                %broadcast_in_dim3A_562 = vector.broadcast %squeeze3A_561 : i32 to vector<16xi32>
                %broadcast_in_dim3A_563 = vector.broadcast %and3A_448 : i32 to vector<16xi32>
                %add3A_564 = arith.addi %cond3A_527, %while3A_556 : i32
                %broadcast_in_dim3A_565 = vector.broadcast %add3A_564 : i32 to vector<16xi32>
                %gather3A = tpu.vector_load_idx %arg13[%broadcast_in_dim3A_563, %iota3A, %broadcast_in_dim3A_562] : memref<2x32x640xf32, #tpu.memory_space<vmem>>[vector<16xi32>, vector<16xi32>, vector<16xi32>], vector<16xf32>,
                %add3A_566 = arith.constant 16 : i32
                %add3A_567 = vector.broadcast %add3A_566 : i32 to vector<16xi32>
                %add3A_568 = arith.addi %iota3A, %add3A_567 : vector<16xi32>
                %gather3A_569 = tpu.vector_load_idx %arg13[%broadcast_in_dim3A_563, %add3A_568, %broadcast_in_dim3A_562] : memref<2x32x640xf32, #tpu.memory_space<vmem>>[vector<16xi32>, vector<16xi32>, vector<16xi32>], vector<16xf32>,
                tpu.vector_store_idx %arg14[%broadcast_in_dim3A_565, %iota3A], %gather3A : memref<256x128xf32, #tpu.memory_space<vmem>>[vector<16xi32>, vector<16xi32>], vector<16xf32>,
                %add3A_570 = arith.constant 16 : i32
                %add3A_571 = vector.broadcast %add3A_570 : i32 to vector<16xi32>
                %add3A_572 = arith.addi %iota3A, %add3A_571 : vector<16xi32>
                tpu.vector_store_idx %arg14[%broadcast_in_dim3A_565, %add3A_572], %gather3A_569 : memref<256x128xf32, #tpu.memory_space<vmem>>[vector<16xi32>, vector<16xi32>], vector<16xf32>,
              }
              %while3A_554 = arith.constant 1 : i32
              scf.for %while3A_556 = %while3A_552 to %while3A_548 step %while3A_554  : i32 {
                %add3A_557 = arith.addi %cond3A_527, %while3A_556 : i32
                %get3A_558 = arith.index_cast %add3A_557 : i32 to index
                %get3A_559 = tpu.vector_load %arg17[%get3A_558] {strides = array<i32>} : memref<272xi32, #tpu.memory_space<vmem>>, vector<16xi32>,
                %slice3A_560 = vector.extract_strided_slice %get3A_559 {offsets = [0], sizes = [1], strides = [1]} : vector<16xi32> to vector<1xi32>
                %squeeze3A_561 = vector.extract %slice3A_560[0] : i32 from vector<1xi32>
                %broadcast_in_dim3A_562 = vector.broadcast %squeeze3A_561 : i32 to vector<16xi32>
                %broadcast_in_dim3A_563 = vector.broadcast %and3A_448 : i32 to vector<16xi32>
                %add3A_564 = arith.addi %cond3A_527, %while3A_556 : i32
                %broadcast_in_dim3A_565 = vector.broadcast %add3A_564 : i32 to vector<16xi32>
                %gather3A = tpu.vector_load_idx %arg13[%broadcast_in_dim3A_563, %iota3A, %broadcast_in_dim3A_562] : memref<2x32x640xf32, #tpu.memory_space<vmem>>[vector<16xi32>, vector<16xi32>, vector<16xi32>], vector<16xf32>,
                %add3A_566 = arith.constant 16 : i32
                %add3A_567 = vector.broadcast %add3A_566 : i32 to vector<16xi32>
                %add3A_568 = arith.addi %iota3A, %add3A_567 : vector<16xi32>
                %gather3A_569 = tpu.vector_load_idx %arg13[%broadcast_in_dim3A_563, %add3A_568, %broadcast_in_dim3A_562] : memref<2x32x640xf32, #tpu.memory_space<vmem>>[vector<16xi32>, vector<16xi32>, vector<16xi32>], vector<16xf32>,
                tpu.vector_store_idx %arg14[%broadcast_in_dim3A_565, %iota3A], %gather3A : memref<256x128xf32, #tpu.memory_space<vmem>>[vector<16xi32>, vector<16xi32>], vector<16xf32>,
                %add3A_570 = arith.constant 16 : i32
                %add3A_571 = vector.broadcast %add3A_570 : i32 to vector<16xi32>
                %add3A_572 = arith.addi %iota3A, %add3A_571 : vector<16xi32>
                tpu.vector_store_idx %arg14[%broadcast_in_dim3A_565, %add3A_572], %gather3A_569 : memref<256x128xf32, #tpu.memory_space<vmem>>[vector<16xi32>, vector<16xi32>], vector<16xf32>,
              }
              %add3A_555 = arith.addi %cond3A_527, %squeeze3A : i32
              scf.yield %add3A_555 : i32
            } else {
              scf.yield %while3A_487 : i32
            }
            scf.yield %cond3A_522 : i32
          }
          %while3A_484 = arith.constant 1 : i32
          %while3A_485 = scf.for %while3A_486 = %while3A_481 to %while3A_477 step %while3A_484 iter_args(%while3A_487 = %while3A_483) -> (i32)  : i32 {
            %mul3A_488 = arith.constant 16 : i32
            %mul3A_489 = arith.muli %while3A_486, %mul3A_488 : i32
            %get3A_490 = arith.index_cast %mul3A_489 : i32 to index
            %get3A_491 = tpu.vector_load %arg11[%get3A_490] {strides = array<i32>} : memref<520xi32, #tpu.memory_space<vmem>>, vector<16xi32>,
            %mul3A_492 = arith.constant 16 : i32
            %mul3A_493 = arith.muli %while3A_486, %mul3A_492 : i32
            %get3A_494 = arith.index_cast %mul3A_493 : i32 to index
            %get3A_495 = tpu.vector_load %arg12[%get3A_494] {strides = array<i32>} : memref<520xi32, #tpu.memory_space<vmem>>, vector<16xi32>,
            %ge3A = vector.broadcast %multiple_of3A_446 : i32 to vector<16xi32>
            %ge3A_496 = arith.cmpi sge, %get3A_491, %ge3A : vector<16xi32>
            %add3A_497 = arith.constant 640 : i32
            %add3A_498 = arith.addi %multiple_of3A_446, %add3A_497 : i32
            %lt3A_499 = vector.broadcast %add3A_498 : i32 to vector<16xi32>
            %lt3A_500 = arith.cmpi slt, %get3A_491, %lt3A_499 : vector<16xi32>
            %and3A_501 = arith.andi %ge3A_496, %lt3A_500 : vector<16xi1>
            %mul3A_502 = arith.constant 16 : i32
            %mul3A_503 = arith.muli %while3A_486, %mul3A_502 : i32
            %add3A_504 = vector.broadcast %mul3A_503 : i32 to vector<16xi32>
            %add3A_505 = arith.addi %iota3A, %add3A_504 : vector<16xi32>
            %lt3A_506 = vector.broadcast %while3A_401 : i32 to vector<16xi32>
            %lt3A_507 = arith.cmpi slt, %add3A_505, %lt3A_506 : vector<16xi32>
            %and3A_508 = arith.andi %and3A_501, %lt3A_507 : vector<16xi1>
            %reduce_or3A = arith.constant 1.000000e+00 : f32
            %reduce_or3A_509 = arith.constant 0.000000e+00 : f32
            %reduce_or3A_510 = vector.broadcast %reduce_or3A : f32 to vector<16xf32>
            %reduce_or3A_511 = vector.broadcast %reduce_or3A_509 : f32 to vector<16xf32>
            %reduce_or3A_512 = arith.select %and3A_508, %reduce_or3A_510, %reduce_or3A_511 : vector<16xi1>, vector<16xf32>
            %reduce_or3A_513 = arith.constant true
            %reduce_or3A_514 = vector.broadcast %reduce_or3A_513 : i1 to vector<16xi1>
            %reduce_or3A_515 = tpu.scan <max>, %reduce_or3A_512 masked %reduce_or3A_514 : vector<16xf32>, vector<16xi1> -> vector<16xf32>
            %reduce_or3A_516 = vector.extract %reduce_or3A_515[15] : f32 from vector<16xf32>
            %reduce_or3A_517 = arith.constant 0.000000e+00 : f32
            %reduce_or3A_518 = arith.cmpf ogt, %reduce_or3A_516, %reduce_or3A_517 : f32
            %convert_element_type3A_519 = arith.extui %reduce_or3A_518 : i1 to i32
            %cond3A_520 = arith.constant 0 : i32
            %cond3A_521 = arith.cmpi ne, %convert_element_type3A_519, %cond3A_520 : i32
            %cond3A_522 = scf.if %cond3A_521 -> (i32) {
              %gt3A = arith.constant 240 : i32
              %gt3A_523 = arith.cmpi sgt, %while3A_487, %gt3A : i32
              %convert_element_type3A_524 = arith.extui %gt3A_523 : i1 to i32
              %cond3A_525 = arith.constant 0 : i32
              %cond3A_526 = arith.cmpi ne, %convert_element_type3A_524, %cond3A_525 : i32
              %cond3A_527 = scf.if %cond3A_526 -> (i32) {
                %get3A_556 = arith.constant 0 : index
                %get3A_557 = tpu.vector_load %arg15[%get3A_556] {strides = array<i32>} : memref<272xi32, #tpu.memory_space<vmem>>, vector<16xi32>,
                %swap3A_558 = arith.constant 0 : index
                %swap3A_559 = tpu.vector_load %arg16[%swap3A_558] {strides = array<i32>} : memref<256xi32, #tpu.memory_space<vmem>>, vector<16xi32>,
                tpu.vector_store %arg16[%swap3A_558], %get3A_557 {strides = array<i32>} : memref<256xi32, #tpu.memory_space<vmem>>, vector<16xi32>,
                %get3A_560 = arith.constant 16 : index
                %get3A_561 = tpu.vector_load %arg15[%get3A_560] {strides = array<i32>} : memref<272xi32, #tpu.memory_space<vmem>>, vector<16xi32>,
                %swap3A_562 = arith.constant 16 : index
                %swap3A_563 = tpu.vector_load %arg16[%swap3A_562] {strides = array<i32>} : memref<256xi32, #tpu.memory_space<vmem>>, vector<16xi32>,
                tpu.vector_store %arg16[%swap3A_562], %get3A_561 {strides = array<i32>} : memref<256xi32, #tpu.memory_space<vmem>>, vector<16xi32>,
                %get3A_564 = arith.constant 32 : index
                %get3A_565 = tpu.vector_load %arg15[%get3A_564] {strides = array<i32>} : memref<272xi32, #tpu.memory_space<vmem>>, vector<16xi32>,
                %swap3A_566 = arith.constant 32 : index
                %swap3A_567 = tpu.vector_load %arg16[%swap3A_566] {strides = array<i32>} : memref<256xi32, #tpu.memory_space<vmem>>, vector<16xi32>,
                tpu.vector_store %arg16[%swap3A_566], %get3A_565 {strides = array<i32>} : memref<256xi32, #tpu.memory_space<vmem>>, vector<16xi32>,
                %get3A_568 = arith.constant 48 : index
                %get3A_569 = tpu.vector_load %arg15[%get3A_568] {strides = array<i32>} : memref<272xi32, #tpu.memory_space<vmem>>, vector<16xi32>,
                %swap3A_570 = arith.constant 48 : index
                %swap3A_571 = tpu.vector_load %arg16[%swap3A_570] {strides = array<i32>} : memref<256xi32, #tpu.memory_space<vmem>>, vector<16xi32>,
                tpu.vector_store %arg16[%swap3A_570], %get3A_569 {strides = array<i32>} : memref<256xi32, #tpu.memory_space<vmem>>, vector<16xi32>,
                %get3A_572 = arith.constant 64 : index
                %get3A_573 = tpu.vector_load %arg15[%get3A_572] {strides = array<i32>} : memref<272xi32, #tpu.memory_space<vmem>>, vector<16xi32>,
                %swap3A_574 = arith.constant 64 : index
                %swap3A_575 = tpu.vector_load %arg16[%swap3A_574] {strides = array<i32>} : memref<256xi32, #tpu.memory_space<vmem>>, vector<16xi32>,
                tpu.vector_store %arg16[%swap3A_574], %get3A_573 {strides = array<i32>} : memref<256xi32, #tpu.memory_space<vmem>>, vector<16xi32>,
                %get3A_576 = arith.constant 80 : index
                %get3A_577 = tpu.vector_load %arg15[%get3A_576] {strides = array<i32>} : memref<272xi32, #tpu.memory_space<vmem>>, vector<16xi32>,
                %swap3A_578 = arith.constant 80 : index
                %swap3A_579 = tpu.vector_load %arg16[%swap3A_578] {strides = array<i32>} : memref<256xi32, #tpu.memory_space<vmem>>, vector<16xi32>,
                tpu.vector_store %arg16[%swap3A_578], %get3A_577 {strides = array<i32>} : memref<256xi32, #tpu.memory_space<vmem>>, vector<16xi32>,
                %get3A_580 = arith.constant 96 : index
                %get3A_581 = tpu.vector_load %arg15[%get3A_580] {strides = array<i32>} : memref<272xi32, #tpu.memory_space<vmem>>, vector<16xi32>,
                %swap3A_582 = arith.constant 96 : index
                %swap3A_583 = tpu.vector_load %arg16[%swap3A_582] {strides = array<i32>} : memref<256xi32, #tpu.memory_space<vmem>>, vector<16xi32>,
                tpu.vector_store %arg16[%swap3A_582], %get3A_581 {strides = array<i32>} : memref<256xi32, #tpu.memory_space<vmem>>, vector<16xi32>,
                %get3A_584 = arith.constant 112 : index
                %get3A_585 = tpu.vector_load %arg15[%get3A_584] {strides = array<i32>} : memref<272xi32, #tpu.memory_space<vmem>>, vector<16xi32>,
                %swap3A_586 = arith.constant 112 : index
                %swap3A_587 = tpu.vector_load %arg16[%swap3A_586] {strides = array<i32>} : memref<256xi32, #tpu.memory_space<vmem>>, vector<16xi32>,
                tpu.vector_store %arg16[%swap3A_586], %get3A_585 {strides = array<i32>} : memref<256xi32, #tpu.memory_space<vmem>>, vector<16xi32>,
                %get3A_588 = arith.constant 128 : index
                %get3A_589 = tpu.vector_load %arg15[%get3A_588] {strides = array<i32>} : memref<272xi32, #tpu.memory_space<vmem>>, vector<16xi32>,
                %swap3A_590 = arith.constant 128 : index
                %swap3A_591 = tpu.vector_load %arg16[%swap3A_590] {strides = array<i32>} : memref<256xi32, #tpu.memory_space<vmem>>, vector<16xi32>,
                tpu.vector_store %arg16[%swap3A_590], %get3A_589 {strides = array<i32>} : memref<256xi32, #tpu.memory_space<vmem>>, vector<16xi32>,
                %get3A_592 = arith.constant 144 : index
                %get3A_593 = tpu.vector_load %arg15[%get3A_592] {strides = array<i32>} : memref<272xi32, #tpu.memory_space<vmem>>, vector<16xi32>,
                %swap3A_594 = arith.constant 144 : index
                %swap3A_595 = tpu.vector_load %arg16[%swap3A_594] {strides = array<i32>} : memref<256xi32, #tpu.memory_space<vmem>>, vector<16xi32>,
                tpu.vector_store %arg16[%swap3A_594], %get3A_593 {strides = array<i32>} : memref<256xi32, #tpu.memory_space<vmem>>, vector<16xi32>,
                %get3A_596 = arith.constant 160 : index
                %get3A_597 = tpu.vector_load %arg15[%get3A_596] {strides = array<i32>} : memref<272xi32, #tpu.memory_space<vmem>>, vector<16xi32>,
                %swap3A_598 = arith.constant 160 : index
                %swap3A_599 = tpu.vector_load %arg16[%swap3A_598] {strides = array<i32>} : memref<256xi32, #tpu.memory_space<vmem>>, vector<16xi32>,
                tpu.vector_store %arg16[%swap3A_598], %get3A_597 {strides = array<i32>} : memref<256xi32, #tpu.memory_space<vmem>>, vector<16xi32>,
                %get3A_600 = arith.constant 176 : index
                %get3A_601 = tpu.vector_load %arg15[%get3A_600] {strides = array<i32>} : memref<272xi32, #tpu.memory_space<vmem>>, vector<16xi32>,
                %swap3A_602 = arith.constant 176 : index
                %swap3A_603 = tpu.vector_load %arg16[%swap3A_602] {strides = array<i32>} : memref<256xi32, #tpu.memory_space<vmem>>, vector<16xi32>,
                tpu.vector_store %arg16[%swap3A_602], %get3A_601 {strides = array<i32>} : memref<256xi32, #tpu.memory_space<vmem>>, vector<16xi32>,
                %get3A_604 = arith.constant 192 : index
                %get3A_605 = tpu.vector_load %arg15[%get3A_604] {strides = array<i32>} : memref<272xi32, #tpu.memory_space<vmem>>, vector<16xi32>,
                %swap3A_606 = arith.constant 192 : index
                %swap3A_607 = tpu.vector_load %arg16[%swap3A_606] {strides = array<i32>} : memref<256xi32, #tpu.memory_space<vmem>>, vector<16xi32>,
                tpu.vector_store %arg16[%swap3A_606], %get3A_605 {strides = array<i32>} : memref<256xi32, #tpu.memory_space<vmem>>, vector<16xi32>,
                %get3A_608 = arith.constant 208 : index
                %get3A_609 = tpu.vector_load %arg15[%get3A_608] {strides = array<i32>} : memref<272xi32, #tpu.memory_space<vmem>>, vector<16xi32>,
                %swap3A_610 = arith.constant 208 : index
                %swap3A_611 = tpu.vector_load %arg16[%swap3A_610] {strides = array<i32>} : memref<256xi32, #tpu.memory_space<vmem>>, vector<16xi32>,
                tpu.vector_store %arg16[%swap3A_610], %get3A_609 {strides = array<i32>} : memref<256xi32, #tpu.memory_space<vmem>>, vector<16xi32>,
                %get3A_612 = arith.constant 224 : index
                %get3A_613 = tpu.vector_load %arg15[%get3A_612] {strides = array<i32>} : memref<272xi32, #tpu.memory_space<vmem>>, vector<16xi32>,
                %swap3A_614 = arith.constant 224 : index
                %swap3A_615 = tpu.vector_load %arg16[%swap3A_614] {strides = array<i32>} : memref<256xi32, #tpu.memory_space<vmem>>, vector<16xi32>,
                tpu.vector_store %arg16[%swap3A_614], %get3A_613 {strides = array<i32>} : memref<256xi32, #tpu.memory_space<vmem>>, vector<16xi32>,
                %get3A_616 = arith.constant 240 : index
                %get3A_617 = tpu.vector_load %arg15[%get3A_616] {strides = array<i32>} : memref<272xi32, #tpu.memory_space<vmem>>, vector<16xi32>,
                %swap3A_618 = arith.constant 240 : index
                %swap3A_619 = tpu.vector_load %arg16[%swap3A_618] {strides = array<i32>} : memref<256xi32, #tpu.memory_space<vmem>>, vector<16xi32>,
                tpu.vector_store %arg16[%swap3A_618], %get3A_617 {strides = array<i32>} : memref<256xi32, #tpu.memory_space<vmem>>, vector<16xi32>,
                %dma_start3A_620 = arith.constant 0 : i32
                %dma_start3A_621 = arith.constant 0 : i32
                %dma_start3A_622 = tpu.memref_slice %arg6[%dma_start3A_620, %dma_start3A_621] : memref<16385x128xf32, #tpu.memory_space<hbm>> -> memref<16385x128xf32, #tpu.memory_space<hbm>>
                tpu.enqueue_indirect_dma source(%arg14 : memref<256x128xf32, #tpu.memory_space<vmem>>) target(%dma_start3A_622 : memref<16385x128xf32, #tpu.memory_space<hbm>>) offsets(%arg16 : memref<256xi32, #tpu.memory_space<vmem>>) semaphore(%arg20 : memref<!tpu.dma_semaphore, #tpu.memory_space<semaphore_mem>>)
                %dma_wait3A_623 = arith.constant 0 : i32
                %dma_wait3A_624 = arith.constant 0 : i32
                %dma_wait3A_625 = tpu.memref_slice %arg6[%dma_wait3A_623, %dma_wait3A_624] : memref<16385x128xf32, #tpu.memory_space<hbm>> -> memref<16385x128xf32, #tpu.memory_space<hbm>>
                tpu.wait_indirect_dma semaphore(%arg20 : memref<!tpu.dma_semaphore, #tpu.memory_space<semaphore_mem>>) src(%arg14 : memref<256x128xf32, #tpu.memory_space<vmem>>) dst(%dma_wait3A_625 : memref<16385x128xf32, #tpu.memory_space<hbm>>)
                %mul3A_626 = arith.constant 0 : i32
                %mul3A_627 = arith.muli %mul3A_626, %while3A_487 : i32
                scf.yield %mul3A_627 : i32
              } else {
                scf.yield %while3A_487 : i32
              }
              %sub3A_528 = vector.broadcast %multiple_of3A_446 : i32 to vector<16xi32>
              %sub3A_529 = arith.subi %get3A_491, %sub3A_528 : vector<16xi32>
              %convert_element_type3A_530 = arith.extui %and3A_508 : vector<16xi1> to vector<16xi32>
              %cumsum3A = arith.constant true
              %cumsum3A_531 = vector.broadcast %cumsum3A : i1 to vector<16xi1>
              %cumsum3A_532 = tpu.scan <sum>, %convert_element_type3A_530 masked %cumsum3A_531 : vector<16xi32>, vector<16xi1> -> vector<16xi32>
              %add3A_533 = vector.broadcast %cond3A_527 : i32 to vector<16xi32>
              %add3A_534 = arith.addi %add3A_533, %cumsum3A_532 : vector<16xi32>
              %sub3A_535 = arith.constant 1 : i32
              %sub3A_536 = vector.broadcast %sub3A_535 : i32 to vector<16xi32>
              %sub3A_537 = arith.subi %add3A_534, %sub3A_536 : vector<16xi32>
              %jit3A_538 = arith.constant 264 : i32
              %broadcast_in_dim3A_539 = vector.broadcast %jit3A_538 : i32 to vector<16xi32>
              %select_n3A_540 = arith.select %and3A_508, %sub3A_537, %broadcast_in_dim3A_539 : vector<16xi1>, vector<16xi32>
              %min3A_541 = arith.constant 264 : i32
              %min3A_542 = vector.broadcast %min3A_541 : i32 to vector<16xi32>
              %min3A_543 = arith.minsi %select_n3A_540, %min3A_542 : vector<16xi32>
              tpu.vector_store_idx %arg15[%min3A_543], %get3A_495 : memref<272xi32, #tpu.memory_space<vmem>>[vector<16xi32>], vector<16xi32>,
              tpu.vector_store_idx %arg17[%min3A_543], %sub3A_529 : memref<272xi32, #tpu.memory_space<vmem>>[vector<16xi32>], vector<16xi32>,
              %slice3A = vector.extract_strided_slice %cumsum3A_532 {offsets = [15], sizes = [1], strides = [1]} : vector<16xi32> to vector<1xi32>
              %squeeze3A = vector.extract %slice3A[0] : i32 from vector<1xi32>
              %add3A_544 = arith.addi %cond3A_527, %squeeze3A : i32
              %while3A_545 = arith.constant 0 : i32
              %while3A_546 = arith.constant 0 : i32
              %while3A_547 = arith.subi %squeeze3A, %while3A_546 : i32
              %while3A_548 = arith.addi %while3A_546, %while3A_547 : i32
              %while3A_549 = arith.constant 1 : i32
              %while3A_550 = arith.divsi %while3A_547, %while3A_549 : i32
              %while3A_551 = arith.muli %while3A_550, %while3A_549 : i32
              %while3A_552 = arith.addi %while3A_546, %while3A_551 : i32
              %while3A_553 = arith.constant 1 : i32
              scf.for %while3A_556 = %while3A_546 to %while3A_552 step %while3A_553  : i32 {
                %add3A_557 = arith.addi %cond3A_527, %while3A_556 : i32
                %get3A_558 = arith.index_cast %add3A_557 : i32 to index
                %get3A_559 = tpu.vector_load %arg17[%get3A_558] {strides = array<i32>} : memref<272xi32, #tpu.memory_space<vmem>>, vector<16xi32>,
                %slice3A_560 = vector.extract_strided_slice %get3A_559 {offsets = [0], sizes = [1], strides = [1]} : vector<16xi32> to vector<1xi32>
                %squeeze3A_561 = vector.extract %slice3A_560[0] : i32 from vector<1xi32>
                %broadcast_in_dim3A_562 = vector.broadcast %squeeze3A_561 : i32 to vector<16xi32>
                %broadcast_in_dim3A_563 = vector.broadcast %and3A_448 : i32 to vector<16xi32>
                %add3A_564 = arith.addi %cond3A_527, %while3A_556 : i32
                %broadcast_in_dim3A_565 = vector.broadcast %add3A_564 : i32 to vector<16xi32>
                %gather3A = tpu.vector_load_idx %arg13[%broadcast_in_dim3A_563, %iota3A, %broadcast_in_dim3A_562] : memref<2x32x640xf32, #tpu.memory_space<vmem>>[vector<16xi32>, vector<16xi32>, vector<16xi32>], vector<16xf32>,
                %add3A_566 = arith.constant 16 : i32
                %add3A_567 = vector.broadcast %add3A_566 : i32 to vector<16xi32>
                %add3A_568 = arith.addi %iota3A, %add3A_567 : vector<16xi32>
                %gather3A_569 = tpu.vector_load_idx %arg13[%broadcast_in_dim3A_563, %add3A_568, %broadcast_in_dim3A_562] : memref<2x32x640xf32, #tpu.memory_space<vmem>>[vector<16xi32>, vector<16xi32>, vector<16xi32>], vector<16xf32>,
                tpu.vector_store_idx %arg14[%broadcast_in_dim3A_565, %iota3A], %gather3A : memref<256x128xf32, #tpu.memory_space<vmem>>[vector<16xi32>, vector<16xi32>], vector<16xf32>,
                %add3A_570 = arith.constant 16 : i32
                %add3A_571 = vector.broadcast %add3A_570 : i32 to vector<16xi32>
                %add3A_572 = arith.addi %iota3A, %add3A_571 : vector<16xi32>
                tpu.vector_store_idx %arg14[%broadcast_in_dim3A_565, %add3A_572], %gather3A_569 : memref<256x128xf32, #tpu.memory_space<vmem>>[vector<16xi32>, vector<16xi32>], vector<16xf32>,
              }
              %while3A_554 = arith.constant 1 : i32
              scf.for %while3A_556 = %while3A_552 to %while3A_548 step %while3A_554  : i32 {
                %add3A_557 = arith.addi %cond3A_527, %while3A_556 : i32
                %get3A_558 = arith.index_cast %add3A_557 : i32 to index
                %get3A_559 = tpu.vector_load %arg17[%get3A_558] {strides = array<i32>} : memref<272xi32, #tpu.memory_space<vmem>>, vector<16xi32>,
                %slice3A_560 = vector.extract_strided_slice %get3A_559 {offsets = [0], sizes = [1], strides = [1]} : vector<16xi32> to vector<1xi32>
                %squeeze3A_561 = vector.extract %slice3A_560[0] : i32 from vector<1xi32>
                %broadcast_in_dim3A_562 = vector.broadcast %squeeze3A_561 : i32 to vector<16xi32>
                %broadcast_in_dim3A_563 = vector.broadcast %and3A_448 : i32 to vector<16xi32>
                %add3A_564 = arith.addi %cond3A_527, %while3A_556 : i32
                %broadcast_in_dim3A_565 = vector.broadcast %add3A_564 : i32 to vector<16xi32>
                %gather3A = tpu.vector_load_idx %arg13[%broadcast_in_dim3A_563, %iota3A, %broadcast_in_dim3A_562] : memref<2x32x640xf32, #tpu.memory_space<vmem>>[vector<16xi32>, vector<16xi32>, vector<16xi32>], vector<16xf32>,
                %add3A_566 = arith.constant 16 : i32
                %add3A_567 = vector.broadcast %add3A_566 : i32 to vector<16xi32>
                %add3A_568 = arith.addi %iota3A, %add3A_567 : vector<16xi32>
                %gather3A_569 = tpu.vector_load_idx %arg13[%broadcast_in_dim3A_563, %add3A_568, %broadcast_in_dim3A_562] : memref<2x32x640xf32, #tpu.memory_space<vmem>>[vector<16xi32>, vector<16xi32>, vector<16xi32>], vector<16xf32>,
                tpu.vector_store_idx %arg14[%broadcast_in_dim3A_565, %iota3A], %gather3A : memref<256x128xf32, #tpu.memory_space<vmem>>[vector<16xi32>, vector<16xi32>], vector<16xf32>,
                %add3A_570 = arith.constant 16 : i32
                %add3A_571 = vector.broadcast %add3A_570 : i32 to vector<16xi32>
                %add3A_572 = arith.addi %iota3A, %add3A_571 : vector<16xi32>
                tpu.vector_store_idx %arg14[%broadcast_in_dim3A_565, %add3A_572], %gather3A_569 : memref<256x128xf32, #tpu.memory_space<vmem>>[vector<16xi32>, vector<16xi32>], vector<16xf32>,
              }
              %add3A_555 = arith.addi %cond3A_527, %squeeze3A : i32
              scf.yield %add3A_555 : i32
            } else {
              scf.yield %while3A_487 : i32
            }
            scf.yield %cond3A_522 : i32
          }
          scf.yield %while3A_485 : i32
        }
        %scan3A_410 = arith.constant 7 : i32
        scf.yield %scan3A_409 : i32
      } else {
        %scan3A_405 = arith.constant 0 : i32
        %scan3A_406 = arith.constant 7 : i32
        %scan3A_407 = arith.addi %scan3A_405, %scan3A_406 : i32
        %scan3A_408 = arith.constant 1 : i32
        %scan3A_409 = scf.for %scan3A_411 = %scan3A_405 to %scan3A_407 step %scan3A_408 iter_args(%scan3A_412 = %scan3A_383) -> (i32)  : i32 {
          %mul3A_413 = arith.constant 7 : i32
          %mul3A_414 = arith.muli %scan3A_382, %mul3A_413 : i32
          %add3A_415 = arith.addi %mul3A_414, %scan3A_411 : i32
          %add3A_416 = arith.constant 1 : i32
          %add3A_417 = arith.addi %add3A_415, %add3A_416 : i32
          %lt3A = arith.constant 49 : i32
          %lt3A_418 = arith.cmpi slt, %add3A_417, %lt3A : i32
          %convert_element_type3A_419 = arith.extui %lt3A_418 : i1 to i32
          %cond3A_420 = arith.constant 0 : i32
          %cond3A_421 = arith.cmpi ne, %convert_element_type3A_419, %cond3A_420 : i32
          scf.if %cond3A_421 {
            %add3A_486 = arith.constant 1 : i32
            %add3A_487 = arith.addi %scan3A_411, %add3A_486 : i32
            %lt3A_488 = arith.constant 7 : i32
            %lt3A_489 = arith.cmpi slt, %add3A_487, %lt3A_488 : i32
            %add3A_490 = arith.constant 1 : i32
            %add3A_491 = arith.addi %scan3A_382, %add3A_490 : i32
            %select_n3A_492 = arith.select %lt3A_489, %scan3A_382, %add3A_491 : i32
            %add3A_493 = arith.constant 1 : i32
            %add3A_494 = arith.addi %scan3A_411, %add3A_493 : i32
            %lt3A_495 = arith.constant 7 : i32
            %lt3A_496 = arith.cmpi slt, %add3A_494, %lt3A_495 : i32
            %add3A_497 = arith.constant 1 : i32
            %add3A_498 = arith.addi %scan3A_411, %add3A_497 : i32
            %jit3A_499 = arith.constant 0 : i32
            %select_n3A_500 = arith.select %lt3A_496, %add3A_498, %jit3A_499 : i32
            %mul3A_501 = arith.constant 4480 : i32
            %mul3A_502 = arith.muli %select_n3A_492, %mul3A_501 : i32
            %add3A_503 = arith.addi %multiple_of3A, %mul3A_502 : i32
            %sub3A_504 = arith.constant 4480 : i32
            %sub3A_505 = arith.subi %multiple_of3A_51, %sub3A_504 : i32
            %min3A_506 = arith.minsi %add3A_503, %sub3A_505 : i32
            %multiple_of3A_507 = tpu.assume_multiple %min3A_506, 128 : i32
            %mul3A_508 = arith.constant 640 : i32
            %mul3A_509 = arith.muli %select_n3A_500, %mul3A_508 : i32
            %add3A_510 = arith.addi %multiple_of3A_507, %mul3A_509 : i32
            %multiple_of3A_511 = tpu.assume_multiple %add3A_510, 128 : i32
            %mul3A_512 = arith.constant 7 : i32
            %mul3A_513 = arith.muli %select_n3A_492, %mul3A_512 : i32
            %add3A_514 = arith.addi %mul3A_513, %select_n3A_500 : i32
            %and3A_515 = arith.constant 1 : i32
            %and3A_516 = arith.andi %add3A_514, %and3A_515 : i32
            %dma_start3A_517 = arith.constant 0 : i32
            %dma_start3A_518 = arith.constant 0 : i32
            %dma_start3A_519 = tpu.memref_slice %arg13[%and3A_516, %dma_start3A_517, %dma_start3A_518] : memref<2x32x640xf32, #tpu.memory_space<vmem>> -> memref<1x32x640xf32, #tpu.memory_space<vmem>>
            %dma_start3A_520 = tpu.memref_squeeze %dma_start3A_519 : memref<1x32x640xf32, #tpu.memory_space<vmem>> -> memref<32x640xf32, #tpu.memory_space<vmem>>
            %dma_start3A_521 = arith.constant 0 : i32
            %dma_start3A_522 = tpu.memref_slice %arg4[%dma_start3A_521, %multiple_of3A_511] : memref<32x1000000xf32, #tpu.memory_space<hbm>> -> memref<32x640xf32, #tpu.memory_space<hbm>>
            %dma_start3A_523 = arith.constant 0 : i32
            %dma_start3A_524 = arith.constant 0 : i32
            %dma_start3A_525 = tpu.memref_slice %arg13[%and3A_516, %dma_start3A_523, %dma_start3A_524] : memref<2x32x640xf32, #tpu.memory_space<vmem>> -> memref<1x32x640xf32, #tpu.memory_space<vmem>>
            %dma_start3A_526 = tpu.memref_squeeze %dma_start3A_525 : memref<1x32x640xf32, #tpu.memory_space<vmem>> -> memref<32x640xf32, #tpu.memory_space<vmem>>
            %dma_start3A_527 = arith.constant 0 : i32
            %dma_start3A_528 = tpu.memref_slice %arg4[%dma_start3A_527, %multiple_of3A_511] : memref<32x1000000xf32, #tpu.memory_space<hbm>> -> memref<32x640xf32, #tpu.memory_space<hbm>>
            tpu.enqueue_dma source(%dma_start3A_528 : memref<32x640xf32, #tpu.memory_space<hbm>>) target(%dma_start3A_526 : memref<32x640xf32, #tpu.memory_space<vmem>>) target_semaphore(%arg19 : memref<!tpu.dma_semaphore, #tpu.memory_space<semaphore_mem>>)
          } else {
          }
          %mul3A_422 = arith.constant 640 : i32
          %mul3A_423 = arith.muli %scan3A_411, %mul3A_422 : i32
          %add3A_424 = arith.addi %multiple_of3A_390, %mul3A_423 : i32
          %multiple_of3A_425 = tpu.assume_multiple %add3A_424, 128 : i32
          %mul3A_426 = arith.constant 7 : i32
          %mul3A_427 = arith.muli %scan3A_382, %mul3A_426 : i32
          %add3A_428 = arith.addi %mul3A_427, %scan3A_411 : i32
          %and3A_429 = arith.constant 1 : i32
          %and3A_430 = arith.andi %add3A_428, %and3A_429 : i32
          %dma_wait3A_431 = arith.constant 0 : i32
          %dma_wait3A_432 = arith.constant 0 : i32
          %dma_wait3A_433 = tpu.memref_slice %arg13[%and3A_430, %dma_wait3A_431, %dma_wait3A_432] : memref<2x32x640xf32, #tpu.memory_space<vmem>> -> memref<1x32x640xf32, #tpu.memory_space<vmem>>
          %dma_wait3A_434 = tpu.memref_squeeze %dma_wait3A_433 : memref<1x32x640xf32, #tpu.memory_space<vmem>> -> memref<32x640xf32, #tpu.memory_space<vmem>>
          %dma_wait3A_435 = arith.constant 0 : i32
          %dma_wait3A_436 = tpu.memref_slice %arg4[%dma_wait3A_435, %multiple_of3A_425] : memref<32x1000000xf32, #tpu.memory_space<hbm>> -> memref<32x640xf32, #tpu.memory_space<hbm>>
          %dma_wait3A_437 = arith.constant 0 : i32
          %dma_wait3A_438 = arith.constant 0 : i32
          %dma_wait3A_439 = tpu.memref_slice %arg13[%and3A_430, %dma_wait3A_437, %dma_wait3A_438] : memref<2x32x640xf32, #tpu.memory_space<vmem>> -> memref<1x32x640xf32, #tpu.memory_space<vmem>>
          %dma_wait3A_440 = tpu.memref_squeeze %dma_wait3A_439 : memref<1x32x640xf32, #tpu.memory_space<vmem>> -> memref<32x640xf32, #tpu.memory_space<vmem>>
          %dma_wait3A_441 = arith.constant 0 : i32
          %dma_wait3A_442 = tpu.memref_slice %arg4[%dma_wait3A_441, %multiple_of3A_425] : memref<32x1000000xf32, #tpu.memory_space<hbm>> -> memref<32x640xf32, #tpu.memory_space<hbm>>
          tpu.wait_dma2 semaphore(%arg19 : memref<!tpu.dma_semaphore, #tpu.memory_space<semaphore_mem>>) src(%dma_wait3A_442 : memref<32x640xf32, #tpu.memory_space<hbm>>) dst(%dma_wait3A_440 : memref<32x640xf32, #tpu.memory_space<vmem>>)
          %mul3A_443 = arith.constant 640 : i32
          %mul3A_444 = arith.muli %scan3A_411, %mul3A_443 : i32
          %add3A_445 = arith.addi %multiple_of3A_390, %mul3A_444 : i32
          %multiple_of3A_446 = tpu.assume_multiple %add3A_445, 128 : i32
          %and3A_447 = arith.constant 1 : i32
          %and3A_448 = arith.andi %add3A_415, %and3A_447 : i32
          %add3A_449 = arith.constant 15 : i32
          %add3A_450 = arith.addi %scan3A_56, %add3A_449 : i32
          %jit3A_451 = arith.constant 16 : i32
          %div3A_452 = arith.divsi %add3A_450, %jit3A_451 : i32
          %sign3A_453 = arith.constant 0 : i32
          %sign3A_454 = arith.cmpi sgt, %add3A_450, %sign3A_453 : i32
          %sign3A_455 = arith.extui %sign3A_454 : i1 to i32
          %sign3A_456 = arith.constant 0 : i32
          %sign3A_457 = arith.cmpi slt, %add3A_450, %sign3A_456 : i32
          %sign3A_458 = arith.extui %sign3A_457 : i1 to i32
          %sign3A_459 = arith.subi %sign3A_455, %sign3A_458 : i32
          %sign3A_460 = arith.constant 0 : i32
          %sign3A_461 = arith.cmpi sgt, %jit3A_451, %sign3A_460 : i32
          %sign3A_462 = arith.extui %sign3A_461 : i1 to i32
          %sign3A_463 = arith.constant 0 : i32
          %sign3A_464 = arith.cmpi slt, %jit3A_451, %sign3A_463 : i32
          %sign3A_465 = arith.extui %sign3A_464 : i1 to i32
          %sign3A_466 = arith.subi %sign3A_462, %sign3A_465 : i32
          %ne3A_467 = arith.cmpi ne, %sign3A_459, %sign3A_466 : i32
          %rem3A_468 = arith.remsi %add3A_450, %jit3A_451 : i32
          %ne3A_469 = arith.constant 0 : i32
          %ne3A_470 = arith.cmpi ne, %rem3A_468, %ne3A_469 : i32
          %and3A_471 = arith.andi %ne3A_467, %ne3A_470 : i1
          %sub3A_472 = arith.constant 1 : i32
          %sub3A_473 = arith.subi %div3A_452, %sub3A_472 : i32
          %select_n3A_474 = arith.select %and3A_471, %sub3A_473, %div3A_452 : i32
          %while3A_475 = arith.constant 0 : i32
          %while3A_476 = arith.subi %select_n3A_474, %while3A_475 : i32
          %while3A_477 = arith.addi %while3A_475, %while3A_476 : i32
          %while3A_478 = arith.constant 1 : i32
          %while3A_479 = arith.divsi %while3A_476, %while3A_478 : i32
          %while3A_480 = arith.muli %while3A_479, %while3A_478 : i32
          %while3A_481 = arith.addi %while3A_475, %while3A_480 : i32
          %while3A_482 = arith.constant 1 : i32
          %while3A_483 = scf.for %while3A_486 = %while3A_475 to %while3A_481 step %while3A_482 iter_args(%while3A_487 = %scan3A_412) -> (i32)  : i32 {
            %mul3A_488 = arith.constant 16 : i32
            %mul3A_489 = arith.muli %while3A_486, %mul3A_488 : i32
            %get3A_490 = arith.index_cast %mul3A_489 : i32 to index
            %get3A_491 = tpu.vector_load %arg9[%get3A_490] {strides = array<i32>} : memref<16400xi32, #tpu.memory_space<vmem>>, vector<16xi32>,
            %mul3A_492 = arith.constant 16 : i32
            %mul3A_493 = arith.muli %while3A_486, %mul3A_492 : i32
            %get3A_494 = arith.index_cast %mul3A_493 : i32 to index
            %get3A_495 = tpu.vector_load %arg10[%get3A_494] {strides = array<i32>} : memref<16400xi32, #tpu.memory_space<vmem>>, vector<16xi32>,
            %ge3A = vector.broadcast %multiple_of3A_446 : i32 to vector<16xi32>
            %ge3A_496 = arith.cmpi sge, %get3A_491, %ge3A : vector<16xi32>
            %add3A_497 = arith.constant 640 : i32
            %add3A_498 = arith.addi %multiple_of3A_446, %add3A_497 : i32
            %lt3A_499 = vector.broadcast %add3A_498 : i32 to vector<16xi32>
            %lt3A_500 = arith.cmpi slt, %get3A_491, %lt3A_499 : vector<16xi32>
            %and3A_501 = arith.andi %ge3A_496, %lt3A_500 : vector<16xi1>
            %mul3A_502 = arith.constant 16 : i32
            %mul3A_503 = arith.muli %while3A_486, %mul3A_502 : i32
            %add3A_504 = vector.broadcast %mul3A_503 : i32 to vector<16xi32>
            %add3A_505 = arith.addi %iota3A, %add3A_504 : vector<16xi32>
            %lt3A_506 = vector.broadcast %scan3A_56 : i32 to vector<16xi32>
            %lt3A_507 = arith.cmpi slt, %add3A_505, %lt3A_506 : vector<16xi32>
            %and3A_508 = arith.andi %and3A_501, %lt3A_507 : vector<16xi1>
            %reduce_or3A = arith.constant 1.000000e+00 : f32
            %reduce_or3A_509 = arith.constant 0.000000e+00 : f32
            %reduce_or3A_510 = vector.broadcast %reduce_or3A : f32 to vector<16xf32>
            %reduce_or3A_511 = vector.broadcast %reduce_or3A_509 : f32 to vector<16xf32>
            %reduce_or3A_512 = arith.select %and3A_508, %reduce_or3A_510, %reduce_or3A_511 : vector<16xi1>, vector<16xf32>
            %reduce_or3A_513 = arith.constant true
            %reduce_or3A_514 = vector.broadcast %reduce_or3A_513 : i1 to vector<16xi1>
            %reduce_or3A_515 = tpu.scan <max>, %reduce_or3A_512 masked %reduce_or3A_514 : vector<16xf32>, vector<16xi1> -> vector<16xf32>
            %reduce_or3A_516 = vector.extract %reduce_or3A_515[15] : f32 from vector<16xf32>
            %reduce_or3A_517 = arith.constant 0.000000e+00 : f32
            %reduce_or3A_518 = arith.cmpf ogt, %reduce_or3A_516, %reduce_or3A_517 : f32
            %convert_element_type3A_519 = arith.extui %reduce_or3A_518 : i1 to i32
            %cond3A_520 = arith.constant 0 : i32
            %cond3A_521 = arith.cmpi ne, %convert_element_type3A_519, %cond3A_520 : i32
            %cond3A_522 = scf.if %cond3A_521 -> (i32) {
              %gt3A = arith.constant 240 : i32
              %gt3A_523 = arith.cmpi sgt, %while3A_487, %gt3A : i32
              %convert_element_type3A_524 = arith.extui %gt3A_523 : i1 to i32
              %cond3A_525 = arith.constant 0 : i32
              %cond3A_526 = arith.cmpi ne, %convert_element_type3A_524, %cond3A_525 : i32
              %cond3A_527 = scf.if %cond3A_526 -> (i32) {
                %get3A_556 = arith.constant 0 : index
                %get3A_557 = tpu.vector_load %arg15[%get3A_556] {strides = array<i32>} : memref<272xi32, #tpu.memory_space<vmem>>, vector<16xi32>,
                %swap3A_558 = arith.constant 0 : index
                %swap3A_559 = tpu.vector_load %arg16[%swap3A_558] {strides = array<i32>} : memref<256xi32, #tpu.memory_space<vmem>>, vector<16xi32>,
                tpu.vector_store %arg16[%swap3A_558], %get3A_557 {strides = array<i32>} : memref<256xi32, #tpu.memory_space<vmem>>, vector<16xi32>,
                %get3A_560 = arith.constant 16 : index
                %get3A_561 = tpu.vector_load %arg15[%get3A_560] {strides = array<i32>} : memref<272xi32, #tpu.memory_space<vmem>>, vector<16xi32>,
                %swap3A_562 = arith.constant 16 : index
                %swap3A_563 = tpu.vector_load %arg16[%swap3A_562] {strides = array<i32>} : memref<256xi32, #tpu.memory_space<vmem>>, vector<16xi32>,
                tpu.vector_store %arg16[%swap3A_562], %get3A_561 {strides = array<i32>} : memref<256xi32, #tpu.memory_space<vmem>>, vector<16xi32>,
                %get3A_564 = arith.constant 32 : index
                %get3A_565 = tpu.vector_load %arg15[%get3A_564] {strides = array<i32>} : memref<272xi32, #tpu.memory_space<vmem>>, vector<16xi32>,
                %swap3A_566 = arith.constant 32 : index
                %swap3A_567 = tpu.vector_load %arg16[%swap3A_566] {strides = array<i32>} : memref<256xi32, #tpu.memory_space<vmem>>, vector<16xi32>,
                tpu.vector_store %arg16[%swap3A_566], %get3A_565 {strides = array<i32>} : memref<256xi32, #tpu.memory_space<vmem>>, vector<16xi32>,
                %get3A_568 = arith.constant 48 : index
                %get3A_569 = tpu.vector_load %arg15[%get3A_568] {strides = array<i32>} : memref<272xi32, #tpu.memory_space<vmem>>, vector<16xi32>,
                %swap3A_570 = arith.constant 48 : index
                %swap3A_571 = tpu.vector_load %arg16[%swap3A_570] {strides = array<i32>} : memref<256xi32, #tpu.memory_space<vmem>>, vector<16xi32>,
                tpu.vector_store %arg16[%swap3A_570], %get3A_569 {strides = array<i32>} : memref<256xi32, #tpu.memory_space<vmem>>, vector<16xi32>,
                %get3A_572 = arith.constant 64 : index
                %get3A_573 = tpu.vector_load %arg15[%get3A_572] {strides = array<i32>} : memref<272xi32, #tpu.memory_space<vmem>>, vector<16xi32>,
                %swap3A_574 = arith.constant 64 : index
                %swap3A_575 = tpu.vector_load %arg16[%swap3A_574] {strides = array<i32>} : memref<256xi32, #tpu.memory_space<vmem>>, vector<16xi32>,
                tpu.vector_store %arg16[%swap3A_574], %get3A_573 {strides = array<i32>} : memref<256xi32, #tpu.memory_space<vmem>>, vector<16xi32>,
                %get3A_576 = arith.constant 80 : index
                %get3A_577 = tpu.vector_load %arg15[%get3A_576] {strides = array<i32>} : memref<272xi32, #tpu.memory_space<vmem>>, vector<16xi32>,
                %swap3A_578 = arith.constant 80 : index
                %swap3A_579 = tpu.vector_load %arg16[%swap3A_578] {strides = array<i32>} : memref<256xi32, #tpu.memory_space<vmem>>, vector<16xi32>,
                tpu.vector_store %arg16[%swap3A_578], %get3A_577 {strides = array<i32>} : memref<256xi32, #tpu.memory_space<vmem>>, vector<16xi32>,
                %get3A_580 = arith.constant 96 : index
                %get3A_581 = tpu.vector_load %arg15[%get3A_580] {strides = array<i32>} : memref<272xi32, #tpu.memory_space<vmem>>, vector<16xi32>,
                %swap3A_582 = arith.constant 96 : index
                %swap3A_583 = tpu.vector_load %arg16[%swap3A_582] {strides = array<i32>} : memref<256xi32, #tpu.memory_space<vmem>>, vector<16xi32>,
                tpu.vector_store %arg16[%swap3A_582], %get3A_581 {strides = array<i32>} : memref<256xi32, #tpu.memory_space<vmem>>, vector<16xi32>,
                %get3A_584 = arith.constant 112 : index
                %get3A_585 = tpu.vector_load %arg15[%get3A_584] {strides = array<i32>} : memref<272xi32, #tpu.memory_space<vmem>>, vector<16xi32>,
                %swap3A_586 = arith.constant 112 : index
                %swap3A_587 = tpu.vector_load %arg16[%swap3A_586] {strides = array<i32>} : memref<256xi32, #tpu.memory_space<vmem>>, vector<16xi32>,
                tpu.vector_store %arg16[%swap3A_586], %get3A_585 {strides = array<i32>} : memref<256xi32, #tpu.memory_space<vmem>>, vector<16xi32>,
                %get3A_588 = arith.constant 128 : index
                %get3A_589 = tpu.vector_load %arg15[%get3A_588] {strides = array<i32>} : memref<272xi32, #tpu.memory_space<vmem>>, vector<16xi32>,
                %swap3A_590 = arith.constant 128 : index
                %swap3A_591 = tpu.vector_load %arg16[%swap3A_590] {strides = array<i32>} : memref<256xi32, #tpu.memory_space<vmem>>, vector<16xi32>,
                tpu.vector_store %arg16[%swap3A_590], %get3A_589 {strides = array<i32>} : memref<256xi32, #tpu.memory_space<vmem>>, vector<16xi32>,
                %get3A_592 = arith.constant 144 : index
                %get3A_593 = tpu.vector_load %arg15[%get3A_592] {strides = array<i32>} : memref<272xi32, #tpu.memory_space<vmem>>, vector<16xi32>,
                %swap3A_594 = arith.constant 144 : index
                %swap3A_595 = tpu.vector_load %arg16[%swap3A_594] {strides = array<i32>} : memref<256xi32, #tpu.memory_space<vmem>>, vector<16xi32>,
                tpu.vector_store %arg16[%swap3A_594], %get3A_593 {strides = array<i32>} : memref<256xi32, #tpu.memory_space<vmem>>, vector<16xi32>,
                %get3A_596 = arith.constant 160 : index
                %get3A_597 = tpu.vector_load %arg15[%get3A_596] {strides = array<i32>} : memref<272xi32, #tpu.memory_space<vmem>>, vector<16xi32>,
                %swap3A_598 = arith.constant 160 : index
                %swap3A_599 = tpu.vector_load %arg16[%swap3A_598] {strides = array<i32>} : memref<256xi32, #tpu.memory_space<vmem>>, vector<16xi32>,
                tpu.vector_store %arg16[%swap3A_598], %get3A_597 {strides = array<i32>} : memref<256xi32, #tpu.memory_space<vmem>>, vector<16xi32>,
                %get3A_600 = arith.constant 176 : index
                %get3A_601 = tpu.vector_load %arg15[%get3A_600] {strides = array<i32>} : memref<272xi32, #tpu.memory_space<vmem>>, vector<16xi32>,
                %swap3A_602 = arith.constant 176 : index
                %swap3A_603 = tpu.vector_load %arg16[%swap3A_602] {strides = array<i32>} : memref<256xi32, #tpu.memory_space<vmem>>, vector<16xi32>,
                tpu.vector_store %arg16[%swap3A_602], %get3A_601 {strides = array<i32>} : memref<256xi32, #tpu.memory_space<vmem>>, vector<16xi32>,
                %get3A_604 = arith.constant 192 : index
                %get3A_605 = tpu.vector_load %arg15[%get3A_604] {strides = array<i32>} : memref<272xi32, #tpu.memory_space<vmem>>, vector<16xi32>,
                %swap3A_606 = arith.constant 192 : index
                %swap3A_607 = tpu.vector_load %arg16[%swap3A_606] {strides = array<i32>} : memref<256xi32, #tpu.memory_space<vmem>>, vector<16xi32>,
                tpu.vector_store %arg16[%swap3A_606], %get3A_605 {strides = array<i32>} : memref<256xi32, #tpu.memory_space<vmem>>, vector<16xi32>,
                %get3A_608 = arith.constant 208 : index
                %get3A_609 = tpu.vector_load %arg15[%get3A_608] {strides = array<i32>} : memref<272xi32, #tpu.memory_space<vmem>>, vector<16xi32>,
                %swap3A_610 = arith.constant 208 : index
                %swap3A_611 = tpu.vector_load %arg16[%swap3A_610] {strides = array<i32>} : memref<256xi32, #tpu.memory_space<vmem>>, vector<16xi32>,
                tpu.vector_store %arg16[%swap3A_610], %get3A_609 {strides = array<i32>} : memref<256xi32, #tpu.memory_space<vmem>>, vector<16xi32>,
                %get3A_612 = arith.constant 224 : index
                %get3A_613 = tpu.vector_load %arg15[%get3A_612] {strides = array<i32>} : memref<272xi32, #tpu.memory_space<vmem>>, vector<16xi32>,
                %swap3A_614 = arith.constant 224 : index
                %swap3A_615 = tpu.vector_load %arg16[%swap3A_614] {strides = array<i32>} : memref<256xi32, #tpu.memory_space<vmem>>, vector<16xi32>,
                tpu.vector_store %arg16[%swap3A_614], %get3A_613 {strides = array<i32>} : memref<256xi32, #tpu.memory_space<vmem>>, vector<16xi32>,
                %get3A_616 = arith.constant 240 : index
                %get3A_617 = tpu.vector_load %arg15[%get3A_616] {strides = array<i32>} : memref<272xi32, #tpu.memory_space<vmem>>, vector<16xi32>,
                %swap3A_618 = arith.constant 240 : index
                %swap3A_619 = tpu.vector_load %arg16[%swap3A_618] {strides = array<i32>} : memref<256xi32, #tpu.memory_space<vmem>>, vector<16xi32>,
                tpu.vector_store %arg16[%swap3A_618], %get3A_617 {strides = array<i32>} : memref<256xi32, #tpu.memory_space<vmem>>, vector<16xi32>,
                %dma_start3A_620 = arith.constant 0 : i32
                %dma_start3A_621 = arith.constant 0 : i32
                %dma_start3A_622 = tpu.memref_slice %arg6[%dma_start3A_620, %dma_start3A_621] : memref<16385x128xf32, #tpu.memory_space<hbm>> -> memref<16385x128xf32, #tpu.memory_space<hbm>>
                tpu.enqueue_indirect_dma source(%arg14 : memref<256x128xf32, #tpu.memory_space<vmem>>) target(%dma_start3A_622 : memref<16385x128xf32, #tpu.memory_space<hbm>>) offsets(%arg16 : memref<256xi32, #tpu.memory_space<vmem>>) semaphore(%arg20 : memref<!tpu.dma_semaphore, #tpu.memory_space<semaphore_mem>>)
                %dma_wait3A_623 = arith.constant 0 : i32
                %dma_wait3A_624 = arith.constant 0 : i32
                %dma_wait3A_625 = tpu.memref_slice %arg6[%dma_wait3A_623, %dma_wait3A_624] : memref<16385x128xf32, #tpu.memory_space<hbm>> -> memref<16385x128xf32, #tpu.memory_space<hbm>>
                tpu.wait_indirect_dma semaphore(%arg20 : memref<!tpu.dma_semaphore, #tpu.memory_space<semaphore_mem>>) src(%arg14 : memref<256x128xf32, #tpu.memory_space<vmem>>) dst(%dma_wait3A_625 : memref<16385x128xf32, #tpu.memory_space<hbm>>)
                %mul3A_626 = arith.constant 0 : i32
                %mul3A_627 = arith.muli %mul3A_626, %while3A_487 : i32
                scf.yield %mul3A_627 : i32
              } else {
                scf.yield %while3A_487 : i32
              }
              %sub3A_528 = vector.broadcast %multiple_of3A_446 : i32 to vector<16xi32>
              %sub3A_529 = arith.subi %get3A_491, %sub3A_528 : vector<16xi32>
              %convert_element_type3A_530 = arith.extui %and3A_508 : vector<16xi1> to vector<16xi32>
              %cumsum3A = arith.constant true
              %cumsum3A_531 = vector.broadcast %cumsum3A : i1 to vector<16xi1>
              %cumsum3A_532 = tpu.scan <sum>, %convert_element_type3A_530 masked %cumsum3A_531 : vector<16xi32>, vector<16xi1> -> vector<16xi32>
              %add3A_533 = vector.broadcast %cond3A_527 : i32 to vector<16xi32>
              %add3A_534 = arith.addi %add3A_533, %cumsum3A_532 : vector<16xi32>
              %sub3A_535 = arith.constant 1 : i32
              %sub3A_536 = vector.broadcast %sub3A_535 : i32 to vector<16xi32>
              %sub3A_537 = arith.subi %add3A_534, %sub3A_536 : vector<16xi32>
              %jit3A_538 = arith.constant 264 : i32
              %broadcast_in_dim3A_539 = vector.broadcast %jit3A_538 : i32 to vector<16xi32>
              %select_n3A_540 = arith.select %and3A_508, %sub3A_537, %broadcast_in_dim3A_539 : vector<16xi1>, vector<16xi32>
              %min3A_541 = arith.constant 264 : i32
              %min3A_542 = vector.broadcast %min3A_541 : i32 to vector<16xi32>
              %min3A_543 = arith.minsi %select_n3A_540, %min3A_542 : vector<16xi32>
              tpu.vector_store_idx %arg15[%min3A_543], %get3A_495 : memref<272xi32, #tpu.memory_space<vmem>>[vector<16xi32>], vector<16xi32>,
              tpu.vector_store_idx %arg17[%min3A_543], %sub3A_529 : memref<272xi32, #tpu.memory_space<vmem>>[vector<16xi32>], vector<16xi32>,
              %slice3A = vector.extract_strided_slice %cumsum3A_532 {offsets = [15], sizes = [1], strides = [1]} : vector<16xi32> to vector<1xi32>
              %squeeze3A = vector.extract %slice3A[0] : i32 from vector<1xi32>
              %add3A_544 = arith.addi %cond3A_527, %squeeze3A : i32
              %while3A_545 = arith.constant 0 : i32
              %while3A_546 = arith.constant 0 : i32
              %while3A_547 = arith.subi %squeeze3A, %while3A_546 : i32
              %while3A_548 = arith.addi %while3A_546, %while3A_547 : i32
              %while3A_549 = arith.constant 1 : i32
              %while3A_550 = arith.divsi %while3A_547, %while3A_549 : i32
              %while3A_551 = arith.muli %while3A_550, %while3A_549 : i32
              %while3A_552 = arith.addi %while3A_546, %while3A_551 : i32
              %while3A_553 = arith.constant 1 : i32
              scf.for %while3A_556 = %while3A_546 to %while3A_552 step %while3A_553  : i32 {
                %add3A_557 = arith.addi %cond3A_527, %while3A_556 : i32
                %get3A_558 = arith.index_cast %add3A_557 : i32 to index
                %get3A_559 = tpu.vector_load %arg17[%get3A_558] {strides = array<i32>} : memref<272xi32, #tpu.memory_space<vmem>>, vector<16xi32>,
                %slice3A_560 = vector.extract_strided_slice %get3A_559 {offsets = [0], sizes = [1], strides = [1]} : vector<16xi32> to vector<1xi32>
                %squeeze3A_561 = vector.extract %slice3A_560[0] : i32 from vector<1xi32>
                %broadcast_in_dim3A_562 = vector.broadcast %squeeze3A_561 : i32 to vector<16xi32>
                %broadcast_in_dim3A_563 = vector.broadcast %and3A_448 : i32 to vector<16xi32>
                %add3A_564 = arith.addi %cond3A_527, %while3A_556 : i32
                %broadcast_in_dim3A_565 = vector.broadcast %add3A_564 : i32 to vector<16xi32>
                %gather3A = tpu.vector_load_idx %arg13[%broadcast_in_dim3A_563, %iota3A, %broadcast_in_dim3A_562] : memref<2x32x640xf32, #tpu.memory_space<vmem>>[vector<16xi32>, vector<16xi32>, vector<16xi32>], vector<16xf32>,
                %add3A_566 = arith.constant 16 : i32
                %add3A_567 = vector.broadcast %add3A_566 : i32 to vector<16xi32>
                %add3A_568 = arith.addi %iota3A, %add3A_567 : vector<16xi32>
                %gather3A_569 = tpu.vector_load_idx %arg13[%broadcast_in_dim3A_563, %add3A_568, %broadcast_in_dim3A_562] : memref<2x32x640xf32, #tpu.memory_space<vmem>>[vector<16xi32>, vector<16xi32>, vector<16xi32>], vector<16xf32>,
                tpu.vector_store_idx %arg14[%broadcast_in_dim3A_565, %iota3A], %gather3A : memref<256x128xf32, #tpu.memory_space<vmem>>[vector<16xi32>, vector<16xi32>], vector<16xf32>,
                %add3A_570 = arith.constant 16 : i32
                %add3A_571 = vector.broadcast %add3A_570 : i32 to vector<16xi32>
                %add3A_572 = arith.addi %iota3A, %add3A_571 : vector<16xi32>
                tpu.vector_store_idx %arg14[%broadcast_in_dim3A_565, %add3A_572], %gather3A_569 : memref<256x128xf32, #tpu.memory_space<vmem>>[vector<16xi32>, vector<16xi32>], vector<16xf32>,
              }
              %while3A_554 = arith.constant 1 : i32
              scf.for %while3A_556 = %while3A_552 to %while3A_548 step %while3A_554  : i32 {
                %add3A_557 = arith.addi %cond3A_527, %while3A_556 : i32
                %get3A_558 = arith.index_cast %add3A_557 : i32 to index
                %get3A_559 = tpu.vector_load %arg17[%get3A_558] {strides = array<i32>} : memref<272xi32, #tpu.memory_space<vmem>>, vector<16xi32>,
                %slice3A_560 = vector.extract_strided_slice %get3A_559 {offsets = [0], sizes = [1], strides = [1]} : vector<16xi32> to vector<1xi32>
                %squeeze3A_561 = vector.extract %slice3A_560[0] : i32 from vector<1xi32>
                %broadcast_in_dim3A_562 = vector.broadcast %squeeze3A_561 : i32 to vector<16xi32>
                %broadcast_in_dim3A_563 = vector.broadcast %and3A_448 : i32 to vector<16xi32>
                %add3A_564 = arith.addi %cond3A_527, %while3A_556 : i32
                %broadcast_in_dim3A_565 = vector.broadcast %add3A_564 : i32 to vector<16xi32>
                %gather3A = tpu.vector_load_idx %arg13[%broadcast_in_dim3A_563, %iota3A, %broadcast_in_dim3A_562] : memref<2x32x640xf32, #tpu.memory_space<vmem>>[vector<16xi32>, vector<16xi32>, vector<16xi32>], vector<16xf32>,
                %add3A_566 = arith.constant 16 : i32
                %add3A_567 = vector.broadcast %add3A_566 : i32 to vector<16xi32>
                %add3A_568 = arith.addi %iota3A, %add3A_567 : vector<16xi32>
                %gather3A_569 = tpu.vector_load_idx %arg13[%broadcast_in_dim3A_563, %add3A_568, %broadcast_in_dim3A_562] : memref<2x32x640xf32, #tpu.memory_space<vmem>>[vector<16xi32>, vector<16xi32>, vector<16xi32>], vector<16xf32>,
                tpu.vector_store_idx %arg14[%broadcast_in_dim3A_565, %iota3A], %gather3A : memref<256x128xf32, #tpu.memory_space<vmem>>[vector<16xi32>, vector<16xi32>], vector<16xf32>,
                %add3A_570 = arith.constant 16 : i32
                %add3A_571 = vector.broadcast %add3A_570 : i32 to vector<16xi32>
                %add3A_572 = arith.addi %iota3A, %add3A_571 : vector<16xi32>
                tpu.vector_store_idx %arg14[%broadcast_in_dim3A_565, %add3A_572], %gather3A_569 : memref<256x128xf32, #tpu.memory_space<vmem>>[vector<16xi32>, vector<16xi32>], vector<16xf32>,
              }
              %add3A_555 = arith.addi %cond3A_527, %squeeze3A : i32
              scf.yield %add3A_555 : i32
            } else {
              scf.yield %while3A_487 : i32
            }
            scf.yield %cond3A_522 : i32
          }
          %while3A_484 = arith.constant 1 : i32
          %while3A_485 = scf.for %while3A_486 = %while3A_481 to %while3A_477 step %while3A_484 iter_args(%while3A_487 = %while3A_483) -> (i32)  : i32 {
            %mul3A_488 = arith.constant 16 : i32
            %mul3A_489 = arith.muli %while3A_486, %mul3A_488 : i32
            %get3A_490 = arith.index_cast %mul3A_489 : i32 to index
            %get3A_491 = tpu.vector_load %arg9[%get3A_490] {strides = array<i32>} : memref<16400xi32, #tpu.memory_space<vmem>>, vector<16xi32>,
            %mul3A_492 = arith.constant 16 : i32
            %mul3A_493 = arith.muli %while3A_486, %mul3A_492 : i32
            %get3A_494 = arith.index_cast %mul3A_493 : i32 to index
            %get3A_495 = tpu.vector_load %arg10[%get3A_494] {strides = array<i32>} : memref<16400xi32, #tpu.memory_space<vmem>>, vector<16xi32>,
            %ge3A = vector.broadcast %multiple_of3A_446 : i32 to vector<16xi32>
            %ge3A_496 = arith.cmpi sge, %get3A_491, %ge3A : vector<16xi32>
            %add3A_497 = arith.constant 640 : i32
            %add3A_498 = arith.addi %multiple_of3A_446, %add3A_497 : i32
            %lt3A_499 = vector.broadcast %add3A_498 : i32 to vector<16xi32>
            %lt3A_500 = arith.cmpi slt, %get3A_491, %lt3A_499 : vector<16xi32>
            %and3A_501 = arith.andi %ge3A_496, %lt3A_500 : vector<16xi1>
            %mul3A_502 = arith.constant 16 : i32
            %mul3A_503 = arith.muli %while3A_486, %mul3A_502 : i32
            %add3A_504 = vector.broadcast %mul3A_503 : i32 to vector<16xi32>
            %add3A_505 = arith.addi %iota3A, %add3A_504 : vector<16xi32>
            %lt3A_506 = vector.broadcast %scan3A_56 : i32 to vector<16xi32>
            %lt3A_507 = arith.cmpi slt, %add3A_505, %lt3A_506 : vector<16xi32>
            %and3A_508 = arith.andi %and3A_501, %lt3A_507 : vector<16xi1>
            %reduce_or3A = arith.constant 1.000000e+00 : f32
            %reduce_or3A_509 = arith.constant 0.000000e+00 : f32
            %reduce_or3A_510 = vector.broadcast %reduce_or3A : f32 to vector<16xf32>
            %reduce_or3A_511 = vector.broadcast %reduce_or3A_509 : f32 to vector<16xf32>
            %reduce_or3A_512 = arith.select %and3A_508, %reduce_or3A_510, %reduce_or3A_511 : vector<16xi1>, vector<16xf32>
            %reduce_or3A_513 = arith.constant true
            %reduce_or3A_514 = vector.broadcast %reduce_or3A_513 : i1 to vector<16xi1>
            %reduce_or3A_515 = tpu.scan <max>, %reduce_or3A_512 masked %reduce_or3A_514 : vector<16xf32>, vector<16xi1> -> vector<16xf32>
            %reduce_or3A_516 = vector.extract %reduce_or3A_515[15] : f32 from vector<16xf32>
            %reduce_or3A_517 = arith.constant 0.000000e+00 : f32
            %reduce_or3A_518 = arith.cmpf ogt, %reduce_or3A_516, %reduce_or3A_517 : f32
            %convert_element_type3A_519 = arith.extui %reduce_or3A_518 : i1 to i32
            %cond3A_520 = arith.constant 0 : i32
            %cond3A_521 = arith.cmpi ne, %convert_element_type3A_519, %cond3A_520 : i32
            %cond3A_522 = scf.if %cond3A_521 -> (i32) {
              %gt3A = arith.constant 240 : i32
              %gt3A_523 = arith.cmpi sgt, %while3A_487, %gt3A : i32
              %convert_element_type3A_524 = arith.extui %gt3A_523 : i1 to i32
              %cond3A_525 = arith.constant 0 : i32
              %cond3A_526 = arith.cmpi ne, %convert_element_type3A_524, %cond3A_525 : i32
              %cond3A_527 = scf.if %cond3A_526 -> (i32) {
                %get3A_556 = arith.constant 0 : index
                %get3A_557 = tpu.vector_load %arg15[%get3A_556] {strides = array<i32>} : memref<272xi32, #tpu.memory_space<vmem>>, vector<16xi32>,
                %swap3A_558 = arith.constant 0 : index
                %swap3A_559 = tpu.vector_load %arg16[%swap3A_558] {strides = array<i32>} : memref<256xi32, #tpu.memory_space<vmem>>, vector<16xi32>,
                tpu.vector_store %arg16[%swap3A_558], %get3A_557 {strides = array<i32>} : memref<256xi32, #tpu.memory_space<vmem>>, vector<16xi32>,
                %get3A_560 = arith.constant 16 : index
                %get3A_561 = tpu.vector_load %arg15[%get3A_560] {strides = array<i32>} : memref<272xi32, #tpu.memory_space<vmem>>, vector<16xi32>,
                %swap3A_562 = arith.constant 16 : index
                %swap3A_563 = tpu.vector_load %arg16[%swap3A_562] {strides = array<i32>} : memref<256xi32, #tpu.memory_space<vmem>>, vector<16xi32>,
                tpu.vector_store %arg16[%swap3A_562], %get3A_561 {strides = array<i32>} : memref<256xi32, #tpu.memory_space<vmem>>, vector<16xi32>,
                %get3A_564 = arith.constant 32 : index
                %get3A_565 = tpu.vector_load %arg15[%get3A_564] {strides = array<i32>} : memref<272xi32, #tpu.memory_space<vmem>>, vector<16xi32>,
                %swap3A_566 = arith.constant 32 : index
                %swap3A_567 = tpu.vector_load %arg16[%swap3A_566] {strides = array<i32>} : memref<256xi32, #tpu.memory_space<vmem>>, vector<16xi32>,
                tpu.vector_store %arg16[%swap3A_566], %get3A_565 {strides = array<i32>} : memref<256xi32, #tpu.memory_space<vmem>>, vector<16xi32>,
                %get3A_568 = arith.constant 48 : index
                %get3A_569 = tpu.vector_load %arg15[%get3A_568] {strides = array<i32>} : memref<272xi32, #tpu.memory_space<vmem>>, vector<16xi32>,
                %swap3A_570 = arith.constant 48 : index
                %swap3A_571 = tpu.vector_load %arg16[%swap3A_570] {strides = array<i32>} : memref<256xi32, #tpu.memory_space<vmem>>, vector<16xi32>,
                tpu.vector_store %arg16[%swap3A_570], %get3A_569 {strides = array<i32>} : memref<256xi32, #tpu.memory_space<vmem>>, vector<16xi32>,
                %get3A_572 = arith.constant 64 : index
                %get3A_573 = tpu.vector_load %arg15[%get3A_572] {strides = array<i32>} : memref<272xi32, #tpu.memory_space<vmem>>, vector<16xi32>,
                %swap3A_574 = arith.constant 64 : index
                %swap3A_575 = tpu.vector_load %arg16[%swap3A_574] {strides = array<i32>} : memref<256xi32, #tpu.memory_space<vmem>>, vector<16xi32>,
                tpu.vector_store %arg16[%swap3A_574], %get3A_573 {strides = array<i32>} : memref<256xi32, #tpu.memory_space<vmem>>, vector<16xi32>,
                %get3A_576 = arith.constant 80 : index
                %get3A_577 = tpu.vector_load %arg15[%get3A_576] {strides = array<i32>} : memref<272xi32, #tpu.memory_space<vmem>>, vector<16xi32>,
                %swap3A_578 = arith.constant 80 : index
                %swap3A_579 = tpu.vector_load %arg16[%swap3A_578] {strides = array<i32>} : memref<256xi32, #tpu.memory_space<vmem>>, vector<16xi32>,
                tpu.vector_store %arg16[%swap3A_578], %get3A_577 {strides = array<i32>} : memref<256xi32, #tpu.memory_space<vmem>>, vector<16xi32>,
                %get3A_580 = arith.constant 96 : index
                %get3A_581 = tpu.vector_load %arg15[%get3A_580] {strides = array<i32>} : memref<272xi32, #tpu.memory_space<vmem>>, vector<16xi32>,
                %swap3A_582 = arith.constant 96 : index
                %swap3A_583 = tpu.vector_load %arg16[%swap3A_582] {strides = array<i32>} : memref<256xi32, #tpu.memory_space<vmem>>, vector<16xi32>,
                tpu.vector_store %arg16[%swap3A_582], %get3A_581 {strides = array<i32>} : memref<256xi32, #tpu.memory_space<vmem>>, vector<16xi32>,
                %get3A_584 = arith.constant 112 : index
                %get3A_585 = tpu.vector_load %arg15[%get3A_584] {strides = array<i32>} : memref<272xi32, #tpu.memory_space<vmem>>, vector<16xi32>,
                %swap3A_586 = arith.constant 112 : index
                %swap3A_587 = tpu.vector_load %arg16[%swap3A_586] {strides = array<i32>} : memref<256xi32, #tpu.memory_space<vmem>>, vector<16xi32>,
                tpu.vector_store %arg16[%swap3A_586], %get3A_585 {strides = array<i32>} : memref<256xi32, #tpu.memory_space<vmem>>, vector<16xi32>,
                %get3A_588 = arith.constant 128 : index
                %get3A_589 = tpu.vector_load %arg15[%get3A_588] {strides = array<i32>} : memref<272xi32, #tpu.memory_space<vmem>>, vector<16xi32>,
                %swap3A_590 = arith.constant 128 : index
                %swap3A_591 = tpu.vector_load %arg16[%swap3A_590] {strides = array<i32>} : memref<256xi32, #tpu.memory_space<vmem>>, vector<16xi32>,
                tpu.vector_store %arg16[%swap3A_590], %get3A_589 {strides = array<i32>} : memref<256xi32, #tpu.memory_space<vmem>>, vector<16xi32>,
                %get3A_592 = arith.constant 144 : index
                %get3A_593 = tpu.vector_load %arg15[%get3A_592] {strides = array<i32>} : memref<272xi32, #tpu.memory_space<vmem>>, vector<16xi32>,
                %swap3A_594 = arith.constant 144 : index
                %swap3A_595 = tpu.vector_load %arg16[%swap3A_594] {strides = array<i32>} : memref<256xi32, #tpu.memory_space<vmem>>, vector<16xi32>,
                tpu.vector_store %arg16[%swap3A_594], %get3A_593 {strides = array<i32>} : memref<256xi32, #tpu.memory_space<vmem>>, vector<16xi32>,
                %get3A_596 = arith.constant 160 : index
                %get3A_597 = tpu.vector_load %arg15[%get3A_596] {strides = array<i32>} : memref<272xi32, #tpu.memory_space<vmem>>, vector<16xi32>,
                %swap3A_598 = arith.constant 160 : index
                %swap3A_599 = tpu.vector_load %arg16[%swap3A_598] {strides = array<i32>} : memref<256xi32, #tpu.memory_space<vmem>>, vector<16xi32>,
                tpu.vector_store %arg16[%swap3A_598], %get3A_597 {strides = array<i32>} : memref<256xi32, #tpu.memory_space<vmem>>, vector<16xi32>,
                %get3A_600 = arith.constant 176 : index
                %get3A_601 = tpu.vector_load %arg15[%get3A_600] {strides = array<i32>} : memref<272xi32, #tpu.memory_space<vmem>>, vector<16xi32>,
                %swap3A_602 = arith.constant 176 : index
                %swap3A_603 = tpu.vector_load %arg16[%swap3A_602] {strides = array<i32>} : memref<256xi32, #tpu.memory_space<vmem>>, vector<16xi32>,
                tpu.vector_store %arg16[%swap3A_602], %get3A_601 {strides = array<i32>} : memref<256xi32, #tpu.memory_space<vmem>>, vector<16xi32>,
                %get3A_604 = arith.constant 192 : index
                %get3A_605 = tpu.vector_load %arg15[%get3A_604] {strides = array<i32>} : memref<272xi32, #tpu.memory_space<vmem>>, vector<16xi32>,
                %swap3A_606 = arith.constant 192 : index
                %swap3A_607 = tpu.vector_load %arg16[%swap3A_606] {strides = array<i32>} : memref<256xi32, #tpu.memory_space<vmem>>, vector<16xi32>,
                tpu.vector_store %arg16[%swap3A_606], %get3A_605 {strides = array<i32>} : memref<256xi32, #tpu.memory_space<vmem>>, vector<16xi32>,
                %get3A_608 = arith.constant 208 : index
                %get3A_609 = tpu.vector_load %arg15[%get3A_608] {strides = array<i32>} : memref<272xi32, #tpu.memory_space<vmem>>, vector<16xi32>,
                %swap3A_610 = arith.constant 208 : index
                %swap3A_611 = tpu.vector_load %arg16[%swap3A_610] {strides = array<i32>} : memref<256xi32, #tpu.memory_space<vmem>>, vector<16xi32>,
                tpu.vector_store %arg16[%swap3A_610], %get3A_609 {strides = array<i32>} : memref<256xi32, #tpu.memory_space<vmem>>, vector<16xi32>,
                %get3A_612 = arith.constant 224 : index
                %get3A_613 = tpu.vector_load %arg15[%get3A_612] {strides = array<i32>} : memref<272xi32, #tpu.memory_space<vmem>>, vector<16xi32>,
                %swap3A_614 = arith.constant 224 : index
                %swap3A_615 = tpu.vector_load %arg16[%swap3A_614] {strides = array<i32>} : memref<256xi32, #tpu.memory_space<vmem>>, vector<16xi32>,
                tpu.vector_store %arg16[%swap3A_614], %get3A_613 {strides = array<i32>} : memref<256xi32, #tpu.memory_space<vmem>>, vector<16xi32>,
                %get3A_616 = arith.constant 240 : index
                %get3A_617 = tpu.vector_load %arg15[%get3A_616] {strides = array<i32>} : memref<272xi32, #tpu.memory_space<vmem>>, vector<16xi32>,
                %swap3A_618 = arith.constant 240 : index
                %swap3A_619 = tpu.vector_load %arg16[%swap3A_618] {strides = array<i32>} : memref<256xi32, #tpu.memory_space<vmem>>, vector<16xi32>,
                tpu.vector_store %arg16[%swap3A_618], %get3A_617 {strides = array<i32>} : memref<256xi32, #tpu.memory_space<vmem>>, vector<16xi32>,
                %dma_start3A_620 = arith.constant 0 : i32
                %dma_start3A_621 = arith.constant 0 : i32
                %dma_start3A_622 = tpu.memref_slice %arg6[%dma_start3A_620, %dma_start3A_621] : memref<16385x128xf32, #tpu.memory_space<hbm>> -> memref<16385x128xf32, #tpu.memory_space<hbm>>
                tpu.enqueue_indirect_dma source(%arg14 : memref<256x128xf32, #tpu.memory_space<vmem>>) target(%dma_start3A_622 : memref<16385x128xf32, #tpu.memory_space<hbm>>) offsets(%arg16 : memref<256xi32, #tpu.memory_space<vmem>>) semaphore(%arg20 : memref<!tpu.dma_semaphore, #tpu.memory_space<semaphore_mem>>)
                %dma_wait3A_623 = arith.constant 0 : i32
                %dma_wait3A_624 = arith.constant 0 : i32
                %dma_wait3A_625 = tpu.memref_slice %arg6[%dma_wait3A_623, %dma_wait3A_624] : memref<16385x128xf32, #tpu.memory_space<hbm>> -> memref<16385x128xf32, #tpu.memory_space<hbm>>
                tpu.wait_indirect_dma semaphore(%arg20 : memref<!tpu.dma_semaphore, #tpu.memory_space<semaphore_mem>>) src(%arg14 : memref<256x128xf32, #tpu.memory_space<vmem>>) dst(%dma_wait3A_625 : memref<16385x128xf32, #tpu.memory_space<hbm>>)
                %mul3A_626 = arith.constant 0 : i32
                %mul3A_627 = arith.muli %mul3A_626, %while3A_487 : i32
                scf.yield %mul3A_627 : i32
              } else {
                scf.yield %while3A_487 : i32
              }
              %sub3A_528 = vector.broadcast %multiple_of3A_446 : i32 to vector<16xi32>
              %sub3A_529 = arith.subi %get3A_491, %sub3A_528 : vector<16xi32>
              %convert_element_type3A_530 = arith.extui %and3A_508 : vector<16xi1> to vector<16xi32>
              %cumsum3A = arith.constant true
              %cumsum3A_531 = vector.broadcast %cumsum3A : i1 to vector<16xi1>
              %cumsum3A_532 = tpu.scan <sum>, %convert_element_type3A_530 masked %cumsum3A_531 : vector<16xi32>, vector<16xi1> -> vector<16xi32>
              %add3A_533 = vector.broadcast %cond3A_527 : i32 to vector<16xi32>
              %add3A_534 = arith.addi %add3A_533, %cumsum3A_532 : vector<16xi32>
              %sub3A_535 = arith.constant 1 : i32
              %sub3A_536 = vector.broadcast %sub3A_535 : i32 to vector<16xi32>
              %sub3A_537 = arith.subi %add3A_534, %sub3A_536 : vector<16xi32>
              %jit3A_538 = arith.constant 264 : i32
              %broadcast_in_dim3A_539 = vector.broadcast %jit3A_538 : i32 to vector<16xi32>
              %select_n3A_540 = arith.select %and3A_508, %sub3A_537, %broadcast_in_dim3A_539 : vector<16xi1>, vector<16xi32>
              %min3A_541 = arith.constant 264 : i32
              %min3A_542 = vector.broadcast %min3A_541 : i32 to vector<16xi32>
              %min3A_543 = arith.minsi %select_n3A_540, %min3A_542 : vector<16xi32>
              tpu.vector_store_idx %arg15[%min3A_543], %get3A_495 : memref<272xi32, #tpu.memory_space<vmem>>[vector<16xi32>], vector<16xi32>,
              tpu.vector_store_idx %arg17[%min3A_543], %sub3A_529 : memref<272xi32, #tpu.memory_space<vmem>>[vector<16xi32>], vector<16xi32>,
              %slice3A = vector.extract_strided_slice %cumsum3A_532 {offsets = [15], sizes = [1], strides = [1]} : vector<16xi32> to vector<1xi32>
              %squeeze3A = vector.extract %slice3A[0] : i32 from vector<1xi32>
              %add3A_544 = arith.addi %cond3A_527, %squeeze3A : i32
              %while3A_545 = arith.constant 0 : i32
              %while3A_546 = arith.constant 0 : i32
              %while3A_547 = arith.subi %squeeze3A, %while3A_546 : i32
              %while3A_548 = arith.addi %while3A_546, %while3A_547 : i32
              %while3A_549 = arith.constant 1 : i32
              %while3A_550 = arith.divsi %while3A_547, %while3A_549 : i32
              %while3A_551 = arith.muli %while3A_550, %while3A_549 : i32
              %while3A_552 = arith.addi %while3A_546, %while3A_551 : i32
              %while3A_553 = arith.constant 1 : i32
              scf.for %while3A_556 = %while3A_546 to %while3A_552 step %while3A_553  : i32 {
                %add3A_557 = arith.addi %cond3A_527, %while3A_556 : i32
                %get3A_558 = arith.index_cast %add3A_557 : i32 to index
                %get3A_559 = tpu.vector_load %arg17[%get3A_558] {strides = array<i32>} : memref<272xi32, #tpu.memory_space<vmem>>, vector<16xi32>,
                %slice3A_560 = vector.extract_strided_slice %get3A_559 {offsets = [0], sizes = [1], strides = [1]} : vector<16xi32> to vector<1xi32>
                %squeeze3A_561 = vector.extract %slice3A_560[0] : i32 from vector<1xi32>
                %broadcast_in_dim3A_562 = vector.broadcast %squeeze3A_561 : i32 to vector<16xi32>
                %broadcast_in_dim3A_563 = vector.broadcast %and3A_448 : i32 to vector<16xi32>
                %add3A_564 = arith.addi %cond3A_527, %while3A_556 : i32
                %broadcast_in_dim3A_565 = vector.broadcast %add3A_564 : i32 to vector<16xi32>
                %gather3A = tpu.vector_load_idx %arg13[%broadcast_in_dim3A_563, %iota3A, %broadcast_in_dim3A_562] : memref<2x32x640xf32, #tpu.memory_space<vmem>>[vector<16xi32>, vector<16xi32>, vector<16xi32>], vector<16xf32>,
                %add3A_566 = arith.constant 16 : i32
                %add3A_567 = vector.broadcast %add3A_566 : i32 to vector<16xi32>
                %add3A_568 = arith.addi %iota3A, %add3A_567 : vector<16xi32>
                %gather3A_569 = tpu.vector_load_idx %arg13[%broadcast_in_dim3A_563, %add3A_568, %broadcast_in_dim3A_562] : memref<2x32x640xf32, #tpu.memory_space<vmem>>[vector<16xi32>, vector<16xi32>, vector<16xi32>], vector<16xf32>,
                tpu.vector_store_idx %arg14[%broadcast_in_dim3A_565, %iota3A], %gather3A : memref<256x128xf32, #tpu.memory_space<vmem>>[vector<16xi32>, vector<16xi32>], vector<16xf32>,
                %add3A_570 = arith.constant 16 : i32
                %add3A_571 = vector.broadcast %add3A_570 : i32 to vector<16xi32>
                %add3A_572 = arith.addi %iota3A, %add3A_571 : vector<16xi32>
                tpu.vector_store_idx %arg14[%broadcast_in_dim3A_565, %add3A_572], %gather3A_569 : memref<256x128xf32, #tpu.memory_space<vmem>>[vector<16xi32>, vector<16xi32>], vector<16xf32>,
              }
              %while3A_554 = arith.constant 1 : i32
              scf.for %while3A_556 = %while3A_552 to %while3A_548 step %while3A_554  : i32 {
                %add3A_557 = arith.addi %cond3A_527, %while3A_556 : i32
                %get3A_558 = arith.index_cast %add3A_557 : i32 to index
                %get3A_559 = tpu.vector_load %arg17[%get3A_558] {strides = array<i32>} : memref<272xi32, #tpu.memory_space<vmem>>, vector<16xi32>,
                %slice3A_560 = vector.extract_strided_slice %get3A_559 {offsets = [0], sizes = [1], strides = [1]} : vector<16xi32> to vector<1xi32>
                %squeeze3A_561 = vector.extract %slice3A_560[0] : i32 from vector<1xi32>
                %broadcast_in_dim3A_562 = vector.broadcast %squeeze3A_561 : i32 to vector<16xi32>
                %broadcast_in_dim3A_563 = vector.broadcast %and3A_448 : i32 to vector<16xi32>
                %add3A_564 = arith.addi %cond3A_527, %while3A_556 : i32
                %broadcast_in_dim3A_565 = vector.broadcast %add3A_564 : i32 to vector<16xi32>
                %gather3A = tpu.vector_load_idx %arg13[%broadcast_in_dim3A_563, %iota3A, %broadcast_in_dim3A_562] : memref<2x32x640xf32, #tpu.memory_space<vmem>>[vector<16xi32>, vector<16xi32>, vector<16xi32>], vector<16xf32>,
                %add3A_566 = arith.constant 16 : i32
                %add3A_567 = vector.broadcast %add3A_566 : i32 to vector<16xi32>
                %add3A_568 = arith.addi %iota3A, %add3A_567 : vector<16xi32>
                %gather3A_569 = tpu.vector_load_idx %arg13[%broadcast_in_dim3A_563, %add3A_568, %broadcast_in_dim3A_562] : memref<2x32x640xf32, #tpu.memory_space<vmem>>[vector<16xi32>, vector<16xi32>, vector<16xi32>], vector<16xf32>,
                tpu.vector_store_idx %arg14[%broadcast_in_dim3A_565, %iota3A], %gather3A : memref<256x128xf32, #tpu.memory_space<vmem>>[vector<16xi32>, vector<16xi32>], vector<16xf32>,
                %add3A_570 = arith.constant 16 : i32
                %add3A_571 = vector.broadcast %add3A_570 : i32 to vector<16xi32>
                %add3A_572 = arith.addi %iota3A, %add3A_571 : vector<16xi32>
                tpu.vector_store_idx %arg14[%broadcast_in_dim3A_565, %add3A_572], %gather3A_569 : memref<256x128xf32, #tpu.memory_space<vmem>>[vector<16xi32>, vector<16xi32>], vector<16xf32>,
              }
              %add3A_555 = arith.addi %cond3A_527, %squeeze3A : i32
              scf.yield %add3A_555 : i32
            } else {
              scf.yield %while3A_487 : i32
            }
            scf.yield %cond3A_522 : i32
          }
          scf.yield %while3A_485 : i32
        }
        %scan3A_410 = arith.constant 7 : i32
        scf.yield %scan3A_409 : i32
      }
      scf.yield %cond3A_404 : i32
    }
    %scan3A_142 = arith.constant 7 : i32
    %get3A = arith.constant 0 : index
    %get3A_143 = tpu.vector_load %arg15[%get3A] {strides = array<i32>} : memref<272xi32, #tpu.memory_space<vmem>>, vector<16xi32>,
    %swap3A_144 = arith.constant 0 : index
    %swap3A_145 = tpu.vector_load %arg16[%swap3A_144] {strides = array<i32>} : memref<256xi32, #tpu.memory_space<vmem>>, vector<16xi32>,
    tpu.vector_store %arg16[%swap3A_144], %get3A_143 {strides = array<i32>} : memref<256xi32, #tpu.memory_space<vmem>>, vector<16xi32>,
    %get3A_146 = arith.constant 16 : index
    %get3A_147 = tpu.vector_load %arg15[%get3A_146] {strides = array<i32>} : memref<272xi32, #tpu.memory_space<vmem>>, vector<16xi32>,
    %swap3A_148 = arith.constant 16 : index
    %swap3A_149 = tpu.vector_load %arg16[%swap3A_148] {strides = array<i32>} : memref<256xi32, #tpu.memory_space<vmem>>, vector<16xi32>,
    tpu.vector_store %arg16[%swap3A_148], %get3A_147 {strides = array<i32>} : memref<256xi32, #tpu.memory_space<vmem>>, vector<16xi32>,
    %get3A_150 = arith.constant 32 : index
    %get3A_151 = tpu.vector_load %arg15[%get3A_150] {strides = array<i32>} : memref<272xi32, #tpu.memory_space<vmem>>, vector<16xi32>,
    %swap3A_152 = arith.constant 32 : index
    %swap3A_153 = tpu.vector_load %arg16[%swap3A_152] {strides = array<i32>} : memref<256xi32, #tpu.memory_space<vmem>>, vector<16xi32>,
    tpu.vector_store %arg16[%swap3A_152], %get3A_151 {strides = array<i32>} : memref<256xi32, #tpu.memory_space<vmem>>, vector<16xi32>,
    %get3A_154 = arith.constant 48 : index
    %get3A_155 = tpu.vector_load %arg15[%get3A_154] {strides = array<i32>} : memref<272xi32, #tpu.memory_space<vmem>>, vector<16xi32>,
    %swap3A_156 = arith.constant 48 : index
    %swap3A_157 = tpu.vector_load %arg16[%swap3A_156] {strides = array<i32>} : memref<256xi32, #tpu.memory_space<vmem>>, vector<16xi32>,
    tpu.vector_store %arg16[%swap3A_156], %get3A_155 {strides = array<i32>} : memref<256xi32, #tpu.memory_space<vmem>>, vector<16xi32>,
    %get3A_158 = arith.constant 64 : index
    %get3A_159 = tpu.vector_load %arg15[%get3A_158] {strides = array<i32>} : memref<272xi32, #tpu.memory_space<vmem>>, vector<16xi32>,
    %swap3A_160 = arith.constant 64 : index
    %swap3A_161 = tpu.vector_load %arg16[%swap3A_160] {strides = array<i32>} : memref<256xi32, #tpu.memory_space<vmem>>, vector<16xi32>,
    tpu.vector_store %arg16[%swap3A_160], %get3A_159 {strides = array<i32>} : memref<256xi32, #tpu.memory_space<vmem>>, vector<16xi32>,
    %get3A_162 = arith.constant 80 : index
    %get3A_163 = tpu.vector_load %arg15[%get3A_162] {strides = array<i32>} : memref<272xi32, #tpu.memory_space<vmem>>, vector<16xi32>,
    %swap3A_164 = arith.constant 80 : index
    %swap3A_165 = tpu.vector_load %arg16[%swap3A_164] {strides = array<i32>} : memref<256xi32, #tpu.memory_space<vmem>>, vector<16xi32>,
    tpu.vector_store %arg16[%swap3A_164], %get3A_163 {strides = array<i32>} : memref<256xi32, #tpu.memory_space<vmem>>, vector<16xi32>,
    %get3A_166 = arith.constant 96 : index
    %get3A_167 = tpu.vector_load %arg15[%get3A_166] {strides = array<i32>} : memref<272xi32, #tpu.memory_space<vmem>>, vector<16xi32>,
    %swap3A_168 = arith.constant 96 : index
    %swap3A_169 = tpu.vector_load %arg16[%swap3A_168] {strides = array<i32>} : memref<256xi32, #tpu.memory_space<vmem>>, vector<16xi32>,
    tpu.vector_store %arg16[%swap3A_168], %get3A_167 {strides = array<i32>} : memref<256xi32, #tpu.memory_space<vmem>>, vector<16xi32>,
    %get3A_170 = arith.constant 112 : index
    %get3A_171 = tpu.vector_load %arg15[%get3A_170] {strides = array<i32>} : memref<272xi32, #tpu.memory_space<vmem>>, vector<16xi32>,
    %swap3A_172 = arith.constant 112 : index
    %swap3A_173 = tpu.vector_load %arg16[%swap3A_172] {strides = array<i32>} : memref<256xi32, #tpu.memory_space<vmem>>, vector<16xi32>,
    tpu.vector_store %arg16[%swap3A_172], %get3A_171 {strides = array<i32>} : memref<256xi32, #tpu.memory_space<vmem>>, vector<16xi32>,
    %get3A_174 = arith.constant 128 : index
    %get3A_175 = tpu.vector_load %arg15[%get3A_174] {strides = array<i32>} : memref<272xi32, #tpu.memory_space<vmem>>, vector<16xi32>,
    %swap3A_176 = arith.constant 128 : index
    %swap3A_177 = tpu.vector_load %arg16[%swap3A_176] {strides = array<i32>} : memref<256xi32, #tpu.memory_space<vmem>>, vector<16xi32>,
    tpu.vector_store %arg16[%swap3A_176], %get3A_175 {strides = array<i32>} : memref<256xi32, #tpu.memory_space<vmem>>, vector<16xi32>,
    %get3A_178 = arith.constant 144 : index
    %get3A_179 = tpu.vector_load %arg15[%get3A_178] {strides = array<i32>} : memref<272xi32, #tpu.memory_space<vmem>>, vector<16xi32>,
    %swap3A_180 = arith.constant 144 : index
    %swap3A_181 = tpu.vector_load %arg16[%swap3A_180] {strides = array<i32>} : memref<256xi32, #tpu.memory_space<vmem>>, vector<16xi32>,
    tpu.vector_store %arg16[%swap3A_180], %get3A_179 {strides = array<i32>} : memref<256xi32, #tpu.memory_space<vmem>>, vector<16xi32>,
    %get3A_182 = arith.constant 160 : index
    %get3A_183 = tpu.vector_load %arg15[%get3A_182] {strides = array<i32>} : memref<272xi32, #tpu.memory_space<vmem>>, vector<16xi32>,
    %swap3A_184 = arith.constant 160 : index
    %swap3A_185 = tpu.vector_load %arg16[%swap3A_184] {strides = array<i32>} : memref<256xi32, #tpu.memory_space<vmem>>, vector<16xi32>,
    tpu.vector_store %arg16[%swap3A_184], %get3A_183 {strides = array<i32>} : memref<256xi32, #tpu.memory_space<vmem>>, vector<16xi32>,
    %get3A_186 = arith.constant 176 : index
    %get3A_187 = tpu.vector_load %arg15[%get3A_186] {strides = array<i32>} : memref<272xi32, #tpu.memory_space<vmem>>, vector<16xi32>,
    %swap3A_188 = arith.constant 176 : index
    %swap3A_189 = tpu.vector_load %arg16[%swap3A_188] {strides = array<i32>} : memref<256xi32, #tpu.memory_space<vmem>>, vector<16xi32>,
    tpu.vector_store %arg16[%swap3A_188], %get3A_187 {strides = array<i32>} : memref<256xi32, #tpu.memory_space<vmem>>, vector<16xi32>,
    %get3A_190 = arith.constant 192 : index
    %get3A_191 = tpu.vector_load %arg15[%get3A_190] {strides = array<i32>} : memref<272xi32, #tpu.memory_space<vmem>>, vector<16xi32>,
    %swap3A_192 = arith.constant 192 : index
    %swap3A_193 = tpu.vector_load %arg16[%swap3A_192] {strides = array<i32>} : memref<256xi32, #tpu.memory_space<vmem>>, vector<16xi32>,
    tpu.vector_store %arg16[%swap3A_192], %get3A_191 {strides = array<i32>} : memref<256xi32, #tpu.memory_space<vmem>>, vector<16xi32>,
    %get3A_194 = arith.constant 208 : index
    %get3A_195 = tpu.vector_load %arg15[%get3A_194] {strides = array<i32>} : memref<272xi32, #tpu.memory_space<vmem>>, vector<16xi32>,
    %swap3A_196 = arith.constant 208 : index
    %swap3A_197 = tpu.vector_load %arg16[%swap3A_196] {strides = array<i32>} : memref<256xi32, #tpu.memory_space<vmem>>, vector<16xi32>,
    tpu.vector_store %arg16[%swap3A_196], %get3A_195 {strides = array<i32>} : memref<256xi32, #tpu.memory_space<vmem>>, vector<16xi32>,
    %get3A_198 = arith.constant 224 : index
    %get3A_199 = tpu.vector_load %arg15[%get3A_198] {strides = array<i32>} : memref<272xi32, #tpu.memory_space<vmem>>, vector<16xi32>,
    %swap3A_200 = arith.constant 224 : index
    %swap3A_201 = tpu.vector_load %arg16[%swap3A_200] {strides = array<i32>} : memref<256xi32, #tpu.memory_space<vmem>>, vector<16xi32>,
    tpu.vector_store %arg16[%swap3A_200], %get3A_199 {strides = array<i32>} : memref<256xi32, #tpu.memory_space<vmem>>, vector<16xi32>,
    %get3A_202 = arith.constant 240 : index
    %get3A_203 = tpu.vector_load %arg15[%get3A_202] {strides = array<i32>} : memref<272xi32, #tpu.memory_space<vmem>>, vector<16xi32>,
    %swap3A_204 = arith.constant 240 : index
    %swap3A_205 = tpu.vector_load %arg16[%swap3A_204] {strides = array<i32>} : memref<256xi32, #tpu.memory_space<vmem>>, vector<16xi32>,
    tpu.vector_store %arg16[%swap3A_204], %get3A_203 {strides = array<i32>} : memref<256xi32, #tpu.memory_space<vmem>>, vector<16xi32>,
    %dma_start3A_206 = arith.constant 0 : i32
    %dma_start3A_207 = arith.constant 0 : i32
    %dma_start3A_208 = tpu.memref_slice %arg6[%dma_start3A_206, %dma_start3A_207] : memref<16385x128xf32, #tpu.memory_space<hbm>> -> memref<16385x128xf32, #tpu.memory_space<hbm>>
    tpu.enqueue_indirect_dma source(%arg14 : memref<256x128xf32, #tpu.memory_space<vmem>>) target(%dma_start3A_208 : memref<16385x128xf32, #tpu.memory_space<hbm>>) offsets(%arg16 : memref<256xi32, #tpu.memory_space<vmem>>) semaphore(%arg20 : memref<!tpu.dma_semaphore, #tpu.memory_space<semaphore_mem>>)
    %dma_wait3A = arith.constant 0 : i32
    %dma_wait3A_209 = arith.constant 0 : i32
    %dma_wait3A_210 = tpu.memref_slice %arg6[%dma_wait3A, %dma_wait3A_209] : memref<16385x128xf32, #tpu.memory_space<hbm>> -> memref<16385x128xf32, #tpu.memory_space<hbm>>
    tpu.wait_indirect_dma semaphore(%arg20 : memref<!tpu.dma_semaphore, #tpu.memory_space<semaphore_mem>>) src(%arg14 : memref<256x128xf32, #tpu.memory_space<vmem>>) dst(%dma_wait3A_210 : memref<16385x128xf32, #tpu.memory_space<hbm>>)
    %mul3A_211 = arith.constant 0 : i32
    %mul3A_212 = arith.muli %mul3A_211, %scan3A_141 : i32
    %iota3A_213 = tpu.iota {dimensions = array<i32: 0>} : vector<16xi32>
    tpu.enqueue_dma source(%arg3 : memref<16384xi32, #tpu.memory_space<hbm>>) target(%arg8 : memref<16384xi32, #tpu.memory_space<vmem>>) target_semaphore(%arg18 : memref<!tpu.dma_semaphore, #tpu.memory_space<semaphore_mem>>)
    tpu.wait_dma2 semaphore(%arg18 : memref<!tpu.dma_semaphore, #tpu.memory_space<semaphore_mem>>) src(%arg3 : memref<16384xi32, #tpu.memory_space<hbm>>) dst(%arg8 : memref<16384xi32, #tpu.memory_space<vmem>>)
    %scan3A_214 = arith.constant 0 : i32
    %scan3A_215 = arith.constant 0 : i32
    %scan3A_216 = arith.constant 1024 : i32
    %scan3A_217 = arith.addi %scan3A_215, %scan3A_216 : i32
    %scan3A_218 = arith.constant 4 : i32
    %scan3A_219 = scf.for %scan3A_382 = %scan3A_215 to %scan3A_217 step %scan3A_218 iter_args(%scan3A_383 = %scan3A_214) -> (i32)  : i32 {
      %mul3A_384 = arith.constant 16 : i32
      %mul3A_385 = arith.muli %scan3A_382, %mul3A_384 : i32
      %get3A_386 = arith.index_cast %mul3A_385 : i32 to index
      %get3A_387 = tpu.vector_load %arg8[%get3A_386] {strides = array<i32>} : memref<16384xi32, #tpu.memory_space<vmem>>, vector<16xi32>,
      %ge3A = vector.broadcast %multiple_of3A : i32 to vector<16xi32>
      %ge3A_388 = arith.cmpi sge, %get3A_387, %ge3A : vector<16xi32>
      %lt3A = vector.broadcast %multiple_of3A_51 : i32 to vector<16xi32>
      %lt3A_389 = arith.cmpi slt, %get3A_387, %lt3A : vector<16xi32>
      %and3A_390 = arith.andi %ge3A_388, %lt3A_389 : vector<16xi1>
      %reduce_or3A = arith.constant 1.000000e+00 : f32
      %reduce_or3A_391 = arith.constant 0.000000e+00 : f32
      %reduce_or3A_392 = vector.broadcast %reduce_or3A : f32 to vector<16xf32>
      %reduce_or3A_393 = vector.broadcast %reduce_or3A_391 : f32 to vector<16xf32>
      %reduce_or3A_394 = arith.select %and3A_390, %reduce_or3A_392, %reduce_or3A_393 : vector<16xi1>, vector<16xf32>
      %reduce_or3A_395 = arith.constant true
      %reduce_or3A_396 = vector.broadcast %reduce_or3A_395 : i1 to vector<16xi1>
      %reduce_or3A_397 = tpu.scan <max>, %reduce_or3A_394 masked %reduce_or3A_396 : vector<16xf32>, vector<16xi1> -> vector<16xf32>
      %reduce_or3A_398 = vector.extract %reduce_or3A_397[15] : f32 from vector<16xf32>
      %reduce_or3A_399 = arith.constant 0.000000e+00 : f32
      %reduce_or3A_400 = arith.cmpf ogt, %reduce_or3A_398, %reduce_or3A_399 : f32
      %convert_element_type3A = arith.extui %reduce_or3A_400 : i1 to i32
      %cond3A = arith.constant 0 : i32
      %cond3A_401 = arith.cmpi ne, %convert_element_type3A, %cond3A : i32
      %cond3A_402 = scf.if %cond3A_401 -> (i32) {
        %mul3A_481 = arith.constant 16 : i32
        %mul3A_482 = arith.muli %scan3A_382, %mul3A_481 : i32
        %add3A_483 = vector.broadcast %mul3A_482 : i32 to vector<16xi32>
        %add3A_484 = arith.addi %iota3A_213, %add3A_483 : vector<16xi32>
        %convert_element_type3A_485 = arith.extui %and3A_390 : vector<16xi1> to vector<16xi32>
        %cumsum3A = arith.constant true
        %cumsum3A_486 = vector.broadcast %cumsum3A : i1 to vector<16xi1>
        %cumsum3A_487 = tpu.scan <sum>, %convert_element_type3A_485 masked %cumsum3A_486 : vector<16xi32>, vector<16xi1> -> vector<16xi32>
        %add3A_488 = vector.broadcast %scan3A_383 : i32 to vector<16xi32>
        %add3A_489 = arith.addi %add3A_488, %cumsum3A_487 : vector<16xi32>
        %sub3A_490 = arith.constant 1 : i32
        %sub3A_491 = vector.broadcast %sub3A_490 : i32 to vector<16xi32>
        %sub3A_492 = arith.subi %add3A_489, %sub3A_491 : vector<16xi32>
        %jit3A_493 = arith.constant 16392 : i32
        %broadcast_in_dim3A_494 = vector.broadcast %jit3A_493 : i32 to vector<16xi32>
        %select_n3A_495 = arith.select %and3A_390, %sub3A_492, %broadcast_in_dim3A_494 : vector<16xi1>, vector<16xi32>
        %min3A_496 = arith.constant 16392 : i32
        %min3A_497 = vector.broadcast %min3A_496 : i32 to vector<16xi32>
        %min3A_498 = arith.minsi %select_n3A_495, %min3A_497 : vector<16xi32>
        tpu.vector_store_idx %arg9[%min3A_498], %get3A_387 : memref<16400xi32, #tpu.memory_space<vmem>>[vector<16xi32>], vector<16xi32>,
        tpu.vector_store_idx %arg10[%min3A_498], %add3A_484 : memref<16400xi32, #tpu.memory_space<vmem>>[vector<16xi32>], vector<16xi32>,
        %slice3A = vector.extract_strided_slice %cumsum3A_487 {offsets = [15], sizes = [1], strides = [1]} : vector<16xi32> to vector<1xi32>
        %squeeze3A = vector.extract %slice3A[0] : i32 from vector<1xi32>
        %add3A_499 = arith.addi %scan3A_383, %squeeze3A : i32
        scf.yield %add3A_499 : i32
      } else {
        scf.yield %scan3A_383 : i32
      }
      %scan3A_403 = arith.constant 1 : i32
      %scan3A_404 = arith.addi %scan3A_382, %scan3A_403 : i32
      %mul3A_405 = arith.constant 16 : i32
      %mul3A_406 = arith.muli %scan3A_404, %mul3A_405 : i32
      %get3A_407 = arith.index_cast %mul3A_406 : i32 to index
      %get3A_408 = tpu.vector_load %arg8[%get3A_407] {strides = array<i32>} : memref<16384xi32, #tpu.memory_space<vmem>>, vector<16xi32>,
      %ge3A_409 = vector.broadcast %multiple_of3A : i32 to vector<16xi32>
      %ge3A_410 = arith.cmpi sge, %get3A_408, %ge3A_409 : vector<16xi32>
      %lt3A_411 = vector.broadcast %multiple_of3A_51 : i32 to vector<16xi32>
      %lt3A_412 = arith.cmpi slt, %get3A_408, %lt3A_411 : vector<16xi32>
      %and3A_413 = arith.andi %ge3A_410, %lt3A_412 : vector<16xi1>
      %reduce_or3A_414 = arith.constant 1.000000e+00 : f32
      %reduce_or3A_415 = arith.constant 0.000000e+00 : f32
      %reduce_or3A_416 = vector.broadcast %reduce_or3A_414 : f32 to vector<16xf32>
      %reduce_or3A_417 = vector.broadcast %reduce_or3A_415 : f32 to vector<16xf32>
      %reduce_or3A_418 = arith.select %and3A_413, %reduce_or3A_416, %reduce_or3A_417 : vector<16xi1>, vector<16xf32>
      %reduce_or3A_419 = arith.constant true
      %reduce_or3A_420 = vector.broadcast %reduce_or3A_419 : i1 to vector<16xi1>
      %reduce_or3A_421 = tpu.scan <max>, %reduce_or3A_418 masked %reduce_or3A_420 : vector<16xf32>, vector<16xi1> -> vector<16xf32>
      %reduce_or3A_422 = vector.extract %reduce_or3A_421[15] : f32 from vector<16xf32>
      %reduce_or3A_423 = arith.constant 0.000000e+00 : f32
      %reduce_or3A_424 = arith.cmpf ogt, %reduce_or3A_422, %reduce_or3A_423 : f32
      %convert_element_type3A_425 = arith.extui %reduce_or3A_424 : i1 to i32
      %cond3A_426 = arith.constant 0 : i32
      %cond3A_427 = arith.cmpi ne, %convert_element_type3A_425, %cond3A_426 : i32
      %cond3A_428 = scf.if %cond3A_427 -> (i32) {
        %mul3A_481 = arith.constant 16 : i32
        %mul3A_482 = arith.muli %scan3A_404, %mul3A_481 : i32
        %add3A_483 = vector.broadcast %mul3A_482 : i32 to vector<16xi32>
        %add3A_484 = arith.addi %iota3A_213, %add3A_483 : vector<16xi32>
        %convert_element_type3A_485 = arith.extui %and3A_413 : vector<16xi1> to vector<16xi32>
        %cumsum3A = arith.constant true
        %cumsum3A_486 = vector.broadcast %cumsum3A : i1 to vector<16xi1>
        %cumsum3A_487 = tpu.scan <sum>, %convert_element_type3A_485 masked %cumsum3A_486 : vector<16xi32>, vector<16xi1> -> vector<16xi32>
        %add3A_488 = vector.broadcast %cond3A_402 : i32 to vector<16xi32>
        %add3A_489 = arith.addi %add3A_488, %cumsum3A_487 : vector<16xi32>
        %sub3A_490 = arith.constant 1 : i32
        %sub3A_491 = vector.broadcast %sub3A_490 : i32 to vector<16xi32>
        %sub3A_492 = arith.subi %add3A_489, %sub3A_491 : vector<16xi32>
        %jit3A_493 = arith.constant 16392 : i32
        %broadcast_in_dim3A_494 = vector.broadcast %jit3A_493 : i32 to vector<16xi32>
        %select_n3A_495 = arith.select %and3A_413, %sub3A_492, %broadcast_in_dim3A_494 : vector<16xi1>, vector<16xi32>
        %min3A_496 = arith.constant 16392 : i32
        %min3A_497 = vector.broadcast %min3A_496 : i32 to vector<16xi32>
        %min3A_498 = arith.minsi %select_n3A_495, %min3A_497 : vector<16xi32>
        tpu.vector_store_idx %arg9[%min3A_498], %get3A_408 : memref<16400xi32, #tpu.memory_space<vmem>>[vector<16xi32>], vector<16xi32>,
        tpu.vector_store_idx %arg10[%min3A_498], %add3A_484 : memref<16400xi32, #tpu.memory_space<vmem>>[vector<16xi32>], vector<16xi32>,
        %slice3A = vector.extract_strided_slice %cumsum3A_487 {offsets = [15], sizes = [1], strides = [1]} : vector<16xi32> to vector<1xi32>
        %squeeze3A = vector.extract %slice3A[0] : i32 from vector<1xi32>
        %add3A_499 = arith.addi %cond3A_402, %squeeze3A : i32
        scf.yield %add3A_499 : i32
      } else {
        scf.yield %cond3A_402 : i32
      }
      %scan3A_429 = arith.constant 2 : i32
      %scan3A_430 = arith.addi %scan3A_382, %scan3A_429 : i32
      %mul3A_431 = arith.constant 16 : i32
      %mul3A_432 = arith.muli %scan3A_430, %mul3A_431 : i32
      %get3A_433 = arith.index_cast %mul3A_432 : i32 to index
      %get3A_434 = tpu.vector_load %arg8[%get3A_433] {strides = array<i32>} : memref<16384xi32, #tpu.memory_space<vmem>>, vector<16xi32>,
      %ge3A_435 = vector.broadcast %multiple_of3A : i32 to vector<16xi32>
      %ge3A_436 = arith.cmpi sge, %get3A_434, %ge3A_435 : vector<16xi32>
      %lt3A_437 = vector.broadcast %multiple_of3A_51 : i32 to vector<16xi32>
      %lt3A_438 = arith.cmpi slt, %get3A_434, %lt3A_437 : vector<16xi32>
      %and3A_439 = arith.andi %ge3A_436, %lt3A_438 : vector<16xi1>
      %reduce_or3A_440 = arith.constant 1.000000e+00 : f32
      %reduce_or3A_441 = arith.constant 0.000000e+00 : f32
      %reduce_or3A_442 = vector.broadcast %reduce_or3A_440 : f32 to vector<16xf32>
      %reduce_or3A_443 = vector.broadcast %reduce_or3A_441 : f32 to vector<16xf32>
      %reduce_or3A_444 = arith.select %and3A_439, %reduce_or3A_442, %reduce_or3A_443 : vector<16xi1>, vector<16xf32>
      %reduce_or3A_445 = arith.constant true
      %reduce_or3A_446 = vector.broadcast %reduce_or3A_445 : i1 to vector<16xi1>
      %reduce_or3A_447 = tpu.scan <max>, %reduce_or3A_444 masked %reduce_or3A_446 : vector<16xf32>, vector<16xi1> -> vector<16xf32>
      %reduce_or3A_448 = vector.extract %reduce_or3A_447[15] : f32 from vector<16xf32>
      %reduce_or3A_449 = arith.constant 0.000000e+00 : f32
      %reduce_or3A_450 = arith.cmpf ogt, %reduce_or3A_448, %reduce_or3A_449 : f32
      %convert_element_type3A_451 = arith.extui %reduce_or3A_450 : i1 to i32
      %cond3A_452 = arith.constant 0 : i32
      %cond3A_453 = arith.cmpi ne, %convert_element_type3A_451, %cond3A_452 : i32
      %cond3A_454 = scf.if %cond3A_453 -> (i32) {
        %mul3A_481 = arith.constant 16 : i32
        %mul3A_482 = arith.muli %scan3A_430, %mul3A_481 : i32
        %add3A_483 = vector.broadcast %mul3A_482 : i32 to vector<16xi32>
        %add3A_484 = arith.addi %iota3A_213, %add3A_483 : vector<16xi32>
        %convert_element_type3A_485 = arith.extui %and3A_439 : vector<16xi1> to vector<16xi32>
        %cumsum3A = arith.constant true
        %cumsum3A_486 = vector.broadcast %cumsum3A : i1 to vector<16xi1>
        %cumsum3A_487 = tpu.scan <sum>, %convert_element_type3A_485 masked %cumsum3A_486 : vector<16xi32>, vector<16xi1> -> vector<16xi32>
        %add3A_488 = vector.broadcast %cond3A_428 : i32 to vector<16xi32>
        %add3A_489 = arith.addi %add3A_488, %cumsum3A_487 : vector<16xi32>
        %sub3A_490 = arith.constant 1 : i32
        %sub3A_491 = vector.broadcast %sub3A_490 : i32 to vector<16xi32>
        %sub3A_492 = arith.subi %add3A_489, %sub3A_491 : vector<16xi32>
        %jit3A_493 = arith.constant 16392 : i32
        %broadcast_in_dim3A_494 = vector.broadcast %jit3A_493 : i32 to vector<16xi32>
        %select_n3A_495 = arith.select %and3A_439, %sub3A_492, %broadcast_in_dim3A_494 : vector<16xi1>, vector<16xi32>
        %min3A_496 = arith.constant 16392 : i32
        %min3A_497 = vector.broadcast %min3A_496 : i32 to vector<16xi32>
        %min3A_498 = arith.minsi %select_n3A_495, %min3A_497 : vector<16xi32>
        tpu.vector_store_idx %arg9[%min3A_498], %get3A_434 : memref<16400xi32, #tpu.memory_space<vmem>>[vector<16xi32>], vector<16xi32>,
        tpu.vector_store_idx %arg10[%min3A_498], %add3A_484 : memref<16400xi32, #tpu.memory_space<vmem>>[vector<16xi32>], vector<16xi32>,
        %slice3A = vector.extract_strided_slice %cumsum3A_487 {offsets = [15], sizes = [1], strides = [1]} : vector<16xi32> to vector<1xi32>
        %squeeze3A = vector.extract %slice3A[0] : i32 from vector<1xi32>
        %add3A_499 = arith.addi %cond3A_428, %squeeze3A : i32
        scf.yield %add3A_499 : i32
      } else {
        scf.yield %cond3A_428 : i32
      }
      %scan3A_455 = arith.constant 3 : i32
      %scan3A_456 = arith.addi %scan3A_382, %scan3A_455 : i32
      %mul3A_457 = arith.constant 16 : i32
      %mul3A_458 = arith.muli %scan3A_456, %mul3A_457 : i32
      %get3A_459 = arith.index_cast %mul3A_458 : i32 to index
      %get3A_460 = tpu.vector_load %arg8[%get3A_459] {strides = array<i32>} : memref<16384xi32, #tpu.memory_space<vmem>>, vector<16xi32>,
      %ge3A_461 = vector.broadcast %multiple_of3A : i32 to vector<16xi32>
      %ge3A_462 = arith.cmpi sge, %get3A_460, %ge3A_461 : vector<16xi32>
      %lt3A_463 = vector.broadcast %multiple_of3A_51 : i32 to vector<16xi32>
      %lt3A_464 = arith.cmpi slt, %get3A_460, %lt3A_463 : vector<16xi32>
      %and3A_465 = arith.andi %ge3A_462, %lt3A_464 : vector<16xi1>
      %reduce_or3A_466 = arith.constant 1.000000e+00 : f32
      %reduce_or3A_467 = arith.constant 0.000000e+00 : f32
      %reduce_or3A_468 = vector.broadcast %reduce_or3A_466 : f32 to vector<16xf32>
      %reduce_or3A_469 = vector.broadcast %reduce_or3A_467 : f32 to vector<16xf32>
      %reduce_or3A_470 = arith.select %and3A_465, %reduce_or3A_468, %reduce_or3A_469 : vector<16xi1>, vector<16xf32>
      %reduce_or3A_471 = arith.constant true
      %reduce_or3A_472 = vector.broadcast %reduce_or3A_471 : i1 to vector<16xi1>
      %reduce_or3A_473 = tpu.scan <max>, %reduce_or3A_470 masked %reduce_or3A_472 : vector<16xf32>, vector<16xi1> -> vector<16xf32>
      %reduce_or3A_474 = vector.extract %reduce_or3A_473[15] : f32 from vector<16xf32>
      %reduce_or3A_475 = arith.constant 0.000000e+00 : f32
      %reduce_or3A_476 = arith.cmpf ogt, %reduce_or3A_474, %reduce_or3A_475 : f32
      %convert_element_type3A_477 = arith.extui %reduce_or3A_476 : i1 to i32
      %cond3A_478 = arith.constant 0 : i32
      %cond3A_479 = arith.cmpi ne, %convert_element_type3A_477, %cond3A_478 : i32
      %cond3A_480 = scf.if %cond3A_479 -> (i32) {
        %mul3A_481 = arith.constant 16 : i32
        %mul3A_482 = arith.muli %scan3A_456, %mul3A_481 : i32
        %add3A_483 = vector.broadcast %mul3A_482 : i32 to vector<16xi32>
        %add3A_484 = arith.addi %iota3A_213, %add3A_483 : vector<16xi32>
        %convert_element_type3A_485 = arith.extui %and3A_465 : vector<16xi1> to vector<16xi32>
        %cumsum3A = arith.constant true
        %cumsum3A_486 = vector.broadcast %cumsum3A : i1 to vector<16xi1>
        %cumsum3A_487 = tpu.scan <sum>, %convert_element_type3A_485 masked %cumsum3A_486 : vector<16xi32>, vector<16xi1> -> vector<16xi32>
        %add3A_488 = vector.broadcast %cond3A_454 : i32 to vector<16xi32>
        %add3A_489 = arith.addi %add3A_488, %cumsum3A_487 : vector<16xi32>
        %sub3A_490 = arith.constant 1 : i32
        %sub3A_491 = vector.broadcast %sub3A_490 : i32 to vector<16xi32>
        %sub3A_492 = arith.subi %add3A_489, %sub3A_491 : vector<16xi32>
        %jit3A_493 = arith.constant 16392 : i32
        %broadcast_in_dim3A_494 = vector.broadcast %jit3A_493 : i32 to vector<16xi32>
        %select_n3A_495 = arith.select %and3A_465, %sub3A_492, %broadcast_in_dim3A_494 : vector<16xi1>, vector<16xi32>
        %min3A_496 = arith.constant 16392 : i32
        %min3A_497 = vector.broadcast %min3A_496 : i32 to vector<16xi32>
        %min3A_498 = arith.minsi %select_n3A_495, %min3A_497 : vector<16xi32>
        tpu.vector_store_idx %arg9[%min3A_498], %get3A_460 : memref<16400xi32, #tpu.memory_space<vmem>>[vector<16xi32>], vector<16xi32>,
        tpu.vector_store_idx %arg10[%min3A_498], %add3A_484 : memref<16400xi32, #tpu.memory_space<vmem>>[vector<16xi32>], vector<16xi32>,
        %slice3A = vector.extract_strided_slice %cumsum3A_487 {offsets = [15], sizes = [1], strides = [1]} : vector<16xi32> to vector<1xi32>
        %squeeze3A = vector.extract %slice3A[0] : i32 from vector<1xi32>
        %add3A_499 = arith.addi %cond3A_454, %squeeze3A : i32
        scf.yield %add3A_499 : i32
      } else {
        scf.yield %cond3A_454 : i32
      }
      scf.yield %cond3A_480 : i32
    }
    %scan3A_220 = arith.constant 1024 : i32
    %add3A_221 = arith.constant 15 : i32
    %add3A_222 = arith.addi %scan3A_219, %add3A_221 : i32
    %jit3A_223 = arith.constant 16 : i32
    %div3A_224 = arith.divsi %add3A_222, %jit3A_223 : i32
    %sign3A_225 = arith.constant 0 : i32
    %sign3A_226 = arith.cmpi sgt, %add3A_222, %sign3A_225 : i32
    %sign3A_227 = arith.extui %sign3A_226 : i1 to i32
    %sign3A_228 = arith.constant 0 : i32
    %sign3A_229 = arith.cmpi slt, %add3A_222, %sign3A_228 : i32
    %sign3A_230 = arith.extui %sign3A_229 : i1 to i32
    %sign3A_231 = arith.subi %sign3A_227, %sign3A_230 : i32
    %sign3A_232 = arith.constant 0 : i32
    %sign3A_233 = arith.cmpi sgt, %jit3A_223, %sign3A_232 : i32
    %sign3A_234 = arith.extui %sign3A_233 : i1 to i32
    %sign3A_235 = arith.constant 0 : i32
    %sign3A_236 = arith.cmpi slt, %jit3A_223, %sign3A_235 : i32
    %sign3A_237 = arith.extui %sign3A_236 : i1 to i32
    %sign3A_238 = arith.subi %sign3A_234, %sign3A_237 : i32
    %ne3A_239 = arith.cmpi ne, %sign3A_231, %sign3A_238 : i32
    %rem3A_240 = arith.remsi %add3A_222, %jit3A_223 : i32
    %ne3A_241 = arith.constant 0 : i32
    %ne3A_242 = arith.cmpi ne, %rem3A_240, %ne3A_241 : i32
    %and3A_243 = arith.andi %ne3A_239, %ne3A_242 : i1
    %sub3A_244 = arith.constant 1 : i32
    %sub3A_245 = arith.subi %div3A_224, %sub3A_244 : i32
    %select_n3A_246 = arith.select %and3A_243, %sub3A_245, %div3A_224 : i32
    %broadcast_in_dim3A_247 = arith.constant 16384 : i32
    %broadcast_in_dim3A_248 = vector.broadcast %broadcast_in_dim3A_247 : i32 to vector<16xi32>
    %swap3A_249 = arith.constant 0 : index
    %swap3A_250 = tpu.vector_load %arg15[%swap3A_249] {strides = array<i32>} : memref<272xi32, #tpu.memory_space<vmem>>, vector<16xi32>,
    tpu.vector_store %arg15[%swap3A_249], %broadcast_in_dim3A_248 {strides = array<i32>} : memref<272xi32, #tpu.memory_space<vmem>>, vector<16xi32>,
    %swap3A_251 = arith.constant 16 : index
    %swap3A_252 = tpu.vector_load %arg15[%swap3A_251] {strides = array<i32>} : memref<272xi32, #tpu.memory_space<vmem>>, vector<16xi32>,
    tpu.vector_store %arg15[%swap3A_251], %broadcast_in_dim3A_248 {strides = array<i32>} : memref<272xi32, #tpu.memory_space<vmem>>, vector<16xi32>,
    %swap3A_253 = arith.constant 32 : index
    %swap3A_254 = tpu.vector_load %arg15[%swap3A_253] {strides = array<i32>} : memref<272xi32, #tpu.memory_space<vmem>>, vector<16xi32>,
    tpu.vector_store %arg15[%swap3A_253], %broadcast_in_dim3A_248 {strides = array<i32>} : memref<272xi32, #tpu.memory_space<vmem>>, vector<16xi32>,
    %swap3A_255 = arith.constant 48 : index
    %swap3A_256 = tpu.vector_load %arg15[%swap3A_255] {strides = array<i32>} : memref<272xi32, #tpu.memory_space<vmem>>, vector<16xi32>,
    tpu.vector_store %arg15[%swap3A_255], %broadcast_in_dim3A_248 {strides = array<i32>} : memref<272xi32, #tpu.memory_space<vmem>>, vector<16xi32>,
    %swap3A_257 = arith.constant 64 : index
    %swap3A_258 = tpu.vector_load %arg15[%swap3A_257] {strides = array<i32>} : memref<272xi32, #tpu.memory_space<vmem>>, vector<16xi32>,
    tpu.vector_store %arg15[%swap3A_257], %broadcast_in_dim3A_248 {strides = array<i32>} : memref<272xi32, #tpu.memory_space<vmem>>, vector<16xi32>,
    %swap3A_259 = arith.constant 80 : index
    %swap3A_260 = tpu.vector_load %arg15[%swap3A_259] {strides = array<i32>} : memref<272xi32, #tpu.memory_space<vmem>>, vector<16xi32>,
    tpu.vector_store %arg15[%swap3A_259], %broadcast_in_dim3A_248 {strides = array<i32>} : memref<272xi32, #tpu.memory_space<vmem>>, vector<16xi32>,
    %swap3A_261 = arith.constant 96 : index
    %swap3A_262 = tpu.vector_load %arg15[%swap3A_261] {strides = array<i32>} : memref<272xi32, #tpu.memory_space<vmem>>, vector<16xi32>,
    tpu.vector_store %arg15[%swap3A_261], %broadcast_in_dim3A_248 {strides = array<i32>} : memref<272xi32, #tpu.memory_space<vmem>>, vector<16xi32>,
    %swap3A_263 = arith.constant 112 : index
    %swap3A_264 = tpu.vector_load %arg15[%swap3A_263] {strides = array<i32>} : memref<272xi32, #tpu.memory_space<vmem>>, vector<16xi32>,
    tpu.vector_store %arg15[%swap3A_263], %broadcast_in_dim3A_248 {strides = array<i32>} : memref<272xi32, #tpu.memory_space<vmem>>, vector<16xi32>,
    %swap3A_265 = arith.constant 128 : index
    %swap3A_266 = tpu.vector_load %arg15[%swap3A_265] {strides = array<i32>} : memref<272xi32, #tpu.memory_space<vmem>>, vector<16xi32>,
    tpu.vector_store %arg15[%swap3A_265], %broadcast_in_dim3A_248 {strides = array<i32>} : memref<272xi32, #tpu.memory_space<vmem>>, vector<16xi32>,
    %swap3A_267 = arith.constant 144 : index
    %swap3A_268 = tpu.vector_load %arg15[%swap3A_267] {strides = array<i32>} : memref<272xi32, #tpu.memory_space<vmem>>, vector<16xi32>,
    tpu.vector_store %arg15[%swap3A_267], %broadcast_in_dim3A_248 {strides = array<i32>} : memref<272xi32, #tpu.memory_space<vmem>>, vector<16xi32>,
    %swap3A_269 = arith.constant 160 : index
    %swap3A_270 = tpu.vector_load %arg15[%swap3A_269] {strides = array<i32>} : memref<272xi32, #tpu.memory_space<vmem>>, vector<16xi32>,
    tpu.vector_store %arg15[%swap3A_269], %broadcast_in_dim3A_248 {strides = array<i32>} : memref<272xi32, #tpu.memory_space<vmem>>, vector<16xi32>,
    %swap3A_271 = arith.constant 176 : index
    %swap3A_272 = tpu.vector_load %arg15[%swap3A_271] {strides = array<i32>} : memref<272xi32, #tpu.memory_space<vmem>>, vector<16xi32>,
    tpu.vector_store %arg15[%swap3A_271], %broadcast_in_dim3A_248 {strides = array<i32>} : memref<272xi32, #tpu.memory_space<vmem>>, vector<16xi32>,
    %swap3A_273 = arith.constant 192 : index
    %swap3A_274 = tpu.vector_load %arg15[%swap3A_273] {strides = array<i32>} : memref<272xi32, #tpu.memory_space<vmem>>, vector<16xi32>,
    tpu.vector_store %arg15[%swap3A_273], %broadcast_in_dim3A_248 {strides = array<i32>} : memref<272xi32, #tpu.memory_space<vmem>>, vector<16xi32>,
    %swap3A_275 = arith.constant 208 : index
    %swap3A_276 = tpu.vector_load %arg15[%swap3A_275] {strides = array<i32>} : memref<272xi32, #tpu.memory_space<vmem>>, vector<16xi32>,
    tpu.vector_store %arg15[%swap3A_275], %broadcast_in_dim3A_248 {strides = array<i32>} : memref<272xi32, #tpu.memory_space<vmem>>, vector<16xi32>,
    %swap3A_277 = arith.constant 224 : index
    %swap3A_278 = tpu.vector_load %arg15[%swap3A_277] {strides = array<i32>} : memref<272xi32, #tpu.memory_space<vmem>>, vector<16xi32>,
    tpu.vector_store %arg15[%swap3A_277], %broadcast_in_dim3A_248 {strides = array<i32>} : memref<272xi32, #tpu.memory_space<vmem>>, vector<16xi32>,
    %swap3A_279 = arith.constant 240 : index
    %swap3A_280 = tpu.vector_load %arg15[%swap3A_279] {strides = array<i32>} : memref<272xi32, #tpu.memory_space<vmem>>, vector<16xi32>,
    tpu.vector_store %arg15[%swap3A_279], %broadcast_in_dim3A_248 {strides = array<i32>} : memref<272xi32, #tpu.memory_space<vmem>>, vector<16xi32>,
    %add3A_281 = arith.constant 0 : i32
    %add3A_282 = arith.addi %multiple_of3A, %add3A_281 : i32
    %sub3A_283 = arith.constant 4480 : i32
    %sub3A_284 = arith.subi %multiple_of3A_51, %sub3A_283 : i32
    %min3A_285 = arith.minsi %add3A_282, %sub3A_284 : i32
    %multiple_of3A_286 = tpu.assume_multiple %min3A_285, 128 : i32
    %add3A_287 = arith.constant 0 : i32
    %add3A_288 = arith.addi %multiple_of3A_286, %add3A_287 : i32
    %multiple_of3A_289 = tpu.assume_multiple %add3A_288, 128 : i32
    %dma_start3A_290 = arith.constant 0 : i32
    %dma_start3A_291 = arith.constant 0 : i32
    %dma_start3A_292 = arith.constant 0 : i32
    %dma_start3A_293 = tpu.memref_slice %arg13[%dma_start3A_290, %dma_start3A_291, %dma_start3A_292] : memref<2x32x640xf32, #tpu.memory_space<vmem>> -> memref<1x32x640xf32, #tpu.memory_space<vmem>>
    %dma_start3A_294 = tpu.memref_squeeze %dma_start3A_293 : memref<1x32x640xf32, #tpu.memory_space<vmem>> -> memref<32x640xf32, #tpu.memory_space<vmem>>
    %dma_start3A_295 = arith.constant 0 : i32
    %dma_start3A_296 = tpu.memref_slice %arg5[%dma_start3A_295, %multiple_of3A_289] : memref<32x1000000xf32, #tpu.memory_space<hbm>> -> memref<32x640xf32, #tpu.memory_space<hbm>>
    %dma_start3A_297 = arith.constant 0 : i32
    %dma_start3A_298 = arith.constant 0 : i32
    %dma_start3A_299 = tpu.memref_slice %arg13[%dma_start3A_290, %dma_start3A_297, %dma_start3A_298] : memref<2x32x640xf32, #tpu.memory_space<vmem>> -> memref<1x32x640xf32, #tpu.memory_space<vmem>>
    %dma_start3A_300 = tpu.memref_squeeze %dma_start3A_299 : memref<1x32x640xf32, #tpu.memory_space<vmem>> -> memref<32x640xf32, #tpu.memory_space<vmem>>
    %dma_start3A_301 = arith.constant 0 : i32
    %dma_start3A_302 = tpu.memref_slice %arg5[%dma_start3A_301, %multiple_of3A_289] : memref<32x1000000xf32, #tpu.memory_space<hbm>> -> memref<32x640xf32, #tpu.memory_space<hbm>>
    tpu.enqueue_dma source(%dma_start3A_302 : memref<32x640xf32, #tpu.memory_space<hbm>>) target(%dma_start3A_300 : memref<32x640xf32, #tpu.memory_space<vmem>>) target_semaphore(%arg19 : memref<!tpu.dma_semaphore, #tpu.memory_space<semaphore_mem>>)
    %scan3A_303 = arith.constant 0 : i32
    %scan3A_304 = arith.constant 0 : i32
    %scan3A_305 = arith.constant 7 : i32
    %scan3A_306 = arith.addi %scan3A_304, %scan3A_305 : i32
    %scan3A_307 = arith.constant 1 : i32
    %scan3A_308 = scf.for %scan3A_382 = %scan3A_304 to %scan3A_306 step %scan3A_307 iter_args(%scan3A_383 = %scan3A_303) -> (i32)  : i32 {
      %mul3A_384 = arith.constant 4480 : i32
      %mul3A_385 = arith.muli %scan3A_382, %mul3A_384 : i32
      %add3A_386 = arith.addi %multiple_of3A, %mul3A_385 : i32
      %sub3A_387 = arith.constant 4480 : i32
      %sub3A_388 = arith.subi %multiple_of3A_51, %sub3A_387 : i32
      %min3A_389 = arith.minsi %add3A_386, %sub3A_388 : i32
      %multiple_of3A_390 = tpu.assume_multiple %min3A_389, 128 : i32
      %while3A = arith.constant 0 : i32
      %while3A_391 = arith.constant 0 : i32
      %while3A_392 = arith.subi %select_n3A_246, %while3A : i32
      %while3A_393 = arith.addi %while3A, %while3A_392 : i32
      %while3A_394 = arith.constant 1 : i32
      %while3A_395 = arith.divsi %while3A_392, %while3A_394 : i32
      %while3A_396 = arith.muli %while3A_395, %while3A_394 : i32
      %while3A_397 = arith.addi %while3A, %while3A_396 : i32
      %while3A_398 = arith.constant 1 : i32
      %while3A_399 = scf.for %while3A_405 = %while3A to %while3A_397 step %while3A_398 iter_args(%while3A_406 = %while3A_391) -> (i32)  : i32 {
        %mul3A_407 = arith.constant 16 : i32
        %mul3A_408 = arith.muli %while3A_405, %mul3A_407 : i32
        %get3A_409 = arith.index_cast %mul3A_408 : i32 to index
        %get3A_410 = tpu.vector_load %arg9[%get3A_409] {strides = array<i32>} : memref<16400xi32, #tpu.memory_space<vmem>>, vector<16xi32>,
        %mul3A_411 = arith.constant 16 : i32
        %mul3A_412 = arith.muli %while3A_405, %mul3A_411 : i32
        %get3A_413 = arith.index_cast %mul3A_412 : i32 to index
        %get3A_414 = tpu.vector_load %arg10[%get3A_413] {strides = array<i32>} : memref<16400xi32, #tpu.memory_space<vmem>>, vector<16xi32>,
        %ge3A = vector.broadcast %multiple_of3A_390 : i32 to vector<16xi32>
        %ge3A_415 = arith.cmpi sge, %get3A_410, %ge3A : vector<16xi32>
        %add3A_416 = arith.constant 4480 : i32
        %add3A_417 = arith.addi %multiple_of3A_390, %add3A_416 : i32
        %lt3A = vector.broadcast %add3A_417 : i32 to vector<16xi32>
        %lt3A_418 = arith.cmpi slt, %get3A_410, %lt3A : vector<16xi32>
        %and3A_419 = arith.andi %ge3A_415, %lt3A_418 : vector<16xi1>
        %mul3A_420 = arith.constant 16 : i32
        %mul3A_421 = arith.muli %while3A_405, %mul3A_420 : i32
        %add3A_422 = vector.broadcast %mul3A_421 : i32 to vector<16xi32>
        %add3A_423 = arith.addi %iota3A_213, %add3A_422 : vector<16xi32>
        %lt3A_424 = vector.broadcast %scan3A_219 : i32 to vector<16xi32>
        %lt3A_425 = arith.cmpi slt, %add3A_423, %lt3A_424 : vector<16xi32>
        %and3A_426 = arith.andi %and3A_419, %lt3A_425 : vector<16xi1>
        %reduce_or3A = arith.constant 1.000000e+00 : f32
        %reduce_or3A_427 = arith.constant 0.000000e+00 : f32
        %reduce_or3A_428 = vector.broadcast %reduce_or3A : f32 to vector<16xf32>
        %reduce_or3A_429 = vector.broadcast %reduce_or3A_427 : f32 to vector<16xf32>
        %reduce_or3A_430 = arith.select %and3A_426, %reduce_or3A_428, %reduce_or3A_429 : vector<16xi1>, vector<16xf32>
        %reduce_or3A_431 = arith.constant true
        %reduce_or3A_432 = vector.broadcast %reduce_or3A_431 : i1 to vector<16xi1>
        %reduce_or3A_433 = tpu.scan <max>, %reduce_or3A_430 masked %reduce_or3A_432 : vector<16xf32>, vector<16xi1> -> vector<16xf32>
        %reduce_or3A_434 = vector.extract %reduce_or3A_433[15] : f32 from vector<16xf32>
        %reduce_or3A_435 = arith.constant 0.000000e+00 : f32
        %reduce_or3A_436 = arith.cmpf ogt, %reduce_or3A_434, %reduce_or3A_435 : f32
        %convert_element_type3A_437 = arith.extui %reduce_or3A_436 : i1 to i32
        %cond3A_438 = arith.constant 0 : i32
        %cond3A_439 = arith.cmpi ne, %convert_element_type3A_437, %cond3A_438 : i32
        %cond3A_440 = scf.if %cond3A_439 -> (i32) {
          %convert_element_type3A_441 = arith.extui %and3A_426 : vector<16xi1> to vector<16xi32>
          %cumsum3A = arith.constant true
          %cumsum3A_442 = vector.broadcast %cumsum3A : i1 to vector<16xi1>
          %cumsum3A_443 = tpu.scan <sum>, %convert_element_type3A_441 masked %cumsum3A_442 : vector<16xi32>, vector<16xi1> -> vector<16xi32>
          %add3A_444 = vector.broadcast %while3A_406 : i32 to vector<16xi32>
          %add3A_445 = arith.addi %add3A_444, %cumsum3A_443 : vector<16xi32>
          %sub3A_446 = arith.constant 1 : i32
          %sub3A_447 = vector.broadcast %sub3A_446 : i32 to vector<16xi32>
          %sub3A_448 = arith.subi %add3A_445, %sub3A_447 : vector<16xi32>
          %jit3A_449 = arith.constant 504 : i32
          %broadcast_in_dim3A_450 = vector.broadcast %jit3A_449 : i32 to vector<16xi32>
          %select_n3A_451 = arith.select %and3A_426, %sub3A_448, %broadcast_in_dim3A_450 : vector<16xi1>, vector<16xi32>
          %min3A_452 = arith.constant 504 : i32
          %min3A_453 = vector.broadcast %min3A_452 : i32 to vector<16xi32>
          %min3A_454 = arith.minsi %select_n3A_451, %min3A_453 : vector<16xi32>
          tpu.vector_store_idx %arg11[%min3A_454], %get3A_410 : memref<520xi32, #tpu.memory_space<vmem>>[vector<16xi32>], vector<16xi32>,
          tpu.vector_store_idx %arg12[%min3A_454], %get3A_414 : memref<520xi32, #tpu.memory_space<vmem>>[vector<16xi32>], vector<16xi32>,
          %slice3A = vector.extract_strided_slice %cumsum3A_443 {offsets = [15], sizes = [1], strides = [1]} : vector<16xi32> to vector<1xi32>
          %squeeze3A = vector.extract %slice3A[0] : i32 from vector<1xi32>
          %add3A_455 = arith.addi %while3A_406, %squeeze3A : i32
          scf.yield %add3A_455 : i32
        } else {
          scf.yield %while3A_406 : i32
        }
        scf.yield %cond3A_440 : i32
      }
      %while3A_400 = arith.constant 1 : i32
      %while3A_401 = scf.for %while3A_405 = %while3A_397 to %while3A_393 step %while3A_400 iter_args(%while3A_406 = %while3A_399) -> (i32)  : i32 {
        %mul3A_407 = arith.constant 16 : i32
        %mul3A_408 = arith.muli %while3A_405, %mul3A_407 : i32
        %get3A_409 = arith.index_cast %mul3A_408 : i32 to index
        %get3A_410 = tpu.vector_load %arg9[%get3A_409] {strides = array<i32>} : memref<16400xi32, #tpu.memory_space<vmem>>, vector<16xi32>,
        %mul3A_411 = arith.constant 16 : i32
        %mul3A_412 = arith.muli %while3A_405, %mul3A_411 : i32
        %get3A_413 = arith.index_cast %mul3A_412 : i32 to index
        %get3A_414 = tpu.vector_load %arg10[%get3A_413] {strides = array<i32>} : memref<16400xi32, #tpu.memory_space<vmem>>, vector<16xi32>,
        %ge3A = vector.broadcast %multiple_of3A_390 : i32 to vector<16xi32>
        %ge3A_415 = arith.cmpi sge, %get3A_410, %ge3A : vector<16xi32>
        %add3A_416 = arith.constant 4480 : i32
        %add3A_417 = arith.addi %multiple_of3A_390, %add3A_416 : i32
        %lt3A = vector.broadcast %add3A_417 : i32 to vector<16xi32>
        %lt3A_418 = arith.cmpi slt, %get3A_410, %lt3A : vector<16xi32>
        %and3A_419 = arith.andi %ge3A_415, %lt3A_418 : vector<16xi1>
        %mul3A_420 = arith.constant 16 : i32
        %mul3A_421 = arith.muli %while3A_405, %mul3A_420 : i32
        %add3A_422 = vector.broadcast %mul3A_421 : i32 to vector<16xi32>
        %add3A_423 = arith.addi %iota3A_213, %add3A_422 : vector<16xi32>
        %lt3A_424 = vector.broadcast %scan3A_219 : i32 to vector<16xi32>
        %lt3A_425 = arith.cmpi slt, %add3A_423, %lt3A_424 : vector<16xi32>
        %and3A_426 = arith.andi %and3A_419, %lt3A_425 : vector<16xi1>
        %reduce_or3A = arith.constant 1.000000e+00 : f32
        %reduce_or3A_427 = arith.constant 0.000000e+00 : f32
        %reduce_or3A_428 = vector.broadcast %reduce_or3A : f32 to vector<16xf32>
        %reduce_or3A_429 = vector.broadcast %reduce_or3A_427 : f32 to vector<16xf32>
        %reduce_or3A_430 = arith.select %and3A_426, %reduce_or3A_428, %reduce_or3A_429 : vector<16xi1>, vector<16xf32>
        %reduce_or3A_431 = arith.constant true
        %reduce_or3A_432 = vector.broadcast %reduce_or3A_431 : i1 to vector<16xi1>
        %reduce_or3A_433 = tpu.scan <max>, %reduce_or3A_430 masked %reduce_or3A_432 : vector<16xf32>, vector<16xi1> -> vector<16xf32>
        %reduce_or3A_434 = vector.extract %reduce_or3A_433[15] : f32 from vector<16xf32>
        %reduce_or3A_435 = arith.constant 0.000000e+00 : f32
        %reduce_or3A_436 = arith.cmpf ogt, %reduce_or3A_434, %reduce_or3A_435 : f32
        %convert_element_type3A_437 = arith.extui %reduce_or3A_436 : i1 to i32
        %cond3A_438 = arith.constant 0 : i32
        %cond3A_439 = arith.cmpi ne, %convert_element_type3A_437, %cond3A_438 : i32
        %cond3A_440 = scf.if %cond3A_439 -> (i32) {
          %convert_element_type3A_441 = arith.extui %and3A_426 : vector<16xi1> to vector<16xi32>
          %cumsum3A = arith.constant true
          %cumsum3A_442 = vector.broadcast %cumsum3A : i1 to vector<16xi1>
          %cumsum3A_443 = tpu.scan <sum>, %convert_element_type3A_441 masked %cumsum3A_442 : vector<16xi32>, vector<16xi1> -> vector<16xi32>
          %add3A_444 = vector.broadcast %while3A_406 : i32 to vector<16xi32>
          %add3A_445 = arith.addi %add3A_444, %cumsum3A_443 : vector<16xi32>
          %sub3A_446 = arith.constant 1 : i32
          %sub3A_447 = vector.broadcast %sub3A_446 : i32 to vector<16xi32>
          %sub3A_448 = arith.subi %add3A_445, %sub3A_447 : vector<16xi32>
          %jit3A_449 = arith.constant 504 : i32
          %broadcast_in_dim3A_450 = vector.broadcast %jit3A_449 : i32 to vector<16xi32>
          %select_n3A_451 = arith.select %and3A_426, %sub3A_448, %broadcast_in_dim3A_450 : vector<16xi1>, vector<16xi32>
          %min3A_452 = arith.constant 504 : i32
          %min3A_453 = vector.broadcast %min3A_452 : i32 to vector<16xi32>
          %min3A_454 = arith.minsi %select_n3A_451, %min3A_453 : vector<16xi32>
          tpu.vector_store_idx %arg11[%min3A_454], %get3A_410 : memref<520xi32, #tpu.memory_space<vmem>>[vector<16xi32>], vector<16xi32>,
          tpu.vector_store_idx %arg12[%min3A_454], %get3A_414 : memref<520xi32, #tpu.memory_space<vmem>>[vector<16xi32>], vector<16xi32>,
          %slice3A = vector.extract_strided_slice %cumsum3A_443 {offsets = [15], sizes = [1], strides = [1]} : vector<16xi32> to vector<1xi32>
          %squeeze3A = vector.extract %slice3A[0] : i32 from vector<1xi32>
          %add3A_455 = arith.addi %while3A_406, %squeeze3A : i32
          scf.yield %add3A_455 : i32
        } else {
          scf.yield %while3A_406 : i32
        }
        scf.yield %cond3A_440 : i32
      }
      %le3A = arith.constant 496 : i32
      %le3A_402 = arith.cmpi sle, %while3A_401, %le3A : i32
      %convert_element_type3A = arith.extui %le3A_402 : i1 to i32
      %cond3A = arith.constant 0 : i32
      %cond3A_403 = arith.cmpi ne, %convert_element_type3A, %cond3A : i32
      %cond3A_404 = scf.if %cond3A_403 -> (i32) {
        %scan3A_405 = arith.constant 0 : i32
        %scan3A_406 = arith.constant 7 : i32
        %scan3A_407 = arith.addi %scan3A_405, %scan3A_406 : i32
        %scan3A_408 = arith.constant 1 : i32
        %scan3A_409 = scf.for %scan3A_411 = %scan3A_405 to %scan3A_407 step %scan3A_408 iter_args(%scan3A_412 = %scan3A_383) -> (i32)  : i32 {
          %mul3A_413 = arith.constant 7 : i32
          %mul3A_414 = arith.muli %scan3A_382, %mul3A_413 : i32
          %add3A_415 = arith.addi %mul3A_414, %scan3A_411 : i32
          %add3A_416 = arith.constant 1 : i32
          %add3A_417 = arith.addi %add3A_415, %add3A_416 : i32
          %lt3A = arith.constant 49 : i32
          %lt3A_418 = arith.cmpi slt, %add3A_417, %lt3A : i32
          %convert_element_type3A_419 = arith.extui %lt3A_418 : i1 to i32
          %cond3A_420 = arith.constant 0 : i32
          %cond3A_421 = arith.cmpi ne, %convert_element_type3A_419, %cond3A_420 : i32
          scf.if %cond3A_421 {
            %add3A_486 = arith.constant 1 : i32
            %add3A_487 = arith.addi %scan3A_411, %add3A_486 : i32
            %lt3A_488 = arith.constant 7 : i32
            %lt3A_489 = arith.cmpi slt, %add3A_487, %lt3A_488 : i32
            %add3A_490 = arith.constant 1 : i32
            %add3A_491 = arith.addi %scan3A_382, %add3A_490 : i32
            %select_n3A_492 = arith.select %lt3A_489, %scan3A_382, %add3A_491 : i32
            %add3A_493 = arith.constant 1 : i32
            %add3A_494 = arith.addi %scan3A_411, %add3A_493 : i32
            %lt3A_495 = arith.constant 7 : i32
            %lt3A_496 = arith.cmpi slt, %add3A_494, %lt3A_495 : i32
            %add3A_497 = arith.constant 1 : i32
            %add3A_498 = arith.addi %scan3A_411, %add3A_497 : i32
            %jit3A_499 = arith.constant 0 : i32
            %select_n3A_500 = arith.select %lt3A_496, %add3A_498, %jit3A_499 : i32
            %mul3A_501 = arith.constant 4480 : i32
            %mul3A_502 = arith.muli %select_n3A_492, %mul3A_501 : i32
            %add3A_503 = arith.addi %multiple_of3A, %mul3A_502 : i32
            %sub3A_504 = arith.constant 4480 : i32
            %sub3A_505 = arith.subi %multiple_of3A_51, %sub3A_504 : i32
            %min3A_506 = arith.minsi %add3A_503, %sub3A_505 : i32
            %multiple_of3A_507 = tpu.assume_multiple %min3A_506, 128 : i32
            %mul3A_508 = arith.constant 640 : i32
            %mul3A_509 = arith.muli %select_n3A_500, %mul3A_508 : i32
            %add3A_510 = arith.addi %multiple_of3A_507, %mul3A_509 : i32
            %multiple_of3A_511 = tpu.assume_multiple %add3A_510, 128 : i32
            %mul3A_512 = arith.constant 7 : i32
            %mul3A_513 = arith.muli %select_n3A_492, %mul3A_512 : i32
            %add3A_514 = arith.addi %mul3A_513, %select_n3A_500 : i32
            %and3A_515 = arith.constant 1 : i32
            %and3A_516 = arith.andi %add3A_514, %and3A_515 : i32
            %dma_start3A_517 = arith.constant 0 : i32
            %dma_start3A_518 = arith.constant 0 : i32
            %dma_start3A_519 = tpu.memref_slice %arg13[%and3A_516, %dma_start3A_517, %dma_start3A_518] : memref<2x32x640xf32, #tpu.memory_space<vmem>> -> memref<1x32x640xf32, #tpu.memory_space<vmem>>
            %dma_start3A_520 = tpu.memref_squeeze %dma_start3A_519 : memref<1x32x640xf32, #tpu.memory_space<vmem>> -> memref<32x640xf32, #tpu.memory_space<vmem>>
            %dma_start3A_521 = arith.constant 0 : i32
            %dma_start3A_522 = tpu.memref_slice %arg5[%dma_start3A_521, %multiple_of3A_511] : memref<32x1000000xf32, #tpu.memory_space<hbm>> -> memref<32x640xf32, #tpu.memory_space<hbm>>
            %dma_start3A_523 = arith.constant 0 : i32
            %dma_start3A_524 = arith.constant 0 : i32
            %dma_start3A_525 = tpu.memref_slice %arg13[%and3A_516, %dma_start3A_523, %dma_start3A_524] : memref<2x32x640xf32, #tpu.memory_space<vmem>> -> memref<1x32x640xf32, #tpu.memory_space<vmem>>
            %dma_start3A_526 = tpu.memref_squeeze %dma_start3A_525 : memref<1x32x640xf32, #tpu.memory_space<vmem>> -> memref<32x640xf32, #tpu.memory_space<vmem>>
            %dma_start3A_527 = arith.constant 0 : i32
            %dma_start3A_528 = tpu.memref_slice %arg5[%dma_start3A_527, %multiple_of3A_511] : memref<32x1000000xf32, #tpu.memory_space<hbm>> -> memref<32x640xf32, #tpu.memory_space<hbm>>
            tpu.enqueue_dma source(%dma_start3A_528 : memref<32x640xf32, #tpu.memory_space<hbm>>) target(%dma_start3A_526 : memref<32x640xf32, #tpu.memory_space<vmem>>) target_semaphore(%arg19 : memref<!tpu.dma_semaphore, #tpu.memory_space<semaphore_mem>>)
          } else {
          }
          %mul3A_422 = arith.constant 640 : i32
          %mul3A_423 = arith.muli %scan3A_411, %mul3A_422 : i32
          %add3A_424 = arith.addi %multiple_of3A_390, %mul3A_423 : i32
          %multiple_of3A_425 = tpu.assume_multiple %add3A_424, 128 : i32
          %mul3A_426 = arith.constant 7 : i32
          %mul3A_427 = arith.muli %scan3A_382, %mul3A_426 : i32
          %add3A_428 = arith.addi %mul3A_427, %scan3A_411 : i32
          %and3A_429 = arith.constant 1 : i32
          %and3A_430 = arith.andi %add3A_428, %and3A_429 : i32
          %dma_wait3A_431 = arith.constant 0 : i32
          %dma_wait3A_432 = arith.constant 0 : i32
          %dma_wait3A_433 = tpu.memref_slice %arg13[%and3A_430, %dma_wait3A_431, %dma_wait3A_432] : memref<2x32x640xf32, #tpu.memory_space<vmem>> -> memref<1x32x640xf32, #tpu.memory_space<vmem>>
          %dma_wait3A_434 = tpu.memref_squeeze %dma_wait3A_433 : memref<1x32x640xf32, #tpu.memory_space<vmem>> -> memref<32x640xf32, #tpu.memory_space<vmem>>
          %dma_wait3A_435 = arith.constant 0 : i32
          %dma_wait3A_436 = tpu.memref_slice %arg5[%dma_wait3A_435, %multiple_of3A_425] : memref<32x1000000xf32, #tpu.memory_space<hbm>> -> memref<32x640xf32, #tpu.memory_space<hbm>>
          %dma_wait3A_437 = arith.constant 0 : i32
          %dma_wait3A_438 = arith.constant 0 : i32
          %dma_wait3A_439 = tpu.memref_slice %arg13[%and3A_430, %dma_wait3A_437, %dma_wait3A_438] : memref<2x32x640xf32, #tpu.memory_space<vmem>> -> memref<1x32x640xf32, #tpu.memory_space<vmem>>
          %dma_wait3A_440 = tpu.memref_squeeze %dma_wait3A_439 : memref<1x32x640xf32, #tpu.memory_space<vmem>> -> memref<32x640xf32, #tpu.memory_space<vmem>>
          %dma_wait3A_441 = arith.constant 0 : i32
          %dma_wait3A_442 = tpu.memref_slice %arg5[%dma_wait3A_441, %multiple_of3A_425] : memref<32x1000000xf32, #tpu.memory_space<hbm>> -> memref<32x640xf32, #tpu.memory_space<hbm>>
          tpu.wait_dma2 semaphore(%arg19 : memref<!tpu.dma_semaphore, #tpu.memory_space<semaphore_mem>>) src(%dma_wait3A_442 : memref<32x640xf32, #tpu.memory_space<hbm>>) dst(%dma_wait3A_440 : memref<32x640xf32, #tpu.memory_space<vmem>>)
          %mul3A_443 = arith.constant 640 : i32
          %mul3A_444 = arith.muli %scan3A_411, %mul3A_443 : i32
          %add3A_445 = arith.addi %multiple_of3A_390, %mul3A_444 : i32
          %multiple_of3A_446 = tpu.assume_multiple %add3A_445, 128 : i32
          %and3A_447 = arith.constant 1 : i32
          %and3A_448 = arith.andi %add3A_415, %and3A_447 : i32
          %add3A_449 = arith.constant 15 : i32
          %add3A_450 = arith.addi %while3A_401, %add3A_449 : i32
          %jit3A_451 = arith.constant 16 : i32
          %div3A_452 = arith.divsi %add3A_450, %jit3A_451 : i32
          %sign3A_453 = arith.constant 0 : i32
          %sign3A_454 = arith.cmpi sgt, %add3A_450, %sign3A_453 : i32
          %sign3A_455 = arith.extui %sign3A_454 : i1 to i32
          %sign3A_456 = arith.constant 0 : i32
          %sign3A_457 = arith.cmpi slt, %add3A_450, %sign3A_456 : i32
          %sign3A_458 = arith.extui %sign3A_457 : i1 to i32
          %sign3A_459 = arith.subi %sign3A_455, %sign3A_458 : i32
          %sign3A_460 = arith.constant 0 : i32
          %sign3A_461 = arith.cmpi sgt, %jit3A_451, %sign3A_460 : i32
          %sign3A_462 = arith.extui %sign3A_461 : i1 to i32
          %sign3A_463 = arith.constant 0 : i32
          %sign3A_464 = arith.cmpi slt, %jit3A_451, %sign3A_463 : i32
          %sign3A_465 = arith.extui %sign3A_464 : i1 to i32
          %sign3A_466 = arith.subi %sign3A_462, %sign3A_465 : i32
          %ne3A_467 = arith.cmpi ne, %sign3A_459, %sign3A_466 : i32
          %rem3A_468 = arith.remsi %add3A_450, %jit3A_451 : i32
          %ne3A_469 = arith.constant 0 : i32
          %ne3A_470 = arith.cmpi ne, %rem3A_468, %ne3A_469 : i32
          %and3A_471 = arith.andi %ne3A_467, %ne3A_470 : i1
          %sub3A_472 = arith.constant 1 : i32
          %sub3A_473 = arith.subi %div3A_452, %sub3A_472 : i32
          %select_n3A_474 = arith.select %and3A_471, %sub3A_473, %div3A_452 : i32
          %while3A_475 = arith.constant 0 : i32
          %while3A_476 = arith.subi %select_n3A_474, %while3A_475 : i32
          %while3A_477 = arith.addi %while3A_475, %while3A_476 : i32
          %while3A_478 = arith.constant 1 : i32
          %while3A_479 = arith.divsi %while3A_476, %while3A_478 : i32
          %while3A_480 = arith.muli %while3A_479, %while3A_478 : i32
          %while3A_481 = arith.addi %while3A_475, %while3A_480 : i32
          %while3A_482 = arith.constant 1 : i32
          %while3A_483 = scf.for %while3A_486 = %while3A_475 to %while3A_481 step %while3A_482 iter_args(%while3A_487 = %scan3A_412) -> (i32)  : i32 {
            %mul3A_488 = arith.constant 16 : i32
            %mul3A_489 = arith.muli %while3A_486, %mul3A_488 : i32
            %get3A_490 = arith.index_cast %mul3A_489 : i32 to index
            %get3A_491 = tpu.vector_load %arg11[%get3A_490] {strides = array<i32>} : memref<520xi32, #tpu.memory_space<vmem>>, vector<16xi32>,
            %mul3A_492 = arith.constant 16 : i32
            %mul3A_493 = arith.muli %while3A_486, %mul3A_492 : i32
            %get3A_494 = arith.index_cast %mul3A_493 : i32 to index
            %get3A_495 = tpu.vector_load %arg12[%get3A_494] {strides = array<i32>} : memref<520xi32, #tpu.memory_space<vmem>>, vector<16xi32>,
            %ge3A = vector.broadcast %multiple_of3A_446 : i32 to vector<16xi32>
            %ge3A_496 = arith.cmpi sge, %get3A_491, %ge3A : vector<16xi32>
            %add3A_497 = arith.constant 640 : i32
            %add3A_498 = arith.addi %multiple_of3A_446, %add3A_497 : i32
            %lt3A_499 = vector.broadcast %add3A_498 : i32 to vector<16xi32>
            %lt3A_500 = arith.cmpi slt, %get3A_491, %lt3A_499 : vector<16xi32>
            %and3A_501 = arith.andi %ge3A_496, %lt3A_500 : vector<16xi1>
            %mul3A_502 = arith.constant 16 : i32
            %mul3A_503 = arith.muli %while3A_486, %mul3A_502 : i32
            %add3A_504 = vector.broadcast %mul3A_503 : i32 to vector<16xi32>
            %add3A_505 = arith.addi %iota3A_213, %add3A_504 : vector<16xi32>
            %lt3A_506 = vector.broadcast %while3A_401 : i32 to vector<16xi32>
            %lt3A_507 = arith.cmpi slt, %add3A_505, %lt3A_506 : vector<16xi32>
            %and3A_508 = arith.andi %and3A_501, %lt3A_507 : vector<16xi1>
            %reduce_or3A = arith.constant 1.000000e+00 : f32
            %reduce_or3A_509 = arith.constant 0.000000e+00 : f32
            %reduce_or3A_510 = vector.broadcast %reduce_or3A : f32 to vector<16xf32>
            %reduce_or3A_511 = vector.broadcast %reduce_or3A_509 : f32 to vector<16xf32>
            %reduce_or3A_512 = arith.select %and3A_508, %reduce_or3A_510, %reduce_or3A_511 : vector<16xi1>, vector<16xf32>
            %reduce_or3A_513 = arith.constant true
            %reduce_or3A_514 = vector.broadcast %reduce_or3A_513 : i1 to vector<16xi1>
            %reduce_or3A_515 = tpu.scan <max>, %reduce_or3A_512 masked %reduce_or3A_514 : vector<16xf32>, vector<16xi1> -> vector<16xf32>
            %reduce_or3A_516 = vector.extract %reduce_or3A_515[15] : f32 from vector<16xf32>
            %reduce_or3A_517 = arith.constant 0.000000e+00 : f32
            %reduce_or3A_518 = arith.cmpf ogt, %reduce_or3A_516, %reduce_or3A_517 : f32
            %convert_element_type3A_519 = arith.extui %reduce_or3A_518 : i1 to i32
            %cond3A_520 = arith.constant 0 : i32
            %cond3A_521 = arith.cmpi ne, %convert_element_type3A_519, %cond3A_520 : i32
            %cond3A_522 = scf.if %cond3A_521 -> (i32) {
              %gt3A = arith.constant 240 : i32
              %gt3A_523 = arith.cmpi sgt, %while3A_487, %gt3A : i32
              %convert_element_type3A_524 = arith.extui %gt3A_523 : i1 to i32
              %cond3A_525 = arith.constant 0 : i32
              %cond3A_526 = arith.cmpi ne, %convert_element_type3A_524, %cond3A_525 : i32
              %cond3A_527 = scf.if %cond3A_526 -> (i32) {
                %get3A_556 = arith.constant 0 : index
                %get3A_557 = tpu.vector_load %arg15[%get3A_556] {strides = array<i32>} : memref<272xi32, #tpu.memory_space<vmem>>, vector<16xi32>,
                %swap3A_558 = arith.constant 0 : index
                %swap3A_559 = tpu.vector_load %arg16[%swap3A_558] {strides = array<i32>} : memref<256xi32, #tpu.memory_space<vmem>>, vector<16xi32>,
                tpu.vector_store %arg16[%swap3A_558], %get3A_557 {strides = array<i32>} : memref<256xi32, #tpu.memory_space<vmem>>, vector<16xi32>,
                %get3A_560 = arith.constant 16 : index
                %get3A_561 = tpu.vector_load %arg15[%get3A_560] {strides = array<i32>} : memref<272xi32, #tpu.memory_space<vmem>>, vector<16xi32>,
                %swap3A_562 = arith.constant 16 : index
                %swap3A_563 = tpu.vector_load %arg16[%swap3A_562] {strides = array<i32>} : memref<256xi32, #tpu.memory_space<vmem>>, vector<16xi32>,
                tpu.vector_store %arg16[%swap3A_562], %get3A_561 {strides = array<i32>} : memref<256xi32, #tpu.memory_space<vmem>>, vector<16xi32>,
                %get3A_564 = arith.constant 32 : index
                %get3A_565 = tpu.vector_load %arg15[%get3A_564] {strides = array<i32>} : memref<272xi32, #tpu.memory_space<vmem>>, vector<16xi32>,
                %swap3A_566 = arith.constant 32 : index
                %swap3A_567 = tpu.vector_load %arg16[%swap3A_566] {strides = array<i32>} : memref<256xi32, #tpu.memory_space<vmem>>, vector<16xi32>,
                tpu.vector_store %arg16[%swap3A_566], %get3A_565 {strides = array<i32>} : memref<256xi32, #tpu.memory_space<vmem>>, vector<16xi32>,
                %get3A_568 = arith.constant 48 : index
                %get3A_569 = tpu.vector_load %arg15[%get3A_568] {strides = array<i32>} : memref<272xi32, #tpu.memory_space<vmem>>, vector<16xi32>,
                %swap3A_570 = arith.constant 48 : index
                %swap3A_571 = tpu.vector_load %arg16[%swap3A_570] {strides = array<i32>} : memref<256xi32, #tpu.memory_space<vmem>>, vector<16xi32>,
                tpu.vector_store %arg16[%swap3A_570], %get3A_569 {strides = array<i32>} : memref<256xi32, #tpu.memory_space<vmem>>, vector<16xi32>,
                %get3A_572 = arith.constant 64 : index
                %get3A_573 = tpu.vector_load %arg15[%get3A_572] {strides = array<i32>} : memref<272xi32, #tpu.memory_space<vmem>>, vector<16xi32>,
                %swap3A_574 = arith.constant 64 : index
                %swap3A_575 = tpu.vector_load %arg16[%swap3A_574] {strides = array<i32>} : memref<256xi32, #tpu.memory_space<vmem>>, vector<16xi32>,
                tpu.vector_store %arg16[%swap3A_574], %get3A_573 {strides = array<i32>} : memref<256xi32, #tpu.memory_space<vmem>>, vector<16xi32>,
                %get3A_576 = arith.constant 80 : index
                %get3A_577 = tpu.vector_load %arg15[%get3A_576] {strides = array<i32>} : memref<272xi32, #tpu.memory_space<vmem>>, vector<16xi32>,
                %swap3A_578 = arith.constant 80 : index
                %swap3A_579 = tpu.vector_load %arg16[%swap3A_578] {strides = array<i32>} : memref<256xi32, #tpu.memory_space<vmem>>, vector<16xi32>,
                tpu.vector_store %arg16[%swap3A_578], %get3A_577 {strides = array<i32>} : memref<256xi32, #tpu.memory_space<vmem>>, vector<16xi32>,
                %get3A_580 = arith.constant 96 : index
                %get3A_581 = tpu.vector_load %arg15[%get3A_580] {strides = array<i32>} : memref<272xi32, #tpu.memory_space<vmem>>, vector<16xi32>,
                %swap3A_582 = arith.constant 96 : index
                %swap3A_583 = tpu.vector_load %arg16[%swap3A_582] {strides = array<i32>} : memref<256xi32, #tpu.memory_space<vmem>>, vector<16xi32>,
                tpu.vector_store %arg16[%swap3A_582], %get3A_581 {strides = array<i32>} : memref<256xi32, #tpu.memory_space<vmem>>, vector<16xi32>,
                %get3A_584 = arith.constant 112 : index
                %get3A_585 = tpu.vector_load %arg15[%get3A_584] {strides = array<i32>} : memref<272xi32, #tpu.memory_space<vmem>>, vector<16xi32>,
                %swap3A_586 = arith.constant 112 : index
                %swap3A_587 = tpu.vector_load %arg16[%swap3A_586] {strides = array<i32>} : memref<256xi32, #tpu.memory_space<vmem>>, vector<16xi32>,
                tpu.vector_store %arg16[%swap3A_586], %get3A_585 {strides = array<i32>} : memref<256xi32, #tpu.memory_space<vmem>>, vector<16xi32>,
                %get3A_588 = arith.constant 128 : index
                %get3A_589 = tpu.vector_load %arg15[%get3A_588] {strides = array<i32>} : memref<272xi32, #tpu.memory_space<vmem>>, vector<16xi32>,
                %swap3A_590 = arith.constant 128 : index
                %swap3A_591 = tpu.vector_load %arg16[%swap3A_590] {strides = array<i32>} : memref<256xi32, #tpu.memory_space<vmem>>, vector<16xi32>,
                tpu.vector_store %arg16[%swap3A_590], %get3A_589 {strides = array<i32>} : memref<256xi32, #tpu.memory_space<vmem>>, vector<16xi32>,
                %get3A_592 = arith.constant 144 : index
                %get3A_593 = tpu.vector_load %arg15[%get3A_592] {strides = array<i32>} : memref<272xi32, #tpu.memory_space<vmem>>, vector<16xi32>,
                %swap3A_594 = arith.constant 144 : index
                %swap3A_595 = tpu.vector_load %arg16[%swap3A_594] {strides = array<i32>} : memref<256xi32, #tpu.memory_space<vmem>>, vector<16xi32>,
                tpu.vector_store %arg16[%swap3A_594], %get3A_593 {strides = array<i32>} : memref<256xi32, #tpu.memory_space<vmem>>, vector<16xi32>,
                %get3A_596 = arith.constant 160 : index
                %get3A_597 = tpu.vector_load %arg15[%get3A_596] {strides = array<i32>} : memref<272xi32, #tpu.memory_space<vmem>>, vector<16xi32>,
                %swap3A_598 = arith.constant 160 : index
                %swap3A_599 = tpu.vector_load %arg16[%swap3A_598] {strides = array<i32>} : memref<256xi32, #tpu.memory_space<vmem>>, vector<16xi32>,
                tpu.vector_store %arg16[%swap3A_598], %get3A_597 {strides = array<i32>} : memref<256xi32, #tpu.memory_space<vmem>>, vector<16xi32>,
                %get3A_600 = arith.constant 176 : index
                %get3A_601 = tpu.vector_load %arg15[%get3A_600] {strides = array<i32>} : memref<272xi32, #tpu.memory_space<vmem>>, vector<16xi32>,
                %swap3A_602 = arith.constant 176 : index
                %swap3A_603 = tpu.vector_load %arg16[%swap3A_602] {strides = array<i32>} : memref<256xi32, #tpu.memory_space<vmem>>, vector<16xi32>,
                tpu.vector_store %arg16[%swap3A_602], %get3A_601 {strides = array<i32>} : memref<256xi32, #tpu.memory_space<vmem>>, vector<16xi32>,
                %get3A_604 = arith.constant 192 : index
                %get3A_605 = tpu.vector_load %arg15[%get3A_604] {strides = array<i32>} : memref<272xi32, #tpu.memory_space<vmem>>, vector<16xi32>,
                %swap3A_606 = arith.constant 192 : index
                %swap3A_607 = tpu.vector_load %arg16[%swap3A_606] {strides = array<i32>} : memref<256xi32, #tpu.memory_space<vmem>>, vector<16xi32>,
                tpu.vector_store %arg16[%swap3A_606], %get3A_605 {strides = array<i32>} : memref<256xi32, #tpu.memory_space<vmem>>, vector<16xi32>,
                %get3A_608 = arith.constant 208 : index
                %get3A_609 = tpu.vector_load %arg15[%get3A_608] {strides = array<i32>} : memref<272xi32, #tpu.memory_space<vmem>>, vector<16xi32>,
                %swap3A_610 = arith.constant 208 : index
                %swap3A_611 = tpu.vector_load %arg16[%swap3A_610] {strides = array<i32>} : memref<256xi32, #tpu.memory_space<vmem>>, vector<16xi32>,
                tpu.vector_store %arg16[%swap3A_610], %get3A_609 {strides = array<i32>} : memref<256xi32, #tpu.memory_space<vmem>>, vector<16xi32>,
                %get3A_612 = arith.constant 224 : index
                %get3A_613 = tpu.vector_load %arg15[%get3A_612] {strides = array<i32>} : memref<272xi32, #tpu.memory_space<vmem>>, vector<16xi32>,
                %swap3A_614 = arith.constant 224 : index
                %swap3A_615 = tpu.vector_load %arg16[%swap3A_614] {strides = array<i32>} : memref<256xi32, #tpu.memory_space<vmem>>, vector<16xi32>,
                tpu.vector_store %arg16[%swap3A_614], %get3A_613 {strides = array<i32>} : memref<256xi32, #tpu.memory_space<vmem>>, vector<16xi32>,
                %get3A_616 = arith.constant 240 : index
                %get3A_617 = tpu.vector_load %arg15[%get3A_616] {strides = array<i32>} : memref<272xi32, #tpu.memory_space<vmem>>, vector<16xi32>,
                %swap3A_618 = arith.constant 240 : index
                %swap3A_619 = tpu.vector_load %arg16[%swap3A_618] {strides = array<i32>} : memref<256xi32, #tpu.memory_space<vmem>>, vector<16xi32>,
                tpu.vector_store %arg16[%swap3A_618], %get3A_617 {strides = array<i32>} : memref<256xi32, #tpu.memory_space<vmem>>, vector<16xi32>,
                %dma_start3A_620 = arith.constant 0 : i32
                %dma_start3A_621 = arith.constant 0 : i32
                %dma_start3A_622 = tpu.memref_slice %arg7[%dma_start3A_620, %dma_start3A_621] : memref<16385x128xf32, #tpu.memory_space<hbm>> -> memref<16385x128xf32, #tpu.memory_space<hbm>>
                tpu.enqueue_indirect_dma source(%arg14 : memref<256x128xf32, #tpu.memory_space<vmem>>) target(%dma_start3A_622 : memref<16385x128xf32, #tpu.memory_space<hbm>>) offsets(%arg16 : memref<256xi32, #tpu.memory_space<vmem>>) semaphore(%arg20 : memref<!tpu.dma_semaphore, #tpu.memory_space<semaphore_mem>>)
                %dma_wait3A_623 = arith.constant 0 : i32
                %dma_wait3A_624 = arith.constant 0 : i32
                %dma_wait3A_625 = tpu.memref_slice %arg7[%dma_wait3A_623, %dma_wait3A_624] : memref<16385x128xf32, #tpu.memory_space<hbm>> -> memref<16385x128xf32, #tpu.memory_space<hbm>>
                tpu.wait_indirect_dma semaphore(%arg20 : memref<!tpu.dma_semaphore, #tpu.memory_space<semaphore_mem>>) src(%arg14 : memref<256x128xf32, #tpu.memory_space<vmem>>) dst(%dma_wait3A_625 : memref<16385x128xf32, #tpu.memory_space<hbm>>)
                %mul3A_626 = arith.constant 0 : i32
                %mul3A_627 = arith.muli %mul3A_626, %while3A_487 : i32
                scf.yield %mul3A_627 : i32
              } else {
                scf.yield %while3A_487 : i32
              }
              %sub3A_528 = vector.broadcast %multiple_of3A_446 : i32 to vector<16xi32>
              %sub3A_529 = arith.subi %get3A_491, %sub3A_528 : vector<16xi32>
              %convert_element_type3A_530 = arith.extui %and3A_508 : vector<16xi1> to vector<16xi32>
              %cumsum3A = arith.constant true
              %cumsum3A_531 = vector.broadcast %cumsum3A : i1 to vector<16xi1>
              %cumsum3A_532 = tpu.scan <sum>, %convert_element_type3A_530 masked %cumsum3A_531 : vector<16xi32>, vector<16xi1> -> vector<16xi32>
              %add3A_533 = vector.broadcast %cond3A_527 : i32 to vector<16xi32>
              %add3A_534 = arith.addi %add3A_533, %cumsum3A_532 : vector<16xi32>
              %sub3A_535 = arith.constant 1 : i32
              %sub3A_536 = vector.broadcast %sub3A_535 : i32 to vector<16xi32>
              %sub3A_537 = arith.subi %add3A_534, %sub3A_536 : vector<16xi32>
              %jit3A_538 = arith.constant 264 : i32
              %broadcast_in_dim3A_539 = vector.broadcast %jit3A_538 : i32 to vector<16xi32>
              %select_n3A_540 = arith.select %and3A_508, %sub3A_537, %broadcast_in_dim3A_539 : vector<16xi1>, vector<16xi32>
              %min3A_541 = arith.constant 264 : i32
              %min3A_542 = vector.broadcast %min3A_541 : i32 to vector<16xi32>
              %min3A_543 = arith.minsi %select_n3A_540, %min3A_542 : vector<16xi32>
              tpu.vector_store_idx %arg15[%min3A_543], %get3A_495 : memref<272xi32, #tpu.memory_space<vmem>>[vector<16xi32>], vector<16xi32>,
              tpu.vector_store_idx %arg17[%min3A_543], %sub3A_529 : memref<272xi32, #tpu.memory_space<vmem>>[vector<16xi32>], vector<16xi32>,
              %slice3A = vector.extract_strided_slice %cumsum3A_532 {offsets = [15], sizes = [1], strides = [1]} : vector<16xi32> to vector<1xi32>
              %squeeze3A = vector.extract %slice3A[0] : i32 from vector<1xi32>
              %add3A_544 = arith.addi %cond3A_527, %squeeze3A : i32
              %while3A_545 = arith.constant 0 : i32
              %while3A_546 = arith.constant 0 : i32
              %while3A_547 = arith.subi %squeeze3A, %while3A_546 : i32
              %while3A_548 = arith.addi %while3A_546, %while3A_547 : i32
              %while3A_549 = arith.constant 1 : i32
              %while3A_550 = arith.divsi %while3A_547, %while3A_549 : i32
              %while3A_551 = arith.muli %while3A_550, %while3A_549 : i32
              %while3A_552 = arith.addi %while3A_546, %while3A_551 : i32
              %while3A_553 = arith.constant 1 : i32
              scf.for %while3A_556 = %while3A_546 to %while3A_552 step %while3A_553  : i32 {
                %add3A_557 = arith.addi %cond3A_527, %while3A_556 : i32
                %get3A_558 = arith.index_cast %add3A_557 : i32 to index
                %get3A_559 = tpu.vector_load %arg17[%get3A_558] {strides = array<i32>} : memref<272xi32, #tpu.memory_space<vmem>>, vector<16xi32>,
                %slice3A_560 = vector.extract_strided_slice %get3A_559 {offsets = [0], sizes = [1], strides = [1]} : vector<16xi32> to vector<1xi32>
                %squeeze3A_561 = vector.extract %slice3A_560[0] : i32 from vector<1xi32>
                %broadcast_in_dim3A_562 = vector.broadcast %squeeze3A_561 : i32 to vector<16xi32>
                %broadcast_in_dim3A_563 = vector.broadcast %and3A_448 : i32 to vector<16xi32>
                %add3A_564 = arith.addi %cond3A_527, %while3A_556 : i32
                %broadcast_in_dim3A_565 = vector.broadcast %add3A_564 : i32 to vector<16xi32>
                %gather3A = tpu.vector_load_idx %arg13[%broadcast_in_dim3A_563, %iota3A_213, %broadcast_in_dim3A_562] : memref<2x32x640xf32, #tpu.memory_space<vmem>>[vector<16xi32>, vector<16xi32>, vector<16xi32>], vector<16xf32>,
                %add3A_566 = arith.constant 16 : i32
                %add3A_567 = vector.broadcast %add3A_566 : i32 to vector<16xi32>
                %add3A_568 = arith.addi %iota3A_213, %add3A_567 : vector<16xi32>
                %gather3A_569 = tpu.vector_load_idx %arg13[%broadcast_in_dim3A_563, %add3A_568, %broadcast_in_dim3A_562] : memref<2x32x640xf32, #tpu.memory_space<vmem>>[vector<16xi32>, vector<16xi32>, vector<16xi32>], vector<16xf32>,
                tpu.vector_store_idx %arg14[%broadcast_in_dim3A_565, %iota3A_213], %gather3A : memref<256x128xf32, #tpu.memory_space<vmem>>[vector<16xi32>, vector<16xi32>], vector<16xf32>,
                %add3A_570 = arith.constant 16 : i32
                %add3A_571 = vector.broadcast %add3A_570 : i32 to vector<16xi32>
                %add3A_572 = arith.addi %iota3A_213, %add3A_571 : vector<16xi32>
                tpu.vector_store_idx %arg14[%broadcast_in_dim3A_565, %add3A_572], %gather3A_569 : memref<256x128xf32, #tpu.memory_space<vmem>>[vector<16xi32>, vector<16xi32>], vector<16xf32>,
              }
              %while3A_554 = arith.constant 1 : i32
              scf.for %while3A_556 = %while3A_552 to %while3A_548 step %while3A_554  : i32 {
                %add3A_557 = arith.addi %cond3A_527, %while3A_556 : i32
                %get3A_558 = arith.index_cast %add3A_557 : i32 to index
                %get3A_559 = tpu.vector_load %arg17[%get3A_558] {strides = array<i32>} : memref<272xi32, #tpu.memory_space<vmem>>, vector<16xi32>,
                %slice3A_560 = vector.extract_strided_slice %get3A_559 {offsets = [0], sizes = [1], strides = [1]} : vector<16xi32> to vector<1xi32>
                %squeeze3A_561 = vector.extract %slice3A_560[0] : i32 from vector<1xi32>
                %broadcast_in_dim3A_562 = vector.broadcast %squeeze3A_561 : i32 to vector<16xi32>
                %broadcast_in_dim3A_563 = vector.broadcast %and3A_448 : i32 to vector<16xi32>
                %add3A_564 = arith.addi %cond3A_527, %while3A_556 : i32
                %broadcast_in_dim3A_565 = vector.broadcast %add3A_564 : i32 to vector<16xi32>
                %gather3A = tpu.vector_load_idx %arg13[%broadcast_in_dim3A_563, %iota3A_213, %broadcast_in_dim3A_562] : memref<2x32x640xf32, #tpu.memory_space<vmem>>[vector<16xi32>, vector<16xi32>, vector<16xi32>], vector<16xf32>,
                %add3A_566 = arith.constant 16 : i32
                %add3A_567 = vector.broadcast %add3A_566 : i32 to vector<16xi32>
                %add3A_568 = arith.addi %iota3A_213, %add3A_567 : vector<16xi32>
                %gather3A_569 = tpu.vector_load_idx %arg13[%broadcast_in_dim3A_563, %add3A_568, %broadcast_in_dim3A_562] : memref<2x32x640xf32, #tpu.memory_space<vmem>>[vector<16xi32>, vector<16xi32>, vector<16xi32>], vector<16xf32>,
                tpu.vector_store_idx %arg14[%broadcast_in_dim3A_565, %iota3A_213], %gather3A : memref<256x128xf32, #tpu.memory_space<vmem>>[vector<16xi32>, vector<16xi32>], vector<16xf32>,
                %add3A_570 = arith.constant 16 : i32
                %add3A_571 = vector.broadcast %add3A_570 : i32 to vector<16xi32>
                %add3A_572 = arith.addi %iota3A_213, %add3A_571 : vector<16xi32>
                tpu.vector_store_idx %arg14[%broadcast_in_dim3A_565, %add3A_572], %gather3A_569 : memref<256x128xf32, #tpu.memory_space<vmem>>[vector<16xi32>, vector<16xi32>], vector<16xf32>,
              }
              %add3A_555 = arith.addi %cond3A_527, %squeeze3A : i32
              scf.yield %add3A_555 : i32
            } else {
              scf.yield %while3A_487 : i32
            }
            scf.yield %cond3A_522 : i32
          }
          %while3A_484 = arith.constant 1 : i32
          %while3A_485 = scf.for %while3A_486 = %while3A_481 to %while3A_477 step %while3A_484 iter_args(%while3A_487 = %while3A_483) -> (i32)  : i32 {
            %mul3A_488 = arith.constant 16 : i32
            %mul3A_489 = arith.muli %while3A_486, %mul3A_488 : i32
            %get3A_490 = arith.index_cast %mul3A_489 : i32 to index
            %get3A_491 = tpu.vector_load %arg11[%get3A_490] {strides = array<i32>} : memref<520xi32, #tpu.memory_space<vmem>>, vector<16xi32>,
            %mul3A_492 = arith.constant 16 : i32
            %mul3A_493 = arith.muli %while3A_486, %mul3A_492 : i32
            %get3A_494 = arith.index_cast %mul3A_493 : i32 to index
            %get3A_495 = tpu.vector_load %arg12[%get3A_494] {strides = array<i32>} : memref<520xi32, #tpu.memory_space<vmem>>, vector<16xi32>,
            %ge3A = vector.broadcast %multiple_of3A_446 : i32 to vector<16xi32>
            %ge3A_496 = arith.cmpi sge, %get3A_491, %ge3A : vector<16xi32>
            %add3A_497 = arith.constant 640 : i32
            %add3A_498 = arith.addi %multiple_of3A_446, %add3A_497 : i32
            %lt3A_499 = vector.broadcast %add3A_498 : i32 to vector<16xi32>
            %lt3A_500 = arith.cmpi slt, %get3A_491, %lt3A_499 : vector<16xi32>
            %and3A_501 = arith.andi %ge3A_496, %lt3A_500 : vector<16xi1>
            %mul3A_502 = arith.constant 16 : i32
            %mul3A_503 = arith.muli %while3A_486, %mul3A_502 : i32
            %add3A_504 = vector.broadcast %mul3A_503 : i32 to vector<16xi32>
            %add3A_505 = arith.addi %iota3A_213, %add3A_504 : vector<16xi32>
            %lt3A_506 = vector.broadcast %while3A_401 : i32 to vector<16xi32>
            %lt3A_507 = arith.cmpi slt, %add3A_505, %lt3A_506 : vector<16xi32>
            %and3A_508 = arith.andi %and3A_501, %lt3A_507 : vector<16xi1>
            %reduce_or3A = arith.constant 1.000000e+00 : f32
            %reduce_or3A_509 = arith.constant 0.000000e+00 : f32
            %reduce_or3A_510 = vector.broadcast %reduce_or3A : f32 to vector<16xf32>
            %reduce_or3A_511 = vector.broadcast %reduce_or3A_509 : f32 to vector<16xf32>
            %reduce_or3A_512 = arith.select %and3A_508, %reduce_or3A_510, %reduce_or3A_511 : vector<16xi1>, vector<16xf32>
            %reduce_or3A_513 = arith.constant true
            %reduce_or3A_514 = vector.broadcast %reduce_or3A_513 : i1 to vector<16xi1>
            %reduce_or3A_515 = tpu.scan <max>, %reduce_or3A_512 masked %reduce_or3A_514 : vector<16xf32>, vector<16xi1> -> vector<16xf32>
            %reduce_or3A_516 = vector.extract %reduce_or3A_515[15] : f32 from vector<16xf32>
            %reduce_or3A_517 = arith.constant 0.000000e+00 : f32
            %reduce_or3A_518 = arith.cmpf ogt, %reduce_or3A_516, %reduce_or3A_517 : f32
            %convert_element_type3A_519 = arith.extui %reduce_or3A_518 : i1 to i32
            %cond3A_520 = arith.constant 0 : i32
            %cond3A_521 = arith.cmpi ne, %convert_element_type3A_519, %cond3A_520 : i32
            %cond3A_522 = scf.if %cond3A_521 -> (i32) {
              %gt3A = arith.constant 240 : i32
              %gt3A_523 = arith.cmpi sgt, %while3A_487, %gt3A : i32
              %convert_element_type3A_524 = arith.extui %gt3A_523 : i1 to i32
              %cond3A_525 = arith.constant 0 : i32
              %cond3A_526 = arith.cmpi ne, %convert_element_type3A_524, %cond3A_525 : i32
              %cond3A_527 = scf.if %cond3A_526 -> (i32) {
                %get3A_556 = arith.constant 0 : index
                %get3A_557 = tpu.vector_load %arg15[%get3A_556] {strides = array<i32>} : memref<272xi32, #tpu.memory_space<vmem>>, vector<16xi32>,
                %swap3A_558 = arith.constant 0 : index
                %swap3A_559 = tpu.vector_load %arg16[%swap3A_558] {strides = array<i32>} : memref<256xi32, #tpu.memory_space<vmem>>, vector<16xi32>,
                tpu.vector_store %arg16[%swap3A_558], %get3A_557 {strides = array<i32>} : memref<256xi32, #tpu.memory_space<vmem>>, vector<16xi32>,
                %get3A_560 = arith.constant 16 : index
                %get3A_561 = tpu.vector_load %arg15[%get3A_560] {strides = array<i32>} : memref<272xi32, #tpu.memory_space<vmem>>, vector<16xi32>,
                %swap3A_562 = arith.constant 16 : index
                %swap3A_563 = tpu.vector_load %arg16[%swap3A_562] {strides = array<i32>} : memref<256xi32, #tpu.memory_space<vmem>>, vector<16xi32>,
                tpu.vector_store %arg16[%swap3A_562], %get3A_561 {strides = array<i32>} : memref<256xi32, #tpu.memory_space<vmem>>, vector<16xi32>,
                %get3A_564 = arith.constant 32 : index
                %get3A_565 = tpu.vector_load %arg15[%get3A_564] {strides = array<i32>} : memref<272xi32, #tpu.memory_space<vmem>>, vector<16xi32>,
                %swap3A_566 = arith.constant 32 : index
                %swap3A_567 = tpu.vector_load %arg16[%swap3A_566] {strides = array<i32>} : memref<256xi32, #tpu.memory_space<vmem>>, vector<16xi32>,
                tpu.vector_store %arg16[%swap3A_566], %get3A_565 {strides = array<i32>} : memref<256xi32, #tpu.memory_space<vmem>>, vector<16xi32>,
                %get3A_568 = arith.constant 48 : index
                %get3A_569 = tpu.vector_load %arg15[%get3A_568] {strides = array<i32>} : memref<272xi32, #tpu.memory_space<vmem>>, vector<16xi32>,
                %swap3A_570 = arith.constant 48 : index
                %swap3A_571 = tpu.vector_load %arg16[%swap3A_570] {strides = array<i32>} : memref<256xi32, #tpu.memory_space<vmem>>, vector<16xi32>,
                tpu.vector_store %arg16[%swap3A_570], %get3A_569 {strides = array<i32>} : memref<256xi32, #tpu.memory_space<vmem>>, vector<16xi32>,
                %get3A_572 = arith.constant 64 : index
                %get3A_573 = tpu.vector_load %arg15[%get3A_572] {strides = array<i32>} : memref<272xi32, #tpu.memory_space<vmem>>, vector<16xi32>,
                %swap3A_574 = arith.constant 64 : index
                %swap3A_575 = tpu.vector_load %arg16[%swap3A_574] {strides = array<i32>} : memref<256xi32, #tpu.memory_space<vmem>>, vector<16xi32>,
                tpu.vector_store %arg16[%swap3A_574], %get3A_573 {strides = array<i32>} : memref<256xi32, #tpu.memory_space<vmem>>, vector<16xi32>,
                %get3A_576 = arith.constant 80 : index
                %get3A_577 = tpu.vector_load %arg15[%get3A_576] {strides = array<i32>} : memref<272xi32, #tpu.memory_space<vmem>>, vector<16xi32>,
                %swap3A_578 = arith.constant 80 : index
                %swap3A_579 = tpu.vector_load %arg16[%swap3A_578] {strides = array<i32>} : memref<256xi32, #tpu.memory_space<vmem>>, vector<16xi32>,
                tpu.vector_store %arg16[%swap3A_578], %get3A_577 {strides = array<i32>} : memref<256xi32, #tpu.memory_space<vmem>>, vector<16xi32>,
                %get3A_580 = arith.constant 96 : index
                %get3A_581 = tpu.vector_load %arg15[%get3A_580] {strides = array<i32>} : memref<272xi32, #tpu.memory_space<vmem>>, vector<16xi32>,
                %swap3A_582 = arith.constant 96 : index
                %swap3A_583 = tpu.vector_load %arg16[%swap3A_582] {strides = array<i32>} : memref<256xi32, #tpu.memory_space<vmem>>, vector<16xi32>,
                tpu.vector_store %arg16[%swap3A_582], %get3A_581 {strides = array<i32>} : memref<256xi32, #tpu.memory_space<vmem>>, vector<16xi32>,
                %get3A_584 = arith.constant 112 : index
                %get3A_585 = tpu.vector_load %arg15[%get3A_584] {strides = array<i32>} : memref<272xi32, #tpu.memory_space<vmem>>, vector<16xi32>,
                %swap3A_586 = arith.constant 112 : index
                %swap3A_587 = tpu.vector_load %arg16[%swap3A_586] {strides = array<i32>} : memref<256xi32, #tpu.memory_space<vmem>>, vector<16xi32>,
                tpu.vector_store %arg16[%swap3A_586], %get3A_585 {strides = array<i32>} : memref<256xi32, #tpu.memory_space<vmem>>, vector<16xi32>,
                %get3A_588 = arith.constant 128 : index
                %get3A_589 = tpu.vector_load %arg15[%get3A_588] {strides = array<i32>} : memref<272xi32, #tpu.memory_space<vmem>>, vector<16xi32>,
                %swap3A_590 = arith.constant 128 : index
                %swap3A_591 = tpu.vector_load %arg16[%swap3A_590] {strides = array<i32>} : memref<256xi32, #tpu.memory_space<vmem>>, vector<16xi32>,
                tpu.vector_store %arg16[%swap3A_590], %get3A_589 {strides = array<i32>} : memref<256xi32, #tpu.memory_space<vmem>>, vector<16xi32>,
                %get3A_592 = arith.constant 144 : index
                %get3A_593 = tpu.vector_load %arg15[%get3A_592] {strides = array<i32>} : memref<272xi32, #tpu.memory_space<vmem>>, vector<16xi32>,
                %swap3A_594 = arith.constant 144 : index
                %swap3A_595 = tpu.vector_load %arg16[%swap3A_594] {strides = array<i32>} : memref<256xi32, #tpu.memory_space<vmem>>, vector<16xi32>,
                tpu.vector_store %arg16[%swap3A_594], %get3A_593 {strides = array<i32>} : memref<256xi32, #tpu.memory_space<vmem>>, vector<16xi32>,
                %get3A_596 = arith.constant 160 : index
                %get3A_597 = tpu.vector_load %arg15[%get3A_596] {strides = array<i32>} : memref<272xi32, #tpu.memory_space<vmem>>, vector<16xi32>,
                %swap3A_598 = arith.constant 160 : index
                %swap3A_599 = tpu.vector_load %arg16[%swap3A_598] {strides = array<i32>} : memref<256xi32, #tpu.memory_space<vmem>>, vector<16xi32>,
                tpu.vector_store %arg16[%swap3A_598], %get3A_597 {strides = array<i32>} : memref<256xi32, #tpu.memory_space<vmem>>, vector<16xi32>,
                %get3A_600 = arith.constant 176 : index
                %get3A_601 = tpu.vector_load %arg15[%get3A_600] {strides = array<i32>} : memref<272xi32, #tpu.memory_space<vmem>>, vector<16xi32>,
                %swap3A_602 = arith.constant 176 : index
                %swap3A_603 = tpu.vector_load %arg16[%swap3A_602] {strides = array<i32>} : memref<256xi32, #tpu.memory_space<vmem>>, vector<16xi32>,
                tpu.vector_store %arg16[%swap3A_602], %get3A_601 {strides = array<i32>} : memref<256xi32, #tpu.memory_space<vmem>>, vector<16xi32>,
                %get3A_604 = arith.constant 192 : index
                %get3A_605 = tpu.vector_load %arg15[%get3A_604] {strides = array<i32>} : memref<272xi32, #tpu.memory_space<vmem>>, vector<16xi32>,
                %swap3A_606 = arith.constant 192 : index
                %swap3A_607 = tpu.vector_load %arg16[%swap3A_606] {strides = array<i32>} : memref<256xi32, #tpu.memory_space<vmem>>, vector<16xi32>,
                tpu.vector_store %arg16[%swap3A_606], %get3A_605 {strides = array<i32>} : memref<256xi32, #tpu.memory_space<vmem>>, vector<16xi32>,
                %get3A_608 = arith.constant 208 : index
                %get3A_609 = tpu.vector_load %arg15[%get3A_608] {strides = array<i32>} : memref<272xi32, #tpu.memory_space<vmem>>, vector<16xi32>,
                %swap3A_610 = arith.constant 208 : index
                %swap3A_611 = tpu.vector_load %arg16[%swap3A_610] {strides = array<i32>} : memref<256xi32, #tpu.memory_space<vmem>>, vector<16xi32>,
                tpu.vector_store %arg16[%swap3A_610], %get3A_609 {strides = array<i32>} : memref<256xi32, #tpu.memory_space<vmem>>, vector<16xi32>,
                %get3A_612 = arith.constant 224 : index
                %get3A_613 = tpu.vector_load %arg15[%get3A_612] {strides = array<i32>} : memref<272xi32, #tpu.memory_space<vmem>>, vector<16xi32>,
                %swap3A_614 = arith.constant 224 : index
                %swap3A_615 = tpu.vector_load %arg16[%swap3A_614] {strides = array<i32>} : memref<256xi32, #tpu.memory_space<vmem>>, vector<16xi32>,
                tpu.vector_store %arg16[%swap3A_614], %get3A_613 {strides = array<i32>} : memref<256xi32, #tpu.memory_space<vmem>>, vector<16xi32>,
                %get3A_616 = arith.constant 240 : index
                %get3A_617 = tpu.vector_load %arg15[%get3A_616] {strides = array<i32>} : memref<272xi32, #tpu.memory_space<vmem>>, vector<16xi32>,
                %swap3A_618 = arith.constant 240 : index
                %swap3A_619 = tpu.vector_load %arg16[%swap3A_618] {strides = array<i32>} : memref<256xi32, #tpu.memory_space<vmem>>, vector<16xi32>,
                tpu.vector_store %arg16[%swap3A_618], %get3A_617 {strides = array<i32>} : memref<256xi32, #tpu.memory_space<vmem>>, vector<16xi32>,
                %dma_start3A_620 = arith.constant 0 : i32
                %dma_start3A_621 = arith.constant 0 : i32
                %dma_start3A_622 = tpu.memref_slice %arg7[%dma_start3A_620, %dma_start3A_621] : memref<16385x128xf32, #tpu.memory_space<hbm>> -> memref<16385x128xf32, #tpu.memory_space<hbm>>
                tpu.enqueue_indirect_dma source(%arg14 : memref<256x128xf32, #tpu.memory_space<vmem>>) target(%dma_start3A_622 : memref<16385x128xf32, #tpu.memory_space<hbm>>) offsets(%arg16 : memref<256xi32, #tpu.memory_space<vmem>>) semaphore(%arg20 : memref<!tpu.dma_semaphore, #tpu.memory_space<semaphore_mem>>)
                %dma_wait3A_623 = arith.constant 0 : i32
                %dma_wait3A_624 = arith.constant 0 : i32
                %dma_wait3A_625 = tpu.memref_slice %arg7[%dma_wait3A_623, %dma_wait3A_624] : memref<16385x128xf32, #tpu.memory_space<hbm>> -> memref<16385x128xf32, #tpu.memory_space<hbm>>
                tpu.wait_indirect_dma semaphore(%arg20 : memref<!tpu.dma_semaphore, #tpu.memory_space<semaphore_mem>>) src(%arg14 : memref<256x128xf32, #tpu.memory_space<vmem>>) dst(%dma_wait3A_625 : memref<16385x128xf32, #tpu.memory_space<hbm>>)
                %mul3A_626 = arith.constant 0 : i32
                %mul3A_627 = arith.muli %mul3A_626, %while3A_487 : i32
                scf.yield %mul3A_627 : i32
              } else {
                scf.yield %while3A_487 : i32
              }
              %sub3A_528 = vector.broadcast %multiple_of3A_446 : i32 to vector<16xi32>
              %sub3A_529 = arith.subi %get3A_491, %sub3A_528 : vector<16xi32>
              %convert_element_type3A_530 = arith.extui %and3A_508 : vector<16xi1> to vector<16xi32>
              %cumsum3A = arith.constant true
              %cumsum3A_531 = vector.broadcast %cumsum3A : i1 to vector<16xi1>
              %cumsum3A_532 = tpu.scan <sum>, %convert_element_type3A_530 masked %cumsum3A_531 : vector<16xi32>, vector<16xi1> -> vector<16xi32>
              %add3A_533 = vector.broadcast %cond3A_527 : i32 to vector<16xi32>
              %add3A_534 = arith.addi %add3A_533, %cumsum3A_532 : vector<16xi32>
              %sub3A_535 = arith.constant 1 : i32
              %sub3A_536 = vector.broadcast %sub3A_535 : i32 to vector<16xi32>
              %sub3A_537 = arith.subi %add3A_534, %sub3A_536 : vector<16xi32>
              %jit3A_538 = arith.constant 264 : i32
              %broadcast_in_dim3A_539 = vector.broadcast %jit3A_538 : i32 to vector<16xi32>
              %select_n3A_540 = arith.select %and3A_508, %sub3A_537, %broadcast_in_dim3A_539 : vector<16xi1>, vector<16xi32>
              %min3A_541 = arith.constant 264 : i32
              %min3A_542 = vector.broadcast %min3A_541 : i32 to vector<16xi32>
              %min3A_543 = arith.minsi %select_n3A_540, %min3A_542 : vector<16xi32>
              tpu.vector_store_idx %arg15[%min3A_543], %get3A_495 : memref<272xi32, #tpu.memory_space<vmem>>[vector<16xi32>], vector<16xi32>,
              tpu.vector_store_idx %arg17[%min3A_543], %sub3A_529 : memref<272xi32, #tpu.memory_space<vmem>>[vector<16xi32>], vector<16xi32>,
              %slice3A = vector.extract_strided_slice %cumsum3A_532 {offsets = [15], sizes = [1], strides = [1]} : vector<16xi32> to vector<1xi32>
              %squeeze3A = vector.extract %slice3A[0] : i32 from vector<1xi32>
              %add3A_544 = arith.addi %cond3A_527, %squeeze3A : i32
              %while3A_545 = arith.constant 0 : i32
              %while3A_546 = arith.constant 0 : i32
              %while3A_547 = arith.subi %squeeze3A, %while3A_546 : i32
              %while3A_548 = arith.addi %while3A_546, %while3A_547 : i32
              %while3A_549 = arith.constant 1 : i32
              %while3A_550 = arith.divsi %while3A_547, %while3A_549 : i32
              %while3A_551 = arith.muli %while3A_550, %while3A_549 : i32
              %while3A_552 = arith.addi %while3A_546, %while3A_551 : i32
              %while3A_553 = arith.constant 1 : i32
              scf.for %while3A_556 = %while3A_546 to %while3A_552 step %while3A_553  : i32 {
                %add3A_557 = arith.addi %cond3A_527, %while3A_556 : i32
                %get3A_558 = arith.index_cast %add3A_557 : i32 to index
                %get3A_559 = tpu.vector_load %arg17[%get3A_558] {strides = array<i32>} : memref<272xi32, #tpu.memory_space<vmem>>, vector<16xi32>,
                %slice3A_560 = vector.extract_strided_slice %get3A_559 {offsets = [0], sizes = [1], strides = [1]} : vector<16xi32> to vector<1xi32>
                %squeeze3A_561 = vector.extract %slice3A_560[0] : i32 from vector<1xi32>
                %broadcast_in_dim3A_562 = vector.broadcast %squeeze3A_561 : i32 to vector<16xi32>
                %broadcast_in_dim3A_563 = vector.broadcast %and3A_448 : i32 to vector<16xi32>
                %add3A_564 = arith.addi %cond3A_527, %while3A_556 : i32
                %broadcast_in_dim3A_565 = vector.broadcast %add3A_564 : i32 to vector<16xi32>
                %gather3A = tpu.vector_load_idx %arg13[%broadcast_in_dim3A_563, %iota3A_213, %broadcast_in_dim3A_562] : memref<2x32x640xf32, #tpu.memory_space<vmem>>[vector<16xi32>, vector<16xi32>, vector<16xi32>], vector<16xf32>,
                %add3A_566 = arith.constant 16 : i32
                %add3A_567 = vector.broadcast %add3A_566 : i32 to vector<16xi32>
                %add3A_568 = arith.addi %iota3A_213, %add3A_567 : vector<16xi32>
                %gather3A_569 = tpu.vector_load_idx %arg13[%broadcast_in_dim3A_563, %add3A_568, %broadcast_in_dim3A_562] : memref<2x32x640xf32, #tpu.memory_space<vmem>>[vector<16xi32>, vector<16xi32>, vector<16xi32>], vector<16xf32>,
                tpu.vector_store_idx %arg14[%broadcast_in_dim3A_565, %iota3A_213], %gather3A : memref<256x128xf32, #tpu.memory_space<vmem>>[vector<16xi32>, vector<16xi32>], vector<16xf32>,
                %add3A_570 = arith.constant 16 : i32
                %add3A_571 = vector.broadcast %add3A_570 : i32 to vector<16xi32>
                %add3A_572 = arith.addi %iota3A_213, %add3A_571 : vector<16xi32>
                tpu.vector_store_idx %arg14[%broadcast_in_dim3A_565, %add3A_572], %gather3A_569 : memref<256x128xf32, #tpu.memory_space<vmem>>[vector<16xi32>, vector<16xi32>], vector<16xf32>,
              }
              %while3A_554 = arith.constant 1 : i32
              scf.for %while3A_556 = %while3A_552 to %while3A_548 step %while3A_554  : i32 {
                %add3A_557 = arith.addi %cond3A_527, %while3A_556 : i32
                %get3A_558 = arith.index_cast %add3A_557 : i32 to index
                %get3A_559 = tpu.vector_load %arg17[%get3A_558] {strides = array<i32>} : memref<272xi32, #tpu.memory_space<vmem>>, vector<16xi32>,
                %slice3A_560 = vector.extract_strided_slice %get3A_559 {offsets = [0], sizes = [1], strides = [1]} : vector<16xi32> to vector<1xi32>
                %squeeze3A_561 = vector.extract %slice3A_560[0] : i32 from vector<1xi32>
                %broadcast_in_dim3A_562 = vector.broadcast %squeeze3A_561 : i32 to vector<16xi32>
                %broadcast_in_dim3A_563 = vector.broadcast %and3A_448 : i32 to vector<16xi32>
                %add3A_564 = arith.addi %cond3A_527, %while3A_556 : i32
                %broadcast_in_dim3A_565 = vector.broadcast %add3A_564 : i32 to vector<16xi32>
                %gather3A = tpu.vector_load_idx %arg13[%broadcast_in_dim3A_563, %iota3A_213, %broadcast_in_dim3A_562] : memref<2x32x640xf32, #tpu.memory_space<vmem>>[vector<16xi32>, vector<16xi32>, vector<16xi32>], vector<16xf32>,
                %add3A_566 = arith.constant 16 : i32
                %add3A_567 = vector.broadcast %add3A_566 : i32 to vector<16xi32>
                %add3A_568 = arith.addi %iota3A_213, %add3A_567 : vector<16xi32>
                %gather3A_569 = tpu.vector_load_idx %arg13[%broadcast_in_dim3A_563, %add3A_568, %broadcast_in_dim3A_562] : memref<2x32x640xf32, #tpu.memory_space<vmem>>[vector<16xi32>, vector<16xi32>, vector<16xi32>], vector<16xf32>,
                tpu.vector_store_idx %arg14[%broadcast_in_dim3A_565, %iota3A_213], %gather3A : memref<256x128xf32, #tpu.memory_space<vmem>>[vector<16xi32>, vector<16xi32>], vector<16xf32>,
                %add3A_570 = arith.constant 16 : i32
                %add3A_571 = vector.broadcast %add3A_570 : i32 to vector<16xi32>
                %add3A_572 = arith.addi %iota3A_213, %add3A_571 : vector<16xi32>
                tpu.vector_store_idx %arg14[%broadcast_in_dim3A_565, %add3A_572], %gather3A_569 : memref<256x128xf32, #tpu.memory_space<vmem>>[vector<16xi32>, vector<16xi32>], vector<16xf32>,
              }
              %add3A_555 = arith.addi %cond3A_527, %squeeze3A : i32
              scf.yield %add3A_555 : i32
            } else {
              scf.yield %while3A_487 : i32
            }
            scf.yield %cond3A_522 : i32
          }
          scf.yield %while3A_485 : i32
        }
        %scan3A_410 = arith.constant 7 : i32
        scf.yield %scan3A_409 : i32
      } else {
        %scan3A_405 = arith.constant 0 : i32
        %scan3A_406 = arith.constant 7 : i32
        %scan3A_407 = arith.addi %scan3A_405, %scan3A_406 : i32
        %scan3A_408 = arith.constant 1 : i32
        %scan3A_409 = scf.for %scan3A_411 = %scan3A_405 to %scan3A_407 step %scan3A_408 iter_args(%scan3A_412 = %scan3A_383) -> (i32)  : i32 {
          %mul3A_413 = arith.constant 7 : i32
          %mul3A_414 = arith.muli %scan3A_382, %mul3A_413 : i32
          %add3A_415 = arith.addi %mul3A_414, %scan3A_411 : i32
          %add3A_416 = arith.constant 1 : i32
          %add3A_417 = arith.addi %add3A_415, %add3A_416 : i32
          %lt3A = arith.constant 49 : i32
          %lt3A_418 = arith.cmpi slt, %add3A_417, %lt3A : i32
          %convert_element_type3A_419 = arith.extui %lt3A_418 : i1 to i32
          %cond3A_420 = arith.constant 0 : i32
          %cond3A_421 = arith.cmpi ne, %convert_element_type3A_419, %cond3A_420 : i32
          scf.if %cond3A_421 {
            %add3A_486 = arith.constant 1 : i32
            %add3A_487 = arith.addi %scan3A_411, %add3A_486 : i32
            %lt3A_488 = arith.constant 7 : i32
            %lt3A_489 = arith.cmpi slt, %add3A_487, %lt3A_488 : i32
            %add3A_490 = arith.constant 1 : i32
            %add3A_491 = arith.addi %scan3A_382, %add3A_490 : i32
            %select_n3A_492 = arith.select %lt3A_489, %scan3A_382, %add3A_491 : i32
            %add3A_493 = arith.constant 1 : i32
            %add3A_494 = arith.addi %scan3A_411, %add3A_493 : i32
            %lt3A_495 = arith.constant 7 : i32
            %lt3A_496 = arith.cmpi slt, %add3A_494, %lt3A_495 : i32
            %add3A_497 = arith.constant 1 : i32
            %add3A_498 = arith.addi %scan3A_411, %add3A_497 : i32
            %jit3A_499 = arith.constant 0 : i32
            %select_n3A_500 = arith.select %lt3A_496, %add3A_498, %jit3A_499 : i32
            %mul3A_501 = arith.constant 4480 : i32
            %mul3A_502 = arith.muli %select_n3A_492, %mul3A_501 : i32
            %add3A_503 = arith.addi %multiple_of3A, %mul3A_502 : i32
            %sub3A_504 = arith.constant 4480 : i32
            %sub3A_505 = arith.subi %multiple_of3A_51, %sub3A_504 : i32
            %min3A_506 = arith.minsi %add3A_503, %sub3A_505 : i32
            %multiple_of3A_507 = tpu.assume_multiple %min3A_506, 128 : i32
            %mul3A_508 = arith.constant 640 : i32
            %mul3A_509 = arith.muli %select_n3A_500, %mul3A_508 : i32
            %add3A_510 = arith.addi %multiple_of3A_507, %mul3A_509 : i32
            %multiple_of3A_511 = tpu.assume_multiple %add3A_510, 128 : i32
            %mul3A_512 = arith.constant 7 : i32
            %mul3A_513 = arith.muli %select_n3A_492, %mul3A_512 : i32
            %add3A_514 = arith.addi %mul3A_513, %select_n3A_500 : i32
            %and3A_515 = arith.constant 1 : i32
            %and3A_516 = arith.andi %add3A_514, %and3A_515 : i32
            %dma_start3A_517 = arith.constant 0 : i32
            %dma_start3A_518 = arith.constant 0 : i32
            %dma_start3A_519 = tpu.memref_slice %arg13[%and3A_516, %dma_start3A_517, %dma_start3A_518] : memref<2x32x640xf32, #tpu.memory_space<vmem>> -> memref<1x32x640xf32, #tpu.memory_space<vmem>>
            %dma_start3A_520 = tpu.memref_squeeze %dma_start3A_519 : memref<1x32x640xf32, #tpu.memory_space<vmem>> -> memref<32x640xf32, #tpu.memory_space<vmem>>
            %dma_start3A_521 = arith.constant 0 : i32
            %dma_start3A_522 = tpu.memref_slice %arg5[%dma_start3A_521, %multiple_of3A_511] : memref<32x1000000xf32, #tpu.memory_space<hbm>> -> memref<32x640xf32, #tpu.memory_space<hbm>>
            %dma_start3A_523 = arith.constant 0 : i32
            %dma_start3A_524 = arith.constant 0 : i32
            %dma_start3A_525 = tpu.memref_slice %arg13[%and3A_516, %dma_start3A_523, %dma_start3A_524] : memref<2x32x640xf32, #tpu.memory_space<vmem>> -> memref<1x32x640xf32, #tpu.memory_space<vmem>>
            %dma_start3A_526 = tpu.memref_squeeze %dma_start3A_525 : memref<1x32x640xf32, #tpu.memory_space<vmem>> -> memref<32x640xf32, #tpu.memory_space<vmem>>
            %dma_start3A_527 = arith.constant 0 : i32
            %dma_start3A_528 = tpu.memref_slice %arg5[%dma_start3A_527, %multiple_of3A_511] : memref<32x1000000xf32, #tpu.memory_space<hbm>> -> memref<32x640xf32, #tpu.memory_space<hbm>>
            tpu.enqueue_dma source(%dma_start3A_528 : memref<32x640xf32, #tpu.memory_space<hbm>>) target(%dma_start3A_526 : memref<32x640xf32, #tpu.memory_space<vmem>>) target_semaphore(%arg19 : memref<!tpu.dma_semaphore, #tpu.memory_space<semaphore_mem>>)
          } else {
          }
          %mul3A_422 = arith.constant 640 : i32
          %mul3A_423 = arith.muli %scan3A_411, %mul3A_422 : i32
          %add3A_424 = arith.addi %multiple_of3A_390, %mul3A_423 : i32
          %multiple_of3A_425 = tpu.assume_multiple %add3A_424, 128 : i32
          %mul3A_426 = arith.constant 7 : i32
          %mul3A_427 = arith.muli %scan3A_382, %mul3A_426 : i32
          %add3A_428 = arith.addi %mul3A_427, %scan3A_411 : i32
          %and3A_429 = arith.constant 1 : i32
          %and3A_430 = arith.andi %add3A_428, %and3A_429 : i32
          %dma_wait3A_431 = arith.constant 0 : i32
          %dma_wait3A_432 = arith.constant 0 : i32
          %dma_wait3A_433 = tpu.memref_slice %arg13[%and3A_430, %dma_wait3A_431, %dma_wait3A_432] : memref<2x32x640xf32, #tpu.memory_space<vmem>> -> memref<1x32x640xf32, #tpu.memory_space<vmem>>
          %dma_wait3A_434 = tpu.memref_squeeze %dma_wait3A_433 : memref<1x32x640xf32, #tpu.memory_space<vmem>> -> memref<32x640xf32, #tpu.memory_space<vmem>>
          %dma_wait3A_435 = arith.constant 0 : i32
          %dma_wait3A_436 = tpu.memref_slice %arg5[%dma_wait3A_435, %multiple_of3A_425] : memref<32x1000000xf32, #tpu.memory_space<hbm>> -> memref<32x640xf32, #tpu.memory_space<hbm>>
          %dma_wait3A_437 = arith.constant 0 : i32
          %dma_wait3A_438 = arith.constant 0 : i32
          %dma_wait3A_439 = tpu.memref_slice %arg13[%and3A_430, %dma_wait3A_437, %dma_wait3A_438] : memref<2x32x640xf32, #tpu.memory_space<vmem>> -> memref<1x32x640xf32, #tpu.memory_space<vmem>>
          %dma_wait3A_440 = tpu.memref_squeeze %dma_wait3A_439 : memref<1x32x640xf32, #tpu.memory_space<vmem>> -> memref<32x640xf32, #tpu.memory_space<vmem>>
          %dma_wait3A_441 = arith.constant 0 : i32
          %dma_wait3A_442 = tpu.memref_slice %arg5[%dma_wait3A_441, %multiple_of3A_425] : memref<32x1000000xf32, #tpu.memory_space<hbm>> -> memref<32x640xf32, #tpu.memory_space<hbm>>
          tpu.wait_dma2 semaphore(%arg19 : memref<!tpu.dma_semaphore, #tpu.memory_space<semaphore_mem>>) src(%dma_wait3A_442 : memref<32x640xf32, #tpu.memory_space<hbm>>) dst(%dma_wait3A_440 : memref<32x640xf32, #tpu.memory_space<vmem>>)
          %mul3A_443 = arith.constant 640 : i32
          %mul3A_444 = arith.muli %scan3A_411, %mul3A_443 : i32
          %add3A_445 = arith.addi %multiple_of3A_390, %mul3A_444 : i32
          %multiple_of3A_446 = tpu.assume_multiple %add3A_445, 128 : i32
          %and3A_447 = arith.constant 1 : i32
          %and3A_448 = arith.andi %add3A_415, %and3A_447 : i32
          %add3A_449 = arith.constant 15 : i32
          %add3A_450 = arith.addi %scan3A_219, %add3A_449 : i32
          %jit3A_451 = arith.constant 16 : i32
          %div3A_452 = arith.divsi %add3A_450, %jit3A_451 : i32
          %sign3A_453 = arith.constant 0 : i32
          %sign3A_454 = arith.cmpi sgt, %add3A_450, %sign3A_453 : i32
          %sign3A_455 = arith.extui %sign3A_454 : i1 to i32
          %sign3A_456 = arith.constant 0 : i32
          %sign3A_457 = arith.cmpi slt, %add3A_450, %sign3A_456 : i32
          %sign3A_458 = arith.extui %sign3A_457 : i1 to i32
          %sign3A_459 = arith.subi %sign3A_455, %sign3A_458 : i32
          %sign3A_460 = arith.constant 0 : i32
          %sign3A_461 = arith.cmpi sgt, %jit3A_451, %sign3A_460 : i32
          %sign3A_462 = arith.extui %sign3A_461 : i1 to i32
          %sign3A_463 = arith.constant 0 : i32
          %sign3A_464 = arith.cmpi slt, %jit3A_451, %sign3A_463 : i32
          %sign3A_465 = arith.extui %sign3A_464 : i1 to i32
          %sign3A_466 = arith.subi %sign3A_462, %sign3A_465 : i32
          %ne3A_467 = arith.cmpi ne, %sign3A_459, %sign3A_466 : i32
          %rem3A_468 = arith.remsi %add3A_450, %jit3A_451 : i32
          %ne3A_469 = arith.constant 0 : i32
          %ne3A_470 = arith.cmpi ne, %rem3A_468, %ne3A_469 : i32
          %and3A_471 = arith.andi %ne3A_467, %ne3A_470 : i1
          %sub3A_472 = arith.constant 1 : i32
          %sub3A_473 = arith.subi %div3A_452, %sub3A_472 : i32
          %select_n3A_474 = arith.select %and3A_471, %sub3A_473, %div3A_452 : i32
          %while3A_475 = arith.constant 0 : i32
          %while3A_476 = arith.subi %select_n3A_474, %while3A_475 : i32
          %while3A_477 = arith.addi %while3A_475, %while3A_476 : i32
          %while3A_478 = arith.constant 1 : i32
          %while3A_479 = arith.divsi %while3A_476, %while3A_478 : i32
          %while3A_480 = arith.muli %while3A_479, %while3A_478 : i32
          %while3A_481 = arith.addi %while3A_475, %while3A_480 : i32
          %while3A_482 = arith.constant 1 : i32
          %while3A_483 = scf.for %while3A_486 = %while3A_475 to %while3A_481 step %while3A_482 iter_args(%while3A_487 = %scan3A_412) -> (i32)  : i32 {
            %mul3A_488 = arith.constant 16 : i32
            %mul3A_489 = arith.muli %while3A_486, %mul3A_488 : i32
            %get3A_490 = arith.index_cast %mul3A_489 : i32 to index
            %get3A_491 = tpu.vector_load %arg9[%get3A_490] {strides = array<i32>} : memref<16400xi32, #tpu.memory_space<vmem>>, vector<16xi32>,
            %mul3A_492 = arith.constant 16 : i32
            %mul3A_493 = arith.muli %while3A_486, %mul3A_492 : i32
            %get3A_494 = arith.index_cast %mul3A_493 : i32 to index
            %get3A_495 = tpu.vector_load %arg10[%get3A_494] {strides = array<i32>} : memref<16400xi32, #tpu.memory_space<vmem>>, vector<16xi32>,
            %ge3A = vector.broadcast %multiple_of3A_446 : i32 to vector<16xi32>
            %ge3A_496 = arith.cmpi sge, %get3A_491, %ge3A : vector<16xi32>
            %add3A_497 = arith.constant 640 : i32
            %add3A_498 = arith.addi %multiple_of3A_446, %add3A_497 : i32
            %lt3A_499 = vector.broadcast %add3A_498 : i32 to vector<16xi32>
            %lt3A_500 = arith.cmpi slt, %get3A_491, %lt3A_499 : vector<16xi32>
            %and3A_501 = arith.andi %ge3A_496, %lt3A_500 : vector<16xi1>
            %mul3A_502 = arith.constant 16 : i32
            %mul3A_503 = arith.muli %while3A_486, %mul3A_502 : i32
            %add3A_504 = vector.broadcast %mul3A_503 : i32 to vector<16xi32>
            %add3A_505 = arith.addi %iota3A_213, %add3A_504 : vector<16xi32>
            %lt3A_506 = vector.broadcast %scan3A_219 : i32 to vector<16xi32>
            %lt3A_507 = arith.cmpi slt, %add3A_505, %lt3A_506 : vector<16xi32>
            %and3A_508 = arith.andi %and3A_501, %lt3A_507 : vector<16xi1>
            %reduce_or3A = arith.constant 1.000000e+00 : f32
            %reduce_or3A_509 = arith.constant 0.000000e+00 : f32
            %reduce_or3A_510 = vector.broadcast %reduce_or3A : f32 to vector<16xf32>
            %reduce_or3A_511 = vector.broadcast %reduce_or3A_509 : f32 to vector<16xf32>
            %reduce_or3A_512 = arith.select %and3A_508, %reduce_or3A_510, %reduce_or3A_511 : vector<16xi1>, vector<16xf32>
            %reduce_or3A_513 = arith.constant true
            %reduce_or3A_514 = vector.broadcast %reduce_or3A_513 : i1 to vector<16xi1>
            %reduce_or3A_515 = tpu.scan <max>, %reduce_or3A_512 masked %reduce_or3A_514 : vector<16xf32>, vector<16xi1> -> vector<16xf32>
            %reduce_or3A_516 = vector.extract %reduce_or3A_515[15] : f32 from vector<16xf32>
            %reduce_or3A_517 = arith.constant 0.000000e+00 : f32
            %reduce_or3A_518 = arith.cmpf ogt, %reduce_or3A_516, %reduce_or3A_517 : f32
            %convert_element_type3A_519 = arith.extui %reduce_or3A_518 : i1 to i32
            %cond3A_520 = arith.constant 0 : i32
            %cond3A_521 = arith.cmpi ne, %convert_element_type3A_519, %cond3A_520 : i32
            %cond3A_522 = scf.if %cond3A_521 -> (i32) {
              %gt3A = arith.constant 240 : i32
              %gt3A_523 = arith.cmpi sgt, %while3A_487, %gt3A : i32
              %convert_element_type3A_524 = arith.extui %gt3A_523 : i1 to i32
              %cond3A_525 = arith.constant 0 : i32
              %cond3A_526 = arith.cmpi ne, %convert_element_type3A_524, %cond3A_525 : i32
              %cond3A_527 = scf.if %cond3A_526 -> (i32) {
                %get3A_556 = arith.constant 0 : index
                %get3A_557 = tpu.vector_load %arg15[%get3A_556] {strides = array<i32>} : memref<272xi32, #tpu.memory_space<vmem>>, vector<16xi32>,
                %swap3A_558 = arith.constant 0 : index
                %swap3A_559 = tpu.vector_load %arg16[%swap3A_558] {strides = array<i32>} : memref<256xi32, #tpu.memory_space<vmem>>, vector<16xi32>,
                tpu.vector_store %arg16[%swap3A_558], %get3A_557 {strides = array<i32>} : memref<256xi32, #tpu.memory_space<vmem>>, vector<16xi32>,
                %get3A_560 = arith.constant 16 : index
                %get3A_561 = tpu.vector_load %arg15[%get3A_560] {strides = array<i32>} : memref<272xi32, #tpu.memory_space<vmem>>, vector<16xi32>,
                %swap3A_562 = arith.constant 16 : index
                %swap3A_563 = tpu.vector_load %arg16[%swap3A_562] {strides = array<i32>} : memref<256xi32, #tpu.memory_space<vmem>>, vector<16xi32>,
                tpu.vector_store %arg16[%swap3A_562], %get3A_561 {strides = array<i32>} : memref<256xi32, #tpu.memory_space<vmem>>, vector<16xi32>,
                %get3A_564 = arith.constant 32 : index
                %get3A_565 = tpu.vector_load %arg15[%get3A_564] {strides = array<i32>} : memref<272xi32, #tpu.memory_space<vmem>>, vector<16xi32>,
                %swap3A_566 = arith.constant 32 : index
                %swap3A_567 = tpu.vector_load %arg16[%swap3A_566] {strides = array<i32>} : memref<256xi32, #tpu.memory_space<vmem>>, vector<16xi32>,
                tpu.vector_store %arg16[%swap3A_566], %get3A_565 {strides = array<i32>} : memref<256xi32, #tpu.memory_space<vmem>>, vector<16xi32>,
                %get3A_568 = arith.constant 48 : index
                %get3A_569 = tpu.vector_load %arg15[%get3A_568] {strides = array<i32>} : memref<272xi32, #tpu.memory_space<vmem>>, vector<16xi32>,
                %swap3A_570 = arith.constant 48 : index
                %swap3A_571 = tpu.vector_load %arg16[%swap3A_570] {strides = array<i32>} : memref<256xi32, #tpu.memory_space<vmem>>, vector<16xi32>,
                tpu.vector_store %arg16[%swap3A_570], %get3A_569 {strides = array<i32>} : memref<256xi32, #tpu.memory_space<vmem>>, vector<16xi32>,
                %get3A_572 = arith.constant 64 : index
                %get3A_573 = tpu.vector_load %arg15[%get3A_572] {strides = array<i32>} : memref<272xi32, #tpu.memory_space<vmem>>, vector<16xi32>,
                %swap3A_574 = arith.constant 64 : index
                %swap3A_575 = tpu.vector_load %arg16[%swap3A_574] {strides = array<i32>} : memref<256xi32, #tpu.memory_space<vmem>>, vector<16xi32>,
                tpu.vector_store %arg16[%swap3A_574], %get3A_573 {strides = array<i32>} : memref<256xi32, #tpu.memory_space<vmem>>, vector<16xi32>,
                %get3A_576 = arith.constant 80 : index
                %get3A_577 = tpu.vector_load %arg15[%get3A_576] {strides = array<i32>} : memref<272xi32, #tpu.memory_space<vmem>>, vector<16xi32>,
                %swap3A_578 = arith.constant 80 : index
                %swap3A_579 = tpu.vector_load %arg16[%swap3A_578] {strides = array<i32>} : memref<256xi32, #tpu.memory_space<vmem>>, vector<16xi32>,
                tpu.vector_store %arg16[%swap3A_578], %get3A_577 {strides = array<i32>} : memref<256xi32, #tpu.memory_space<vmem>>, vector<16xi32>,
                %get3A_580 = arith.constant 96 : index
                %get3A_581 = tpu.vector_load %arg15[%get3A_580] {strides = array<i32>} : memref<272xi32, #tpu.memory_space<vmem>>, vector<16xi32>,
                %swap3A_582 = arith.constant 96 : index
                %swap3A_583 = tpu.vector_load %arg16[%swap3A_582] {strides = array<i32>} : memref<256xi32, #tpu.memory_space<vmem>>, vector<16xi32>,
                tpu.vector_store %arg16[%swap3A_582], %get3A_581 {strides = array<i32>} : memref<256xi32, #tpu.memory_space<vmem>>, vector<16xi32>,
                %get3A_584 = arith.constant 112 : index
                %get3A_585 = tpu.vector_load %arg15[%get3A_584] {strides = array<i32>} : memref<272xi32, #tpu.memory_space<vmem>>, vector<16xi32>,
                %swap3A_586 = arith.constant 112 : index
                %swap3A_587 = tpu.vector_load %arg16[%swap3A_586] {strides = array<i32>} : memref<256xi32, #tpu.memory_space<vmem>>, vector<16xi32>,
                tpu.vector_store %arg16[%swap3A_586], %get3A_585 {strides = array<i32>} : memref<256xi32, #tpu.memory_space<vmem>>, vector<16xi32>,
                %get3A_588 = arith.constant 128 : index
                %get3A_589 = tpu.vector_load %arg15[%get3A_588] {strides = array<i32>} : memref<272xi32, #tpu.memory_space<vmem>>, vector<16xi32>,
                %swap3A_590 = arith.constant 128 : index
                %swap3A_591 = tpu.vector_load %arg16[%swap3A_590] {strides = array<i32>} : memref<256xi32, #tpu.memory_space<vmem>>, vector<16xi32>,
                tpu.vector_store %arg16[%swap3A_590], %get3A_589 {strides = array<i32>} : memref<256xi32, #tpu.memory_space<vmem>>, vector<16xi32>,
                %get3A_592 = arith.constant 144 : index
                %get3A_593 = tpu.vector_load %arg15[%get3A_592] {strides = array<i32>} : memref<272xi32, #tpu.memory_space<vmem>>, vector<16xi32>,
                %swap3A_594 = arith.constant 144 : index
                %swap3A_595 = tpu.vector_load %arg16[%swap3A_594] {strides = array<i32>} : memref<256xi32, #tpu.memory_space<vmem>>, vector<16xi32>,
                tpu.vector_store %arg16[%swap3A_594], %get3A_593 {strides = array<i32>} : memref<256xi32, #tpu.memory_space<vmem>>, vector<16xi32>,
                %get3A_596 = arith.constant 160 : index
                %get3A_597 = tpu.vector_load %arg15[%get3A_596] {strides = array<i32>} : memref<272xi32, #tpu.memory_space<vmem>>, vector<16xi32>,
                %swap3A_598 = arith.constant 160 : index
                %swap3A_599 = tpu.vector_load %arg16[%swap3A_598] {strides = array<i32>} : memref<256xi32, #tpu.memory_space<vmem>>, vector<16xi32>,
                tpu.vector_store %arg16[%swap3A_598], %get3A_597 {strides = array<i32>} : memref<256xi32, #tpu.memory_space<vmem>>, vector<16xi32>,
                %get3A_600 = arith.constant 176 : index
                %get3A_601 = tpu.vector_load %arg15[%get3A_600] {strides = array<i32>} : memref<272xi32, #tpu.memory_space<vmem>>, vector<16xi32>,
                %swap3A_602 = arith.constant 176 : index
                %swap3A_603 = tpu.vector_load %arg16[%swap3A_602] {strides = array<i32>} : memref<256xi32, #tpu.memory_space<vmem>>, vector<16xi32>,
                tpu.vector_store %arg16[%swap3A_602], %get3A_601 {strides = array<i32>} : memref<256xi32, #tpu.memory_space<vmem>>, vector<16xi32>,
                %get3A_604 = arith.constant 192 : index
                %get3A_605 = tpu.vector_load %arg15[%get3A_604] {strides = array<i32>} : memref<272xi32, #tpu.memory_space<vmem>>, vector<16xi32>,
                %swap3A_606 = arith.constant 192 : index
                %swap3A_607 = tpu.vector_load %arg16[%swap3A_606] {strides = array<i32>} : memref<256xi32, #tpu.memory_space<vmem>>, vector<16xi32>,
                tpu.vector_store %arg16[%swap3A_606], %get3A_605 {strides = array<i32>} : memref<256xi32, #tpu.memory_space<vmem>>, vector<16xi32>,
                %get3A_608 = arith.constant 208 : index
                %get3A_609 = tpu.vector_load %arg15[%get3A_608] {strides = array<i32>} : memref<272xi32, #tpu.memory_space<vmem>>, vector<16xi32>,
                %swap3A_610 = arith.constant 208 : index
                %swap3A_611 = tpu.vector_load %arg16[%swap3A_610] {strides = array<i32>} : memref<256xi32, #tpu.memory_space<vmem>>, vector<16xi32>,
                tpu.vector_store %arg16[%swap3A_610], %get3A_609 {strides = array<i32>} : memref<256xi32, #tpu.memory_space<vmem>>, vector<16xi32>,
                %get3A_612 = arith.constant 224 : index
                %get3A_613 = tpu.vector_load %arg15[%get3A_612] {strides = array<i32>} : memref<272xi32, #tpu.memory_space<vmem>>, vector<16xi32>,
                %swap3A_614 = arith.constant 224 : index
                %swap3A_615 = tpu.vector_load %arg16[%swap3A_614] {strides = array<i32>} : memref<256xi32, #tpu.memory_space<vmem>>, vector<16xi32>,
                tpu.vector_store %arg16[%swap3A_614], %get3A_613 {strides = array<i32>} : memref<256xi32, #tpu.memory_space<vmem>>, vector<16xi32>,
                %get3A_616 = arith.constant 240 : index
                %get3A_617 = tpu.vector_load %arg15[%get3A_616] {strides = array<i32>} : memref<272xi32, #tpu.memory_space<vmem>>, vector<16xi32>,
                %swap3A_618 = arith.constant 240 : index
                %swap3A_619 = tpu.vector_load %arg16[%swap3A_618] {strides = array<i32>} : memref<256xi32, #tpu.memory_space<vmem>>, vector<16xi32>,
                tpu.vector_store %arg16[%swap3A_618], %get3A_617 {strides = array<i32>} : memref<256xi32, #tpu.memory_space<vmem>>, vector<16xi32>,
                %dma_start3A_620 = arith.constant 0 : i32
                %dma_start3A_621 = arith.constant 0 : i32
                %dma_start3A_622 = tpu.memref_slice %arg7[%dma_start3A_620, %dma_start3A_621] : memref<16385x128xf32, #tpu.memory_space<hbm>> -> memref<16385x128xf32, #tpu.memory_space<hbm>>
                tpu.enqueue_indirect_dma source(%arg14 : memref<256x128xf32, #tpu.memory_space<vmem>>) target(%dma_start3A_622 : memref<16385x128xf32, #tpu.memory_space<hbm>>) offsets(%arg16 : memref<256xi32, #tpu.memory_space<vmem>>) semaphore(%arg20 : memref<!tpu.dma_semaphore, #tpu.memory_space<semaphore_mem>>)
                %dma_wait3A_623 = arith.constant 0 : i32
                %dma_wait3A_624 = arith.constant 0 : i32
                %dma_wait3A_625 = tpu.memref_slice %arg7[%dma_wait3A_623, %dma_wait3A_624] : memref<16385x128xf32, #tpu.memory_space<hbm>> -> memref<16385x128xf32, #tpu.memory_space<hbm>>
                tpu.wait_indirect_dma semaphore(%arg20 : memref<!tpu.dma_semaphore, #tpu.memory_space<semaphore_mem>>) src(%arg14 : memref<256x128xf32, #tpu.memory_space<vmem>>) dst(%dma_wait3A_625 : memref<16385x128xf32, #tpu.memory_space<hbm>>)
                %mul3A_626 = arith.constant 0 : i32
                %mul3A_627 = arith.muli %mul3A_626, %while3A_487 : i32
                scf.yield %mul3A_627 : i32
              } else {
                scf.yield %while3A_487 : i32
              }
              %sub3A_528 = vector.broadcast %multiple_of3A_446 : i32 to vector<16xi32>
              %sub3A_529 = arith.subi %get3A_491, %sub3A_528 : vector<16xi32>
              %convert_element_type3A_530 = arith.extui %and3A_508 : vector<16xi1> to vector<16xi32>
              %cumsum3A = arith.constant true
              %cumsum3A_531 = vector.broadcast %cumsum3A : i1 to vector<16xi1>
              %cumsum3A_532 = tpu.scan <sum>, %convert_element_type3A_530 masked %cumsum3A_531 : vector<16xi32>, vector<16xi1> -> vector<16xi32>
              %add3A_533 = vector.broadcast %cond3A_527 : i32 to vector<16xi32>
              %add3A_534 = arith.addi %add3A_533, %cumsum3A_532 : vector<16xi32>
              %sub3A_535 = arith.constant 1 : i32
              %sub3A_536 = vector.broadcast %sub3A_535 : i32 to vector<16xi32>
              %sub3A_537 = arith.subi %add3A_534, %sub3A_536 : vector<16xi32>
              %jit3A_538 = arith.constant 264 : i32
              %broadcast_in_dim3A_539 = vector.broadcast %jit3A_538 : i32 to vector<16xi32>
              %select_n3A_540 = arith.select %and3A_508, %sub3A_537, %broadcast_in_dim3A_539 : vector<16xi1>, vector<16xi32>
              %min3A_541 = arith.constant 264 : i32
              %min3A_542 = vector.broadcast %min3A_541 : i32 to vector<16xi32>
              %min3A_543 = arith.minsi %select_n3A_540, %min3A_542 : vector<16xi32>
              tpu.vector_store_idx %arg15[%min3A_543], %get3A_495 : memref<272xi32, #tpu.memory_space<vmem>>[vector<16xi32>], vector<16xi32>,
              tpu.vector_store_idx %arg17[%min3A_543], %sub3A_529 : memref<272xi32, #tpu.memory_space<vmem>>[vector<16xi32>], vector<16xi32>,
              %slice3A = vector.extract_strided_slice %cumsum3A_532 {offsets = [15], sizes = [1], strides = [1]} : vector<16xi32> to vector<1xi32>
              %squeeze3A = vector.extract %slice3A[0] : i32 from vector<1xi32>
              %add3A_544 = arith.addi %cond3A_527, %squeeze3A : i32
              %while3A_545 = arith.constant 0 : i32
              %while3A_546 = arith.constant 0 : i32
              %while3A_547 = arith.subi %squeeze3A, %while3A_546 : i32
              %while3A_548 = arith.addi %while3A_546, %while3A_547 : i32
              %while3A_549 = arith.constant 1 : i32
              %while3A_550 = arith.divsi %while3A_547, %while3A_549 : i32
              %while3A_551 = arith.muli %while3A_550, %while3A_549 : i32
              %while3A_552 = arith.addi %while3A_546, %while3A_551 : i32
              %while3A_553 = arith.constant 1 : i32
              scf.for %while3A_556 = %while3A_546 to %while3A_552 step %while3A_553  : i32 {
                %add3A_557 = arith.addi %cond3A_527, %while3A_556 : i32
                %get3A_558 = arith.index_cast %add3A_557 : i32 to index
                %get3A_559 = tpu.vector_load %arg17[%get3A_558] {strides = array<i32>} : memref<272xi32, #tpu.memory_space<vmem>>, vector<16xi32>,
                %slice3A_560 = vector.extract_strided_slice %get3A_559 {offsets = [0], sizes = [1], strides = [1]} : vector<16xi32> to vector<1xi32>
                %squeeze3A_561 = vector.extract %slice3A_560[0] : i32 from vector<1xi32>
                %broadcast_in_dim3A_562 = vector.broadcast %squeeze3A_561 : i32 to vector<16xi32>
                %broadcast_in_dim3A_563 = vector.broadcast %and3A_448 : i32 to vector<16xi32>
                %add3A_564 = arith.addi %cond3A_527, %while3A_556 : i32
                %broadcast_in_dim3A_565 = vector.broadcast %add3A_564 : i32 to vector<16xi32>
                %gather3A = tpu.vector_load_idx %arg13[%broadcast_in_dim3A_563, %iota3A_213, %broadcast_in_dim3A_562] : memref<2x32x640xf32, #tpu.memory_space<vmem>>[vector<16xi32>, vector<16xi32>, vector<16xi32>], vector<16xf32>,
                %add3A_566 = arith.constant 16 : i32
                %add3A_567 = vector.broadcast %add3A_566 : i32 to vector<16xi32>
                %add3A_568 = arith.addi %iota3A_213, %add3A_567 : vector<16xi32>
                %gather3A_569 = tpu.vector_load_idx %arg13[%broadcast_in_dim3A_563, %add3A_568, %broadcast_in_dim3A_562] : memref<2x32x640xf32, #tpu.memory_space<vmem>>[vector<16xi32>, vector<16xi32>, vector<16xi32>], vector<16xf32>,
                tpu.vector_store_idx %arg14[%broadcast_in_dim3A_565, %iota3A_213], %gather3A : memref<256x128xf32, #tpu.memory_space<vmem>>[vector<16xi32>, vector<16xi32>], vector<16xf32>,
                %add3A_570 = arith.constant 16 : i32
                %add3A_571 = vector.broadcast %add3A_570 : i32 to vector<16xi32>
                %add3A_572 = arith.addi %iota3A_213, %add3A_571 : vector<16xi32>
                tpu.vector_store_idx %arg14[%broadcast_in_dim3A_565, %add3A_572], %gather3A_569 : memref<256x128xf32, #tpu.memory_space<vmem>>[vector<16xi32>, vector<16xi32>], vector<16xf32>,
              }
              %while3A_554 = arith.constant 1 : i32
              scf.for %while3A_556 = %while3A_552 to %while3A_548 step %while3A_554  : i32 {
                %add3A_557 = arith.addi %cond3A_527, %while3A_556 : i32
                %get3A_558 = arith.index_cast %add3A_557 : i32 to index
                %get3A_559 = tpu.vector_load %arg17[%get3A_558] {strides = array<i32>} : memref<272xi32, #tpu.memory_space<vmem>>, vector<16xi32>,
                %slice3A_560 = vector.extract_strided_slice %get3A_559 {offsets = [0], sizes = [1], strides = [1]} : vector<16xi32> to vector<1xi32>
                %squeeze3A_561 = vector.extract %slice3A_560[0] : i32 from vector<1xi32>
                %broadcast_in_dim3A_562 = vector.broadcast %squeeze3A_561 : i32 to vector<16xi32>
                %broadcast_in_dim3A_563 = vector.broadcast %and3A_448 : i32 to vector<16xi32>
                %add3A_564 = arith.addi %cond3A_527, %while3A_556 : i32
                %broadcast_in_dim3A_565 = vector.broadcast %add3A_564 : i32 to vector<16xi32>
                %gather3A = tpu.vector_load_idx %arg13[%broadcast_in_dim3A_563, %iota3A_213, %broadcast_in_dim3A_562] : memref<2x32x640xf32, #tpu.memory_space<vmem>>[vector<16xi32>, vector<16xi32>, vector<16xi32>], vector<16xf32>,
                %add3A_566 = arith.constant 16 : i32
                %add3A_567 = vector.broadcast %add3A_566 : i32 to vector<16xi32>
                %add3A_568 = arith.addi %iota3A_213, %add3A_567 : vector<16xi32>
                %gather3A_569 = tpu.vector_load_idx %arg13[%broadcast_in_dim3A_563, %add3A_568, %broadcast_in_dim3A_562] : memref<2x32x640xf32, #tpu.memory_space<vmem>>[vector<16xi32>, vector<16xi32>, vector<16xi32>], vector<16xf32>,
                tpu.vector_store_idx %arg14[%broadcast_in_dim3A_565, %iota3A_213], %gather3A : memref<256x128xf32, #tpu.memory_space<vmem>>[vector<16xi32>, vector<16xi32>], vector<16xf32>,
                %add3A_570 = arith.constant 16 : i32
                %add3A_571 = vector.broadcast %add3A_570 : i32 to vector<16xi32>
                %add3A_572 = arith.addi %iota3A_213, %add3A_571 : vector<16xi32>
                tpu.vector_store_idx %arg14[%broadcast_in_dim3A_565, %add3A_572], %gather3A_569 : memref<256x128xf32, #tpu.memory_space<vmem>>[vector<16xi32>, vector<16xi32>], vector<16xf32>,
              }
              %add3A_555 = arith.addi %cond3A_527, %squeeze3A : i32
              scf.yield %add3A_555 : i32
            } else {
              scf.yield %while3A_487 : i32
            }
            scf.yield %cond3A_522 : i32
          }
          %while3A_484 = arith.constant 1 : i32
          %while3A_485 = scf.for %while3A_486 = %while3A_481 to %while3A_477 step %while3A_484 iter_args(%while3A_487 = %while3A_483) -> (i32)  : i32 {
            %mul3A_488 = arith.constant 16 : i32
            %mul3A_489 = arith.muli %while3A_486, %mul3A_488 : i32
            %get3A_490 = arith.index_cast %mul3A_489 : i32 to index
            %get3A_491 = tpu.vector_load %arg9[%get3A_490] {strides = array<i32>} : memref<16400xi32, #tpu.memory_space<vmem>>, vector<16xi32>,
            %mul3A_492 = arith.constant 16 : i32
            %mul3A_493 = arith.muli %while3A_486, %mul3A_492 : i32
            %get3A_494 = arith.index_cast %mul3A_493 : i32 to index
            %get3A_495 = tpu.vector_load %arg10[%get3A_494] {strides = array<i32>} : memref<16400xi32, #tpu.memory_space<vmem>>, vector<16xi32>,
            %ge3A = vector.broadcast %multiple_of3A_446 : i32 to vector<16xi32>
            %ge3A_496 = arith.cmpi sge, %get3A_491, %ge3A : vector<16xi32>
            %add3A_497 = arith.constant 640 : i32
            %add3A_498 = arith.addi %multiple_of3A_446, %add3A_497 : i32
            %lt3A_499 = vector.broadcast %add3A_498 : i32 to vector<16xi32>
            %lt3A_500 = arith.cmpi slt, %get3A_491, %lt3A_499 : vector<16xi32>
            %and3A_501 = arith.andi %ge3A_496, %lt3A_500 : vector<16xi1>
            %mul3A_502 = arith.constant 16 : i32
            %mul3A_503 = arith.muli %while3A_486, %mul3A_502 : i32
            %add3A_504 = vector.broadcast %mul3A_503 : i32 to vector<16xi32>
            %add3A_505 = arith.addi %iota3A_213, %add3A_504 : vector<16xi32>
            %lt3A_506 = vector.broadcast %scan3A_219 : i32 to vector<16xi32>
            %lt3A_507 = arith.cmpi slt, %add3A_505, %lt3A_506 : vector<16xi32>
            %and3A_508 = arith.andi %and3A_501, %lt3A_507 : vector<16xi1>
            %reduce_or3A = arith.constant 1.000000e+00 : f32
            %reduce_or3A_509 = arith.constant 0.000000e+00 : f32
            %reduce_or3A_510 = vector.broadcast %reduce_or3A : f32 to vector<16xf32>
            %reduce_or3A_511 = vector.broadcast %reduce_or3A_509 : f32 to vector<16xf32>
            %reduce_or3A_512 = arith.select %and3A_508, %reduce_or3A_510, %reduce_or3A_511 : vector<16xi1>, vector<16xf32>
            %reduce_or3A_513 = arith.constant true
            %reduce_or3A_514 = vector.broadcast %reduce_or3A_513 : i1 to vector<16xi1>
            %reduce_or3A_515 = tpu.scan <max>, %reduce_or3A_512 masked %reduce_or3A_514 : vector<16xf32>, vector<16xi1> -> vector<16xf32>
            %reduce_or3A_516 = vector.extract %reduce_or3A_515[15] : f32 from vector<16xf32>
            %reduce_or3A_517 = arith.constant 0.000000e+00 : f32
            %reduce_or3A_518 = arith.cmpf ogt, %reduce_or3A_516, %reduce_or3A_517 : f32
            %convert_element_type3A_519 = arith.extui %reduce_or3A_518 : i1 to i32
            %cond3A_520 = arith.constant 0 : i32
            %cond3A_521 = arith.cmpi ne, %convert_element_type3A_519, %cond3A_520 : i32
            %cond3A_522 = scf.if %cond3A_521 -> (i32) {
              %gt3A = arith.constant 240 : i32
              %gt3A_523 = arith.cmpi sgt, %while3A_487, %gt3A : i32
              %convert_element_type3A_524 = arith.extui %gt3A_523 : i1 to i32
              %cond3A_525 = arith.constant 0 : i32
              %cond3A_526 = arith.cmpi ne, %convert_element_type3A_524, %cond3A_525 : i32
              %cond3A_527 = scf.if %cond3A_526 -> (i32) {
                %get3A_556 = arith.constant 0 : index
                %get3A_557 = tpu.vector_load %arg15[%get3A_556] {strides = array<i32>} : memref<272xi32, #tpu.memory_space<vmem>>, vector<16xi32>,
                %swap3A_558 = arith.constant 0 : index
                %swap3A_559 = tpu.vector_load %arg16[%swap3A_558] {strides = array<i32>} : memref<256xi32, #tpu.memory_space<vmem>>, vector<16xi32>,
                tpu.vector_store %arg16[%swap3A_558], %get3A_557 {strides = array<i32>} : memref<256xi32, #tpu.memory_space<vmem>>, vector<16xi32>,
                %get3A_560 = arith.constant 16 : index
                %get3A_561 = tpu.vector_load %arg15[%get3A_560] {strides = array<i32>} : memref<272xi32, #tpu.memory_space<vmem>>, vector<16xi32>,
                %swap3A_562 = arith.constant 16 : index
                %swap3A_563 = tpu.vector_load %arg16[%swap3A_562] {strides = array<i32>} : memref<256xi32, #tpu.memory_space<vmem>>, vector<16xi32>,
                tpu.vector_store %arg16[%swap3A_562], %get3A_561 {strides = array<i32>} : memref<256xi32, #tpu.memory_space<vmem>>, vector<16xi32>,
                %get3A_564 = arith.constant 32 : index
                %get3A_565 = tpu.vector_load %arg15[%get3A_564] {strides = array<i32>} : memref<272xi32, #tpu.memory_space<vmem>>, vector<16xi32>,
                %swap3A_566 = arith.constant 32 : index
                %swap3A_567 = tpu.vector_load %arg16[%swap3A_566] {strides = array<i32>} : memref<256xi32, #tpu.memory_space<vmem>>, vector<16xi32>,
                tpu.vector_store %arg16[%swap3A_566], %get3A_565 {strides = array<i32>} : memref<256xi32, #tpu.memory_space<vmem>>, vector<16xi32>,
                %get3A_568 = arith.constant 48 : index
                %get3A_569 = tpu.vector_load %arg15[%get3A_568] {strides = array<i32>} : memref<272xi32, #tpu.memory_space<vmem>>, vector<16xi32>,
                %swap3A_570 = arith.constant 48 : index
                %swap3A_571 = tpu.vector_load %arg16[%swap3A_570] {strides = array<i32>} : memref<256xi32, #tpu.memory_space<vmem>>, vector<16xi32>,
                tpu.vector_store %arg16[%swap3A_570], %get3A_569 {strides = array<i32>} : memref<256xi32, #tpu.memory_space<vmem>>, vector<16xi32>,
                %get3A_572 = arith.constant 64 : index
                %get3A_573 = tpu.vector_load %arg15[%get3A_572] {strides = array<i32>} : memref<272xi32, #tpu.memory_space<vmem>>, vector<16xi32>,
                %swap3A_574 = arith.constant 64 : index
                %swap3A_575 = tpu.vector_load %arg16[%swap3A_574] {strides = array<i32>} : memref<256xi32, #tpu.memory_space<vmem>>, vector<16xi32>,
                tpu.vector_store %arg16[%swap3A_574], %get3A_573 {strides = array<i32>} : memref<256xi32, #tpu.memory_space<vmem>>, vector<16xi32>,
                %get3A_576 = arith.constant 80 : index
                %get3A_577 = tpu.vector_load %arg15[%get3A_576] {strides = array<i32>} : memref<272xi32, #tpu.memory_space<vmem>>, vector<16xi32>,
                %swap3A_578 = arith.constant 80 : index
                %swap3A_579 = tpu.vector_load %arg16[%swap3A_578] {strides = array<i32>} : memref<256xi32, #tpu.memory_space<vmem>>, vector<16xi32>,
                tpu.vector_store %arg16[%swap3A_578], %get3A_577 {strides = array<i32>} : memref<256xi32, #tpu.memory_space<vmem>>, vector<16xi32>,
                %get3A_580 = arith.constant 96 : index
                %get3A_581 = tpu.vector_load %arg15[%get3A_580] {strides = array<i32>} : memref<272xi32, #tpu.memory_space<vmem>>, vector<16xi32>,
                %swap3A_582 = arith.constant 96 : index
                %swap3A_583 = tpu.vector_load %arg16[%swap3A_582] {strides = array<i32>} : memref<256xi32, #tpu.memory_space<vmem>>, vector<16xi32>,
                tpu.vector_store %arg16[%swap3A_582], %get3A_581 {strides = array<i32>} : memref<256xi32, #tpu.memory_space<vmem>>, vector<16xi32>,
                %get3A_584 = arith.constant 112 : index
                %get3A_585 = tpu.vector_load %arg15[%get3A_584] {strides = array<i32>} : memref<272xi32, #tpu.memory_space<vmem>>, vector<16xi32>,
                %swap3A_586 = arith.constant 112 : index
                %swap3A_587 = tpu.vector_load %arg16[%swap3A_586] {strides = array<i32>} : memref<256xi32, #tpu.memory_space<vmem>>, vector<16xi32>,
                tpu.vector_store %arg16[%swap3A_586], %get3A_585 {strides = array<i32>} : memref<256xi32, #tpu.memory_space<vmem>>, vector<16xi32>,
                %get3A_588 = arith.constant 128 : index
                %get3A_589 = tpu.vector_load %arg15[%get3A_588] {strides = array<i32>} : memref<272xi32, #tpu.memory_space<vmem>>, vector<16xi32>,
                %swap3A_590 = arith.constant 128 : index
                %swap3A_591 = tpu.vector_load %arg16[%swap3A_590] {strides = array<i32>} : memref<256xi32, #tpu.memory_space<vmem>>, vector<16xi32>,
                tpu.vector_store %arg16[%swap3A_590], %get3A_589 {strides = array<i32>} : memref<256xi32, #tpu.memory_space<vmem>>, vector<16xi32>,
                %get3A_592 = arith.constant 144 : index
                %get3A_593 = tpu.vector_load %arg15[%get3A_592] {strides = array<i32>} : memref<272xi32, #tpu.memory_space<vmem>>, vector<16xi32>,
                %swap3A_594 = arith.constant 144 : index
                %swap3A_595 = tpu.vector_load %arg16[%swap3A_594] {strides = array<i32>} : memref<256xi32, #tpu.memory_space<vmem>>, vector<16xi32>,
                tpu.vector_store %arg16[%swap3A_594], %get3A_593 {strides = array<i32>} : memref<256xi32, #tpu.memory_space<vmem>>, vector<16xi32>,
                %get3A_596 = arith.constant 160 : index
                %get3A_597 = tpu.vector_load %arg15[%get3A_596] {strides = array<i32>} : memref<272xi32, #tpu.memory_space<vmem>>, vector<16xi32>,
                %swap3A_598 = arith.constant 160 : index
                %swap3A_599 = tpu.vector_load %arg16[%swap3A_598] {strides = array<i32>} : memref<256xi32, #tpu.memory_space<vmem>>, vector<16xi32>,
                tpu.vector_store %arg16[%swap3A_598], %get3A_597 {strides = array<i32>} : memref<256xi32, #tpu.memory_space<vmem>>, vector<16xi32>,
                %get3A_600 = arith.constant 176 : index
                %get3A_601 = tpu.vector_load %arg15[%get3A_600] {strides = array<i32>} : memref<272xi32, #tpu.memory_space<vmem>>, vector<16xi32>,
                %swap3A_602 = arith.constant 176 : index
                %swap3A_603 = tpu.vector_load %arg16[%swap3A_602] {strides = array<i32>} : memref<256xi32, #tpu.memory_space<vmem>>, vector<16xi32>,
                tpu.vector_store %arg16[%swap3A_602], %get3A_601 {strides = array<i32>} : memref<256xi32, #tpu.memory_space<vmem>>, vector<16xi32>,
                %get3A_604 = arith.constant 192 : index
                %get3A_605 = tpu.vector_load %arg15[%get3A_604] {strides = array<i32>} : memref<272xi32, #tpu.memory_space<vmem>>, vector<16xi32>,
                %swap3A_606 = arith.constant 192 : index
                %swap3A_607 = tpu.vector_load %arg16[%swap3A_606] {strides = array<i32>} : memref<256xi32, #tpu.memory_space<vmem>>, vector<16xi32>,
                tpu.vector_store %arg16[%swap3A_606], %get3A_605 {strides = array<i32>} : memref<256xi32, #tpu.memory_space<vmem>>, vector<16xi32>,
                %get3A_608 = arith.constant 208 : index
                %get3A_609 = tpu.vector_load %arg15[%get3A_608] {strides = array<i32>} : memref<272xi32, #tpu.memory_space<vmem>>, vector<16xi32>,
                %swap3A_610 = arith.constant 208 : index
                %swap3A_611 = tpu.vector_load %arg16[%swap3A_610] {strides = array<i32>} : memref<256xi32, #tpu.memory_space<vmem>>, vector<16xi32>,
                tpu.vector_store %arg16[%swap3A_610], %get3A_609 {strides = array<i32>} : memref<256xi32, #tpu.memory_space<vmem>>, vector<16xi32>,
                %get3A_612 = arith.constant 224 : index
                %get3A_613 = tpu.vector_load %arg15[%get3A_612] {strides = array<i32>} : memref<272xi32, #tpu.memory_space<vmem>>, vector<16xi32>,
                %swap3A_614 = arith.constant 224 : index
                %swap3A_615 = tpu.vector_load %arg16[%swap3A_614] {strides = array<i32>} : memref<256xi32, #tpu.memory_space<vmem>>, vector<16xi32>,
                tpu.vector_store %arg16[%swap3A_614], %get3A_613 {strides = array<i32>} : memref<256xi32, #tpu.memory_space<vmem>>, vector<16xi32>,
                %get3A_616 = arith.constant 240 : index
                %get3A_617 = tpu.vector_load %arg15[%get3A_616] {strides = array<i32>} : memref<272xi32, #tpu.memory_space<vmem>>, vector<16xi32>,
                %swap3A_618 = arith.constant 240 : index
                %swap3A_619 = tpu.vector_load %arg16[%swap3A_618] {strides = array<i32>} : memref<256xi32, #tpu.memory_space<vmem>>, vector<16xi32>,
                tpu.vector_store %arg16[%swap3A_618], %get3A_617 {strides = array<i32>} : memref<256xi32, #tpu.memory_space<vmem>>, vector<16xi32>,
                %dma_start3A_620 = arith.constant 0 : i32
                %dma_start3A_621 = arith.constant 0 : i32
                %dma_start3A_622 = tpu.memref_slice %arg7[%dma_start3A_620, %dma_start3A_621] : memref<16385x128xf32, #tpu.memory_space<hbm>> -> memref<16385x128xf32, #tpu.memory_space<hbm>>
                tpu.enqueue_indirect_dma source(%arg14 : memref<256x128xf32, #tpu.memory_space<vmem>>) target(%dma_start3A_622 : memref<16385x128xf32, #tpu.memory_space<hbm>>) offsets(%arg16 : memref<256xi32, #tpu.memory_space<vmem>>) semaphore(%arg20 : memref<!tpu.dma_semaphore, #tpu.memory_space<semaphore_mem>>)
                %dma_wait3A_623 = arith.constant 0 : i32
                %dma_wait3A_624 = arith.constant 0 : i32
                %dma_wait3A_625 = tpu.memref_slice %arg7[%dma_wait3A_623, %dma_wait3A_624] : memref<16385x128xf32, #tpu.memory_space<hbm>> -> memref<16385x128xf32, #tpu.memory_space<hbm>>
                tpu.wait_indirect_dma semaphore(%arg20 : memref<!tpu.dma_semaphore, #tpu.memory_space<semaphore_mem>>) src(%arg14 : memref<256x128xf32, #tpu.memory_space<vmem>>) dst(%dma_wait3A_625 : memref<16385x128xf32, #tpu.memory_space<hbm>>)
                %mul3A_626 = arith.constant 0 : i32
                %mul3A_627 = arith.muli %mul3A_626, %while3A_487 : i32
                scf.yield %mul3A_627 : i32
              } else {
                scf.yield %while3A_487 : i32
              }
              %sub3A_528 = vector.broadcast %multiple_of3A_446 : i32 to vector<16xi32>
              %sub3A_529 = arith.subi %get3A_491, %sub3A_528 : vector<16xi32>
              %convert_element_type3A_530 = arith.extui %and3A_508 : vector<16xi1> to vector<16xi32>
              %cumsum3A = arith.constant true
              %cumsum3A_531 = vector.broadcast %cumsum3A : i1 to vector<16xi1>
              %cumsum3A_532 = tpu.scan <sum>, %convert_element_type3A_530 masked %cumsum3A_531 : vector<16xi32>, vector<16xi1> -> vector<16xi32>
              %add3A_533 = vector.broadcast %cond3A_527 : i32 to vector<16xi32>
              %add3A_534 = arith.addi %add3A_533, %cumsum3A_532 : vector<16xi32>
              %sub3A_535 = arith.constant 1 : i32
              %sub3A_536 = vector.broadcast %sub3A_535 : i32 to vector<16xi32>
              %sub3A_537 = arith.subi %add3A_534, %sub3A_536 : vector<16xi32>
              %jit3A_538 = arith.constant 264 : i32
              %broadcast_in_dim3A_539 = vector.broadcast %jit3A_538 : i32 to vector<16xi32>
              %select_n3A_540 = arith.select %and3A_508, %sub3A_537, %broadcast_in_dim3A_539 : vector<16xi1>, vector<16xi32>
              %min3A_541 = arith.constant 264 : i32
              %min3A_542 = vector.broadcast %min3A_541 : i32 to vector<16xi32>
              %min3A_543 = arith.minsi %select_n3A_540, %min3A_542 : vector<16xi32>
              tpu.vector_store_idx %arg15[%min3A_543], %get3A_495 : memref<272xi32, #tpu.memory_space<vmem>>[vector<16xi32>], vector<16xi32>,
              tpu.vector_store_idx %arg17[%min3A_543], %sub3A_529 : memref<272xi32, #tpu.memory_space<vmem>>[vector<16xi32>], vector<16xi32>,
              %slice3A = vector.extract_strided_slice %cumsum3A_532 {offsets = [15], sizes = [1], strides = [1]} : vector<16xi32> to vector<1xi32>
              %squeeze3A = vector.extract %slice3A[0] : i32 from vector<1xi32>
              %add3A_544 = arith.addi %cond3A_527, %squeeze3A : i32
              %while3A_545 = arith.constant 0 : i32
              %while3A_546 = arith.constant 0 : i32
              %while3A_547 = arith.subi %squeeze3A, %while3A_546 : i32
              %while3A_548 = arith.addi %while3A_546, %while3A_547 : i32
              %while3A_549 = arith.constant 1 : i32
              %while3A_550 = arith.divsi %while3A_547, %while3A_549 : i32
              %while3A_551 = arith.muli %while3A_550, %while3A_549 : i32
              %while3A_552 = arith.addi %while3A_546, %while3A_551 : i32
              %while3A_553 = arith.constant 1 : i32
              scf.for %while3A_556 = %while3A_546 to %while3A_552 step %while3A_553  : i32 {
                %add3A_557 = arith.addi %cond3A_527, %while3A_556 : i32
                %get3A_558 = arith.index_cast %add3A_557 : i32 to index
                %get3A_559 = tpu.vector_load %arg17[%get3A_558] {strides = array<i32>} : memref<272xi32, #tpu.memory_space<vmem>>, vector<16xi32>,
                %slice3A_560 = vector.extract_strided_slice %get3A_559 {offsets = [0], sizes = [1], strides = [1]} : vector<16xi32> to vector<1xi32>
                %squeeze3A_561 = vector.extract %slice3A_560[0] : i32 from vector<1xi32>
                %broadcast_in_dim3A_562 = vector.broadcast %squeeze3A_561 : i32 to vector<16xi32>
                %broadcast_in_dim3A_563 = vector.broadcast %and3A_448 : i32 to vector<16xi32>
                %add3A_564 = arith.addi %cond3A_527, %while3A_556 : i32
                %broadcast_in_dim3A_565 = vector.broadcast %add3A_564 : i32 to vector<16xi32>
                %gather3A = tpu.vector_load_idx %arg13[%broadcast_in_dim3A_563, %iota3A_213, %broadcast_in_dim3A_562] : memref<2x32x640xf32, #tpu.memory_space<vmem>>[vector<16xi32>, vector<16xi32>, vector<16xi32>], vector<16xf32>,
                %add3A_566 = arith.constant 16 : i32
                %add3A_567 = vector.broadcast %add3A_566 : i32 to vector<16xi32>
                %add3A_568 = arith.addi %iota3A_213, %add3A_567 : vector<16xi32>
                %gather3A_569 = tpu.vector_load_idx %arg13[%broadcast_in_dim3A_563, %add3A_568, %broadcast_in_dim3A_562] : memref<2x32x640xf32, #tpu.memory_space<vmem>>[vector<16xi32>, vector<16xi32>, vector<16xi32>], vector<16xf32>,
                tpu.vector_store_idx %arg14[%broadcast_in_dim3A_565, %iota3A_213], %gather3A : memref<256x128xf32, #tpu.memory_space<vmem>>[vector<16xi32>, vector<16xi32>], vector<16xf32>,
                %add3A_570 = arith.constant 16 : i32
                %add3A_571 = vector.broadcast %add3A_570 : i32 to vector<16xi32>
                %add3A_572 = arith.addi %iota3A_213, %add3A_571 : vector<16xi32>
                tpu.vector_store_idx %arg14[%broadcast_in_dim3A_565, %add3A_572], %gather3A_569 : memref<256x128xf32, #tpu.memory_space<vmem>>[vector<16xi32>, vector<16xi32>], vector<16xf32>,
              }
              %while3A_554 = arith.constant 1 : i32
              scf.for %while3A_556 = %while3A_552 to %while3A_548 step %while3A_554  : i32 {
                %add3A_557 = arith.addi %cond3A_527, %while3A_556 : i32
                %get3A_558 = arith.index_cast %add3A_557 : i32 to index
                %get3A_559 = tpu.vector_load %arg17[%get3A_558] {strides = array<i32>} : memref<272xi32, #tpu.memory_space<vmem>>, vector<16xi32>,
                %slice3A_560 = vector.extract_strided_slice %get3A_559 {offsets = [0], sizes = [1], strides = [1]} : vector<16xi32> to vector<1xi32>
                %squeeze3A_561 = vector.extract %slice3A_560[0] : i32 from vector<1xi32>
                %broadcast_in_dim3A_562 = vector.broadcast %squeeze3A_561 : i32 to vector<16xi32>
                %broadcast_in_dim3A_563 = vector.broadcast %and3A_448 : i32 to vector<16xi32>
                %add3A_564 = arith.addi %cond3A_527, %while3A_556 : i32
                %broadcast_in_dim3A_565 = vector.broadcast %add3A_564 : i32 to vector<16xi32>
                %gather3A = tpu.vector_load_idx %arg13[%broadcast_in_dim3A_563, %iota3A_213, %broadcast_in_dim3A_562] : memref<2x32x640xf32, #tpu.memory_space<vmem>>[vector<16xi32>, vector<16xi32>, vector<16xi32>], vector<16xf32>,
                %add3A_566 = arith.constant 16 : i32
                %add3A_567 = vector.broadcast %add3A_566 : i32 to vector<16xi32>
                %add3A_568 = arith.addi %iota3A_213, %add3A_567 : vector<16xi32>
                %gather3A_569 = tpu.vector_load_idx %arg13[%broadcast_in_dim3A_563, %add3A_568, %broadcast_in_dim3A_562] : memref<2x32x640xf32, #tpu.memory_space<vmem>>[vector<16xi32>, vector<16xi32>, vector<16xi32>], vector<16xf32>,
                tpu.vector_store_idx %arg14[%broadcast_in_dim3A_565, %iota3A_213], %gather3A : memref<256x128xf32, #tpu.memory_space<vmem>>[vector<16xi32>, vector<16xi32>], vector<16xf32>,
                %add3A_570 = arith.constant 16 : i32
                %add3A_571 = vector.broadcast %add3A_570 : i32 to vector<16xi32>
                %add3A_572 = arith.addi %iota3A_213, %add3A_571 : vector<16xi32>
                tpu.vector_store_idx %arg14[%broadcast_in_dim3A_565, %add3A_572], %gather3A_569 : memref<256x128xf32, #tpu.memory_space<vmem>>[vector<16xi32>, vector<16xi32>], vector<16xf32>,
              }
              %add3A_555 = arith.addi %cond3A_527, %squeeze3A : i32
              scf.yield %add3A_555 : i32
            } else {
              scf.yield %while3A_487 : i32
            }
            scf.yield %cond3A_522 : i32
          }
          scf.yield %while3A_485 : i32
        }
        %scan3A_410 = arith.constant 7 : i32
        scf.yield %scan3A_409 : i32
      }
      scf.yield %cond3A_404 : i32
    }
    %scan3A_309 = arith.constant 7 : i32
    %get3A_310 = arith.constant 0 : index
    %get3A_311 = tpu.vector_load %arg15[%get3A_310] {strides = array<i32>} : memref<272xi32, #tpu.memory_space<vmem>>, vector<16xi32>,
    %swap3A_312 = arith.constant 0 : index
    %swap3A_313 = tpu.vector_load %arg16[%swap3A_312] {strides = array<i32>} : memref<256xi32, #tpu.memory_space<vmem>>, vector<16xi32>,
    tpu.vector_store %arg16[%swap3A_312], %get3A_311 {strides = array<i32>} : memref<256xi32, #tpu.memory_space<vmem>>, vector<16xi32>,
    %get3A_314 = arith.constant 16 : index
    %get3A_315 = tpu.vector_load %arg15[%get3A_314] {strides = array<i32>} : memref<272xi32, #tpu.memory_space<vmem>>, vector<16xi32>,
    %swap3A_316 = arith.constant 16 : index
    %swap3A_317 = tpu.vector_load %arg16[%swap3A_316] {strides = array<i32>} : memref<256xi32, #tpu.memory_space<vmem>>, vector<16xi32>,
    tpu.vector_store %arg16[%swap3A_316], %get3A_315 {strides = array<i32>} : memref<256xi32, #tpu.memory_space<vmem>>, vector<16xi32>,
    %get3A_318 = arith.constant 32 : index
    %get3A_319 = tpu.vector_load %arg15[%get3A_318] {strides = array<i32>} : memref<272xi32, #tpu.memory_space<vmem>>, vector<16xi32>,
    %swap3A_320 = arith.constant 32 : index
    %swap3A_321 = tpu.vector_load %arg16[%swap3A_320] {strides = array<i32>} : memref<256xi32, #tpu.memory_space<vmem>>, vector<16xi32>,
    tpu.vector_store %arg16[%swap3A_320], %get3A_319 {strides = array<i32>} : memref<256xi32, #tpu.memory_space<vmem>>, vector<16xi32>,
    %get3A_322 = arith.constant 48 : index
    %get3A_323 = tpu.vector_load %arg15[%get3A_322] {strides = array<i32>} : memref<272xi32, #tpu.memory_space<vmem>>, vector<16xi32>,
    %swap3A_324 = arith.constant 48 : index
    %swap3A_325 = tpu.vector_load %arg16[%swap3A_324] {strides = array<i32>} : memref<256xi32, #tpu.memory_space<vmem>>, vector<16xi32>,
    tpu.vector_store %arg16[%swap3A_324], %get3A_323 {strides = array<i32>} : memref<256xi32, #tpu.memory_space<vmem>>, vector<16xi32>,
    %get3A_326 = arith.constant 64 : index
    %get3A_327 = tpu.vector_load %arg15[%get3A_326] {strides = array<i32>} : memref<272xi32, #tpu.memory_space<vmem>>, vector<16xi32>,
    %swap3A_328 = arith.constant 64 : index
    %swap3A_329 = tpu.vector_load %arg16[%swap3A_328] {strides = array<i32>} : memref<256xi32, #tpu.memory_space<vmem>>, vector<16xi32>,
    tpu.vector_store %arg16[%swap3A_328], %get3A_327 {strides = array<i32>} : memref<256xi32, #tpu.memory_space<vmem>>, vector<16xi32>,
    %get3A_330 = arith.constant 80 : index
    %get3A_331 = tpu.vector_load %arg15[%get3A_330] {strides = array<i32>} : memref<272xi32, #tpu.memory_space<vmem>>, vector<16xi32>,
    %swap3A_332 = arith.constant 80 : index
    %swap3A_333 = tpu.vector_load %arg16[%swap3A_332] {strides = array<i32>} : memref<256xi32, #tpu.memory_space<vmem>>, vector<16xi32>,
    tpu.vector_store %arg16[%swap3A_332], %get3A_331 {strides = array<i32>} : memref<256xi32, #tpu.memory_space<vmem>>, vector<16xi32>,
    %get3A_334 = arith.constant 96 : index
    %get3A_335 = tpu.vector_load %arg15[%get3A_334] {strides = array<i32>} : memref<272xi32, #tpu.memory_space<vmem>>, vector<16xi32>,
    %swap3A_336 = arith.constant 96 : index
    %swap3A_337 = tpu.vector_load %arg16[%swap3A_336] {strides = array<i32>} : memref<256xi32, #tpu.memory_space<vmem>>, vector<16xi32>,
    tpu.vector_store %arg16[%swap3A_336], %get3A_335 {strides = array<i32>} : memref<256xi32, #tpu.memory_space<vmem>>, vector<16xi32>,
    %get3A_338 = arith.constant 112 : index
    %get3A_339 = tpu.vector_load %arg15[%get3A_338] {strides = array<i32>} : memref<272xi32, #tpu.memory_space<vmem>>, vector<16xi32>,
    %swap3A_340 = arith.constant 112 : index
    %swap3A_341 = tpu.vector_load %arg16[%swap3A_340] {strides = array<i32>} : memref<256xi32, #tpu.memory_space<vmem>>, vector<16xi32>,
    tpu.vector_store %arg16[%swap3A_340], %get3A_339 {strides = array<i32>} : memref<256xi32, #tpu.memory_space<vmem>>, vector<16xi32>,
    %get3A_342 = arith.constant 128 : index
    %get3A_343 = tpu.vector_load %arg15[%get3A_342] {strides = array<i32>} : memref<272xi32, #tpu.memory_space<vmem>>, vector<16xi32>,
    %swap3A_344 = arith.constant 128 : index
    %swap3A_345 = tpu.vector_load %arg16[%swap3A_344] {strides = array<i32>} : memref<256xi32, #tpu.memory_space<vmem>>, vector<16xi32>,
    tpu.vector_store %arg16[%swap3A_344], %get3A_343 {strides = array<i32>} : memref<256xi32, #tpu.memory_space<vmem>>, vector<16xi32>,
    %get3A_346 = arith.constant 144 : index
    %get3A_347 = tpu.vector_load %arg15[%get3A_346] {strides = array<i32>} : memref<272xi32, #tpu.memory_space<vmem>>, vector<16xi32>,
    %swap3A_348 = arith.constant 144 : index
    %swap3A_349 = tpu.vector_load %arg16[%swap3A_348] {strides = array<i32>} : memref<256xi32, #tpu.memory_space<vmem>>, vector<16xi32>,
    tpu.vector_store %arg16[%swap3A_348], %get3A_347 {strides = array<i32>} : memref<256xi32, #tpu.memory_space<vmem>>, vector<16xi32>,
    %get3A_350 = arith.constant 160 : index
    %get3A_351 = tpu.vector_load %arg15[%get3A_350] {strides = array<i32>} : memref<272xi32, #tpu.memory_space<vmem>>, vector<16xi32>,
    %swap3A_352 = arith.constant 160 : index
    %swap3A_353 = tpu.vector_load %arg16[%swap3A_352] {strides = array<i32>} : memref<256xi32, #tpu.memory_space<vmem>>, vector<16xi32>,
    tpu.vector_store %arg16[%swap3A_352], %get3A_351 {strides = array<i32>} : memref<256xi32, #tpu.memory_space<vmem>>, vector<16xi32>,
    %get3A_354 = arith.constant 176 : index
    %get3A_355 = tpu.vector_load %arg15[%get3A_354] {strides = array<i32>} : memref<272xi32, #tpu.memory_space<vmem>>, vector<16xi32>,
    %swap3A_356 = arith.constant 176 : index
    %swap3A_357 = tpu.vector_load %arg16[%swap3A_356] {strides = array<i32>} : memref<256xi32, #tpu.memory_space<vmem>>, vector<16xi32>,
    tpu.vector_store %arg16[%swap3A_356], %get3A_355 {strides = array<i32>} : memref<256xi32, #tpu.memory_space<vmem>>, vector<16xi32>,
    %get3A_358 = arith.constant 192 : index
    %get3A_359 = tpu.vector_load %arg15[%get3A_358] {strides = array<i32>} : memref<272xi32, #tpu.memory_space<vmem>>, vector<16xi32>,
    %swap3A_360 = arith.constant 192 : index
    %swap3A_361 = tpu.vector_load %arg16[%swap3A_360] {strides = array<i32>} : memref<256xi32, #tpu.memory_space<vmem>>, vector<16xi32>,
    tpu.vector_store %arg16[%swap3A_360], %get3A_359 {strides = array<i32>} : memref<256xi32, #tpu.memory_space<vmem>>, vector<16xi32>,
    %get3A_362 = arith.constant 208 : index
    %get3A_363 = tpu.vector_load %arg15[%get3A_362] {strides = array<i32>} : memref<272xi32, #tpu.memory_space<vmem>>, vector<16xi32>,
    %swap3A_364 = arith.constant 208 : index
    %swap3A_365 = tpu.vector_load %arg16[%swap3A_364] {strides = array<i32>} : memref<256xi32, #tpu.memory_space<vmem>>, vector<16xi32>,
    tpu.vector_store %arg16[%swap3A_364], %get3A_363 {strides = array<i32>} : memref<256xi32, #tpu.memory_space<vmem>>, vector<16xi32>,
    %get3A_366 = arith.constant 224 : index
    %get3A_367 = tpu.vector_load %arg15[%get3A_366] {strides = array<i32>} : memref<272xi32, #tpu.memory_space<vmem>>, vector<16xi32>,
    %swap3A_368 = arith.constant 224 : index
    %swap3A_369 = tpu.vector_load %arg16[%swap3A_368] {strides = array<i32>} : memref<256xi32, #tpu.memory_space<vmem>>, vector<16xi32>,
    tpu.vector_store %arg16[%swap3A_368], %get3A_367 {strides = array<i32>} : memref<256xi32, #tpu.memory_space<vmem>>, vector<16xi32>,
    %get3A_370 = arith.constant 240 : index
    %get3A_371 = tpu.vector_load %arg15[%get3A_370] {strides = array<i32>} : memref<272xi32, #tpu.memory_space<vmem>>, vector<16xi32>,
    %swap3A_372 = arith.constant 240 : index
    %swap3A_373 = tpu.vector_load %arg16[%swap3A_372] {strides = array<i32>} : memref<256xi32, #tpu.memory_space<vmem>>, vector<16xi32>,
    tpu.vector_store %arg16[%swap3A_372], %get3A_371 {strides = array<i32>} : memref<256xi32, #tpu.memory_space<vmem>>, vector<16xi32>,
    %dma_start3A_374 = arith.constant 0 : i32
    %dma_start3A_375 = arith.constant 0 : i32
    %dma_start3A_376 = tpu.memref_slice %arg7[%dma_start3A_374, %dma_start3A_375] : memref<16385x128xf32, #tpu.memory_space<hbm>> -> memref<16385x128xf32, #tpu.memory_space<hbm>>
    tpu.enqueue_indirect_dma source(%arg14 : memref<256x128xf32, #tpu.memory_space<vmem>>) target(%dma_start3A_376 : memref<16385x128xf32, #tpu.memory_space<hbm>>) offsets(%arg16 : memref<256xi32, #tpu.memory_space<vmem>>) semaphore(%arg20 : memref<!tpu.dma_semaphore, #tpu.memory_space<semaphore_mem>>)
    %dma_wait3A_377 = arith.constant 0 : i32
    %dma_wait3A_378 = arith.constant 0 : i32
    %dma_wait3A_379 = tpu.memref_slice %arg7[%dma_wait3A_377, %dma_wait3A_378] : memref<16385x128xf32, #tpu.memory_space<hbm>> -> memref<16385x128xf32, #tpu.memory_space<hbm>>
    tpu.wait_indirect_dma semaphore(%arg20 : memref<!tpu.dma_semaphore, #tpu.memory_space<semaphore_mem>>) src(%arg14 : memref<256x128xf32, #tpu.memory_space<vmem>>) dst(%dma_wait3A_379 : memref<16385x128xf32, #tpu.memory_space<hbm>>)
    %mul3A_380 = arith.constant 0 : i32
    %mul3A_381 = arith.muli %mul3A_380, %scan3A_308 : i32
    return
  }
}

module attributes {stable_mosaic.version = 14 : i64} {
  func.func @_mlp_body(%arg0: i32, %arg1: memref<2048x128xf32, #tpu.memory_space<vmem>>, %arg2: memref<2048x128xf32, #tpu.memory_space<vmem>>, %arg3: memref<2048x1xi32, #tpu.memory_space<vmem>>, %arg4: memref<2048x1xi32, #tpu.memory_space<vmem>>, %arg5: memref<64x32xf32, #tpu.memory_space<vmem>>, %arg6: memref<64x32xf32, #tpu.memory_space<vmem>>, %arg7: memref<32x64xf32, #tpu.memory_space<vmem>>, %arg8: memref<32x64xf32, #tpu.memory_space<vmem>>, %arg9: memref<1x64xf32, #tpu.memory_space<vmem>>, %arg10: memref<64x64xf32, #tpu.memory_space<vmem>>, %arg11: memref<1x64xf32, #tpu.memory_space<vmem>>, %arg12: memref<1x64xf32, #tpu.memory_space<vmem>>, %arg13: memref<1x1xf32, #tpu.memory_space<vmem>>, %arg14: memref<2048x1xf32, #tpu.memory_space<vmem>>) attributes {dimension_semantics = [#tpu.dimension_semantics<arbitrary>], iteration_bounds = array<i64: 8>, scalar_prefetch = 0 : i64, scratch_operands = 0 : i64, tpu.core_type = #tpu.core_type<tc>, window_params = [{transform_indices = @transform_0, window_bounds = array<i64: 2048, 128>}, {transform_indices = @transform_1, window_bounds = array<i64: 2048, 128>}, {transform_indices = @transform_2, window_bounds = array<i64: 2048, 1>}, {transform_indices = @transform_3, window_bounds = array<i64: 2048, 1>}, {pipeline_mode = #tpu.pipeline_mode<synchronous>, transform_indices = @transform_4, window_bounds = array<i64: 64, 32>}, {pipeline_mode = #tpu.pipeline_mode<synchronous>, transform_indices = @transform_5, window_bounds = array<i64: 64, 32>}, {pipeline_mode = #tpu.pipeline_mode<synchronous>, transform_indices = @transform_6, window_bounds = array<i64: 32, 64>}, {pipeline_mode = #tpu.pipeline_mode<synchronous>, transform_indices = @transform_7, window_bounds = array<i64: 32, 64>}, {pipeline_mode = #tpu.pipeline_mode<synchronous>, transform_indices = @transform_8, window_bounds = array<i64: 1, 64>}, {pipeline_mode = #tpu.pipeline_mode<synchronous>, transform_indices = @transform_9, window_bounds = array<i64: 64, 64>}, {pipeline_mode = #tpu.pipeline_mode<synchronous>, transform_indices = @transform_10, window_bounds = array<i64: 1, 64>}, {pipeline_mode = #tpu.pipeline_mode<synchronous>, transform_indices = @transform_11, window_bounds = array<i64: 1, 64>}, {pipeline_mode = #tpu.pipeline_mode<synchronous>, transform_indices = @transform_12, window_bounds = array<i64: 1, 1>}, {transform_indices = @transform_13, window_bounds = array<i64: 2048, 1>}]} {
    %iota3A = tpu.iota {dimensions = array<i32: 1>} : vector<1x64xi32>
    %get3A = arith.constant 0 : index
    %get3A_0 = arith.constant 0 : index
    %get3A_1 = vector.load %arg3[%get3A, %get3A_0] : memref<2048x1xi32, #tpu.memory_space<vmem>>, vector<2048x1xi32>
    %get3A_2 = arith.constant 0 : index
    %get3A_3 = arith.constant 0 : index
    %get3A_4 = vector.load %arg4[%get3A_2, %get3A_3] : memref<2048x1xi32, #tpu.memory_space<vmem>>, vector<2048x1xi32>
    %sub3A = arith.constant 999936 : i32
    %sub3A_5 = vector.broadcast %sub3A : i32 to vector<2048x1xi32>
    %sub3A_6 = arith.subi %get3A_1, %sub3A_5 : vector<2048x1xi32>
    %eq3A = vector.broadcast %sub3A_6 : vector<2048x1xi32> to vector<2048x64xi32>
    %eq3A_7 = vector.broadcast %iota3A : vector<1x64xi32> to vector<2048x64xi32>
    %eq3A_8 = arith.cmpi eq, %eq3A, %eq3A_7 : vector<2048x64xi32>
    %convert_element_type3A = arith.extui %eq3A_8 : vector<2048x64xi1> to vector<2048x64xi32>
    %convert_element_type3A_9 = arith.sitofp %convert_element_type3A : vector<2048x64xi32> to vector<2048x64xf32>
    %sub3A_10 = arith.constant 999936 : i32
    %sub3A_11 = vector.broadcast %sub3A_10 : i32 to vector<2048x1xi32>
    %sub3A_12 = arith.subi %get3A_4, %sub3A_11 : vector<2048x1xi32>
    %eq3A_13 = vector.broadcast %sub3A_12 : vector<2048x1xi32> to vector<2048x64xi32>
    %eq3A_14 = vector.broadcast %iota3A : vector<1x64xi32> to vector<2048x64xi32>
    %eq3A_15 = arith.cmpi eq, %eq3A_13, %eq3A_14 : vector<2048x64xi32>
    %convert_element_type3A_16 = arith.extui %eq3A_15 : vector<2048x64xi1> to vector<2048x64xi32>
    %convert_element_type3A_17 = arith.sitofp %convert_element_type3A_16 : vector<2048x64xi32> to vector<2048x64xf32>
    %ge3A = arith.constant 999936 : i32
    %ge3A_18 = vector.broadcast %ge3A : i32 to vector<2048x1xi32>
    %ge3A_19 = arith.cmpi sge, %get3A_1, %ge3A_18 : vector<2048x1xi32>
    %get3A_20 = arith.constant 0 : index
    %get3A_21 = arith.constant 0 : index
    %get3A_22 = vector.load %arg5[%get3A_20, %get3A_21] : memref<64x32xf32, #tpu.memory_space<vmem>>, vector<64x32xf32>
    %dot_general3A = arith.constant dense<0.000000e+00> : vector<2048x32xf32>
    %dot_general3A_23 = tpu.matmul %convert_element_type3A_9, %get3A_22, %dot_general3A {dimension_numbers = #tpu.dot_dimension_numbers<[1], [0], [0], [1], [0, 0, 1, 1], [], []>, transpose_lhs_hint = false} : vector<2048x64xf32>, vector<64x32xf32>, vector<2048x32xf32> -> vector<2048x32xf32>
    %get3A_24 = arith.constant 0 : index
    %get3A_25 = arith.constant 0 : index
    %get3A_26 = vector.load %arg1[%get3A_24, %get3A_25] : memref<2048x128xf32, #tpu.memory_space<vmem>>, vector<2048x32xf32>
    %broadcast_in_dim3A = vector.shape_cast %ge3A_19 : vector<2048x1xi1> to vector<2048x1xi1>
    %broadcast_in_dim3A_27 = vector.broadcast %broadcast_in_dim3A : vector<2048x1xi1> to vector<2048x32xi1>
    %select_n3A = arith.select %broadcast_in_dim3A_27, %dot_general3A_23, %get3A_26 : vector<2048x32xi1>, vector<2048x32xf32>
    %ge3A_28 = arith.constant 999936 : i32
    %ge3A_29 = vector.broadcast %ge3A_28 : i32 to vector<2048x1xi32>
    %ge3A_30 = arith.cmpi sge, %get3A_4, %ge3A_29 : vector<2048x1xi32>
    %get3A_31 = arith.constant 0 : index
    %get3A_32 = arith.constant 0 : index
    %get3A_33 = vector.load %arg6[%get3A_31, %get3A_32] : memref<64x32xf32, #tpu.memory_space<vmem>>, vector<64x32xf32>
    %dot_general3A_34 = arith.constant dense<0.000000e+00> : vector<2048x32xf32>
    %dot_general3A_35 = tpu.matmul %convert_element_type3A_17, %get3A_33, %dot_general3A_34 {dimension_numbers = #tpu.dot_dimension_numbers<[1], [0], [0], [1], [0, 0, 1, 1], [], []>, transpose_lhs_hint = false} : vector<2048x64xf32>, vector<64x32xf32>, vector<2048x32xf32> -> vector<2048x32xf32>
    %get3A_36 = arith.constant 0 : index
    %get3A_37 = arith.constant 0 : index
    %get3A_38 = vector.load %arg2[%get3A_36, %get3A_37] : memref<2048x128xf32, #tpu.memory_space<vmem>>, vector<2048x32xf32>
    %broadcast_in_dim3A_39 = vector.shape_cast %ge3A_30 : vector<2048x1xi1> to vector<2048x1xi1>
    %broadcast_in_dim3A_40 = vector.broadcast %broadcast_in_dim3A_39 : vector<2048x1xi1> to vector<2048x32xi1>
    %select_n3A_41 = arith.select %broadcast_in_dim3A_40, %dot_general3A_35, %get3A_38 : vector<2048x32xi1>, vector<2048x32xf32>
    %get3A_42 = arith.constant 0 : index
    %get3A_43 = arith.constant 0 : index
    %get3A_44 = vector.load %arg7[%get3A_42, %get3A_43] : memref<32x64xf32, #tpu.memory_space<vmem>>, vector<32x64xf32>
    %dot_general3A_45 = arith.constant dense<0.000000e+00> : vector<2048x64xf32>
    %dot_general3A_46 = tpu.matmul %select_n3A, %get3A_44, %dot_general3A_45 {dimension_numbers = #tpu.dot_dimension_numbers<[1], [0], [0], [1], [0, 0, 1, 1], [], []>, transpose_lhs_hint = false} : vector<2048x32xf32>, vector<32x64xf32>, vector<2048x64xf32> -> vector<2048x64xf32>
    %get3A_47 = arith.constant 0 : index
    %get3A_48 = arith.constant 0 : index
    %get3A_49 = vector.load %arg8[%get3A_47, %get3A_48] : memref<32x64xf32, #tpu.memory_space<vmem>>, vector<32x64xf32>
    %dot_general3A_50 = arith.constant dense<0.000000e+00> : vector<2048x64xf32>
    %dot_general3A_51 = tpu.matmul %select_n3A_41, %get3A_49, %dot_general3A_50 {dimension_numbers = #tpu.dot_dimension_numbers<[1], [0], [0], [1], [0, 0, 1, 1], [], []>, transpose_lhs_hint = false} : vector<2048x32xf32>, vector<32x64xf32>, vector<2048x64xf32> -> vector<2048x64xf32>
    %add3A = arith.addf %dot_general3A_46, %dot_general3A_51 : vector<2048x64xf32>
    %get3A_52 = arith.constant 0 : index
    %get3A_53 = arith.constant 0 : index
    %get3A_54 = vector.load %arg9[%get3A_52, %get3A_53] : memref<1x64xf32, #tpu.memory_space<vmem>>, vector<1x64xf32>
    %add3A_55 = vector.broadcast %get3A_54 : vector<1x64xf32> to vector<2048x64xf32>
    %add3A_56 = arith.addf %add3A, %add3A_55 : vector<2048x64xf32>
    %max3A = arith.constant 0.000000e+00 : f32
    %max3A_57 = vector.broadcast %max3A : f32 to vector<2048x64xf32>
    %max3A_58 = arith.maximumf %add3A_56, %max3A_57 : vector<2048x64xf32>
    %get3A_59 = arith.constant 0 : index
    %get3A_60 = arith.constant 0 : index
    %get3A_61 = vector.load %arg10[%get3A_59, %get3A_60] : memref<64x64xf32, #tpu.memory_space<vmem>>, vector<64x64xf32>
    %dot_general3A_62 = arith.constant dense<0.000000e+00> : vector<2048x64xf32>
    %dot_general3A_63 = tpu.matmul %max3A_58, %get3A_61, %dot_general3A_62 {dimension_numbers = #tpu.dot_dimension_numbers<[1], [0], [0], [1], [0, 0, 1, 1], [], []>, transpose_lhs_hint = false} : vector<2048x64xf32>, vector<64x64xf32>, vector<2048x64xf32> -> vector<2048x64xf32>
    %get3A_64 = arith.constant 0 : index
    %get3A_65 = arith.constant 0 : index
    %get3A_66 = vector.load %arg11[%get3A_64, %get3A_65] : memref<1x64xf32, #tpu.memory_space<vmem>>, vector<1x64xf32>
    %add3A_67 = vector.broadcast %get3A_66 : vector<1x64xf32> to vector<2048x64xf32>
    %add3A_68 = arith.addf %dot_general3A_63, %add3A_67 : vector<2048x64xf32>
    %max3A_69 = arith.constant 0.000000e+00 : f32
    %max3A_70 = vector.broadcast %max3A_69 : f32 to vector<2048x64xf32>
    %max3A_71 = arith.maximumf %add3A_68, %max3A_70 : vector<2048x64xf32>
    %get3A_72 = arith.constant 0 : index
    %get3A_73 = arith.constant 0 : index
    %get3A_74 = vector.load %arg12[%get3A_72, %get3A_73] : memref<1x64xf32, #tpu.memory_space<vmem>>, vector<1x64xf32>
    %mul3A = vector.broadcast %get3A_74 : vector<1x64xf32> to vector<2048x64xf32>
    %mul3A_75 = arith.mulf %max3A_71, %mul3A : vector<2048x64xf32>
    %reduce_sum3A = arith.constant dense<0.000000e+00> : vector<2048xf32>
    %reduce_sum3A_76 = vector.multi_reduction <add>, %mul3A_75, %reduce_sum3A [1] : vector<2048x64xf32> to vector<2048xf32>
    %broadcast_in_dim3A_77 = vector.shape_cast %reduce_sum3A_76 : vector<2048xf32> to vector<2048x1xf32>
    %get3A_78 = arith.constant 0 : index
    %get3A_79 = arith.constant 0 : index
    %get3A_80 = vector.load %arg13[%get3A_78, %get3A_79] : memref<1x1xf32, #tpu.memory_space<vmem>>, vector<1x1xf32>
    %add3A_81 = vector.broadcast %get3A_80 : vector<1x1xf32> to vector<2048x1xf32>
    %add3A_82 = arith.addf %broadcast_in_dim3A_77, %add3A_81 : vector<2048x1xf32>
    %swap3A = arith.constant 0 : index
    %swap3A_83 = arith.constant 0 : index
    %swap3A_84 = vector.load %arg14[%swap3A, %swap3A_83] : memref<2048x1xf32, #tpu.memory_space<vmem>>, vector<2048x1xf32>
    tpu.vector_store %arg14[%swap3A, %swap3A_83], %add3A_82 {strides = array<i32>} : memref<2048x1xf32, #tpu.memory_space<vmem>>, vector<2048x1xf32>,
    return
  }
  func.func @transform_0(%arg0: i32) -> (i32, i32) {
    %c0_i32 = arith.constant 0 : i32
    %c0_i32_0 = arith.constant 0 : i32
    return %arg0, %c0_i32 : i32, i32
  }
  func.func @transform_1(%arg0: i32) -> (i32, i32) {
    %c0_i32 = arith.constant 0 : i32
    %c0_i32_0 = arith.constant 0 : i32
    return %arg0, %c0_i32 : i32, i32
  }
  func.func @transform_2(%arg0: i32) -> (i32, i32) {
    %c0_i32 = arith.constant 0 : i32
    %c0_i32_0 = arith.constant 0 : i32
    return %arg0, %c0_i32 : i32, i32
  }
  func.func @transform_3(%arg0: i32) -> (i32, i32) {
    %c0_i32 = arith.constant 0 : i32
    %c0_i32_0 = arith.constant 0 : i32
    return %arg0, %c0_i32 : i32, i32
  }
  func.func @transform_4(%arg0: i32) -> (i32, i32) {
    %c0_i32 = arith.constant 0 : i32
    %c0_i32_0 = arith.constant 0 : i32
    %c0_i32_1 = arith.constant 0 : i32
    return %c0_i32, %c0_i32_0 : i32, i32
  }
  func.func @transform_5(%arg0: i32) -> (i32, i32) {
    %c0_i32 = arith.constant 0 : i32
    %c0_i32_0 = arith.constant 0 : i32
    %c0_i32_1 = arith.constant 0 : i32
    return %c0_i32, %c0_i32_0 : i32, i32
  }
  func.func @transform_6(%arg0: i32) -> (i32, i32) {
    %c0_i32 = arith.constant 0 : i32
    %c0_i32_0 = arith.constant 0 : i32
    %c0_i32_1 = arith.constant 0 : i32
    return %c0_i32, %c0_i32_0 : i32, i32
  }
  func.func @transform_7(%arg0: i32) -> (i32, i32) {
    %c0_i32 = arith.constant 0 : i32
    %c0_i32_0 = arith.constant 0 : i32
    %c0_i32_1 = arith.constant 0 : i32
    return %c0_i32, %c0_i32_0 : i32, i32
  }
  func.func @transform_8(%arg0: i32) -> (i32, i32) {
    %c0_i32 = arith.constant 0 : i32
    %c0_i32_0 = arith.constant 0 : i32
    %c0_i32_1 = arith.constant 0 : i32
    return %c0_i32, %c0_i32_0 : i32, i32
  }
  func.func @transform_9(%arg0: i32) -> (i32, i32) {
    %c0_i32 = arith.constant 0 : i32
    %c0_i32_0 = arith.constant 0 : i32
    %c0_i32_1 = arith.constant 0 : i32
    return %c0_i32, %c0_i32_0 : i32, i32
  }
  func.func @transform_10(%arg0: i32) -> (i32, i32) {
    %c0_i32 = arith.constant 0 : i32
    %c0_i32_0 = arith.constant 0 : i32
    %c0_i32_1 = arith.constant 0 : i32
    return %c0_i32, %c0_i32_0 : i32, i32
  }
  func.func @transform_11(%arg0: i32) -> (i32, i32) {
    %c0_i32 = arith.constant 0 : i32
    %c0_i32_0 = arith.constant 0 : i32
    %c0_i32_1 = arith.constant 0 : i32
    return %c0_i32, %c0_i32_0 : i32, i32
  }
  func.func @transform_12(%arg0: i32) -> (i32, i32) {
    %c0_i32 = arith.constant 0 : i32
    %c0_i32_0 = arith.constant 0 : i32
    %c0_i32_1 = arith.constant 0 : i32
    return %c0_i32, %c0_i32_0 : i32, i32
  }
  func.func @transform_13(%arg0: i32) -> (i32, i32) {
    %c0_i32 = arith.constant 0 : i32
    %c0_i32_0 = arith.constant 0 : i32
    return %arg0, %c0_i32 : i32, i32
  }
}

</mosaic_0001>

<sc_bundles>
// kernel: kernel.4.cloned.1.call-start
scs
__scs_entry_jumppad:
0x0: {  	(pc) =	sbr.rel $0x88, $3  }
0x1: {  	(tag) =	ssettag $0x0;
	lr =	simm.s32 $0x1  }
0x2: {  	[smem:$0x3F97] =	sst lr;
	_ =	strace $0xD0000000  }
0x3: {  	_ = 	snop  }
0x4: {  	_ = 	snop  }
0x5: {  	_ = 	snop  }
0x6: {  	_ = 	snop  }
0x7: {  	_ = 	snop  }
__scs_overlays_trampoline_lowered:
0x8: {  	[smem:$0x3FA6] =	sst s0  }
0x9: {  	[smem:$0x3FA7] =	sst s1  }
0xa: {  	[smem:$0x3FA8] =	sst s2  }
0xb: {  	[smem:$0x3FA9] =	sst s3  }
0xc: {  	[smem:$0x3FAA] =	sst s4  }
0xd: {  	[smem:$0x3FAB] =	sst s5  }
0xe: {  	[smem:$0x3FAC] =	sst s6  }
0xf: {  	[smem:$0x3FAD] =	sst s7  }
0x10: {  	[smem:$0x3FAE] =	sst s8  }
0x11: {  	[smem:$0x3FAF] =	sst s9;
	s0 =	simm.s32 @!p0 $0x0  }
0x12: {  	s1 =	sld [smem:$0x3F95];
	s0 =	simm.s32 @p0 $0x1  }
0x13: {  	[smem:$0x3FB0] =	sst s0;
	s0 =	simm.s32 @!p1 $0x0  }
0x14: {  	s2 =	sld [smem:$0x3F94];
	s0 =	simm.s32 @p1 $0x1  }
0x15: {  	[smem:$0x3FB1] =	sst s0;
	s0 =	simm.s32 @!p2 $0x0  }
0x16: {  	s3 =	sld [smem:$0x3FDB];
	s0 =	simm.s32 @p2 $0x1  }
0x17: {  	s4 =	simm.s32 $0x1BF5;
	[smem:$0x3FB3] =	sst s0  }
0x18: {  	s0 =	sld [smem:$0x3F96];
	_ =	swait.ge [sflag:s4], $0x0  }
0x19: {  	s7 =	sld [smem:$0x3F97]  }
0x1a: {  	s8 =	sadd.s32 $0xFFFFE003, lr  }
0x1b: {  	s9 =	sadd.s32 $0xFFFFFEF7, lr;
	s5 =	simm.s32 $0xFFFFFFFF;
	p2 =	slt.u32 s8, $0xFFFFF086  }
0x1c: {  	p1 =	slt.u32 s9, $0xF7A;
	s5 =	simm.s32 @!p2 $0x0  }
0x1d: {  	s5 =	simm.s32 @p1 $0x1;
	p0 =	seq.s32 s7, s2  }
0x1e: {  	s7 =	smul.u32 @!p0 $0xF7A, s2;
	p2 =	seq.s32 @!p0 s5, $0x0  }
0x1f: {  	s9 =	smul.u32 $0xF7A, s1;
	s8 =	simm.s32 @!p0 $0x1BF5;
	p2 =	por !p2, p0  }
0x20: {  	[sflag:s8] =	ssyncset.s32 @!p0 $0xFFFFF086;
	s6 =	sadd.s32 @!p0 s3, s7;
	s7 =	simm.s32 @!p0 $0x108  }
0x21: {  	s3 =	sadd.s32 s3, s9;
	s6 =	sadd.s32 @!p0 $0x88, s6;
	s7 =	simm.s32 @p2 $0x1082  }
0x22: {  	[simem:s7], [sflag:s8] =	dma.local @!p0 [hbm:s6], $0xF7A  }
0x23: {  	s9 =	sor.u32 $0xD0000000, s2;
	s6 =	simm.s32 $0x108;
	_ =	swait.ge @!p0 [sflag:s8], $0x0  }
0x24: {  	s3 =	sadd.s32 $0x88, s3;
	s6 =	simm.s32 @!p1 $0x1082;
	[sflag:s4] =	ssyncset.s32 $0xFFFFF086  }
0x25: {  	[simem:s6], [sflag:s4] =	dma.local [hbm:s3], $0xF7A  }
0x26: {  	[smem:$0x3F97] =	sst s1;
	(tag) =	ssettag s2;
	_ =	strace s9  }
0x27: {  	s1 =	sld [smem:$0x3FA7]  }
0x28: {  	s2 =	sld [smem:$0x3FA8]  }
0x29: {  	s4 =	sld [smem:$0x3FAA]  }
0x2a: {  	p0 =	seq.s32 s5, $0x0;
	s5 =	sld [smem:$0x3FAB]  }
0x2b: {  	s6 =	sld [smem:$0x3FAC]  }
0x2c: {  	s7 =	sld [smem:$0x3FAD]  }
0x2d: {  	s3 =	simm.s32 $0x108;
	s8 =	sld [smem:$0x3FAE]  }
0x2e: {  	s3 =	simm.s32 @!p0 $0x1082;
	s9 =	sld [smem:$0x3FAF]  }
0x2f: {  	lr =	sadd.s32 s0, s3;
	s0 =	sld [smem:$0x3FA6]  }
0x30: {  	s3 =	sld [smem:$0x3FA9]  }
0x31: {  	[smem:$0x3FB2] =	sst s10  }
0x32: {  	s10 =	sld [smem:$0x3FB0];
	_ =	sdelay $0x3  }
0x33: {  	p0 =	seq.s32 s10, $0x1;
	s10 =	sld [smem:$0x3FB2];
	_ =	sdelay $0x3  }
0x34: {  	[smem:$0x3FB2] =	sst s10  }
0x35: {  	s10 =	sld [smem:$0x3FB1];
	_ =	sdelay $0x3  }
0x36: {  	p1 =	seq.s32 s10, $0x1;
	s10 =	sld [smem:$0x3FB2];
	_ =	sdelay $0x3  }
0x37: {  	[smem:$0x3FB2] =	sst s10  }
0x38: {  	s10 =	sld [smem:$0x3FB3]  }
0x39: {  	_ = 	snop;
	(pc) =	sbr.ind lr, $3  }
0x3a: {  	_ = 	snop  }
0x3b: {  	_ = 	snop  }
0x3c: {  	p2 =	seq.s32 s10, $0x1;
	s10 =	sld [smem:$0x3FB2]  }
0x3d: {  	_ =	shalt  }
0x3e: {  	_ =	shalt  }
0x3f: {  	_ =	shalt  }
0x40: {  	_ =	shalt  }
0x41: {  	_ =	shalt  }
0x42: {  	_ =	shalt  }
0x43: {  	_ =	shalt  }
0x44: {  	_ =	shalt  }
0x45: {  	_ =	shalt  }
0x46: {  	_ =	shalt  }
0x47: {  	_ =	shalt  }
0x48: {  	_ =	shalt  }
0x49: {  	_ =	shalt  }
0x4a: {  	_ =	shalt  }
0x4b: {  	_ =	shalt  }
0x4c: {  	_ =	shalt  }
0x4d: {  	_ =	shalt  }
0x4e: {  	_ =	shalt  }
0x4f: {  	_ =	shalt  }
0x50: {  	_ =	shalt  }
0x51: {  	_ =	shalt  }
0x52: {  	_ =	shalt  }
0x53: {  	_ =	shalt  }
0x54: {  	_ =	shalt  }
0x55: {  	_ =	shalt  }
0x56: {  	_ =	shalt  }
0x57: {  	_ =	shalt  }
0x58: {  	_ =	shalt  }
0x59: {  	_ =	shalt  }
0x5a: {  	_ =	shalt  }
0x5b: {  	_ =	shalt  }
0x5c: {  	_ =	shalt  }
0x5d: {  	_ =	shalt  }
0x5e: {  	_ =	shalt  }
0x5f: {  	_ =	shalt  }
0x60: {  	_ =	shalt  }
0x61: {  	_ =	shalt  }
0x62: {  	_ =	shalt  }
0x63: {  	_ =	shalt  }
0x64: {  	_ =	shalt  }
0x65: {  	_ =	shalt  }
0x66: {  	_ =	shalt  }
0x67: {  	_ =	shalt  }
0x68: {  	_ =	shalt  }
0x69: {  	_ =	shalt  }
0x6a: {  	_ =	shalt  }
0x6b: {  	_ =	shalt  }
0x6c: {  	_ =	shalt  }
0x6d: {  	_ =	shalt  }
0x6e: {  	_ =	shalt  }
0x6f: {  	_ =	shalt  }
0x70: {  	_ =	shalt  }
0x71: {  	_ =	shalt  }
0x72: {  	_ =	shalt  }
0x73: {  	_ =	shalt  }
0x74: {  	_ =	shalt  }
0x75: {  	_ =	shalt  }
0x76: {  	_ =	shalt  }
0x77: {  	_ =	shalt  }
0x78: {  	_ =	shalt  }
0x79: {  	_ =	shalt  }
0x7a: {  	_ =	shalt  }
0x7b: {  	_ =	shalt  }
0x7c: {  	_ =	shalt  }
0x7d: {  	_ =	shalt  }
0x7e: {  	_ =	shalt  }
0x7f: {  	_ =	shalt  }
0x80: {  	_ =	shalt  }
0x81: {  	_ =	shalt  }
0x82: {  	_ =	shalt  }
0x83: {  	_ =	shalt  }
0x84: {  	_ =	shalt  }
0x85: {  	_ =	shalt  }
0x86: {  	_ =	shalt  }
0x87: {  	_ =	shalt  }
.Lfunc_end0:
.L_simem_size_0:
called_computation_lowered:
.L_overlay_start_0:
0x88: {  	s2 =	sld [smem:$0x3FD9]  }
0x89: {  	s3 =	sld [smem:$0x3FFE];
	_ =	sdelay $0x1  }
0x8a: {  	s1 =	srdreg.scid  }
0x8b: {  	s0 =	sand.u32 $0x1, s1  }
0x8c: {  	s17 =	sshll.u32 s0, $0xA;
	s2 =	sadd.s32 s3, s2  }
0x8d: {  	s2 =	sadd.s32 s2, s17  }
0x8e: {  	[smem:$0x3FBE] =	sst s2  }
0x8f: {  	_ = 	snop  }
0x90: {  	s2 =	sld [smem:$0x3FC9]  }
0x91: {  	s18 =	sld [smem:$0x3FC8]  }
0x92: {  	s4 =	sld [smem:$0x3FC7]  }
0x93: {  	s5 =	sld [smem:$0x3FC6];
	(tm) =	ssettm $0x1  }
0x94: {  	s6 =	sld [smem:$0x3FFB];
	_ =	sdelay $0x3  }
0x95: {  	_ =	strace s6  }
0x96: {  	s6 =	sld [smem:$0x3FFC];
	_ =	sdelay $0x3  }
0x97: {  	_ =	strace s6  }
0x98: {  	s6 =	sld [smem:$0x3FFD];
	_ =	sdelay $0x3  }
0x99: {  	_ =	strace s6  }
0x9a: {  	_ =	strace $0x8FFFFFFF  }
0x9b: {  	s19 =	sld [smem:$0x3FDB];
	_ =	sdelay $0x1  }
0x9c: {  	s7 =	simm.s32 $_scs_section_size  }
0x9d: {  	s8 =	simm.s32 $_size__tile_overlayer_lowered;
	s9 =	simm.s32 $_tile_overlayer_lowered  }
0x9e: {  	s22 =	simm.s32 $0x1BFF;
	s21 =	sshll.u32 s9, $0x1;
	s6 =	sadd.s32 s7, s19  }
0x9f: {  	s10 =	simm.s32 $0x0;
	s20 =	sshll.u32 s8, $0x1;
	s8 =	sadd.s32 s21, s6  }
0xa0: {  	[timem:s10], [sflag:s22] =	dma.local [hbm:s8], s20  }
0xa1: {  	_ =	swait.ge [sflag:s22], s20  }
0xa2: {  	s7 =	ssub.s32 $0x0, s20;
	[sflag:s22] =	ssyncset.done $0x0  }
0xa3: {  	[sflag:s22] =	ssyncadd.s32 s7;
	_ =	sdelay $0x1  }
0xa4: {  	s23 =	simm.s32 $0x1B8B  }
0xa5: {  	_ =	swait.ge [sflag:s23], $0x1  }
0xa6: {  	[sflag:s23] =	ssyncset.done $0x0  }
0xa7: {  	s25 =	simm.s32 $0x1B8E;
	s24 =	sld [smem:$0x3FFE];
	[sflag:s23] =	ssyncadd.s32 $0xFFFFFFFF  }
0xa8: {  	s26 =	simm.s32 $execute0_lowered;
	[smem:$0x3FD2] =	sst s25  }
0xa9: {  	s8 =	sshll.u32 s26, $0x1;
	_ =	strace $0x80000046;
	[dreg:$0x1] =	wrdreg $0xFFFFFFFF  }
0xaa: {  	s28 =	simm.s32 $_size_execute0_lowered;
	s6 =	sadd.s32 s6, s8;
	[dreg:$0x0] =	wrdreg $0x0  }
0xab: {  	s8 =	sshll.u32 s28, $0x1;
	[dreg:$0x2] =	wrdreg s6  }
0xac: {  	[dreg:$0x3] =	wrdreg s8  }
0xad: {  	[dreg:$0x4] =	wrdreg $0xC0  }
0xae: {  	_ =	task [dreg:s10], $0x5FFFF  }
0xaf: {  	[dreg:$0x1] =	wrdreg $0xFFFFFFFF  }
0xb0: {  	[dreg:$0x0] =	wrdreg $0x60  }
0xb1: {  	[dreg:$0x2] =	wrdreg s2  }
0xb2: {  	[dreg:$0x3] =	wrdreg s18  }
0xb3: {  	[dreg:$0x4] =	wrdreg s4  }
0xb4: {  	[dreg:$0x5] =	wrdreg s5  }
0xb5: {  	[dreg:$0x6] =	wrdreg s24  }
0xb6: {  	[dreg:$0x7] =	wrdreg $0x9  }
0xb7: {  	_ =	task.clear_ibuf [dreg:s10], $0x8FFFF;
	_ =	strace $0x90000046  }
0xb8: {  	s29 =	simm.s32 $0x9;
	_ =	strace $0x80000048  }
0xb9: {  	_ =	swait.ge [sflag:s29], $0x1  }
0xba: {  	[sflag:s29] =	ssyncadd.s32 $0xFFFFFFFF  }
0xbb: {  	_ =	strace $0x90000048  }
0xbc: {  	_ =	sfence  }
0xbd: {  	s30 =	sld [smem:$0x0];
	_ =	sdelay $0x2  }
0xbe: {  	s31 =	sshll.u32 s1, $0xD;
	s1 =	sshrl.u32 s1, $0x2  }
0xbf: {  	s3 =	sand.u32 $0x4000, s31;
	s1 =	sadd.s32 s1, s30  }
0xc0: {  	s0 =	sor.u32 s3, s0;
	s1 =	sshll.u32 s1, $0x11  }
0xc1: {  	s0 =	sor.u32 s1, s0  }
0xc2: {  	s0 =	sadd.s32 $0x8F2B, s0  }
0xc3: {  	[sflag:s0] =	ssyncadd.remote.s32 $0x1  }
0xc4: {  	_ =	sfence.sel $0xFFFF  }
0xc5: {  	[dreg:$0x0] =	wrdreg $0xFFFFFFFF;
	(pc) =	sbr.abs _section_cstart, $3  }
0xc6: {  	[dreg:$0x1] =	wrdreg $0xFFFFFFFF  }
0xc7: {  	_ =	task.clear_ibuf [dreg:s10], $0x2FFFF;
	_ =	strace $0x9FFFFFFF  }
0xc8: {  	(tm) =	ssettm $0x7FFFFFFF  }
0xc9: {  	_ =	shalt  }
tec
execute0_lowered:
.L_overlay_start_1:
0x0: {  	(tag) =	ssettag $0x1  }
0x1: {  	v2 =	vimm.f32 $0.0e+00;
	v3 =	vimm.s32 $0x4000;
	v4 =	vimm.s32 $0x1780  }
0x2: {  	vm0 =	vcmask $0x300;
	vm1 =	vcmask $0x704;
	v5 =	vimm.s32 $0x3F80  }
0x3: {  	vm2 =	vcmask $0xB08;
	vm4 =	vcmask $0xF0C;
	v4 =	vsel vm0, $0x0, v4  }
0x4: {  	vm5 =	vcmask $0x1310;
	v5 =	vsel vm0, $0x2800, v5;
	v4 =	vsel vm1, $0x80, v4  }
0x5: {  	vm6 =	vcmask $0x1714;
	v5 =	vsel vm1, $0x2880, v5;
	v4 =	vsel vm2, $0x100, v4  }
0x6: {  	vm7 =	vcmask $0x1B18;
	v5 =	vsel vm2, $0x2900, v5;
	v4 =	vsel vm4, $0x180, v4  }
0x7: {  	s0 =	srdreg.scid;
	s4 =	rddreg [dreg:$0x2];
	vm8 =	vcmask $0x1F1C;
	v5 =	vsel vm4, $0x2980, v5;
	v4 =	vsel vm5, $0x200, v4  }
0x8: {  	s1 =	stileid.u32;
	s5 =	rddreg [dreg:$0x3];
	vm9 =	vcmask $0x2320;
	v5 =	vsel vm5, $0x2A00, v5;
	v4 =	vsel vm6, $0x280, v4  }
0x9: {  	s3 =	rddreg [dreg:$0x4];
	s7 =	simm.s32 $0x0;
	vm10 =	vcmask $0x2724;
	s14 =	simm.s32 $0x1;
	v5 =	vsel vm6, $0x2A80, v5;
	v4 =	vsel vm7, $0x300, v4  }
0xa: {  	vm11 =	vcmask $0x2B28;
	s17 =	simm.s32 $0xC600;
	s0 =	sand.u32 $0x1, s0;
	s1 =	sshll.u32 s1, $0x1;
	v5 =	vsel vm7, $0x2B00, v5;
	v4 =	vsel vm8, $0x380, v4  }
0xb: {  	vm12 =	vcmask $0x2F2C;
	s18 =	simm.s32 $0x2;
	s19 =	simm.s32 $0x1E600;
	s1 =	sor.u32 s0, s1;
	v5 =	vsel vm8, $0x2B80, v5;
	v4 =	vsel vm9, $0x1400, v4  }
0xc: {  	vm13 =	vcmask $0x3330;
	s20 =	simm.s32 $0x1E880;
	s21 =	simm.s32 $0x16600;
	s1 =	smul.u32 $0x7A10, s1;
	v5 =	vsel vm9, $0x3C00, v5;
	v4 =	vsel vm10, $0x1480, v4  }
0xd: {  	vm14 =	vcmask $0x3734;
	s24 =	simm.s32 $0x3;
	s25 =	simm.s32 $0x0;
	[smem:$0x7FF] =	sst s7;
	v5 =	vsel vm10, $0x3C80, v5;
	v4 =	vsel vm11, $0x1500, v4  }
.Ltmp0:
0xe: {  	vm15 =	vcmask $0x3B38;
	s2 =	sadd.s32 $0x7A10, s1;
	s1 =	sand.u32 $0xFFF80, s1;
	v5 =	vsel vm11, $0x3D00, v5;
	v4 =	vsel vm12, $0x1580, v4;
	(pc) =	sbr.rel .LBB2_1-.Ltmp0, $4  }
0xf: {  	s8 =	sadd.s32 $0x1400, s3;
	s0 =	ssub.s32 $0x2, s0;
	s2 =	sand.u32 $0x1FFF80, s2;
	v0 =	vmov s1;
	v5 =	vsel vm12, $0x3D80, v5;
	v4 =	vsel vm13, $0x1600, v4  }
0x10: {  	s10 =	sadd.s32 $0x41600, s3;
	s6 =	sshrl.u32 s0, $0x1;
	v1 =	vmov s2;
	s9 =	sadd.s32 $0xFFFFEE80, s2;
	v7 =	vsel vm13, $0x3E00, v5;
	v6 =	vsel vm14, $0x1680, v4  }
0x11: {  	_ =	strace $0x80000047;
	s0 =	ssub.s32 s0, s6;
	s2 =	smin.u32 s1, s9;
	v4 =	vlaneseq.u32;
	v5 =	vsel vm15, $0x1700, v6;
	v6 =	vsel vm14, $0x3E80, v7  }
0x12: {  	s13 =	smax.u32 s0, $0x1;
	s11 =	sadd.s32 s4, s2;
	s12 =	sadd.s32 s5, s2;
	v7 =	vimm.s32 $0x0;
	v8 =	vor.u32 $0x10, v4;
	v6 =	vsel vm15, $0x3F00, v6  }
.LBB2_71:
0x13: {  	v9 =	vld [tilespmem:$0x1E600]  }
0x14: {  	v10 =	vld [tilespmem:$0x1E610]  }
0x15: {  	v11 =	vld [tilespmem:$0x1E620]  }
0x16: {  	v12 =	vld [tilespmem:$0x1E630]  }
0x17: {  	v13 =	vld [tilespmem:$0x1E640]  }
0x18: {  	[tilespmem:$0x1E780] =	vst v9;
	v9 =	vld [tilespmem:$0x1E650]  }
0x19: {  	v60 =	vld [tilespmem:$0x1E680];
	[tilespmem:$0x1E790] =	vst v10  }
0x1a: {  	v61 =	vld [tilespmem:$0x1E690];
	[tilespmem:$0x1E7A0] =	vst v11  }
0x1b: {  	v10 =	vld [tilespmem:$0x1E660];
	[tilespmem:$0x1E7B0] =	vst v12  }
0x1c: {  	v11 =	vld [tilespmem:$0x1E670];
	[tilespmem:$0x1E7C0] =	vst v13  }
0x1d: {  	[tilespmem:$0x1E7D0] =	vst v9;
	v9 =	vld [tilespmem:$0x1E6A0]  }
0x1e: {  	v62 =	vld [tilespmem:$0x1E6D0];
	[tilespmem:$0x1E800] =	vst v60  }
0x1f: {  	v63 =	vld [tilespmem:$0x1E6E0];
	[tilespmem:$0x1E810] =	vst v61  }
0x20: {  	[tilespmem:$0x1E7E0] =	vst v10;
	v10 =	vld [tilespmem:$0x1E6B0]  }
0x21: {  	[tilespmem:$0x1E7F0] =	vst v11;
	v11 =	vld [tilespmem:$0x1E6C0]  }
0x22: {  	[tilespmem:$0x1E820] =	vst v9;
	v9 =	vld [tilespmem:$0x1E6F0]  }
0x23: {  	[tilespmem:$0x1E850] =	vst v62  }
0x24: {  	[tilespmem:$0x1E860] =	vst v63  }
0x25: {  	s25 =	sadd.s32 $0x1, s25;
	[tilespmem:$0x1E830] =	vst v10  }
0x26: {  	p0 =	sne.s32 s25, s13;
	[tilespmem:$0x1E840] =	vst v11  }
.Ltmp1:
0x27: {  	s0 =	simm.s32 $0x100;
	s2 =	simm.s32 $0x1E780;
	[tilespmem:$0x1E870] =	vst v9;
	(pc) =	sbr.rel @!p0 .LBB2_72-.Ltmp1, $4  }
0x28: {  	[hbm4b:s10+s0] =	stream.indirect.scatter [tilespmem:s21], [sflag:$0x3], $0x80, s2, s0, $0xb8;
	[tilespmem:$0x1EA00] =	vst v63  }
0x29: {  	_ =	swait.ge [sflag:s24], $0x8000  }
0x2a: {  	[sflag:s24] =	ssyncset.done $0x0  }
0x2b: {  	[sflag:s24] =	ssyncadd.s32 $0xFFFF8000  }
.LBB2_1:
0x2c: {  	s0 =	rddreg [dreg:$0x0]  }
0x2d: {  	[tilespmem:s7], [sflag:$0x1] =	stream.linear.gather [hbm4b:s0+s7], $0x4000, $0x38;
	[tilespmem:$0x1EA00] =	vst v63  }
0x2e: {  	_ =	swait.ge [sflag:s14], $0x4000  }
0x2f: {  	[sflag:s14] =	ssyncset.done $0x0  }
0x30: {  	s23 =	simm.s32 $0x20;
	[sflag:s14] =	ssyncadd.s32 $0xFFFFC000  }
0x31: {  	v9 =	vld [tilespmem:s23+$0xFFFFFFE0];
	_ =	sdelay $0x4  }
0x32: {  	vm0 =	vge.s32 v9, v0;
	vm1 =	vlt.s32 v9, v1  }
0x33: {  	vm0 =	vmand vm0, vm1  }
0x34: {  	v10 =	vsel vm0, $0x3F800000, v2  }
0x35: {  	(xrf0) =	vmax.scan.msk.f32 $0xffff, v10;
	_ =	sdelay $0x5  }
0x36: {  	v10, _, _ =	vpop (xrf0)  }
0x37: {  	(v2sf) =	vpush v10, $0xF;
	_ =	sdelay $0xe  }
0x38: {  	s2 =	spop (v2sf)  }
0x39: {  	p1 =	sgt.f32 s2, $0.0e+00;
	_ =	sdelay $0x1  }
0x3a: {  	v10 =	vimm.s32 @p1 $0x0  }
0x3b: {  	v10 =	vsel @p1 vm0, $0x1, v10  }
0x3c: {  	(xrf0) =	vadd.scan.msk.s32 @p1 $0xffff, v10;
	_ =	sdelay $0x2  }
0x3d: {  	v10 =	vmov @p1 s7  }
0x3e: {  	v10 =	vadd.s32 @p1 $0xFFFFFFFF, v10  }
0x3f: {  	v10 =	vbroadcast @p1 v10, $0x0  }
0x40: {  	v11, _, _ =	vpop @p1 (xrf0)  }
0x41: {  	v10 =	vadd.s32 @p1 v11, v10  }
0x42: {  	vm1 =	vlt.s32 @p1 v10, $0x4008  }
0x43: {  	v10 =	vnsel @p1 vm1, $0x4008, v10  }
0x44: {  	v10 =	vnsel @p1 vm0, $0x4008, v10;
	_ =	sdelay $0x3  }
0x45: {  	v12 =	vlaneseq.u32 @p1;
	s2 =	simm.s32 @p1 $0x4000  }
0x46: {  	v12 =	vor.u32 @p1 s7, v12;
	[tilespmem:v10+s2+$0x0] =	vst.idx.msk @p1 $0xffff, v9;
	s2 =	simm.s32 @p1 $0x8080  }
0x47: {  	[tilespmem:v10+s2+$0x0] =	vst.idx.msk @p1 $0xffff, v12  }
0x48: {  	v9 =	vld [tilespmem:s23+$0xFFFFFFF0];
	_ =	sdelay $0x4  }
0x49: {  	vm0 =	vge.s32 v9, v0;
	vm1 =	vlt.s32 v9, v1  }
0x4a: {  	vm0 =	vmand vm0, vm1  }
0x4b: {  	v10 =	vsel vm0, $0x3F800000, v2  }
0x4c: {  	(xrf0) =	vmax.scan.msk.f32 $0xffff, v10;
	_ =	sdelay $0x5  }
0x4d: {  	(v2sf) =	vpush @p1 v11, $0xF;
	v10, _, _ =	vpop (xrf0)  }
0x4e: {  	(v2sf) =	vpush v10, $0xF;
	_ =	sdelay $0xd  }
0x4f: {  	s2 =	spop @p1 (v2sf)  }
0x50: {  	s3 =	spop (v2sf)  }
0x51: {  	p0 =	sgt.f32 s3, $0.0e+00;
	_ =	sdelay $0x1  }
0x52: {  	v10 =	vimm.s32 @p0 $0x0  }
0x53: {  	v10 =	vsel @p0 vm0, $0x1, v10  }
0x54: {  	(xrf0) =	vadd.scan.msk.s32 @p0 $0xffff, v10  }
0x55: {  	s28 =	simm.s32 $0x0;
	s2 =	sadd.s32 @p1 $0x0, s2  }
0x56: {  	s28 =	smov.u32 @p1 s2  }
0x57: {  	v10 =	vmov @p0 s28  }
0x58: {  	v10 =	vadd.s32 @p0 $0xFFFFFFFF, v10  }
0x59: {  	v10 =	vbroadcast @p0 v10, $0x0  }
0x5a: {  	v11, _, _ =	vpop @p0 (xrf0)  }
0x5b: {  	v10 =	vadd.s32 @p0 v11, v10  }
0x5c: {  	vm1 =	vlt.s32 @p0 v10, $0x4008  }
0x5d: {  	v10 =	vnsel @p0 vm1, $0x4008, v10  }
0x5e: {  	v10 =	vnsel @p0 vm0, $0x4008, v10;
	_ =	sdelay $0x3  }
0x5f: {  	s2 =	simm.s32 $0x10;
	v12 =	vlaneseq.u32 @p0;
	s3 =	simm.s32 @p0 $0x4000  }
0x60: {  	v12 =	vor.u32 @p0 s2, v12;
	s2 =	simm.s32 @p0 $0x8080;
	[tilespmem:v10+s3+$0x0] =	vst.idx.msk @p0 $0xffff, v9  }
0x61: {  	[tilespmem:v10+s2+$0x0] =	vst.idx.msk @p0 $0xffff, v12  }
0x62: {  	v9 =	vld [tilespmem:s23+$0x0];
	_ =	sdelay $0x4  }
0x63: {  	vm0 =	vge.s32 v9, v0;
	vm1 =	vlt.s32 v9, v1  }
0x64: {  	vm0 =	vmand vm0, vm1  }
0x65: {  	v10 =	vsel vm0, $0x3F800000, v2  }
0x66: {  	(xrf0) =	vmax.scan.msk.f32 $0xffff, v10;
	_ =	sdelay $0x5  }
0x67: {  	(v2sf) =	vpush @p0 v11, $0xF;
	v10, _, _ =	vpop (xrf0)  }
0x68: {  	(v2sf) =	vpush v10, $0xF;
	_ =	sdelay $0xd  }
0x69: {  	s2 =	spop @p0 (v2sf)  }
0x6a: {  	s26 =	spop (v2sf)  }
0x6b: {  	p2 =	sgt.f32 s26, $0.0e+00;
	_ =	sdelay $0x1  }
0x6c: {  	v10 =	vimm.s32 @p2 $0x0  }
0x6d: {  	v10 =	vsel @p2 vm0, $0x1, v10  }
0x6e: {  	(xrf0) =	vadd.scan.msk.s32 @p2 $0xffff, v10  }
0x6f: {  	s2 =	sadd.s32 @p0 s28, s2  }
0x70: {  	s28 =	smov.u32 @p0 s2  }
0x71: {  	v10 =	vmov @p2 s28  }
0x72: {  	v10 =	vadd.s32 @p2 $0xFFFFFFFF, v10  }
0x73: {  	v10 =	vbroadcast @p2 v10, $0x0  }
0x74: {  	v11, _, _ =	vpop @p2 (xrf0)  }
0x75: {  	v10 =	vadd.s32 @p2 v11, v10  }
0x76: {  	vm1 =	vlt.s32 @p2 v10, $0x4008  }
0x77: {  	v10 =	vnsel @p2 vm1, $0x4008, v10  }
0x78: {  	v10 =	vnsel @p2 vm0, $0x4008, v10;
	_ =	sdelay $0x3  }
0x79: {  	s2 =	simm.s32 $0x20;
	v12 =	vlaneseq.u32 @p2;
	s3 =	simm.s32 @p2 $0x4000  }
0x7a: {  	v12 =	vor.u32 @p2 s2, v12;
	s2 =	simm.s32 @p2 $0x8080;
	[tilespmem:v10+s3+$0x0] =	vst.idx.msk @p2 $0xffff, v9  }
0x7b: {  	[tilespmem:v10+s2+$0x0] =	vst.idx.msk @p2 $0xffff, v12  }
0x7c: {  	v9 =	vld [tilespmem:s23+$0x10];
	_ =	sdelay $0x4  }
0x7d: {  	vm0 =	vge.s32 v9, v0;
	vm1 =	vlt.s32 v9, v1  }
0x7e: {  	vm0 =	vmand vm0, vm1  }
0x7f: {  	v10 =	vsel vm0, $0x3F800000, v2  }
0x80: {  	(xrf0) =	vmax.scan.msk.f32 $0xffff, v10;
	_ =	sdelay $0x5  }
0x81: {  	(v2sf) =	vpush @p2 v11, $0xF;
	v10, _, _ =	vpop (xrf0)  }
0x82: {  	(v2sf) =	vpush v10, $0xF;
	_ =	sdelay $0xd  }
0x83: {  	s0 =	spop @p2 (v2sf)  }
0x84: {  	s31 =	spop (v2sf)  }
0x85: {  	p1 =	sgt.f32 s31, $0.0e+00;
	_ =	sdelay $0x1  }
0x86: {  	v10 =	vimm.s32 @p1 $0x0  }
0x87: {  	v10 =	vsel @p1 vm0, $0x1, v10  }
0x88: {  	(xrf0) =	vadd.scan.msk.s32 @p1 $0xffff, v10  }
0x89: {  	s0 =	sadd.s32 @p2 s28, s0  }
0x8a: {  	s28 =	smov.u32 @p2 s0  }
0x8b: {  	v10 =	vmov @p1 s28  }
0x8c: {  	v10 =	vadd.s32 @p1 $0xFFFFFFFF, v10  }
0x8d: {  	v10 =	vbroadcast @p1 v10, $0x0  }
0x8e: {  	v11, _, _ =	vpop @p1 (xrf0)  }
0x8f: {  	v10 =	vadd.s32 @p1 v11, v10;
	(v2sf) =	vpush @p1 v11, $0xF  }
0x90: {  	vm1 =	vlt.s32 @p1 v10, $0x4008  }
0x91: {  	v10 =	vnsel @p1 vm1, $0x4008, v10  }
0x92: {  	v10 =	vnsel @p1 vm0, $0x4008, v10;
	_ =	sdelay $0x3  }
0x93: {  	s0 =	simm.s32 $0x30;
	s2 =	simm.s32 @p1 $0x4000;
	v11 =	vlaneseq.u32 @p1  }
0x94: {  	v11 =	vor.u32 @p1 s0, v11;
	s0 =	simm.s32 @p1 $0x8080;
	[tilespmem:v10+s2+$0x0] =	vst.idx.msk @p1 $0xffff, v9  }
0x95: {  	s26 =	simm.s32 $0x60;
	[tilespmem:v10+s0+$0x0] =	vst.idx.msk @p1 $0xffff, v11  }
0x96: {  	v9 =	vld [tilespmem:s26+$0xFFFFFFE0];
	_ =	sdelay $0x4  }
0x97: {  	vm0 =	vge.s32 v9, v0;
	vm1 =	vlt.s32 v9, v1;
	s0 =	spop @p1 (v2sf)  }
0x98: {  	s30 =	simm.s32 $0x4;
	s29 =	simm.s32 $0x0;
	vm0 =	vmand vm0, vm1;
	s0 =	sadd.s32 @p1 s28, s0  }
.LBB2_2:
0x99: {  	s30 =	sadd.s32 $0x4, s30;
	v10 =	vsel vm0, $0x3F800000, v2;
	s28 =	smov.u32 @p1 s0;
	s29 =	sadd.s32 $0x40, s29  }
0x9a: {  	p0 =	slt.u32 s30, $0x3FC;
	(xrf0) =	vmax.scan.msk.f32 $0xffff, v10;
	_ =	sdelay $0x5  }
0x9b: {  	v10, _, _ =	vpop (xrf0)  }
0x9c: {  	(v2sf) =	vpush v10, $0xF;
	_ =	sdelay $0xe  }
0x9d: {  	s0 =	spop (v2sf)  }
0x9e: {  	p1 =	sgt.f32 s0, $0.0e+00;
	_ =	sdelay $0x1  }
0x9f: {  	v10 =	vlaneseq.u32 @p1;
	v11 =	vimm.s32 @p1 $0x0;
	v12 =	vmov @p1 s28  }
0xa0: {  	v10 =	vor.u32 @p1 s29, v10;
	v11 =	vsel @p1 vm0, $0x1, v11;
	v12 =	vadd.s32 @p1 $0xFFFFFFFF, v12  }
0xa1: {  	v12 =	vbroadcast @p1 v12, $0x0;
	(xrf0) =	vadd.scan.msk.s32 @p1 $0xffff, v11;
	_ =	sdelay $0x5  }
0xa2: {  	v11, _, _ =	vpop @p1 (xrf0)  }
0xa3: {  	v12 =	vadd.s32 @p1 v11, v12;
	(v2sf) =	vpush @p1 v11, $0xF  }
0xa4: {  	vm1 =	vlt.s32 @p1 v12, $0x4008  }
0xa5: {  	v11 =	vnsel @p1 vm1, $0x4008, v12  }
0xa6: {  	v11 =	vnsel @p1 vm0, $0x4008, v11;
	_ =	sdelay $0x3  }
0xa7: {  	s0 =	simm.s32 @p1 $0x4000  }
0xa8: {  	[tilespmem:v11+s0+$0x0] =	vst.idx.msk @p1 $0xffff, v9;
	s0 =	simm.s32 @p1 $0x8080  }
0xa9: {  	[tilespmem:v11+s0+$0x0] =	vst.idx.msk @p1 $0xffff, v10  }
0xaa: {  	v9 =	vld [tilespmem:s26+$0xFFFFFFF0];
	_ =	sdelay $0x4  }
0xab: {  	vm0 =	vge.s32 v9, v0;
	vm1 =	vlt.s32 v9, v1;
	s0 =	spop @p1 (v2sf)  }
0xac: {  	s0 =	sadd.s32 @p1 s28, s0;
	vm0 =	vmand vm0, vm1  }
0xad: {  	s28 =	smov.u32 @p1 s0;
	v10 =	vsel vm0, $0x3F800000, v2  }
0xae: {  	(xrf0) =	vmax.scan.msk.f32 $0xffff, v10;
	_ =	sdelay $0x5  }
0xaf: {  	v10, _, _ =	vpop (xrf0)  }
0xb0: {  	(v2sf) =	vpush v10, $0xF;
	_ =	sdelay $0xe  }
0xb1: {  	s0 =	spop (v2sf)  }
0xb2: {  	p1 =	sgt.f32 s0, $0.0e+00;
	_ =	sdelay $0x1  }
0xb3: {  	s0 =	sadd.s32 $0x10, s29;
	v10 =	vlaneseq.u32 @p1;
	v11 =	vimm.s32 @p1 $0x0;
	v12 =	vmov @p1 s28  }
0xb4: {  	v10 =	vor.u32 @p1 s0, v10;
	v11 =	vsel @p1 vm0, $0x1, v11;
	v12 =	vadd.s32 @p1 $0xFFFFFFFF, v12  }
0xb5: {  	v12 =	vbroadcast @p1 v12, $0x0;
	(xrf0) =	vadd.scan.msk.s32 @p1 $0xffff, v11;
	_ =	sdelay $0x5  }
0xb6: {  	v11, _, _ =	vpop @p1 (xrf0)  }
0xb7: {  	v12 =	vadd.s32 @p1 v11, v12;
	(v2sf) =	vpush @p1 v11, $0xF  }
0xb8: {  	vm1 =	vlt.s32 @p1 v12, $0x4008  }
0xb9: {  	v11 =	vnsel @p1 vm1, $0x4008, v12  }
0xba: {  	v11 =	vnsel @p1 vm0, $0x4008, v11;
	_ =	sdelay $0x3  }
0xbb: {  	s0 =	simm.s32 @p1 $0x4000  }
0xbc: {  	[tilespmem:v11+s0+$0x0] =	vst.idx.msk @p1 $0xffff, v9;
	s0 =	simm.s32 @p1 $0x8080  }
0xbd: {  	[tilespmem:v11+s0+$0x0] =	vst.idx.msk @p1 $0xffff, v10  }
0xbe: {  	v9 =	vld [tilespmem:s26+$0x0];
	_ =	sdelay $0x4  }
0xbf: {  	vm0 =	vge.s32 v9, v0;
	vm1 =	vlt.s32 v9, v1;
	s0 =	spop @p1 (v2sf)  }
0xc0: {  	s0 =	sadd.s32 @p1 s28, s0;
	vm0 =	vmand vm0, vm1  }
0xc1: {  	s28 =	smov.u32 @p1 s0;
	v10 =	vsel vm0, $0x3F800000, v2  }
0xc2: {  	(xrf0) =	vmax.scan.msk.f32 $0xffff, v10;
	_ =	sdelay $0x5  }
0xc3: {  	v10, _, _ =	vpop (xrf0)  }
0xc4: {  	(v2sf) =	vpush v10, $0xF;
	_ =	sdelay $0xe  }
0xc5: {  	s0 =	spop (v2sf)  }
0xc6: {  	p2 =	sgt.f32 s0, $0.0e+00;
	_ =	sdelay $0x1  }
0xc7: {  	s0 =	sadd.s32 $0x20, s29;
	v10 =	vlaneseq.u32 @p2;
	v11 =	vimm.s32 @p2 $0x0;
	v12 =	vmov @p2 s28  }
0xc8: {  	v10 =	vor.u32 @p2 s0, v10;
	v11 =	vsel @p2 vm0, $0x1, v11;
	v12 =	vadd.s32 @p2 $0xFFFFFFFF, v12  }
0xc9: {  	v12 =	vbroadcast @p2 v12, $0x0;
	(xrf0) =	vadd.scan.msk.s32 @p2 $0xffff, v11;
	_ =	sdelay $0x5  }
0xca: {  	v11, _, _ =	vpop @p2 (xrf0)  }
0xcb: {  	v12 =	vadd.s32 @p2 v11, v12;
	(v2sf) =	vpush @p2 v11, $0xF  }
0xcc: {  	vm1 =	vlt.s32 @p2 v12, $0x4008  }
0xcd: {  	v11 =	vnsel @p2 vm1, $0x4008, v12  }
0xce: {  	v11 =	vnsel @p2 vm0, $0x4008, v11;
	_ =	sdelay $0x3  }
0xcf: {  	s0 =	simm.s32 @p2 $0x4000  }
0xd0: {  	[tilespmem:v11+s0+$0x0] =	vst.idx.msk @p2 $0xffff, v9;
	s0 =	simm.s32 @p2 $0x8080  }
0xd1: {  	[tilespmem:v11+s0+$0x0] =	vst.idx.msk @p2 $0xffff, v10  }
0xd2: {  	v9 =	vld [tilespmem:s26+$0x10];
	_ =	sdelay $0x4  }
0xd3: {  	vm0 =	vge.s32 v9, v0;
	vm1 =	vlt.s32 v9, v1;
	s0 =	spop @p2 (v2sf)  }
0xd4: {  	s0 =	sadd.s32 @p2 s28, s0;
	vm0 =	vmand vm0, vm1  }
0xd5: {  	v10 =	vsel vm0, $0x3F800000, v2  }
0xd6: {  	(xrf0) =	vmax.scan.msk.f32 $0xffff, v10;
	_ =	sdelay $0x5  }
0xd7: {  	v10, _, _ =	vpop (xrf0)  }
0xd8: {  	(v2sf) =	vpush v10, $0xF;
	_ =	sdelay $0xe  }
0xd9: {  	s2 =	spop (v2sf)  }
0xda: {  	p1 =	sgt.f32 s2, $0.0e+00  }
0xdb: {  	s28 =	smov.u32 @p2 s0  }
0xdc: {  	s0 =	sadd.s32 $0x30, s29;
	v10 =	vlaneseq.u32 @p1;
	v11 =	vimm.s32 @p1 $0x0;
	v12 =	vmov @p1 s28  }
0xdd: {  	v10 =	vor.u32 @p1 s0, v10;
	v11 =	vsel @p1 vm0, $0x1, v11;
	v12 =	vadd.s32 @p1 $0xFFFFFFFF, v12  }
0xde: {  	v12 =	vbroadcast @p1 v12, $0x0;
	(xrf0) =	vadd.scan.msk.s32 @p1 $0xffff, v11;
	_ =	sdelay $0x5  }
0xdf: {  	v11, _, _ =	vpop @p1 (xrf0)  }
0xe0: {  	v12 =	vadd.s32 @p1 v11, v12;
	(v2sf) =	vpush @p1 v11, $0xF  }
0xe1: {  	vm1 =	vlt.s32 @p1 v12, $0x4008  }
0xe2: {  	v11 =	vnsel @p1 vm1, $0x4008, v12  }
0xe3: {  	v11 =	vnsel @p1 vm0, $0x4008, v11;
	_ =	sdelay $0x3  }
0xe4: {  	s0 =	simm.s32 @p1 $0x4000  }
0xe5: {  	[tilespmem:v11+s0+$0x0] =	vst.idx.msk @p1 $0xffff, v9;
	s0 =	simm.s32 @p1 $0x8080  }
0xe6: {  	s26 =	sadd.s32 $0x40, s26;
	[tilespmem:v11+s0+$0x0] =	vst.idx.msk @p1 $0xffff, v10  }
0xe7: {  	v9 =	vld [tilespmem:s26+$0xFFFFFFE0];
	_ =	sdelay $0x1  }
.Ltmp2:
0xe8: {  	(pc) =	sbr.rel @p0 .LBB2_2-.Ltmp2, $3  }
0xe9: {  	_ =	sdelay $0x1  }
0xea: {  	vm0 =	vge.s32 v9, v0;
	vm1 =	vlt.s32 v9, v1;
	s0 =	spop @p1 (v2sf)  }
0xeb: {  	vm0 =	vmand vm0, vm1;
	s0 =	sadd.s32 @p1 s28, s0  }
0xec: {  	v10 =	vsel vm0, $0x3F800000, v2  }
0xed: {  	(xrf0) =	vmax.scan.msk.f32 $0xffff, v10;
	_ =	sdelay $0x5  }
0xee: {  	v10, _, _ =	vpop (xrf0)  }
0xef: {  	(v2sf) =	vpush v10, $0xF;
	_ =	sdelay $0xe  }
0xf0: {  	s2 =	spop (v2sf)  }
0xf1: {  	p2 =	sgt.f32 s2, $0.0e+00;
	_ =	sdelay $0x1  }
0xf2: {  	v10 =	vimm.s32 @p2 $0x0  }
0xf3: {  	v10 =	vsel @p2 vm0, $0x1, v10  }
0xf4: {  	(xrf0) =	vadd.scan.msk.s32 @p2 $0xffff, v10;
	_ =	sdelay $0x1  }
0xf5: {  	s28 =	smov.u32 @p1 s0  }
0xf6: {  	v10 =	vmov @p2 s28  }
0xf7: {  	v10 =	vadd.s32 @p2 $0xFFFFFFFF, v10  }
0xf8: {  	v10 =	vbroadcast @p2 v10, $0x0  }
0xf9: {  	v11, _, _ =	vpop @p2 (xrf0)  }
0xfa: {  	v10 =	vadd.s32 @p2 v11, v10  }
0xfb: {  	vm1 =	vlt.s32 @p2 v10, $0x4008  }
0xfc: {  	v10 =	vnsel @p2 vm1, $0x4008, v10  }
0xfd: {  	v10 =	vnsel @p2 vm0, $0x4008, v10;
	_ =	sdelay $0x3  }
0xfe: {  	s0 =	sadd.s32 $0x40, s29;
	v12 =	vlaneseq.u32 @p2;
	s2 =	simm.s32 @p2 $0x4000  }
0xff: {  	v12 =	vor.u32 @p2 s0, v12;
	[tilespmem:v10+s2+$0x0] =	vst.idx.msk @p2 $0xffff, v9;
	s2 =	simm.s32 @p2 $0x8080  }
0x100: {  	[tilespmem:v10+s2+$0x0] =	vst.idx.msk @p2 $0xffff, v12  }
0x101: {  	v9 =	vld [tilespmem:s26+$0xFFFFFFF0];
	_ =	sdelay $0x4  }
0x102: {  	vm10 =	vge.s32 v9, v0;
	vm11 =	vlt.s32 v9, v1  }
0x103: {  	vm0 =	vmand vm10, vm11  }
0x104: {  	v10 =	vsel vm0, $0x3F800000, v2  }
0x105: {  	(xrf0) =	vmax.scan.msk.f32 $0xffff, v10;
	_ =	sdelay $0x5  }
0x106: {  	(v2sf) =	vpush @p2 v11, $0xF;
	v10, _, _ =	vpop (xrf0)  }
0x107: {  	(v2sf) =	vpush v10, $0xF;
	_ =	sdelay $0xd  }
0x108: {  	s2 =	spop @p2 (v2sf)  }
0x109: {  	s3 =	spop (v2sf)  }
0x10a: {  	p0 =	sgt.f32 s3, $0.0e+00;
	_ =	sdelay $0x1  }
0x10b: {  	v10 =	vimm.s32 @p0 $0x0  }
0x10c: {  	v10 =	vsel @p0 vm0, $0x1, v10  }
0x10d: {  	(xrf0) =	vadd.scan.msk.s32 @p0 $0xffff, v10  }
0x10e: {  	s2 =	sadd.s32 @p2 s28, s2  }
0x10f: {  	s28 =	smov.u32 @p2 s2  }
0x110: {  	v10 =	vmov @p0 s28  }
0x111: {  	v10 =	vadd.s32 @p0 $0xFFFFFFFF, v10  }
0x112: {  	v10 =	vbroadcast @p0 v10, $0x0  }
0x113: {  	v11, _, _ =	vpop @p0 (xrf0)  }
0x114: {  	v10 =	vadd.s32 @p0 v11, v10  }
0x115: {  	vm1 =	vlt.s32 @p0 v10, $0x4008  }
0x116: {  	v10 =	vnsel @p0 vm1, $0x4008, v10  }
0x117: {  	v10 =	vnsel @p0 vm0, $0x4008, v10;
	_ =	sdelay $0x3  }
0x118: {  	s2 =	sadd.s32 $0x10, s0;
	v12 =	vlaneseq.u32 @p0;
	s3 =	simm.s32 @p0 $0x4000  }
0x119: {  	v12 =	vor.u32 @p0 s2, v12;
	s2 =	simm.s32 @p0 $0x8080;
	[tilespmem:v10+s3+$0x0] =	vst.idx.msk @p0 $0xffff, v9  }
0x11a: {  	[tilespmem:v10+s2+$0x0] =	vst.idx.msk @p0 $0xffff, v12  }
0x11b: {  	v9 =	vld [tilespmem:s26+$0x0];
	_ =	sdelay $0x4  }
0x11c: {  	vm12 =	vge.s32 v9, v0;
	vm13 =	vlt.s32 v9, v1  }
0x11d: {  	vm0 =	vmand vm12, vm13  }
0x11e: {  	v10 =	vsel vm0, $0x3F800000, v2  }
0x11f: {  	(xrf0) =	vmax.scan.msk.f32 $0xffff, v10;
	_ =	sdelay $0x5  }
0x120: {  	(v2sf) =	vpush @p0 v11, $0xF;
	v10, _, _ =	vpop (xrf0)  }
0x121: {  	(v2sf) =	vpush v10, $0xF;
	_ =	sdelay $0xd  }
0x122: {  	s2 =	spop @p0 (v2sf)  }
0x123: {  	s16 =	spop (v2sf)  }
0x124: {  	p1 =	sgt.f32 s16, $0.0e+00;
	_ =	sdelay $0x1  }
0x125: {  	v10 =	vimm.s32 @p1 $0x0  }
0x126: {  	v10 =	vsel @p1 vm0, $0x1, v10  }
0x127: {  	(xrf0) =	vadd.scan.msk.s32 @p1 $0xffff, v10  }
0x128: {  	s2 =	sadd.s32 @p0 s28, s2  }
0x129: {  	s28 =	smov.u32 @p0 s2  }
0x12a: {  	v10 =	vmov @p1 s28  }
0x12b: {  	v10 =	vadd.s32 @p1 $0xFFFFFFFF, v10  }
0x12c: {  	v10 =	vbroadcast @p1 v10, $0x0  }
0x12d: {  	v11, _, _ =	vpop @p1 (xrf0)  }
0x12e: {  	v10 =	vadd.s32 @p1 v11, v10  }
0x12f: {  	vm1 =	vlt.s32 @p1 v10, $0x4008  }
0x130: {  	v10 =	vnsel @p1 vm1, $0x4008, v10  }
0x131: {  	v10 =	vnsel @p1 vm0, $0x4008, v10;
	_ =	sdelay $0x3  }
0x132: {  	s2 =	sadd.s32 $0x20, s0;
	v12 =	vlaneseq.u32 @p1;
	s3 =	simm.s32 @p1 $0x4000  }
0x133: {  	v12 =	vor.u32 @p1 s2, v12;
	s2 =	simm.s32 @p1 $0x8080;
	[tilespmem:v10+s3+$0x0] =	vst.idx.msk @p1 $0xffff, v9  }
0x134: {  	[tilespmem:v10+s2+$0x0] =	vst.idx.msk @p1 $0xffff, v12  }
0x135: {  	v9 =	vld [tilespmem:s26+$0x10];
	_ =	sdelay $0x4  }
0x136: {  	vm14 =	vge.s32 v9, v0;
	vm15 =	vlt.s32 v9, v1  }
0x137: {  	vm0 =	vmand vm14, vm15  }
0x138: {  	v10 =	vsel vm0, $0x3F800000, v2  }
0x139: {  	(xrf0) =	vmax.scan.msk.f32 $0xffff, v10;
	_ =	sdelay $0x5  }
0x13a: {  	(v2sf) =	vpush @p1 v11, $0xF;
	v10, _, _ =	vpop (xrf0)  }
0x13b: {  	(v2sf) =	vpush v10, $0xF;
	_ =	sdelay $0xd  }
0x13c: {  	s2 =	spop @p1 (v2sf)  }
0x13d: {  	s22 =	spop (v2sf)  }
0x13e: {  	p0 =	sgt.f32 s22, $0.0e+00;
	_ =	sdelay $0x1  }
0x13f: {  	v10 =	vimm.s32 @p0 $0x0  }
0x140: {  	v10 =	vsel @p0 vm0, $0x1, v10  }
0x141: {  	(xrf0) =	vadd.scan.msk.s32 @p0 $0xffff, v10  }
0x142: {  	s2 =	sadd.s32 @p1 s28, s2  }
0x143: {  	s28 =	smov.u32 @p1 s2  }
0x144: {  	v10 =	vmov @p0 s28  }
0x145: {  	v10 =	vadd.s32 @p0 $0xFFFFFFFF, v10  }
0x146: {  	v10 =	vbroadcast @p0 v10, $0x0  }
0x147: {  	v11, _, _ =	vpop @p0 (xrf0)  }
0x148: {  	v10 =	vadd.s32 @p0 v11, v10  }
0x149: {  	vm1 =	vlt.s32 @p0 v10, $0x4008  }
0x14a: {  	v10 =	vnsel @p0 vm1, $0x4008, v10  }
0x14b: {  	v10 =	vnsel @p0 vm0, $0x4008, v10;
	_ =	sdelay $0x3  }
0x14c: {  	s0 =	sadd.s32 $0x30, s0;
	s2 =	simm.s32 @p0 $0x4000;
	(v2sf) =	vpush @p0 v11, $0xF;
	v11 =	vlaneseq.u32 @p0  }
0x14d: {  	v11 =	vor.u32 @p0 s0, v11;
	s0 =	simm.s32 @p0 $0x8080;
	[tilespmem:v10+s2+$0x0] =	vst.idx.msk @p0 $0xffff, v9  }
0x14e: {  	[tilespmem:v10+s0+$0x0] =	vst.idx.msk @p0 $0xffff, v11  }
0x14f: {  	[tilespmem:$0x1E600] =	vst v3  }
0x150: {  	[tilespmem:$0x1E610] =	vst v3  }
0x151: {  	[tilespmem:$0x1E620] =	vst v3  }
0x152: {  	[tilespmem:$0x1E630] =	vst v3  }
0x153: {  	[tilespmem:$0x1E640] =	vst v3  }
0x154: {  	[tilespmem:$0x1E650] =	vst v3  }
0x155: {  	[tilespmem:$0x1E660] =	vst v3  }
0x156: {  	[tilespmem:$0x1E670] =	vst v3  }
0x157: {  	[tilespmem:$0x1E680] =	vst v3  }
0x158: {  	[tilespmem:$0x1E690] =	vst v3  }
0x159: {  	[tilespmem:$0x1E6A0] =	vst v3  }
0x15a: {  	[tilespmem:$0x1E6B0] =	vst v3  }
0x15b: {  	[tilespmem:$0x1E6C0] =	vst v3  }
0x15c: {  	[tilespmem:$0x1E6D0] =	vst v3  }
0x15d: {  	[tilespmem:$0x1E6E0] =	vst v3  }
0x15e: {  	s31 =	simm.s32 $0x1400;
	s6 =	simm.s32 $0x7A1400;
	[tilespmem:$0x1E6F0] =	vst v3  }
0x15f: {  	[tilespmem:s17], [sflag:$0x2] =	stream.strided.gather [hbm4b:s11+s31], $0x5000, s6, s31, $0x38;
	[tilespmem:$0x1EA00] =	vst v63  }
0x160: {  	s0 =	spop @p0 (v2sf)  }
0x161: {  	s0 =	sadd.s32 @p0 s28, s0  }
0x162: {  	s28 =	smov.u32 @p0 s0  }
0x163: {  	s0 =	sadd.s32 $0xF, s28  }
0x164: {  	s23 =	sand.u32 $0xF, s0  }
0x165: {  	s26 =	sshra.s32 s0, $0x1F;
	p5 =	slt.s32 s0, $0x1;
	p6 =	sne.s32 s23, $0x0  }
.Ltmp3:
0x166: {  	s30 =	sshrl.u32 s26, $0x1C;
	p0 =	por !p5, !p6;
	(pc) =	sbr.rel .LBB2_4-.Ltmp3, $4  }
0x167: {  	s2 =	simm.s32 $0x1;
	s0 =	sadd.s32 s30, s0;
	p0 =	por !p0, !p0  }
0x168: {  	s0 =	sshra.s32 s0, $0x4;
	s2 =	simm.s32 @!p0 $0x0  }
0x169: {  	s26 =	ssub.s32 s0, s2  }
0x16a: {  	s15 =	simm.s32 $0x0;
	s29 =	simm.s32 $0x0;
	v9 =	vmov s28;
	p0 =	slt.s32 s26, $0x1  }
.LBB2_35:
0x16b: {  	s29 =	sadd.s32 $0x1, s29  }
0x16c: {  	p1 =	sne.s32 s29, $0x7  }
.Ltmp4:
0x16d: {  	_ = 	snop;
	(pc) =	sbr.rel @!p1 .LBB2_36-.Ltmp4, $1  }
0x16e: {  	_ =	sdelay $0x3  }
.LBB2_4:
0x16f: {  	s0 =	smul.u32 $0x1180, s29  }
.Ltmp5:
0x170: {  	_ = 	snop;
	(pc) =	sbr.rel @p0 .LBB2_14-.Ltmp5, $4  }
0x171: {  	_ = 	snop  }
0x172: {  	s0 =	sadd.s32 s1, s0  }
0x173: {  	s30 =	smov.u32 s9;
	p1 =	slt.s32 s0, s9  }
0x174: {  	s30 =	smov.u32 @p1 s0;
	s0 =	simm.s32 $0x0  }
0x175: {  	s0 =	simm.s32 $0x4000  }
0x176: {  	v12 =	vld [tilespmem:s0+$0x0];
	_ =	sdelay $0x2  }
0x177: {  	s2 =	sadd.s32 $0x1180, s30;
	s0 =	simm.s32 $0x0  }
0x178: {  	v10 =	vmov s2;
	v13 =	vor.u32 s0, v4  }
0x179: {  	v11 =	vmov s30;
	vm1 =	vlt.s32 v13, v9;
	vm0 =	vlt.s32 v12, v10  }
0x17a: {  	vm2 =	vge.s32 v12, v11;
	vm0 =	vmand vm0, vm1  }
0x17b: {  	vm0 =	vmand vm0, vm2  }
0x17c: {  	v63 =	vsel vm0, $0x3F800000, v2  }
0x17d: {  	(xrf0) =	vmax.scan.msk.f32 $0xffff, v63;
	_ =	sdelay $0x5  }
0x17e: {  	v13, _, _ =	vpop (xrf0)  }
0x17f: {  	(v2sf) =	vpush v13, $0xF;
	_ =	sdelay $0xe  }
0x180: {  	s28 =	spop (v2sf)  }
0x181: {  	p1 =	sgt.f32 s28, $0.0e+00;
	_ =	sdelay $0x1  }
0x182: {  	v13 =	vimm.s32 @p1 $0x0  }
0x183: {  	v13 =	vsel @p1 vm0, $0x1, v13  }
0x184: {  	(xrf0) =	vadd.scan.msk.s32 @p1 $0xffff, v13;
	_ =	sdelay $0x2  }
0x185: {  	v13 =	vmov @p1 s0  }
0x186: {  	v13 =	vadd.s32 @p1 $0xFFFFFFFF, v13  }
0x187: {  	v13 =	vbroadcast @p1 v13, $0x0  }
0x188: {  	v14, _, _ =	vpop @p1 (xrf0)  }
0x189: {  	v13 =	vadd.s32 @p1 v14, v13;
	(v2sf) =	vpush @p1 v14, $0xF  }
0x18a: {  	vm1 =	vlt.s32 @p1 v13, $0x1F8  }
0x18b: {  	v13 =	vnsel @p1 vm1, $0x1F8, v13  }
0x18c: {  	s3 =	sadd.s32 $0xFFFFFFFF, s26;
	s2 =	simm.s32 $0x8080;
	v13 =	vnsel @p1 vm0, $0x1F8, v13  }
0x18d: {  	p2 =	sne.s32 s3, $0x0;
	v15 =	vld @p1 [tilespmem:s2+$0x0]  }
.Ltmp6:
0x18e: {  	_ = 	snop;
	(pc) =	sbr.rel @!p2 .LBB2_7-.Ltmp6, $4  }
0x18f: {  	_ = 	snop  }
0x190: {  	s6 =	simm.s32 @p1 $0xC100  }
0x191: {  	s16 =	simm.s32 @p1 $0xC380;
	[tilespmem:v13+s6+$0x0] =	vst.idx.msk @p1 $0xffff, v12  }
0x192: {  	s31 =	simm.s32 $0x0;
	s6 =	simm.s32 $0x4010;
	[tilespmem:v13+s16+$0x0] =	vst.idx.msk @p1 $0xffff, v15  }
.LBB2_6:
0x193: {  	v12 =	vld [tilespmem:s6+$0x0];
	s3 =	sadd.s32 $0xFFFFFFFF, s3  }
0x194: {  	p2 =	sne.s32 s3, $0x0;
	_ =	sdelay $0x1  }
0x195: {  	s31 =	sadd.s32 $0x10, s31  }
0x196: {  	v13 =	vor.u32 s31, v4  }
0x197: {  	vm1 =	vlt.s32 v13, v9;
	vm0 =	vlt.s32 v12, v10;
	s16 =	spop @p1 (v2sf)  }
0x198: {  	vm2 =	vge.s32 v12, v11;
	vm0 =	vmand vm0, vm1;
	s16 =	sadd.s32 @p1 s0, s16  }
0x199: {  	vm0 =	vmand vm0, vm2;
	s0 =	smov.u32 @p1 s16  }
0x19a: {  	v13 =	vsel vm0, $0x3F800000, v2  }
0x19b: {  	(xrf0) =	vmax.scan.msk.f32 $0xffff, v13;
	_ =	sdelay $0x5  }
0x19c: {  	v13, _, _ =	vpop (xrf0)  }
0x19d: {  	(v2sf) =	vpush v13, $0xF;
	_ =	sdelay $0xe  }
0x19e: {  	s16 =	spop (v2sf)  }
0x19f: {  	p1 =	sgt.f32 s16, $0.0e+00  }
0x1a0: {  	s2 =	sadd.s32 $0x10, s2  }
0x1a1: {  	v13 =	vld @p1 [tilespmem:s2+$0x0];
	v14 =	vimm.s32 @p1 $0x0;
	v15 =	vmov @p1 s0;
	s16 =	simm.s32 @p1 $0xC100;
	s22 =	simm.s32 @p1 $0xC380  }
0x1a2: {  	v14 =	vsel @p1 vm0, $0x1, v14;
	v15 =	vadd.s32 @p1 $0xFFFFFFFF, v15  }
0x1a3: {  	v15 =	vbroadcast @p1 v15, $0x0;
	(xrf0) =	vadd.scan.msk.s32 @p1 $0xffff, v14;
	_ =	sdelay $0x5  }
0x1a4: {  	v14, _, _ =	vpop @p1 (xrf0)  }
0x1a5: {  	v15 =	vadd.s32 @p1 v14, v15;
	(v2sf) =	vpush @p1 v14, $0xF  }
0x1a6: {  	vm1 =	vlt.s32 @p1 v15, $0x1F8  }
0x1a7: {  	v14 =	vnsel @p1 vm1, $0x1F8, v15  }
0x1a8: {  	v14 =	vnsel @p1 vm0, $0x1F8, v14;
	_ =	sdelay $0x1  }
.Ltmp7:
0x1a9: {  	(pc) =	sbr.rel @p2 .LBB2_6-.Ltmp7, $3  }
0x1aa: {  	_ =	sdelay $0x1  }
0x1ab: {  	[tilespmem:v14+s16+$0x0] =	vst.idx.msk @p1 $0xffff, v12  }
0x1ac: {  	s6 =	sadd.s32 $0x10, s6;
	[tilespmem:v14+s22+$0x0] =	vst.idx.msk @p1 $0xffff, v13  }
.LBB2_7:
0x1ad: {  	_ =	sdelay $0x4  }
0x1ae: {  	s2 =	spop @p1 (v2sf)  }
0x1af: {  	s2 =	sadd.s32 @p1 s0, s2  }
0x1b0: {  	s0 =	smov.u32 @p1 s2  }
0x1b1: {  	p1 =	slt.s32 s0, $0x1F1  }
.Ltmp8:
0x1b2: {  	_ = 	snop;
	(pc) =	sbr.rel @!p1 .LBB2_8-.Ltmp8, $1  }
0x1b3: {  	_ =	sdelay $0x3  }
.LBB2_14:
0x1b4: {  	s2 =	sadd.s32 $0xF, s0  }
0x1b5: {  	s3 =	sand.u32 $0xF, s2  }
0x1b6: {  	p1 =	slt.s32 s0, $0xFFFFFFF2;
	s6 =	sshra.s32 s2, $0x1F;
	p2 =	sne.s32 s3, $0x0  }
.Ltmp9:
0x1b7: {  	s28 =	sshrl.u32 s6, $0x1C;
	p1 =	por !p1, !p2;
	(pc) =	sbr.rel .LBB2_15-.Ltmp9, $4  }
0x1b8: {  	s3 =	simm.s32 $0x1;
	s2 =	sadd.s32 s28, s2;
	p1 =	por !p1, !p1  }
0x1b9: {  	s2 =	sshra.s32 s2, $0x4;
	s3 =	simm.s32 @!p1 $0x0  }
0x1ba: {  	s31 =	ssub.s32 s2, s3  }
0x1bb: {  	v10 =	vmov s0;
	s0 =	simm.s32 $0x0;
	s6 =	smul.u32 $0x7, s29;
	p1 =	slt.s32 s31, $0x1  }
.LBB2_27:
0x1bc: {  	s0 =	sadd.s32 $0x1, s0  }
0x1bd: {  	p2 =	seq.s32 s0, $0x7  }
.Ltmp10:
0x1be: {  	_ = 	snop;
	(pc) =	sbr.rel @p2 .LBB2_35-.Ltmp10, $1  }
0x1bf: {  	_ =	sdelay $0x3  }
.LBB2_15:
0x1c0: {  	_ = 	snop  }
0x1c1: {  	s2 =	sadd.s32 s6, s0  }
0x1c2: {  	p2 =	sgt.u32 s2, $0x2F  }
0x1c3: {  	p3 =	seq.s32 @!p2 s0, $0x6  }
0x1c4: {  	s3 =	simm.s32 @!p2 $0x1;
	p3 =	por !p3, p2  }
0x1c5: {  	s3 =	simm.s32 @p3 $0x0  }
0x1c6: {  	s16 =	sadd.s32 @!p2 $0x1, s0;
	s3 =	sadd.s32 @!p2 s3, s29  }
0x1c7: {  	s16 =	simm.s32 @!p3 $0x0;
	s22 =	smul.u32 @!p2 $0x1180, s3  }
0x1c8: {  	s3 =	sadd.s32 @!p2 s16, s3  }
0x1c9: {  	s28 =	simm.s32 @!p2 $0x7A1400;
	s3 =	sand.u32 @!p2 $0x1, s3;
	s22 =	sadd.s32 @!p2 s1, s22  }
0x1ca: {  	p3 =	seq.s32 @!p2 s3, $0x1;
	s3 =	smul.u32 @!p2 $0x280, s16;
	p4 =	slt.s32 @!p2 s22, s9  }
0x1cb: {  	s16 =	simm.s32 @!p2 $0x11600;
	p3 =	por !p3, p2;
	p4 =	por !p4, p2  }
0x1cc: {  	s16 =	simm.s32 @p3 $0xC600;
	s3 =	sadd.s32 @!p2 s4, s3;
	s22 =	smov.u32 @p4 s9  }
.Ltmp11:
0x1cd: {  	s3 =	sadd.s32 @!p2 s22, s3;
	s22 =	simm.s32 @!p2 $0x1400;
	(pc) =	sbr.rel @p1 .LBB2_27-.Ltmp11, $4  }
0x1ce: {  	[tilespmem:s16], [sflag:$0x2] =	stream.strided.gather @!p2 [hbm4b:s3+s22], $0x5000, s28, s22, $0x38;
	[tilespmem:$0x1EA00] =	vst v63  }
0x1cf: {  	_ =	swait.ge [sflag:s18], $0x5000  }
0x1d0: {  	[sflag:s18] =	ssyncset.done $0x0  }
0x1d1: {  	[sflag:s18] =	ssyncadd.s32 $0xFFFFB000  }
0x1d2: {  	s2 =	sand.u32 $0x1, s2  }
0x1d3: {  	s28 =	smul.u32 $0x280, s0;
	v11 =	vmov s2  }
.Ltmp12:
0x1d4: {  	v11 =	vmul.u32 $0x5000, v11;
	(pc) =	sbr.rel .LBB2_17-.Ltmp12, $4  }
0x1d5: {  	_ = 	snop  }
0x1d6: {  	s2 =	sadd.s32 s30, s28;
	v14 =	vbroadcast v11, $0x0  }
0x1d7: {  	v11 =	vmov s2;
	s2 =	sadd.s32 $0x280, s2  }
0x1d8: {  	v12 =	vmov s2;
	s2 =	simm.s32 $0x0;
	v13 =	vadd.s32 v5, v14;
	v14 =	vadd.s32 v6, v14  }
.LBB2_20:
0x1d9: {  	s28 =	smov.u32 s15  }
.LBB2_24:
0x1da: {  	v16 =	vshll.u32 v15, $0x3  }
0x1db: {  	v16 =	vand.u32 $0xFFFFFC00, v16  }
0x1dc: {  	v15 =	vand.u32 $0x7F, v15;
	v17 =	vadd.s32 v13, v16  }
0x1dd: {  	v16 =	vadd.s32 v14, v16;
	v17 =	vor.u32 v15, v17  }
0x1de: {  	v15 =	vor.u32 v15, v16  }
0x1df: {  	s16 =	sadd.s32 @p2 $0x1, s28;
	s22 =	smov.u32 s15  }
0x1e0: {  	s22 =	smov.u32 @p2 s16  }
0x1e1: {  	s16 =	sshll.u32 s22, $0x7  }
0x1e2: {  	v63 =	vor.u32 s16, v4;
	v62 =	vld.idx.msk [tilespmem:v17+s17+$0x0], $0xffff  }
0x1e3: {  	v18 =	vor.u32 s16, v8;
	v15 =	vld.idx.msk [tilespmem:v15+s17+$0x0], $0xffff;
	_ =	sdelay $0x3  }
0x1e4: {  	[tilespmem:v63+s21+$0x0] =	vst.idx.msk $0xffff, v62  }
0x1e5: {  	[tilespmem:v18+s21+$0x0] =	vst.idx.msk $0xffff, v15  }
.LBB2_25:
0x1e6: {  	s15 =	sadd.s32 s15, s3  }
.LBB2_26:
0x1e7: {  	s2 =	sadd.s32 $0x1, s2  }
0x1e8: {  	p2 =	sne.s32 s2, s31  }
.Ltmp13:
0x1e9: {  	_ = 	snop;
	(pc) =	sbr.rel @!p2 .LBB2_27-.Ltmp13, $1  }
0x1ea: {  	_ =	sdelay $0x3  }
.LBB2_17:
0x1eb: {  	s3 =	sshll.u32 s2, $0x4  }
0x1ec: {  	v15 =	vld [tilespmem:s3+$0xC100];
	_ =	sdelay $0x3  }
0x1ed: {  	v16 =	vor.u32 s3, v4  }
0x1ee: {  	vm1 =	vlt.s32 v16, v10;
	vm0 =	vlt.s32 v15, v12  }
0x1ef: {  	vm2 =	vge.s32 v15, v11;
	vm0 =	vmand vm0, vm1  }
0x1f0: {  	vm0 =	vmand vm0, vm2  }
0x1f1: {  	v16 =	vsel vm0, $0x3F800000, v2  }
0x1f2: {  	(xrf0) =	vmax.scan.msk.f32 $0xffff, v16;
	_ =	sdelay $0x5  }
0x1f3: {  	v16, _, _ =	vpop (xrf0)  }
0x1f4: {  	(v2sf) =	vpush v16, $0xF;
	_ =	sdelay $0xe  }
0x1f5: {  	s16 =	spop (v2sf)  }
0x1f6: {  	p2 =	sgt.f32 s16, $0.0e+00  }
.Ltmp14:
0x1f7: {  	_ = 	snop;
	(pc) =	sbr.rel @!p2 .LBB2_26-.Ltmp14, $2  }
0x1f8: {  	_ =	sdelay $0x2  }
0x1f9: {  	v16 =	vld [tilespmem:s3+$0xC380]  }
0x1fa: {  	p2 =	slt.s32 s15, $0xF1  }
0x1fb: {  	v17 =	vld @!p2 [tilespmem:$0x1E600]  }
0x1fc: {  	v18 =	vld @!p2 [tilespmem:$0x1E610]  }
0x1fd: {  	v19 =	vld @!p2 [tilespmem:$0x1E620]  }
0x1fe: {  	v20 =	vld @!p2 [tilespmem:$0x1E630]  }
0x1ff: {  	v21 =	vld @!p2 [tilespmem:$0x1E640]  }
0x200: {  	[tilespmem:$0x1E780] =	vst @!p2 v17;
	v17 =	vld @!p2 [tilespmem:$0x1E650]  }
0x201: {  	[tilespmem:$0x1E790] =	vst @!p2 v18;
	v18 =	vld @!p2 [tilespmem:$0x1E660]  }
0x202: {  	[tilespmem:$0x1E7A0] =	vst @!p2 v19;
	v19 =	vld @!p2 [tilespmem:$0x1E670]  }
0x203: {  	[tilespmem:$0x1E7B0] =	vst @!p2 v20;
	v20 =	vld @!p2 [tilespmem:$0x1E680]  }
0x204: {  	[tilespmem:$0x1E7C0] =	vst @!p2 v21;
	v21 =	vld @!p2 [tilespmem:$0x1E690]  }
0x205: {  	[tilespmem:$0x1E7D0] =	vst @!p2 v17;
	v17 =	vld @!p2 [tilespmem:$0x1E6A0]  }
0x206: {  	[tilespmem:$0x1E7E0] =	vst @!p2 v18;
	v18 =	vld @!p2 [tilespmem:$0x1E6B0]  }
0x207: {  	[tilespmem:$0x1E7F0] =	vst @!p2 v19;
	v19 =	vld @!p2 [tilespmem:$0x1E6C0]  }
0x208: {  	[tilespmem:$0x1E800] =	vst @!p2 v20;
	v20 =	vld @!p2 [tilespmem:$0x1E6D0]  }
0x209: {  	[tilespmem:$0x1E810] =	vst @!p2 v21;
	v21 =	vld @!p2 [tilespmem:$0x1E6E0]  }
0x20a: {  	[tilespmem:$0x1E820] =	vst @!p2 v17;
	v17 =	vld @!p2 [tilespmem:$0x1E6F0]  }
0x20b: {  	[tilespmem:$0x1E830] =	vst @!p2 v18  }
0x20c: {  	[tilespmem:$0x1E840] =	vst @!p2 v19  }
0x20d: {  	[tilespmem:$0x1E850] =	vst @!p2 v20  }
0x20e: {  	[tilespmem:$0x1E860] =	vst @!p2 v21  }
0x20f: {  	s3 =	simm.s32 @!p2 $0x100;
	s16 =	simm.s32 @!p2 $0x1E780;
	s22 =	simm.s32 @!p2 $0x16600;
	[tilespmem:$0x1E870] =	vst @!p2 v17  }
0x210: {  	[hbm4b:s8+s3] =	stream.indirect.scatter @!p2 [tilespmem:s22], [sflag:$0x3], $0x80, s16, s3, $0xb8;
	[tilespmem:$0x1EA00] =	vst v63  }
0x211: {  	s3 =	simm.s32 @!p2 $0x3  }
0x212: {  	v62 =	vsel vm0, $0x1, v7;
	_ =	swait.ge @!p2 [sflag:s3], $0x8000  }
0x213: {  	(xrf0) =	vadd.scan.msk.s32 $0xffff, v62;
	_ =	sdelay $0x5  }
0x214: {  	v17, _, _ =	vpop (xrf0)  }
0x215: {  	(v2sf) =	vpush v17, $0xF;
	_ =	sdelay $0x5  }
0x216: {  	p3 =	sgt.s32 s15, $0xF0  }
0x217: {  	s15 =	simm.s32 @p3 $0x0  }
0x218: {  	v63 =	vmov s15  }
0x219: {  	v18 =	vadd.s32 $0xFFFFFFFF, v63  }
0x21a: {  	v18 =	vbroadcast v18, $0x0;
	_ =	sdelay $0x1  }
0x21b: {  	v17 =	vadd.s32 v17, v18  }
0x21c: {  	vm1 =	vlt.s32 v17, $0x108  }
0x21d: {  	[sflag:s3] =	ssyncset.done @!p2 $0x0;
	v17 =	vnsel vm1, $0x108, v17  }
0x21e: {  	[sflag:s3] =	ssyncadd.s32 @!p2 $0xFFFF8000;
	v17 =	vnsel vm0, $0x108, v17;
	s3 =	spop (v2sf)  }
0x21f: {  	p2 =	slt.s32 s3, $0x1  }
.Ltmp15:
0x220: {  	_ = 	snop;
	(pc) =	sbr.rel @p2 .LBB2_25-.Ltmp15, $3  }
0x221: {  	_ =	sdelay $0x1  }
0x222: {  	v15 =	vsub.s32 v15, v11;
	[tilespmem:v17+s19+$0x0] =	vst.idx.msk $0xffff, v16  }
0x223: {  	[tilespmem:v17+s20+$0x0] =	vst.idx.msk $0xffff, v15  }
0x224: {  	s16 =	sshll.u32 s15, $0x2  }
0x225: {  	s16 =	sshra.s32 s16, $0x2  }
0x226: {  	p3 =	sne.s32 s3, $0x1;
	s16 =	sadd.s32 $0x1E880, s16  }
.Ltmp16:
0x227: {  	v15 =	vld.msk [tilespmem:s16+$0x0 ss:$0x0], $0xffff;
	(pc) =	sbr.rel @!p3 .LBB2_20-.Ltmp16, $2  }
0x228: {  	_ =	sdelay $0x2  }
0x229: {  	s22 =	sadd.s32 $0xFFFFFFFF, s3;
	p2 =	por $0x0, $0x0  }
0x22a: {  	v16 =	vshll.u32 v15, $0x3  }
0x22b: {  	v16 =	vand.u32 $0xFFFFFC00, v16  }
0x22c: {  	v15 =	vand.u32 $0x7F, v15;
	v17 =	vadd.s32 v13, v16  }
0x22d: {  	v16 =	vadd.s32 v14, v16;
	v17 =	vor.u32 v15, v17  }
0x22e: {  	v15 =	vor.u32 v15, v16;
	_ =	sdelay $0x2  }
0x22f: {  	s28 =	sshll.u32 s15, $0x7  }
0x230: {  	v16 =	vld.idx.msk [tilespmem:v17+s17+$0x0], $0xffff;
	v17 =	vor.u32 s28, v4  }
0x231: {  	v18 =	vor.u32 s28, v8;
	v15 =	vld.idx.msk [tilespmem:v15+s17+$0x0], $0xffff;
	_ =	sdelay $0x3  }
0x232: {  	[tilespmem:v17+s21+$0x0] =	vst.idx.msk $0xffff, v16  }
0x233: {  	p3 =	sne.s32 s22, $0x1;
	s16 =	sadd.s32 $0x1, s16;
	[tilespmem:v18+s21+$0x0] =	vst.idx.msk $0xffff, v15  }
.Ltmp17:
0x234: {  	v15 =	vld.msk [tilespmem:s16+$0x0 ss:$0x0], $0xffff;
	(pc) =	sbr.rel @!p3 .LBB2_22-.Ltmp17, $2  }
0x235: {  	_ =	sdelay $0x2  }
0x236: {  	s22 =	sadd.s32 $0xFFFFFFFF, s22;
	p2 =	por $0x1, $0x1;
	s28 =	smov.u32 s15  }
.LBB2_23:
0x237: {  	p3 =	sne.s32 s22, $0x1;
	_ =	sdelay $0x3  }
0x238: {  	v16 =	vshll.u32 v15, $0x3  }
0x239: {  	v16 =	vand.u32 $0xFFFFFC00, v16  }
0x23a: {  	v15 =	vand.u32 $0x7F, v15;
	v17 =	vadd.s32 v13, v16  }
0x23b: {  	v16 =	vadd.s32 v14, v16;
	v17 =	vor.u32 v15, v17  }
0x23c: {  	v15 =	vor.u32 v15, v16;
	_ =	sdelay $0x2  }
0x23d: {  	s28 =	sadd.s32 $0x1, s28  }
0x23e: {  	s23 =	sshll.u32 s28, $0x7;
	v16 =	vld.idx.msk [tilespmem:v17+s17+$0x0], $0xffff  }
0x23f: {  	v17 =	vor.u32 s23, v4;
	v15 =	vld.idx.msk [tilespmem:v15+s17+$0x0], $0xffff  }
0x240: {  	v18 =	vor.u32 s23, v8;
	_ =	sdelay $0x2  }
.Ltmp18:
0x241: {  	(pc) =	sbr.rel @p3 .LBB2_23-.Ltmp18, $4  }
0x242: {  	[tilespmem:v17+s21+$0x0] =	vst.idx.msk $0xffff, v16  }
0x243: {  	s16 =	sadd.s32 $0x1, s16;
	[tilespmem:v18+s21+$0x0] =	vst.idx.msk $0xffff, v15  }
0x244: {  	v15 =	vld.msk [tilespmem:s16+$0x0 ss:$0x0], $0xffff  }
0x245: {  	s22 =	sadd.s32 $0xFFFFFFFF, s22  }
.Ltmp19:
0x246: {  	_ = 	snop;
	(pc) =	sbr.rel .LBB2_24-.Ltmp19, $1  }
0x247: {  	_ =	sdelay $0x3  }
.LBB2_22:
.Ltmp20:
0x248: {  	(pc) =	sbr.rel .LBB2_24-.Ltmp20, $2  }
0x249: {  	_ =	sdelay $0x2  }
0x24a: {  	s28 =	smov.u32 s15  }
.LBB2_8:
.Ltmp21:
0x24b: {  	(pc) =	sbr.rel .LBB2_9-.Ltmp21, $2  }
0x24c: {  	_ =	sdelay $0x2  }
0x24d: {  	s0 =	smul.u32 $0x7, s29;
	s6 =	simm.s32 $0x0  }
.LBB2_34:
0x24e: {  	s6 =	sadd.s32 $0x1, s6  }
0x24f: {  	p1 =	sne.s32 s6, $0x7  }
.Ltmp22:
0x250: {  	_ = 	snop;
	(pc) =	sbr.rel @!p1 .LBB2_35-.Ltmp22, $1  }
0x251: {  	_ =	sdelay $0x3  }
.LBB2_9:
0x252: {  	_ = 	snop  }
0x253: {  	s2 =	sadd.s32 s0, s6  }
0x254: {  	p1 =	sgt.u32 s2, $0x2F  }
0x255: {  	p2 =	seq.s32 @!p1 s6, $0x6  }
0x256: {  	s3 =	simm.s32 @!p1 $0x1;
	p2 =	por !p2, p1  }
0x257: {  	s3 =	simm.s32 @p2 $0x0  }
0x258: {  	s3 =	sadd.s32 @!p1 s3, s29  }
0x259: {  	s16 =	smul.u32 @!p1 $0x1180, s3  }
0x25a: {  	s23 =	smul.u32 $0x280, s6;
	s22 =	sadd.s32 @!p1 $0x1, s6  }
0x25b: {  	s2 =	sand.u32 $0x1, s2;
	s22 =	simm.s32 @!p2 $0x0;
	s16 =	sadd.s32 @!p1 s1, s16  }
0x25c: {  	s3 =	sadd.s32 @!p1 s22, s3;
	s22 =	smul.u32 @!p1 $0x280, s22;
	p2 =	slt.s32 @!p1 s16, s9  }
0x25d: {  	v10 =	vmov s2;
	s2 =	simm.s32 @!p1 $0x1400;
	s3 =	sand.u32 @!p1 $0x1, s3;
	p2 =	por !p2, p1  }
0x25e: {  	s22 =	sadd.s32 @!p1 s4, s22;
	s16 =	smov.u32 @p2 s9;
	p2 =	seq.s32 @!p1 s3, $0x1  }
0x25f: {  	s3 =	simm.s32 @!p1 $0x11600;
	p2 =	por !p2, p1;
	s16 =	sadd.s32 @!p1 s16, s22  }
.Ltmp23:
0x260: {  	v10 =	vmul.u32 $0x5000, v10;
	s22 =	simm.s32 @!p1 $0x7A1400;
	s3 =	simm.s32 @p2 $0xC600;
	(pc) =	sbr.rel .LBB2_10-.Ltmp23, $4  }
0x261: {  	[tilespmem:s3], [sflag:$0x2] =	stream.strided.gather @!p1 [hbm4b:s16+s2], $0x5000, s22, s2, $0x38;
	[tilespmem:$0x1EA00] =	vst v63  }
0x262: {  	s31 =	sadd.s32 s30, s23;
	v13 =	vbroadcast v10, $0x0;
	_ =	swait.ge [sflag:s18], $0x5000  }
0x263: {  	v10 =	vmov s31;
	s2 =	sadd.s32 $0x280, s31;
	[sflag:s18] =	ssyncset.done $0x0  }
0x264: {  	v12 =	vadd.s32 v5, v13;
	v13 =	vadd.s32 v6, v13;
	v11 =	vmov s2;
	s2 =	simm.s32 $0x0;
	[sflag:s18] =	ssyncadd.s32 $0xFFFFB000  }
.LBB2_13:
0x265: {  	s28 =	smov.u32 s15  }
.LBB2_31:
0x266: {  	v15 =	vshll.u32 v14, $0x3  }
0x267: {  	v15 =	vand.u32 $0xFFFFFC00, v15  }
0x268: {  	v14 =	vand.u32 $0x7F, v14;
	v16 =	vadd.s32 v12, v15  }
0x269: {  	v15 =	vadd.s32 v13, v15;
	v16 =	vor.u32 v14, v16  }
0x26a: {  	v14 =	vor.u32 v14, v15  }
0x26b: {  	s16 =	sadd.s32 @p1 $0x1, s28;
	s22 =	smov.u32 s15  }
0x26c: {  	s22 =	smov.u32 @p1 s16  }
0x26d: {  	s16 =	sshll.u32 s22, $0x7  }
0x26e: {  	v63 =	vor.u32 s16, v4;
	v15 =	vld.idx.msk [tilespmem:v16+s17+$0x0], $0xffff  }
0x26f: {  	v17 =	vor.u32 s16, v8;
	v14 =	vld.idx.msk [tilespmem:v14+s17+$0x0], $0xffff;
	_ =	sdelay $0x3  }
0x270: {  	[tilespmem:v63+s21+$0x0] =	vst.idx.msk $0xffff, v15  }
0x271: {  	[tilespmem:v17+s21+$0x0] =	vst.idx.msk $0xffff, v14  }
.LBB2_32:
0x272: {  	s15 =	sadd.s32 s15, s3  }
.LBB2_33:
0x273: {  	s2 =	sadd.s32 $0x1, s2  }
0x274: {  	p1 =	sne.s32 s2, s26  }
.Ltmp24:
0x275: {  	_ = 	snop;
	(pc) =	sbr.rel @!p1 .LBB2_34-.Ltmp24, $1  }
0x276: {  	_ =	sdelay $0x3  }
.LBB2_10:
0x277: {  	s3 =	sshll.u32 s2, $0x4  }
0x278: {  	v14 =	vld [tilespmem:s3+$0x4000];
	_ =	sdelay $0x3  }
0x279: {  	v15 =	vor.u32 s3, v4  }
0x27a: {  	vm1 =	vlt.s32 v15, v9;
	vm0 =	vlt.s32 v14, v11  }
0x27b: {  	vm2 =	vge.s32 v14, v10;
	vm0 =	vmand vm0, vm1  }
0x27c: {  	vm0 =	vmand vm0, vm2  }
0x27d: {  	v15 =	vsel vm0, $0x3F800000, v2  }
0x27e: {  	(xrf0) =	vmax.scan.msk.f32 $0xffff, v15;
	_ =	sdelay $0x5  }
0x27f: {  	v15, _, _ =	vpop (xrf0)  }
0x280: {  	(v2sf) =	vpush v15, $0xF;
	_ =	sdelay $0xe  }
0x281: {  	s16 =	spop (v2sf)  }
0x282: {  	p1 =	sgt.f32 s16, $0.0e+00  }
.Ltmp25:
0x283: {  	_ = 	snop;
	(pc) =	sbr.rel @!p1 .LBB2_33-.Ltmp25, $2  }
0x284: {  	_ =	sdelay $0x2  }
0x285: {  	v15 =	vld [tilespmem:s3+$0x8080]  }
0x286: {  	p1 =	slt.s32 s15, $0xF1  }
0x287: {  	v16 =	vld @!p1 [tilespmem:$0x1E600]  }
0x288: {  	v17 =	vld @!p1 [tilespmem:$0x1E610]  }
0x289: {  	v18 =	vld @!p1 [tilespmem:$0x1E620]  }
0x28a: {  	v19 =	vld @!p1 [tilespmem:$0x1E630]  }
0x28b: {  	v20 =	vld @!p1 [tilespmem:$0x1E640]  }
0x28c: {  	[tilespmem:$0x1E780] =	vst @!p1 v16;
	v16 =	vld @!p1 [tilespmem:$0x1E650]  }
0x28d: {  	[tilespmem:$0x1E790] =	vst @!p1 v17;
	v17 =	vld @!p1 [tilespmem:$0x1E660]  }
0x28e: {  	[tilespmem:$0x1E7A0] =	vst @!p1 v18;
	v18 =	vld @!p1 [tilespmem:$0x1E670]  }
0x28f: {  	[tilespmem:$0x1E7B0] =	vst @!p1 v19;
	v19 =	vld @!p1 [tilespmem:$0x1E680]  }
0x290: {  	[tilespmem:$0x1E7C0] =	vst @!p1 v20;
	v20 =	vld @!p1 [tilespmem:$0x1E690]  }
0x291: {  	[tilespmem:$0x1E7D0] =	vst @!p1 v16;
	v16 =	vld @!p1 [tilespmem:$0x1E6A0]  }
0x292: {  	[tilespmem:$0x1E7E0] =	vst @!p1 v17;
	v17 =	vld @!p1 [tilespmem:$0x1E6B0]  }
0x293: {  	[tilespmem:$0x1E7F0] =	vst @!p1 v18;
	v18 =	vld @!p1 [tilespmem:$0x1E6C0]  }
0x294: {  	[tilespmem:$0x1E800] =	vst @!p1 v19;
	v19 =	vld @!p1 [tilespmem:$0x1E6D0]  }
0x295: {  	[tilespmem:$0x1E810] =	vst @!p1 v20;
	v20 =	vld @!p1 [tilespmem:$0x1E6E0]  }
0x296: {  	[tilespmem:$0x1E820] =	vst @!p1 v16;
	v16 =	vld @!p1 [tilespmem:$0x1E6F0]  }
0x297: {  	[tilespmem:$0x1E830] =	vst @!p1 v17  }
0x298: {  	[tilespmem:$0x1E840] =	vst @!p1 v18  }
0x299: {  	[tilespmem:$0x1E850] =	vst @!p1 v19  }
0x29a: {  	[tilespmem:$0x1E860] =	vst @!p1 v20  }
0x29b: {  	s3 =	simm.s32 @!p1 $0x100;
	s16 =	simm.s32 @!p1 $0x1E780;
	s22 =	simm.s32 @!p1 $0x16600;
	[tilespmem:$0x1E870] =	vst @!p1 v16  }
0x29c: {  	[hbm4b:s8+s3] =	stream.indirect.scatter @!p1 [tilespmem:s22], [sflag:$0x3], $0x80, s16, s3, $0xb8;
	[tilespmem:$0x1EA00] =	vst v63  }
0x29d: {  	s3 =	simm.s32 @!p1 $0x3  }
0x29e: {  	v62 =	vsel vm0, $0x1, v7;
	_ =	swait.ge @!p1 [sflag:s3], $0x8000  }
0x29f: {  	(xrf0) =	vadd.scan.msk.s32 $0xffff, v62;
	_ =	sdelay $0x5  }
0x2a0: {  	v16, _, _ =	vpop (xrf0)  }
0x2a1: {  	(v2sf) =	vpush v16, $0xF;
	_ =	sdelay $0x5  }
0x2a2: {  	p2 =	sgt.s32 s15, $0xF0  }
0x2a3: {  	s15 =	simm.s32 @p2 $0x0  }
0x2a4: {  	v63 =	vmov s15  }
0x2a5: {  	v17 =	vadd.s32 $0xFFFFFFFF, v63  }
0x2a6: {  	v17 =	vbroadcast v17, $0x0;
	_ =	sdelay $0x1  }
0x2a7: {  	v16 =	vadd.s32 v16, v17  }
0x2a8: {  	vm1 =	vlt.s32 v16, $0x108  }
0x2a9: {  	[sflag:s3] =	ssyncset.done @!p1 $0x0;
	v16 =	vnsel vm1, $0x108, v16  }
0x2aa: {  	[sflag:s3] =	ssyncadd.s32 @!p1 $0xFFFF8000;
	v16 =	vnsel vm0, $0x108, v16;
	s3 =	spop (v2sf)  }
0x2ab: {  	p1 =	slt.s32 s3, $0x1  }
.Ltmp26:
0x2ac: {  	_ = 	snop;
	(pc) =	sbr.rel @p1 .LBB2_32-.Ltmp26, $3  }
0x2ad: {  	_ =	sdelay $0x1  }
0x2ae: {  	v14 =	vsub.s32 v14, v10;
	[tilespmem:v16+s19+$0x0] =	vst.idx.msk $0xffff, v15  }
0x2af: {  	[tilespmem:v16+s20+$0x0] =	vst.idx.msk $0xffff, v14  }
0x2b0: {  	s16 =	sshll.u32 s15, $0x2  }
0x2b1: {  	s16 =	sshra.s32 s16, $0x2  }
0x2b2: {  	p2 =	sne.s32 s3, $0x1;
	s16 =	sadd.s32 $0x1E880, s16  }
.Ltmp27:
0x2b3: {  	v14 =	vld.msk [tilespmem:s16+$0x0 ss:$0x0], $0xffff;
	(pc) =	sbr.rel @!p2 .LBB2_13-.Ltmp27, $2  }
0x2b4: {  	_ =	sdelay $0x2  }
0x2b5: {  	s22 =	sadd.s32 $0xFFFFFFFF, s3;
	p1 =	por $0x0, $0x0  }
0x2b6: {  	v15 =	vshll.u32 v14, $0x3  }
0x2b7: {  	v15 =	vand.u32 $0xFFFFFC00, v15  }
0x2b8: {  	v14 =	vand.u32 $0x7F, v14;
	v16 =	vadd.s32 v12, v15  }
0x2b9: {  	v15 =	vadd.s32 v13, v15;
	v16 =	vor.u32 v14, v16  }
0x2ba: {  	v14 =	vor.u32 v14, v15;
	_ =	sdelay $0x2  }
0x2bb: {  	s23 =	sshll.u32 s15, $0x7  }
0x2bc: {  	v63 =	vor.u32 s23, v4;
	v15 =	vld.idx.msk [tilespmem:v16+s17+$0x0], $0xffff  }
0x2bd: {  	v17 =	vor.u32 s23, v8;
	v14 =	vld.idx.msk [tilespmem:v14+s17+$0x0], $0xffff;
	_ =	sdelay $0x3  }
0x2be: {  	[tilespmem:v63+s21+$0x0] =	vst.idx.msk $0xffff, v15  }
0x2bf: {  	p2 =	sne.s32 s22, $0x1;
	s16 =	sadd.s32 $0x1, s16;
	[tilespmem:v17+s21+$0x0] =	vst.idx.msk $0xffff, v14  }
.Ltmp28:
0x2c0: {  	v14 =	vld.msk [tilespmem:s16+$0x0 ss:$0x0], $0xffff;
	(pc) =	sbr.rel @!p2 .LBB2_29-.Ltmp28, $2  }
0x2c1: {  	_ =	sdelay $0x2  }
0x2c2: {  	s22 =	sadd.s32 $0xFFFFFFFF, s22;
	p1 =	por $0x1, $0x1;
	s28 =	smov.u32 s15  }
.LBB2_30:
0x2c3: {  	p2 =	sne.s32 s22, $0x1;
	_ =	sdelay $0x3  }
0x2c4: {  	v15 =	vshll.u32 v14, $0x3  }
0x2c5: {  	v15 =	vand.u32 $0xFFFFFC00, v15  }
0x2c6: {  	v14 =	vand.u32 $0x7F, v14;
	v16 =	vadd.s32 v12, v15  }
0x2c7: {  	v15 =	vadd.s32 v13, v15;
	v16 =	vor.u32 v14, v16  }
0x2c8: {  	v14 =	vor.u32 v14, v15;
	_ =	sdelay $0x2  }
0x2c9: {  	s28 =	sadd.s32 $0x1, s28  }
0x2ca: {  	s23 =	sshll.u32 s28, $0x7;
	v15 =	vld.idx.msk [tilespmem:v16+s17+$0x0], $0xffff  }
0x2cb: {  	v16 =	vor.u32 s23, v4;
	v14 =	vld.idx.msk [tilespmem:v14+s17+$0x0], $0xffff  }
0x2cc: {  	v17 =	vor.u32 s23, v8;
	_ =	sdelay $0x2  }
.Ltmp29:
0x2cd: {  	(pc) =	sbr.rel @p2 .LBB2_30-.Ltmp29, $4  }
0x2ce: {  	[tilespmem:v16+s21+$0x0] =	vst.idx.msk $0xffff, v15  }
0x2cf: {  	s16 =	sadd.s32 $0x1, s16;
	[tilespmem:v17+s21+$0x0] =	vst.idx.msk $0xffff, v14  }
0x2d0: {  	v14 =	vld.msk [tilespmem:s16+$0x0 ss:$0x0], $0xffff  }
0x2d1: {  	s22 =	sadd.s32 $0xFFFFFFFF, s22  }
.Ltmp30:
0x2d2: {  	_ = 	snop;
	(pc) =	sbr.rel .LBB2_31-.Ltmp30, $1  }
0x2d3: {  	_ =	sdelay $0x3  }
.LBB2_29:
.Ltmp31:
0x2d4: {  	(pc) =	sbr.rel .LBB2_31-.Ltmp31, $2  }
0x2d5: {  	_ =	sdelay $0x2  }
0x2d6: {  	s28 =	smov.u32 s15  }
.LBB2_36:
0x2d7: {  	v9 =	vld [tilespmem:$0x1E600]  }
0x2d8: {  	v10 =	vld [tilespmem:$0x1E610]  }
0x2d9: {  	v11 =	vld [tilespmem:$0x1E620]  }
0x2da: {  	v12 =	vld [tilespmem:$0x1E630]  }
0x2db: {  	v13 =	vld [tilespmem:$0x1E640]  }
0x2dc: {  	[tilespmem:$0x1E780] =	vst v9;
	v9 =	vld [tilespmem:$0x1E650]  }
0x2dd: {  	v60 =	vld [tilespmem:$0x1E680];
	[tilespmem:$0x1E790] =	vst v10  }
0x2de: {  	v61 =	vld [tilespmem:$0x1E690];
	[tilespmem:$0x1E7A0] =	vst v11  }
0x2df: {  	v10 =	vld [tilespmem:$0x1E660];
	[tilespmem:$0x1E7B0] =	vst v12  }
0x2e0: {  	v11 =	vld [tilespmem:$0x1E670];
	[tilespmem:$0x1E7C0] =	vst v13  }
0x2e1: {  	[tilespmem:$0x1E7D0] =	vst v9;
	v9 =	vld [tilespmem:$0x1E6A0]  }
0x2e2: {  	v62 =	vld [tilespmem:$0x1E6D0];
	[tilespmem:$0x1E800] =	vst v60  }
0x2e3: {  	v63 =	vld [tilespmem:$0x1E6E0];
	[tilespmem:$0x1E810] =	vst v61  }
0x2e4: {  	[tilespmem:$0x1E7E0] =	vst v10;
	v10 =	vld [tilespmem:$0x1E6B0]  }
0x2e5: {  	[tilespmem:$0x1E7F0] =	vst v11;
	v11 =	vld [tilespmem:$0x1E6C0]  }
0x2e6: {  	[tilespmem:$0x1E820] =	vst v9;
	v9 =	vld [tilespmem:$0x1E6F0]  }
0x2e7: {  	[tilespmem:$0x1E850] =	vst v62  }
0x2e8: {  	[tilespmem:$0x1E860] =	vst v63  }
0x2e9: {  	[tilespmem:$0x1E830] =	vst v10  }
0x2ea: {  	[tilespmem:$0x1E840] =	vst v11  }
0x2eb: {  	s0 =	simm.s32 $0x100;
	s2 =	simm.s32 $0x1E780;
	[tilespmem:$0x1E870] =	vst v9  }
0x2ec: {  	[hbm4b:s8+s0] =	stream.indirect.scatter [tilespmem:s21], [sflag:$0x3], $0x80, s2, s0, $0xb8;
	[tilespmem:$0x1EA00] =	vst v63  }
0x2ed: {  	_ =	swait.ge [sflag:s24], $0x8000  }
0x2ee: {  	[sflag:s24] =	ssyncset.done $0x0  }
0x2ef: {  	[sflag:s24] =	ssyncadd.s32 $0xFFFF8000  }
0x2f0: {  	s26 =	simm.s32 $0x0;
	s15 =	rddreg [dreg:$0x1]  }
0x2f1: {  	[tilespmem:s26], [sflag:$0x1] =	stream.linear.gather [hbm4b:s15+s26], $0x4000, $0x38;
	[tilespmem:$0x1EA00] =	vst v63  }
0x2f2: {  	_ =	swait.ge [sflag:s14], $0x4000  }
0x2f3: {  	[sflag:s14] =	ssyncset.done $0x0  }
0x2f4: {  	s16 =	simm.s32 $0x20;
	[sflag:s14] =	ssyncadd.s32 $0xFFFFC000  }
0x2f5: {  	v9 =	vld [tilespmem:s16+$0xFFFFFFE0];
	_ =	sdelay $0x4  }
0x2f6: {  	vm0 =	vge.s32 v9, v0;
	vm1 =	vlt.s32 v9, v1  }
0x2f7: {  	vm0 =	vmand vm0, vm1  }
0x2f8: {  	v10 =	vsel vm0, $0x3F800000, v2  }
0x2f9: {  	(xrf0) =	vmax.scan.msk.f32 $0xffff, v10;
	_ =	sdelay $0x5  }
0x2fa: {  	v10, _, _ =	vpop (xrf0)  }
0x2fb: {  	(v2sf) =	vpush v10, $0xF;
	_ =	sdelay $0xe  }
0x2fc: {  	s22 =	spop (v2sf)  }
0x2fd: {  	p1 =	sgt.f32 s22, $0.0e+00;
	_ =	sdelay $0x1  }
0x2fe: {  	v10 =	vimm.s32 @p1 $0x0  }
0x2ff: {  	v10 =	vsel @p1 vm0, $0x1, v10  }
0x300: {  	(xrf0) =	vadd.scan.msk.s32 @p1 $0xffff, v10;
	_ =	sdelay $0x2  }
0x301: {  	v10 =	vmov @p1 s26  }
0x302: {  	v10 =	vadd.s32 @p1 $0xFFFFFFFF, v10  }
0x303: {  	v10 =	vbroadcast @p1 v10, $0x0  }
0x304: {  	v11, _, _ =	vpop @p1 (xrf0)  }
0x305: {  	v10 =	vadd.s32 @p1 v11, v10  }
0x306: {  	vm1 =	vlt.s32 @p1 v10, $0x4008  }
0x307: {  	v10 =	vnsel @p1 vm1, $0x4008, v10  }
0x308: {  	v10 =	vnsel @p1 vm0, $0x4008, v10;
	_ =	sdelay $0x3  }
0x309: {  	v12 =	vlaneseq.u32 @p1;
	s2 =	simm.s32 @p1 $0x4000  }
0x30a: {  	v12 =	vor.u32 @p1 s26, v12;
	[tilespmem:v10+s2+$0x0] =	vst.idx.msk @p1 $0xffff, v9;
	s2 =	simm.s32 @p1 $0x8080  }
0x30b: {  	[tilespmem:v10+s2+$0x0] =	vst.idx.msk @p1 $0xffff, v12  }
0x30c: {  	v9 =	vld [tilespmem:s16+$0xFFFFFFF0];
	_ =	sdelay $0x4  }
0x30d: {  	vm0 =	vge.s32 v9, v0;
	vm1 =	vlt.s32 v9, v1  }
0x30e: {  	vm0 =	vmand vm0, vm1  }
0x30f: {  	v10 =	vsel vm0, $0x3F800000, v2  }
0x310: {  	(xrf0) =	vmax.scan.msk.f32 $0xffff, v10;
	_ =	sdelay $0x5  }
0x311: {  	(v2sf) =	vpush @p1 v11, $0xF;
	v10, _, _ =	vpop (xrf0)  }
0x312: {  	(v2sf) =	vpush v10, $0xF;
	_ =	sdelay $0xd  }
0x313: {  	s2 =	spop @p1 (v2sf)  }
0x314: {  	s3 =	spop (v2sf)  }
0x315: {  	p0 =	sgt.f32 s3, $0.0e+00;
	_ =	sdelay $0x1  }
0x316: {  	v10 =	vimm.s32 @p0 $0x0  }
0x317: {  	v10 =	vsel @p0 vm0, $0x1, v10  }
0x318: {  	(xrf0) =	vadd.scan.msk.s32 @p0 $0xffff, v10  }
0x319: {  	s28 =	simm.s32 $0x0;
	s2 =	sadd.s32 @p1 $0x0, s2  }
0x31a: {  	s28 =	smov.u32 @p1 s2  }
0x31b: {  	v10 =	vmov @p0 s28  }
0x31c: {  	v10 =	vadd.s32 @p0 $0xFFFFFFFF, v10  }
0x31d: {  	v10 =	vbroadcast @p0 v10, $0x0  }
0x31e: {  	v11, _, _ =	vpop @p0 (xrf0)  }
0x31f: {  	v10 =	vadd.s32 @p0 v11, v10  }
0x320: {  	vm1 =	vlt.s32 @p0 v10, $0x4008  }
0x321: {  	v10 =	vnsel @p0 vm1, $0x4008, v10  }
0x322: {  	v10 =	vnsel @p0 vm0, $0x4008, v10;
	_ =	sdelay $0x3  }
0x323: {  	s2 =	simm.s32 $0x10;
	v12 =	vlaneseq.u32 @p0;
	s3 =	simm.s32 @p0 $0x4000  }
0x324: {  	v12 =	vor.u32 @p0 s2, v12;
	s2 =	simm.s32 @p0 $0x8080;
	[tilespmem:v10+s3+$0x0] =	vst.idx.msk @p0 $0xffff, v9  }
0x325: {  	[tilespmem:v10+s2+$0x0] =	vst.idx.msk @p0 $0xffff, v12  }
0x326: {  	v9 =	vld [tilespmem:s16+$0x0];
	_ =	sdelay $0x4  }
0x327: {  	vm0 =	vge.s32 v9, v0;
	vm1 =	vlt.s32 v9, v1  }
0x328: {  	vm0 =	vmand vm0, vm1  }
0x329: {  	v10 =	vsel vm0, $0x3F800000, v2  }
0x32a: {  	(xrf0) =	vmax.scan.msk.f32 $0xffff, v10;
	_ =	sdelay $0x5  }
0x32b: {  	(v2sf) =	vpush @p0 v11, $0xF;
	v10, _, _ =	vpop (xrf0)  }
0x32c: {  	(v2sf) =	vpush v10, $0xF;
	_ =	sdelay $0xd  }
0x32d: {  	s2 =	spop @p0 (v2sf)  }
0x32e: {  	s23 =	spop (v2sf)  }
0x32f: {  	p2 =	sgt.f32 s23, $0.0e+00;
	_ =	sdelay $0x1  }
0x330: {  	v10 =	vimm.s32 @p2 $0x0  }
0x331: {  	v10 =	vsel @p2 vm0, $0x1, v10  }
0x332: {  	(xrf0) =	vadd.scan.msk.s32 @p2 $0xffff, v10  }
0x333: {  	s2 =	sadd.s32 @p0 s28, s2  }
0x334: {  	s28 =	smov.u32 @p0 s2  }
0x335: {  	v10 =	vmov @p2 s28  }
0x336: {  	v10 =	vadd.s32 @p2 $0xFFFFFFFF, v10  }
0x337: {  	v10 =	vbroadcast @p2 v10, $0x0  }
0x338: {  	v11, _, _ =	vpop @p2 (xrf0)  }
0x339: {  	v10 =	vadd.s32 @p2 v11, v10  }
0x33a: {  	vm1 =	vlt.s32 @p2 v10, $0x4008  }
0x33b: {  	v10 =	vnsel @p2 vm1, $0x4008, v10  }
0x33c: {  	v10 =	vnsel @p2 vm0, $0x4008, v10;
	_ =	sdelay $0x3  }
0x33d: {  	s2 =	simm.s32 $0x20;
	v12 =	vlaneseq.u32 @p2;
	s3 =	simm.s32 @p2 $0x4000  }
0x33e: {  	v12 =	vor.u32 @p2 s2, v12;
	s2 =	simm.s32 @p2 $0x8080;
	[tilespmem:v10+s3+$0x0] =	vst.idx.msk @p2 $0xffff, v9  }
0x33f: {  	[tilespmem:v10+s2+$0x0] =	vst.idx.msk @p2 $0xffff, v12  }
0x340: {  	v9 =	vld [tilespmem:s16+$0x10];
	_ =	sdelay $0x4  }
0x341: {  	vm0 =	vge.s32 v9, v0;
	vm1 =	vlt.s32 v9, v1  }
0x342: {  	vm0 =	vmand vm0, vm1  }
0x343: {  	v10 =	vsel vm0, $0x3F800000, v2  }
0x344: {  	(xrf0) =	vmax.scan.msk.f32 $0xffff, v10;
	_ =	sdelay $0x5  }
0x345: {  	(v2sf) =	vpush @p2 v11, $0xF;
	v10, _, _ =	vpop (xrf0)  }
0x346: {  	(v2sf) =	vpush v10, $0xF;
	_ =	sdelay $0xd  }
0x347: {  	s0 =	spop @p2 (v2sf)  }
0x348: {  	s31 =	spop (v2sf)  }
0x349: {  	p1 =	sgt.f32 s31, $0.0e+00;
	_ =	sdelay $0x1  }
0x34a: {  	v10 =	vimm.s32 @p1 $0x0  }
0x34b: {  	v10 =	vsel @p1 vm0, $0x1, v10  }
0x34c: {  	(xrf0) =	vadd.scan.msk.s32 @p1 $0xffff, v10  }
0x34d: {  	s0 =	sadd.s32 @p2 s28, s0  }
0x34e: {  	s28 =	smov.u32 @p2 s0  }
0x34f: {  	v10 =	vmov @p1 s28  }
0x350: {  	v10 =	vadd.s32 @p1 $0xFFFFFFFF, v10  }
0x351: {  	v10 =	vbroadcast @p1 v10, $0x0  }
0x352: {  	v11, _, _ =	vpop @p1 (xrf0)  }
0x353: {  	v10 =	vadd.s32 @p1 v11, v10;
	(v2sf) =	vpush @p1 v11, $0xF  }
0x354: {  	vm1 =	vlt.s32 @p1 v10, $0x4008  }
0x355: {  	v10 =	vnsel @p1 vm1, $0x4008, v10  }
0x356: {  	v10 =	vnsel @p1 vm0, $0x4008, v10;
	_ =	sdelay $0x3  }
0x357: {  	s0 =	simm.s32 $0x30;
	s2 =	simm.s32 @p1 $0x4000;
	v11 =	vlaneseq.u32 @p1  }
0x358: {  	v11 =	vor.u32 @p1 s0, v11;
	s0 =	simm.s32 @p1 $0x8080;
	[tilespmem:v10+s2+$0x0] =	vst.idx.msk @p1 $0xffff, v9  }
0x359: {  	s29 =	simm.s32 $0x60;
	[tilespmem:v10+s0+$0x0] =	vst.idx.msk @p1 $0xffff, v11  }
0x35a: {  	v9 =	vld [tilespmem:s29+$0xFFFFFFE0];
	_ =	sdelay $0x4  }
0x35b: {  	vm0 =	vge.s32 v9, v0;
	vm1 =	vlt.s32 v9, v1;
	s0 =	spop @p1 (v2sf)  }
0x35c: {  	s30 =	simm.s32 $0x4;
	vm0 =	vmand vm0, vm1;
	s0 =	sadd.s32 @p1 s28, s0  }
.LBB2_37:
0x35d: {  	s30 =	sadd.s32 $0x4, s30;
	v10 =	vsel vm0, $0x3F800000, v2;
	s28 =	smov.u32 @p1 s0;
	s26 =	sadd.s32 $0x40, s26  }
0x35e: {  	p0 =	slt.u32 s30, $0x3FC;
	(xrf0) =	vmax.scan.msk.f32 $0xffff, v10;
	_ =	sdelay $0x5  }
0x35f: {  	v10, _, _ =	vpop (xrf0)  }
0x360: {  	(v2sf) =	vpush v10, $0xF;
	_ =	sdelay $0xe  }
0x361: {  	s0 =	spop (v2sf)  }
0x362: {  	p1 =	sgt.f32 s0, $0.0e+00;
	_ =	sdelay $0x1  }
0x363: {  	v10 =	vlaneseq.u32 @p1;
	v11 =	vimm.s32 @p1 $0x0;
	v12 =	vmov @p1 s28  }
0x364: {  	v10 =	vor.u32 @p1 s26, v10;
	v11 =	vsel @p1 vm0, $0x1, v11;
	v12 =	vadd.s32 @p1 $0xFFFFFFFF, v12  }
0x365: {  	v12 =	vbroadcast @p1 v12, $0x0;
	(xrf0) =	vadd.scan.msk.s32 @p1 $0xffff, v11;
	_ =	sdelay $0x5  }
0x366: {  	v11, _, _ =	vpop @p1 (xrf0)  }
0x367: {  	v12 =	vadd.s32 @p1 v11, v12;
	(v2sf) =	vpush @p1 v11, $0xF  }
0x368: {  	vm1 =	vlt.s32 @p1 v12, $0x4008  }
0x369: {  	v11 =	vnsel @p1 vm1, $0x4008, v12  }
0x36a: {  	v11 =	vnsel @p1 vm0, $0x4008, v11;
	_ =	sdelay $0x3  }
0x36b: {  	s0 =	simm.s32 @p1 $0x4000  }
0x36c: {  	[tilespmem:v11+s0+$0x0] =	vst.idx.msk @p1 $0xffff, v9;
	s0 =	simm.s32 @p1 $0x8080  }
0x36d: {  	[tilespmem:v11+s0+$0x0] =	vst.idx.msk @p1 $0xffff, v10  }
0x36e: {  	v9 =	vld [tilespmem:s29+$0xFFFFFFF0];
	_ =	sdelay $0x4  }
0x36f: {  	vm0 =	vge.s32 v9, v0;
	vm1 =	vlt.s32 v9, v1;
	s0 =	spop @p1 (v2sf)  }
0x370: {  	s0 =	sadd.s32 @p1 s28, s0;
	vm0 =	vmand vm0, vm1  }
0x371: {  	s28 =	smov.u32 @p1 s0;
	v10 =	vsel vm0, $0x3F800000, v2  }
0x372: {  	(xrf0) =	vmax.scan.msk.f32 $0xffff, v10;
	_ =	sdelay $0x5  }
0x373: {  	v10, _, _ =	vpop (xrf0)  }
0x374: {  	(v2sf) =	vpush v10, $0xF;
	_ =	sdelay $0xe  }
0x375: {  	s0 =	spop (v2sf)  }
0x376: {  	p1 =	sgt.f32 s0, $0.0e+00;
	_ =	sdelay $0x1  }
0x377: {  	s0 =	sadd.s32 $0x10, s26;
	v10 =	vlaneseq.u32 @p1;
	v11 =	vimm.s32 @p1 $0x0;
	v12 =	vmov @p1 s28  }
0x378: {  	v10 =	vor.u32 @p1 s0, v10;
	v11 =	vsel @p1 vm0, $0x1, v11;
	v12 =	vadd.s32 @p1 $0xFFFFFFFF, v12  }
0x379: {  	v12 =	vbroadcast @p1 v12, $0x0;
	(xrf0) =	vadd.scan.msk.s32 @p1 $0xffff, v11;
	_ =	sdelay $0x5  }
0x37a: {  	v11, _, _ =	vpop @p1 (xrf0)  }
0x37b: {  	v12 =	vadd.s32 @p1 v11, v12;
	(v2sf) =	vpush @p1 v11, $0xF  }
0x37c: {  	vm1 =	vlt.s32 @p1 v12, $0x4008  }
0x37d: {  	v11 =	vnsel @p1 vm1, $0x4008, v12  }
0x37e: {  	v11 =	vnsel @p1 vm0, $0x4008, v11;
	_ =	sdelay $0x3  }
0x37f: {  	s0 =	simm.s32 @p1 $0x4000  }
0x380: {  	[tilespmem:v11+s0+$0x0] =	vst.idx.msk @p1 $0xffff, v9;
	s0 =	simm.s32 @p1 $0x8080  }
0x381: {  	[tilespmem:v11+s0+$0x0] =	vst.idx.msk @p1 $0xffff, v10  }
0x382: {  	v9 =	vld [tilespmem:s29+$0x0];
	_ =	sdelay $0x4  }
0x383: {  	vm0 =	vge.s32 v9, v0;
	vm1 =	vlt.s32 v9, v1;
	s0 =	spop @p1 (v2sf)  }
0x384: {  	s0 =	sadd.s32 @p1 s28, s0;
	vm0 =	vmand vm0, vm1  }
0x385: {  	s28 =	smov.u32 @p1 s0;
	v10 =	vsel vm0, $0x3F800000, v2  }
0x386: {  	(xrf0) =	vmax.scan.msk.f32 $0xffff, v10;
	_ =	sdelay $0x5  }
0x387: {  	v10, _, _ =	vpop (xrf0)  }
0x388: {  	(v2sf) =	vpush v10, $0xF;
	_ =	sdelay $0xe  }
0x389: {  	s0 =	spop (v2sf)  }
0x38a: {  	p2 =	sgt.f32 s0, $0.0e+00;
	_ =	sdelay $0x1  }
0x38b: {  	s0 =	sadd.s32 $0x20, s26;
	v10 =	vlaneseq.u32 @p2;
	v11 =	vimm.s32 @p2 $0x0;
	v12 =	vmov @p2 s28  }
0x38c: {  	v10 =	vor.u32 @p2 s0, v10;
	v11 =	vsel @p2 vm0, $0x1, v11;
	v12 =	vadd.s32 @p2 $0xFFFFFFFF, v12  }
0x38d: {  	v12 =	vbroadcast @p2 v12, $0x0;
	(xrf0) =	vadd.scan.msk.s32 @p2 $0xffff, v11;
	_ =	sdelay $0x5  }
0x38e: {  	v11, _, _ =	vpop @p2 (xrf0)  }
0x38f: {  	v12 =	vadd.s32 @p2 v11, v12;
	(v2sf) =	vpush @p2 v11, $0xF  }
0x390: {  	vm1 =	vlt.s32 @p2 v12, $0x4008  }
0x391: {  	v11 =	vnsel @p2 vm1, $0x4008, v12  }
0x392: {  	v11 =	vnsel @p2 vm0, $0x4008, v11;
	_ =	sdelay $0x3  }
0x393: {  	s0 =	simm.s32 @p2 $0x4000  }
0x394: {  	[tilespmem:v11+s0+$0x0] =	vst.idx.msk @p2 $0xffff, v9;
	s0 =	simm.s32 @p2 $0x8080  }
0x395: {  	[tilespmem:v11+s0+$0x0] =	vst.idx.msk @p2 $0xffff, v10  }
0x396: {  	v9 =	vld [tilespmem:s29+$0x10];
	_ =	sdelay $0x4  }
0x397: {  	vm0 =	vge.s32 v9, v0;
	vm1 =	vlt.s32 v9, v1;
	s0 =	spop @p2 (v2sf)  }
0x398: {  	s0 =	sadd.s32 @p2 s28, s0;
	vm0 =	vmand vm0, vm1  }
0x399: {  	v10 =	vsel vm0, $0x3F800000, v2  }
0x39a: {  	(xrf0) =	vmax.scan.msk.f32 $0xffff, v10;
	_ =	sdelay $0x5  }
0x39b: {  	v10, _, _ =	vpop (xrf0)  }
0x39c: {  	(v2sf) =	vpush v10, $0xF;
	_ =	sdelay $0xe  }
0x39d: {  	s2 =	spop (v2sf)  }
0x39e: {  	p1 =	sgt.f32 s2, $0.0e+00  }
0x39f: {  	s28 =	smov.u32 @p2 s0  }
0x3a0: {  	s0 =	sadd.s32 $0x30, s26;
	v10 =	vlaneseq.u32 @p1;
	v11 =	vimm.s32 @p1 $0x0;
	v12 =	vmov @p1 s28  }
0x3a1: {  	v10 =	vor.u32 @p1 s0, v10;
	v11 =	vsel @p1 vm0, $0x1, v11;
	v12 =	vadd.s32 @p1 $0xFFFFFFFF, v12  }
0x3a2: {  	v12 =	vbroadcast @p1 v12, $0x0;
	(xrf0) =	vadd.scan.msk.s32 @p1 $0xffff, v11;
	_ =	sdelay $0x5  }
0x3a3: {  	v11, _, _ =	vpop @p1 (xrf0)  }
0x3a4: {  	v12 =	vadd.s32 @p1 v11, v12;
	(v2sf) =	vpush @p1 v11, $0xF  }
0x3a5: {  	vm1 =	vlt.s32 @p1 v12, $0x4008  }
0x3a6: {  	v11 =	vnsel @p1 vm1, $0x4008, v12  }
0x3a7: {  	v11 =	vnsel @p1 vm0, $0x4008, v11;
	_ =	sdelay $0x3  }
0x3a8: {  	s0 =	simm.s32 @p1 $0x4000  }
0x3a9: {  	[tilespmem:v11+s0+$0x0] =	vst.idx.msk @p1 $0xffff, v9;
	s0 =	simm.s32 @p1 $0x8080  }
0x3aa: {  	s29 =	sadd.s32 $0x40, s29;
	[tilespmem:v11+s0+$0x0] =	vst.idx.msk @p1 $0xffff, v10  }
0x3ab: {  	v9 =	vld [tilespmem:s29+$0xFFFFFFE0];
	_ =	sdelay $0x1  }
.Ltmp32:
0x3ac: {  	(pc) =	sbr.rel @p0 .LBB2_37-.Ltmp32, $3  }
0x3ad: {  	_ =	sdelay $0x1  }
0x3ae: {  	vm0 =	vge.s32 v9, v0;
	vm1 =	vlt.s32 v9, v1;
	s0 =	spop @p1 (v2sf)  }
0x3af: {  	vm0 =	vmand vm0, vm1;
	s0 =	sadd.s32 @p1 s28, s0  }
0x3b0: {  	v10 =	vsel vm0, $0x3F800000, v2  }
0x3b1: {  	(xrf0) =	vmax.scan.msk.f32 $0xffff, v10;
	_ =	sdelay $0x5  }
0x3b2: {  	v10, _, _ =	vpop (xrf0)  }
0x3b3: {  	(v2sf) =	vpush v10, $0xF;
	_ =	sdelay $0xe  }
0x3b4: {  	s2 =	spop (v2sf)  }
0x3b5: {  	p2 =	sgt.f32 s2, $0.0e+00;
	_ =	sdelay $0x1  }
0x3b6: {  	v10 =	vimm.s32 @p2 $0x0  }
0x3b7: {  	v10 =	vsel @p2 vm0, $0x1, v10  }
0x3b8: {  	(xrf0) =	vadd.scan.msk.s32 @p2 $0xffff, v10;
	_ =	sdelay $0x1  }
0x3b9: {  	s28 =	smov.u32 @p1 s0  }
0x3ba: {  	v10 =	vmov @p2 s28  }
0x3bb: {  	v10 =	vadd.s32 @p2 $0xFFFFFFFF, v10  }
0x3bc: {  	v10 =	vbroadcast @p2 v10, $0x0  }
0x3bd: {  	v11, _, _ =	vpop @p2 (xrf0)  }
0x3be: {  	v10 =	vadd.s32 @p2 v11, v10  }
0x3bf: {  	vm1 =	vlt.s32 @p2 v10, $0x4008  }
0x3c0: {  	v10 =	vnsel @p2 vm1, $0x4008, v10  }
0x3c1: {  	v10 =	vnsel @p2 vm0, $0x4008, v10;
	_ =	sdelay $0x3  }
0x3c2: {  	s0 =	sadd.s32 $0x40, s26;
	v12 =	vlaneseq.u32 @p2;
	s2 =	simm.s32 @p2 $0x4000  }
0x3c3: {  	v12 =	vor.u32 @p2 s0, v12;
	[tilespmem:v10+s2+$0x0] =	vst.idx.msk @p2 $0xffff, v9;
	s2 =	simm.s32 @p2 $0x8080  }
0x3c4: {  	[tilespmem:v10+s2+$0x0] =	vst.idx.msk @p2 $0xffff, v12  }
0x3c5: {  	v9 =	vld [tilespmem:s29+$0xFFFFFFF0];
	_ =	sdelay $0x4  }
0x3c6: {  	vm10 =	vge.s32 v9, v0;
	vm11 =	vlt.s32 v9, v1  }
0x3c7: {  	vm0 =	vmand vm10, vm11  }
0x3c8: {  	v10 =	vsel vm0, $0x3F800000, v2  }
0x3c9: {  	(xrf0) =	vmax.scan.msk.f32 $0xffff, v10;
	_ =	sdelay $0x5  }
0x3ca: {  	(v2sf) =	vpush @p2 v11, $0xF;
	v10, _, _ =	vpop (xrf0)  }
0x3cb: {  	(v2sf) =	vpush v10, $0xF;
	_ =	sdelay $0xd  }
0x3cc: {  	s2 =	spop @p2 (v2sf)  }
0x3cd: {  	s3 =	spop (v2sf)  }
0x3ce: {  	p0 =	sgt.f32 s3, $0.0e+00;
	_ =	sdelay $0x1  }
0x3cf: {  	v10 =	vimm.s32 @p0 $0x0  }
0x3d0: {  	v10 =	vsel @p0 vm0, $0x1, v10  }
0x3d1: {  	(xrf0) =	vadd.scan.msk.s32 @p0 $0xffff, v10  }
0x3d2: {  	s2 =	sadd.s32 @p2 s28, s2  }
0x3d3: {  	s28 =	smov.u32 @p2 s2  }
0x3d4: {  	v10 =	vmov @p0 s28  }
0x3d5: {  	v10 =	vadd.s32 @p0 $0xFFFFFFFF, v10  }
0x3d6: {  	v10 =	vbroadcast @p0 v10, $0x0  }
0x3d7: {  	v11, _, _ =	vpop @p0 (xrf0)  }
0x3d8: {  	v10 =	vadd.s32 @p0 v11, v10  }
0x3d9: {  	vm1 =	vlt.s32 @p0 v10, $0x4008  }
0x3da: {  	v10 =	vnsel @p0 vm1, $0x4008, v10  }
0x3db: {  	v10 =	vnsel @p0 vm0, $0x4008, v10;
	_ =	sdelay $0x3  }
0x3dc: {  	s2 =	sadd.s32 $0x10, s0;
	v12 =	vlaneseq.u32 @p0;
	s3 =	simm.s32 @p0 $0x4000  }
0x3dd: {  	v12 =	vor.u32 @p0 s2, v12;
	s2 =	simm.s32 @p0 $0x8080;
	[tilespmem:v10+s3+$0x0] =	vst.idx.msk @p0 $0xffff, v9  }
0x3de: {  	[tilespmem:v10+s2+$0x0] =	vst.idx.msk @p0 $0xffff, v12  }
0x3df: {  	v9 =	vld [tilespmem:s29+$0x0];
	_ =	sdelay $0x4  }
0x3e0: {  	vm12 =	vge.s32 v9, v0;
	vm13 =	vlt.s32 v9, v1  }
0x3e1: {  	vm0 =	vmand vm12, vm13  }
0x3e2: {  	v10 =	vsel vm0, $0x3F800000, v2  }
0x3e3: {  	(xrf0) =	vmax.scan.msk.f32 $0xffff, v10;
	_ =	sdelay $0x5  }
0x3e4: {  	(v2sf) =	vpush @p0 v11, $0xF;
	v10, _, _ =	vpop (xrf0)  }
0x3e5: {  	(v2sf) =	vpush v10, $0xF;
	_ =	sdelay $0xd  }
0x3e6: {  	s2 =	spop @p0 (v2sf)  }
0x3e7: {  	s16 =	spop (v2sf)  }
0x3e8: {  	p1 =	sgt.f32 s16, $0.0e+00;
	_ =	sdelay $0x1  }
0x3e9: {  	v10 =	vimm.s32 @p1 $0x0  }
0x3ea: {  	v10 =	vsel @p1 vm0, $0x1, v10  }
0x3eb: {  	(xrf0) =	vadd.scan.msk.s32 @p1 $0xffff, v10  }
0x3ec: {  	s2 =	sadd.s32 @p0 s28, s2  }
0x3ed: {  	s28 =	smov.u32 @p0 s2  }
0x3ee: {  	v10 =	vmov @p1 s28  }
0x3ef: {  	v10 =	vadd.s32 @p1 $0xFFFFFFFF, v10  }
0x3f0: {  	v10 =	vbroadcast @p1 v10, $0x0  }
0x3f1: {  	v11, _, _ =	vpop @p1 (xrf0)  }
0x3f2: {  	v10 =	vadd.s32 @p1 v11, v10  }
0x3f3: {  	vm1 =	vlt.s32 @p1 v10, $0x4008  }
0x3f4: {  	v10 =	vnsel @p1 vm1, $0x4008, v10  }
0x3f5: {  	v10 =	vnsel @p1 vm0, $0x4008, v10;
	_ =	sdelay $0x3  }
0x3f6: {  	s2 =	sadd.s32 $0x20, s0;
	v12 =	vlaneseq.u32 @p1;
	s3 =	simm.s32 @p1 $0x4000  }
0x3f7: {  	v12 =	vor.u32 @p1 s2, v12;
	s2 =	simm.s32 @p1 $0x8080;
	[tilespmem:v10+s3+$0x0] =	vst.idx.msk @p1 $0xffff, v9  }
0x3f8: {  	[tilespmem:v10+s2+$0x0] =	vst.idx.msk @p1 $0xffff, v12  }
0x3f9: {  	v9 =	vld [tilespmem:s29+$0x10];
	_ =	sdelay $0x4  }
0x3fa: {  	vm14 =	vge.s32 v9, v0;
	vm15 =	vlt.s32 v9, v1  }
0x3fb: {  	vm0 =	vmand vm14, vm15  }
0x3fc: {  	v10 =	vsel vm0, $0x3F800000, v2  }
0x3fd: {  	(xrf0) =	vmax.scan.msk.f32 $0xffff, v10;
	_ =	sdelay $0x5  }
0x3fe: {  	(v2sf) =	vpush @p1 v11, $0xF;
	v10, _, _ =	vpop (xrf0)  }
0x3ff: {  	(v2sf) =	vpush v10, $0xF;
	_ =	sdelay $0xd  }
0x400: {  	s2 =	spop @p1 (v2sf)  }
0x401: {  	s22 =	spop (v2sf)  }
0x402: {  	p0 =	sgt.f32 s22, $0.0e+00;
	_ =	sdelay $0x1  }
0x403: {  	v10 =	vimm.s32 @p0 $0x0  }
0x404: {  	v10 =	vsel @p0 vm0, $0x1, v10  }
0x405: {  	(xrf0) =	vadd.scan.msk.s32 @p0 $0xffff, v10  }
0x406: {  	s2 =	sadd.s32 @p1 s28, s2  }
0x407: {  	s28 =	smov.u32 @p1 s2  }
0x408: {  	v10 =	vmov @p0 s28  }
0x409: {  	v10 =	vadd.s32 @p0 $0xFFFFFFFF, v10  }
0x40a: {  	v10 =	vbroadcast @p0 v10, $0x0  }
0x40b: {  	v11, _, _ =	vpop @p0 (xrf0)  }
0x40c: {  	v10 =	vadd.s32 @p0 v11, v10  }
0x40d: {  	vm1 =	vlt.s32 @p0 v10, $0x4008  }
0x40e: {  	v10 =	vnsel @p0 vm1, $0x4008, v10  }
0x40f: {  	v10 =	vnsel @p0 vm0, $0x4008, v10;
	_ =	sdelay $0x3  }
0x410: {  	s0 =	sadd.s32 $0x30, s0;
	s2 =	simm.s32 @p0 $0x4000;
	(v2sf) =	vpush @p0 v11, $0xF;
	v11 =	vlaneseq.u32 @p0  }
0x411: {  	v11 =	vor.u32 @p0 s0, v11;
	s0 =	simm.s32 @p0 $0x8080;
	[tilespmem:v10+s2+$0x0] =	vst.idx.msk @p0 $0xffff, v9  }
0x412: {  	[tilespmem:v10+s0+$0x0] =	vst.idx.msk @p0 $0xffff, v11  }
0x413: {  	[tilespmem:$0x1E600] =	vst v3  }
0x414: {  	[tilespmem:$0x1E610] =	vst v3  }
0x415: {  	[tilespmem:$0x1E620] =	vst v3  }
0x416: {  	[tilespmem:$0x1E630] =	vst v3  }
0x417: {  	[tilespmem:$0x1E640] =	vst v3  }
0x418: {  	[tilespmem:$0x1E650] =	vst v3  }
0x419: {  	[tilespmem:$0x1E660] =	vst v3  }
0x41a: {  	[tilespmem:$0x1E670] =	vst v3  }
0x41b: {  	[tilespmem:$0x1E680] =	vst v3  }
0x41c: {  	[tilespmem:$0x1E690] =	vst v3  }
0x41d: {  	[tilespmem:$0x1E6A0] =	vst v3  }
0x41e: {  	[tilespmem:$0x1E6B0] =	vst v3  }
0x41f: {  	[tilespmem:$0x1E6C0] =	vst v3  }
0x420: {  	[tilespmem:$0x1E6D0] =	vst v3  }
0x421: {  	[tilespmem:$0x1E6E0] =	vst v3  }
0x422: {  	s31 =	simm.s32 $0x1400;
	s6 =	simm.s32 $0x7A1400;
	[tilespmem:$0x1E6F0] =	vst v3  }
0x423: {  	[tilespmem:s17], [sflag:$0x2] =	stream.strided.gather [hbm4b:s12+s31], $0x5000, s6, s31, $0x38;
	[tilespmem:$0x1EA00] =	vst v63  }
0x424: {  	s0 =	spop @p0 (v2sf)  }
0x425: {  	s0 =	sadd.s32 @p0 s28, s0  }
0x426: {  	s28 =	smov.u32 @p0 s0  }
0x427: {  	s0 =	sadd.s32 $0xF, s28  }
0x428: {  	s23 =	sand.u32 $0xF, s0  }
0x429: {  	s26 =	sshra.s32 s0, $0x1F;
	p5 =	slt.s32 s0, $0x1;
	p6 =	sne.s32 s23, $0x0  }
.Ltmp33:
0x42a: {  	s30 =	sshrl.u32 s26, $0x1C;
	p0 =	por !p5, !p6;
	(pc) =	sbr.rel .LBB2_39-.Ltmp33, $4  }
0x42b: {  	s2 =	simm.s32 $0x1;
	s0 =	sadd.s32 s30, s0;
	p0 =	por !p0, !p0  }
0x42c: {  	s0 =	sshra.s32 s0, $0x4;
	s2 =	simm.s32 @!p0 $0x0  }
0x42d: {  	s26 =	ssub.s32 s0, s2  }
0x42e: {  	s29 =	simm.s32 $0x0;
	v9 =	vmov s28;
	s28 =	simm.s32 $0x0;
	p0 =	slt.s32 s26, $0x1  }
.LBB2_70:
0x42f: {  	s29 =	sadd.s32 $0x1, s29  }
0x430: {  	p1 =	sne.s32 s29, $0x7  }
.Ltmp34:
0x431: {  	_ = 	snop;
	(pc) =	sbr.rel @!p1 .LBB2_71-.Ltmp34, $1  }
0x432: {  	_ =	sdelay $0x3  }
.LBB2_39:
0x433: {  	s0 =	smul.u32 $0x1180, s29  }
.Ltmp35:
0x434: {  	_ = 	snop;
	(pc) =	sbr.rel @p0 .LBB2_49-.Ltmp35, $4  }
0x435: {  	_ = 	snop  }
0x436: {  	s0 =	sadd.s32 s1, s0  }
0x437: {  	s30 =	smov.u32 s9;
	p1 =	slt.s32 s0, s9  }
0x438: {  	s30 =	smov.u32 @p1 s0;
	s0 =	simm.s32 $0x0  }
0x439: {  	s0 =	simm.s32 $0x4000  }
0x43a: {  	v12 =	vld [tilespmem:s0+$0x0];
	_ =	sdelay $0x2  }
0x43b: {  	s2 =	sadd.s32 $0x1180, s30;
	s0 =	simm.s32 $0x0  }
0x43c: {  	v10 =	vmov s2;
	v13 =	vor.u32 s0, v4  }
0x43d: {  	v11 =	vmov s30;
	vm1 =	vlt.s32 v13, v9;
	vm0 =	vlt.s32 v12, v10  }
0x43e: {  	vm2 =	vge.s32 v12, v11;
	vm0 =	vmand vm0, vm1  }
0x43f: {  	vm0 =	vmand vm0, vm2  }
0x440: {  	v63 =	vsel vm0, $0x3F800000, v2  }
0x441: {  	(xrf0) =	vmax.scan.msk.f32 $0xffff, v63;
	_ =	sdelay $0x5  }
0x442: {  	v13, _, _ =	vpop (xrf0)  }
0x443: {  	(v2sf) =	vpush v13, $0xF;
	_ =	sdelay $0xe  }
0x444: {  	s23 =	spop (v2sf)  }
0x445: {  	p1 =	sgt.f32 s23, $0.0e+00;
	_ =	sdelay $0x1  }
0x446: {  	v13 =	vimm.s32 @p1 $0x0  }
0x447: {  	v13 =	vsel @p1 vm0, $0x1, v13  }
0x448: {  	(xrf0) =	vadd.scan.msk.s32 @p1 $0xffff, v13;
	_ =	sdelay $0x2  }
0x449: {  	v13 =	vmov @p1 s0  }
0x44a: {  	v13 =	vadd.s32 @p1 $0xFFFFFFFF, v13  }
0x44b: {  	v13 =	vbroadcast @p1 v13, $0x0  }
0x44c: {  	v14, _, _ =	vpop @p1 (xrf0)  }
0x44d: {  	v13 =	vadd.s32 @p1 v14, v13;
	(v2sf) =	vpush @p1 v14, $0xF  }
0x44e: {  	vm1 =	vlt.s32 @p1 v13, $0x1F8  }
0x44f: {  	v13 =	vnsel @p1 vm1, $0x1F8, v13  }
0x450: {  	s3 =	sadd.s32 $0xFFFFFFFF, s26;
	s2 =	simm.s32 $0x8080;
	v13 =	vnsel @p1 vm0, $0x1F8, v13  }
0x451: {  	p2 =	sne.s32 s3, $0x0;
	v15 =	vld @p1 [tilespmem:s2+$0x0]  }
.Ltmp36:
0x452: {  	_ = 	snop;
	(pc) =	sbr.rel @!p2 .LBB2_42-.Ltmp36, $4  }
0x453: {  	_ = 	snop  }
0x454: {  	s6 =	simm.s32 @p1 $0xC100  }
0x455: {  	s15 =	simm.s32 @p1 $0xC380;
	[tilespmem:v13+s6+$0x0] =	vst.idx.msk @p1 $0xffff, v12  }
0x456: {  	s31 =	simm.s32 $0x0;
	s6 =	simm.s32 $0x4010;
	[tilespmem:v13+s15+$0x0] =	vst.idx.msk @p1 $0xffff, v15  }
.LBB2_41:
0x457: {  	v12 =	vld [tilespmem:s6+$0x0];
	s3 =	sadd.s32 $0xFFFFFFFF, s3  }
0x458: {  	p2 =	sne.s32 s3, $0x0;
	_ =	sdelay $0x1  }
0x459: {  	s31 =	sadd.s32 $0x10, s31  }
0x45a: {  	v13 =	vor.u32 s31, v4  }
0x45b: {  	vm1 =	vlt.s32 v13, v9;
	vm0 =	vlt.s32 v12, v10;
	s15 =	spop @p1 (v2sf)  }
0x45c: {  	vm2 =	vge.s32 v12, v11;
	vm0 =	vmand vm0, vm1;
	s15 =	sadd.s32 @p1 s0, s15  }
0x45d: {  	vm0 =	vmand vm0, vm2;
	s0 =	smov.u32 @p1 s15  }
0x45e: {  	v13 =	vsel vm0, $0x3F800000, v2  }
0x45f: {  	(xrf0) =	vmax.scan.msk.f32 $0xffff, v13;
	_ =	sdelay $0x5  }
0x460: {  	v13, _, _ =	vpop (xrf0)  }
0x461: {  	(v2sf) =	vpush v13, $0xF;
	_ =	sdelay $0xe  }
0x462: {  	s15 =	spop (v2sf)  }
0x463: {  	p1 =	sgt.f32 s15, $0.0e+00  }
0x464: {  	s2 =	sadd.s32 $0x10, s2  }
0x465: {  	v13 =	vld @p1 [tilespmem:s2+$0x0];
	v14 =	vimm.s32 @p1 $0x0;
	v15 =	vmov @p1 s0;
	s15 =	simm.s32 @p1 $0xC100;
	s16 =	simm.s32 @p1 $0xC380  }
0x466: {  	v14 =	vsel @p1 vm0, $0x1, v14;
	v15 =	vadd.s32 @p1 $0xFFFFFFFF, v15  }
0x467: {  	v15 =	vbroadcast @p1 v15, $0x0;
	(xrf0) =	vadd.scan.msk.s32 @p1 $0xffff, v14;
	_ =	sdelay $0x5  }
0x468: {  	v14, _, _ =	vpop @p1 (xrf0)  }
0x469: {  	v15 =	vadd.s32 @p1 v14, v15;
	(v2sf) =	vpush @p1 v14, $0xF  }
0x46a: {  	vm1 =	vlt.s32 @p1 v15, $0x1F8  }
0x46b: {  	v14 =	vnsel @p1 vm1, $0x1F8, v15  }
0x46c: {  	v14 =	vnsel @p1 vm0, $0x1F8, v14;
	_ =	sdelay $0x1  }
.Ltmp37:
0x46d: {  	(pc) =	sbr.rel @p2 .LBB2_41-.Ltmp37, $3  }
0x46e: {  	_ =	sdelay $0x1  }
0x46f: {  	[tilespmem:v14+s15+$0x0] =	vst.idx.msk @p1 $0xffff, v12  }
0x470: {  	s6 =	sadd.s32 $0x10, s6;
	[tilespmem:v14+s16+$0x0] =	vst.idx.msk @p1 $0xffff, v13  }
.LBB2_42:
0x471: {  	_ =	sdelay $0x4  }
0x472: {  	s2 =	spop @p1 (v2sf)  }
0x473: {  	s2 =	sadd.s32 @p1 s0, s2  }
0x474: {  	s0 =	smov.u32 @p1 s2  }
0x475: {  	p1 =	slt.s32 s0, $0x1F1  }
.Ltmp38:
0x476: {  	_ = 	snop;
	(pc) =	sbr.rel @!p1 .LBB2_43-.Ltmp38, $1  }
0x477: {  	_ =	sdelay $0x3  }
.LBB2_49:
0x478: {  	s2 =	sadd.s32 $0xF, s0  }
0x479: {  	s3 =	sand.u32 $0xF, s2  }
0x47a: {  	p1 =	slt.s32 s0, $0xFFFFFFF2;
	s6 =	sshra.s32 s2, $0x1F;
	p2 =	sne.s32 s3, $0x0  }
.Ltmp39:
0x47b: {  	s23 =	sshrl.u32 s6, $0x1C;
	p1 =	por !p1, !p2;
	(pc) =	sbr.rel .LBB2_50-.Ltmp39, $4  }
0x47c: {  	s3 =	simm.s32 $0x1;
	s2 =	sadd.s32 s23, s2;
	p1 =	por !p1, !p1  }
0x47d: {  	s2 =	sshra.s32 s2, $0x4;
	s3 =	simm.s32 @!p1 $0x0  }
0x47e: {  	s31 =	ssub.s32 s2, s3  }
0x47f: {  	v10 =	vmov s0;
	s0 =	simm.s32 $0x0;
	s6 =	smul.u32 $0x7, s29;
	p1 =	slt.s32 s31, $0x1  }
.LBB2_62:
0x480: {  	s0 =	sadd.s32 $0x1, s0  }
0x481: {  	p2 =	seq.s32 s0, $0x7  }
.Ltmp40:
0x482: {  	_ = 	snop;
	(pc) =	sbr.rel @p2 .LBB2_70-.Ltmp40, $1  }
0x483: {  	_ =	sdelay $0x3  }
.LBB2_50:
0x484: {  	_ = 	snop  }
0x485: {  	s2 =	sadd.s32 s6, s0  }
0x486: {  	p2 =	sgt.u32 s2, $0x2F  }
0x487: {  	p3 =	seq.s32 @!p2 s0, $0x6  }
0x488: {  	s3 =	simm.s32 @!p2 $0x1;
	p3 =	por !p3, p2  }
0x489: {  	s3 =	simm.s32 @p3 $0x0  }
0x48a: {  	s15 =	sadd.s32 @!p2 $0x1, s0;
	s3 =	sadd.s32 @!p2 s3, s29  }
0x48b: {  	s15 =	simm.s32 @!p3 $0x0;
	s16 =	smul.u32 @!p2 $0x1180, s3  }
0x48c: {  	s3 =	sadd.s32 @!p2 s15, s3  }
0x48d: {  	s22 =	simm.s32 @!p2 $0x7A1400;
	s3 =	sand.u32 @!p2 $0x1, s3;
	s16 =	sadd.s32 @!p2 s1, s16  }
0x48e: {  	p3 =	seq.s32 @!p2 s3, $0x1;
	s3 =	smul.u32 @!p2 $0x280, s15;
	p4 =	slt.s32 @!p2 s16, s9  }
0x48f: {  	s15 =	simm.s32 @!p2 $0x11600;
	p3 =	por !p3, p2;
	p4 =	por !p4, p2  }
0x490: {  	s15 =	simm.s32 @p3 $0xC600;
	s3 =	sadd.s32 @!p2 s5, s3;
	s16 =	smov.u32 @p4 s9  }
.Ltmp41:
0x491: {  	s3 =	sadd.s32 @!p2 s16, s3;
	s16 =	simm.s32 @!p2 $0x1400;
	(pc) =	sbr.rel @p1 .LBB2_62-.Ltmp41, $4  }
0x492: {  	[tilespmem:s15], [sflag:$0x2] =	stream.strided.gather @!p2 [hbm4b:s3+s16], $0x5000, s22, s16, $0x38;
	[tilespmem:$0x1EA00] =	vst v63  }
0x493: {  	_ =	swait.ge [sflag:s18], $0x5000  }
0x494: {  	[sflag:s18] =	ssyncset.done $0x0  }
0x495: {  	[sflag:s18] =	ssyncadd.s32 $0xFFFFB000  }
0x496: {  	s2 =	sand.u32 $0x1, s2  }
0x497: {  	s23 =	smul.u32 $0x280, s0;
	v11 =	vmov s2  }
.Ltmp42:
0x498: {  	v11 =	vmul.u32 $0x5000, v11;
	(pc) =	sbr.rel .LBB2_52-.Ltmp42, $4  }
0x499: {  	_ = 	snop  }
0x49a: {  	s2 =	sadd.s32 s30, s23;
	v14 =	vbroadcast v11, $0x0  }
0x49b: {  	v11 =	vmov s2;
	s2 =	sadd.s32 $0x280, s2  }
0x49c: {  	v12 =	vmov s2;
	s2 =	simm.s32 $0x0;
	v13 =	vadd.s32 v5, v14;
	v14 =	vadd.s32 v6, v14  }
.LBB2_55:
0x49d: {  	s15 =	smov.u32 s28  }
.LBB2_59:
0x49e: {  	v16 =	vshll.u32 v15, $0x3  }
0x49f: {  	v16 =	vand.u32 $0xFFFFFC00, v16  }
0x4a0: {  	v15 =	vand.u32 $0x7F, v15;
	v17 =	vadd.s32 v13, v16  }
0x4a1: {  	v16 =	vadd.s32 v14, v16;
	v17 =	vor.u32 v15, v17  }
0x4a2: {  	v15 =	vor.u32 v15, v16  }
0x4a3: {  	s15 =	sadd.s32 @p2 $0x1, s15;
	s16 =	smov.u32 s28  }
0x4a4: {  	s16 =	smov.u32 @p2 s15  }
0x4a5: {  	s15 =	sshll.u32 s16, $0x7  }
0x4a6: {  	v63 =	vor.u32 s15, v4;
	v62 =	vld.idx.msk [tilespmem:v17+s17+$0x0], $0xffff  }
0x4a7: {  	v18 =	vor.u32 s15, v8;
	v15 =	vld.idx.msk [tilespmem:v15+s17+$0x0], $0xffff;
	_ =	sdelay $0x3  }
0x4a8: {  	[tilespmem:v63+s21+$0x0] =	vst.idx.msk $0xffff, v62  }
0x4a9: {  	[tilespmem:v18+s21+$0x0] =	vst.idx.msk $0xffff, v15  }
.LBB2_60:
0x4aa: {  	s28 =	sadd.s32 s28, s3  }
.LBB2_61:
0x4ab: {  	s2 =	sadd.s32 $0x1, s2  }
0x4ac: {  	p2 =	sne.s32 s2, s31  }
.Ltmp43:
0x4ad: {  	_ = 	snop;
	(pc) =	sbr.rel @!p2 .LBB2_62-.Ltmp43, $1  }
0x4ae: {  	_ =	sdelay $0x3  }
.LBB2_52:
0x4af: {  	s3 =	sshll.u32 s2, $0x4  }
0x4b0: {  	v15 =	vld [tilespmem:s3+$0xC100];
	_ =	sdelay $0x3  }
0x4b1: {  	v16 =	vor.u32 s3, v4  }
0x4b2: {  	vm1 =	vlt.s32 v16, v10;
	vm0 =	vlt.s32 v15, v12  }
0x4b3: {  	vm2 =	vge.s32 v15, v11;
	vm0 =	vmand vm0, vm1  }
0x4b4: {  	vm0 =	vmand vm0, vm2  }
0x4b5: {  	v16 =	vsel vm0, $0x3F800000, v2  }
0x4b6: {  	(xrf0) =	vmax.scan.msk.f32 $0xffff, v16;
	_ =	sdelay $0x5  }
0x4b7: {  	v16, _, _ =	vpop (xrf0)  }
0x4b8: {  	(v2sf) =	vpush v16, $0xF;
	_ =	sdelay $0xe  }
0x4b9: {  	s15 =	spop (v2sf)  }
0x4ba: {  	p2 =	sgt.f32 s15, $0.0e+00  }
.Ltmp44:
0x4bb: {  	_ = 	snop;
	(pc) =	sbr.rel @!p2 .LBB2_61-.Ltmp44, $2  }
0x4bc: {  	_ =	sdelay $0x2  }
0x4bd: {  	v16 =	vld [tilespmem:s3+$0xC380]  }
0x4be: {  	p2 =	slt.s32 s28, $0xF1  }
0x4bf: {  	v17 =	vld @!p2 [tilespmem:$0x1E600]  }
0x4c0: {  	v18 =	vld @!p2 [tilespmem:$0x1E610]  }
0x4c1: {  	v19 =	vld @!p2 [tilespmem:$0x1E620]  }
0x4c2: {  	v20 =	vld @!p2 [tilespmem:$0x1E630]  }
0x4c3: {  	v21 =	vld @!p2 [tilespmem:$0x1E640]  }
0x4c4: {  	[tilespmem:$0x1E780] =	vst @!p2 v17;
	v17 =	vld @!p2 [tilespmem:$0x1E650]  }
0x4c5: {  	[tilespmem:$0x1E790] =	vst @!p2 v18;
	v18 =	vld @!p2 [tilespmem:$0x1E660]  }
0x4c6: {  	[tilespmem:$0x1E7A0] =	vst @!p2 v19;
	v19 =	vld @!p2 [tilespmem:$0x1E670]  }
0x4c7: {  	[tilespmem:$0x1E7B0] =	vst @!p2 v20;
	v20 =	vld @!p2 [tilespmem:$0x1E680]  }
0x4c8: {  	[tilespmem:$0x1E7C0] =	vst @!p2 v21;
	v21 =	vld @!p2 [tilespmem:$0x1E690]  }
0x4c9: {  	[tilespmem:$0x1E7D0] =	vst @!p2 v17;
	v17 =	vld @!p2 [tilespmem:$0x1E6A0]  }
0x4ca: {  	[tilespmem:$0x1E7E0] =	vst @!p2 v18;
	v18 =	vld @!p2 [tilespmem:$0x1E6B0]  }
0x4cb: {  	[tilespmem:$0x1E7F0] =	vst @!p2 v19;
	v19 =	vld @!p2 [tilespmem:$0x1E6C0]  }
0x4cc: {  	[tilespmem:$0x1E800] =	vst @!p2 v20;
	v20 =	vld @!p2 [tilespmem:$0x1E6D0]  }
0x4cd: {  	[tilespmem:$0x1E810] =	vst @!p2 v21;
	v21 =	vld @!p2 [tilespmem:$0x1E6E0]  }
0x4ce: {  	[tilespmem:$0x1E820] =	vst @!p2 v17;
	v17 =	vld @!p2 [tilespmem:$0x1E6F0]  }
0x4cf: {  	[tilespmem:$0x1E830] =	vst @!p2 v18  }
0x4d0: {  	[tilespmem:$0x1E840] =	vst @!p2 v19  }
0x4d1: {  	[tilespmem:$0x1E850] =	vst @!p2 v20  }
0x4d2: {  	[tilespmem:$0x1E860] =	vst @!p2 v21  }
0x4d3: {  	s3 =	simm.s32 @!p2 $0x100;
	s15 =	simm.s32 @!p2 $0x1E780;
	s16 =	simm.s32 @!p2 $0x16600;
	[tilespmem:$0x1E870] =	vst @!p2 v17  }
0x4d4: {  	[hbm4b:s10+s3] =	stream.indirect.scatter @!p2 [tilespmem:s16], [sflag:$0x3], $0x80, s15, s3, $0xb8;
	[tilespmem:$0x1EA00] =	vst v63  }
0x4d5: {  	s3 =	simm.s32 @!p2 $0x3  }
0x4d6: {  	v62 =	vsel vm0, $0x1, v7;
	_ =	swait.ge @!p2 [sflag:s3], $0x8000  }
0x4d7: {  	(xrf0) =	vadd.scan.msk.s32 $0xffff, v62;
	_ =	sdelay $0x5  }
0x4d8: {  	v17, _, _ =	vpop (xrf0)  }
0x4d9: {  	(v2sf) =	vpush v17, $0xF;
	_ =	sdelay $0x5  }
0x4da: {  	p3 =	sgt.s32 s28, $0xF0  }
0x4db: {  	s28 =	simm.s32 @p3 $0x0  }
0x4dc: {  	v63 =	vmov s28  }
0x4dd: {  	v18 =	vadd.s32 $0xFFFFFFFF, v63  }
0x4de: {  	v18 =	vbroadcast v18, $0x0;
	_ =	sdelay $0x1  }
0x4df: {  	v17 =	vadd.s32 v17, v18  }
0x4e0: {  	vm1 =	vlt.s32 v17, $0x108  }
0x4e1: {  	[sflag:s3] =	ssyncset.done @!p2 $0x0;
	v17 =	vnsel vm1, $0x108, v17  }
0x4e2: {  	[sflag:s3] =	ssyncadd.s32 @!p2 $0xFFFF8000;
	v17 =	vnsel vm0, $0x108, v17;
	s3 =	spop (v2sf)  }
0x4e3: {  	p2 =	slt.s32 s3, $0x1  }
.Ltmp45:
0x4e4: {  	_ = 	snop;
	(pc) =	sbr.rel @p2 .LBB2_60-.Ltmp45, $3  }
0x4e5: {  	_ =	sdelay $0x1  }
0x4e6: {  	v15 =	vsub.s32 v15, v11;
	[tilespmem:v17+s19+$0x0] =	vst.idx.msk $0xffff, v16  }
0x4e7: {  	[tilespmem:v17+s20+$0x0] =	vst.idx.msk $0xffff, v15  }
0x4e8: {  	s15 =	sshll.u32 s28, $0x2  }
0x4e9: {  	s15 =	sshra.s32 s15, $0x2  }
0x4ea: {  	p3 =	sne.s32 s3, $0x1;
	s15 =	sadd.s32 $0x1E880, s15  }
.Ltmp46:
0x4eb: {  	v15 =	vld.msk [tilespmem:s15+$0x0 ss:$0x0], $0xffff;
	(pc) =	sbr.rel @!p3 .LBB2_55-.Ltmp46, $2  }
0x4ec: {  	_ =	sdelay $0x2  }
0x4ed: {  	s22 =	sadd.s32 $0xFFFFFFFF, s3;
	p2 =	por $0x0, $0x0  }
0x4ee: {  	v16 =	vshll.u32 v15, $0x3  }
0x4ef: {  	v16 =	vand.u32 $0xFFFFFC00, v16  }
0x4f0: {  	v15 =	vand.u32 $0x7F, v15;
	v17 =	vadd.s32 v13, v16  }
0x4f1: {  	v16 =	vadd.s32 v14, v16;
	v17 =	vor.u32 v15, v17  }
0x4f2: {  	v15 =	vor.u32 v15, v16;
	_ =	sdelay $0x2  }
0x4f3: {  	s16 =	sshll.u32 s28, $0x7  }
0x4f4: {  	v16 =	vld.idx.msk [tilespmem:v17+s17+$0x0], $0xffff;
	v17 =	vor.u32 s16, v4  }
0x4f5: {  	v18 =	vor.u32 s16, v8;
	v15 =	vld.idx.msk [tilespmem:v15+s17+$0x0], $0xffff;
	_ =	sdelay $0x3  }
0x4f6: {  	[tilespmem:v17+s21+$0x0] =	vst.idx.msk $0xffff, v16  }
0x4f7: {  	p3 =	sne.s32 s22, $0x1;
	s16 =	sadd.s32 $0x1, s15;
	[tilespmem:v18+s21+$0x0] =	vst.idx.msk $0xffff, v15  }
.Ltmp47:
0x4f8: {  	v15 =	vld.msk [tilespmem:s16+$0x0 ss:$0x0], $0xffff;
	(pc) =	sbr.rel @!p3 .LBB2_57-.Ltmp47, $2  }
0x4f9: {  	_ =	sdelay $0x2  }
0x4fa: {  	s22 =	sadd.s32 $0xFFFFFFFF, s22;
	p2 =	por $0x1, $0x1;
	s15 =	smov.u32 s28  }
.LBB2_58:
0x4fb: {  	p3 =	sne.s32 s22, $0x1;
	_ =	sdelay $0x3  }
0x4fc: {  	v16 =	vshll.u32 v15, $0x3  }
0x4fd: {  	v16 =	vand.u32 $0xFFFFFC00, v16  }
0x4fe: {  	v15 =	vand.u32 $0x7F, v15;
	v17 =	vadd.s32 v13, v16  }
0x4ff: {  	v16 =	vadd.s32 v14, v16;
	v17 =	vor.u32 v15, v17  }
0x500: {  	v15 =	vor.u32 v15, v16;
	_ =	sdelay $0x2  }
0x501: {  	s15 =	sadd.s32 $0x1, s15  }
0x502: {  	s23 =	sshll.u32 s15, $0x7;
	v16 =	vld.idx.msk [tilespmem:v17+s17+$0x0], $0xffff  }
0x503: {  	v17 =	vor.u32 s23, v4;
	v15 =	vld.idx.msk [tilespmem:v15+s17+$0x0], $0xffff  }
0x504: {  	v18 =	vor.u32 s23, v8;
	_ =	sdelay $0x2  }
.Ltmp48:
0x505: {  	(pc) =	sbr.rel @p3 .LBB2_58-.Ltmp48, $4  }
0x506: {  	[tilespmem:v17+s21+$0x0] =	vst.idx.msk $0xffff, v16  }
0x507: {  	s16 =	sadd.s32 $0x1, s16;
	[tilespmem:v18+s21+$0x0] =	vst.idx.msk $0xffff, v15  }
0x508: {  	v15 =	vld.msk [tilespmem:s16+$0x0 ss:$0x0], $0xffff  }
0x509: {  	s22 =	sadd.s32 $0xFFFFFFFF, s22  }
.Ltmp49:
0x50a: {  	_ = 	snop;
	(pc) =	sbr.rel .LBB2_59-.Ltmp49, $1  }
0x50b: {  	_ =	sdelay $0x3  }
.LBB2_57:
.Ltmp50:
0x50c: {  	(pc) =	sbr.rel .LBB2_59-.Ltmp50, $2  }
0x50d: {  	_ =	sdelay $0x2  }
0x50e: {  	s15 =	smov.u32 s28  }
.LBB2_43:
.Ltmp51:
0x50f: {  	(pc) =	sbr.rel .LBB2_44-.Ltmp51, $2  }
0x510: {  	_ =	sdelay $0x2  }
0x511: {  	s0 =	smul.u32 $0x7, s29;
	s6 =	simm.s32 $0x0  }
.LBB2_69:
0x512: {  	s6 =	sadd.s32 $0x1, s6  }
0x513: {  	p1 =	sne.s32 s6, $0x7  }
.Ltmp52:
0x514: {  	_ = 	snop;
	(pc) =	sbr.rel @!p1 .LBB2_70-.Ltmp52, $1  }
0x515: {  	_ =	sdelay $0x3  }
.LBB2_44:
0x516: {  	_ = 	snop  }
0x517: {  	s2 =	sadd.s32 s0, s6  }
0x518: {  	p1 =	sgt.u32 s2, $0x2F  }
0x519: {  	p2 =	seq.s32 @!p1 s6, $0x6  }
0x51a: {  	s3 =	simm.s32 @!p1 $0x1;
	p2 =	por !p2, p1  }
0x51b: {  	s3 =	simm.s32 @p2 $0x0  }
0x51c: {  	s3 =	sadd.s32 @!p1 s3, s29  }
0x51d: {  	s15 =	smul.u32 @!p1 $0x1180, s3  }
0x51e: {  	s22 =	smul.u32 $0x280, s6;
	s16 =	sadd.s32 @!p1 $0x1, s6  }
0x51f: {  	s2 =	sand.u32 $0x1, s2;
	s16 =	simm.s32 @!p2 $0x0;
	s15 =	sadd.s32 @!p1 s1, s15  }
0x520: {  	s3 =	sadd.s32 @!p1 s16, s3;
	s16 =	smul.u32 @!p1 $0x280, s16;
	p2 =	slt.s32 @!p1 s15, s9  }
0x521: {  	v10 =	vmov s2;
	s2 =	simm.s32 @!p1 $0x1400;
	s3 =	sand.u32 @!p1 $0x1, s3;
	p2 =	por !p2, p1  }
0x522: {  	s16 =	sadd.s32 @!p1 s5, s16;
	s15 =	smov.u32 @p2 s9;
	p2 =	seq.s32 @!p1 s3, $0x1  }
0x523: {  	s3 =	simm.s32 @!p1 $0x11600;
	p2 =	por !p2, p1;
	s15 =	sadd.s32 @!p1 s15, s16  }
.Ltmp53:
0x524: {  	v10 =	vmul.u32 $0x5000, v10;
	s16 =	simm.s32 @!p1 $0x7A1400;
	s3 =	simm.s32 @p2 $0xC600;
	(pc) =	sbr.rel .LBB2_45-.Ltmp53, $4  }
0x525: {  	[tilespmem:s3], [sflag:$0x2] =	stream.strided.gather @!p1 [hbm4b:s15+s2], $0x5000, s16, s2, $0x38;
	[tilespmem:$0x1EA00] =	vst v63  }
0x526: {  	s31 =	sadd.s32 s30, s22;
	v13 =	vbroadcast v10, $0x0;
	_ =	swait.ge [sflag:s18], $0x5000  }
0x527: {  	v10 =	vmov s31;
	s2 =	sadd.s32 $0x280, s31;
	[sflag:s18] =	ssyncset.done $0x0  }
0x528: {  	v12 =	vadd.s32 v5, v13;
	v13 =	vadd.s32 v6, v13;
	v11 =	vmov s2;
	s2 =	simm.s32 $0x0;
	[sflag:s18] =	ssyncadd.s32 $0xFFFFB000  }
.LBB2_48:
0x529: {  	s15 =	smov.u32 s28  }
.LBB2_66:
0x52a: {  	v15 =	vshll.u32 v14, $0x3  }
0x52b: {  	v15 =	vand.u32 $0xFFFFFC00, v15  }
0x52c: {  	v14 =	vand.u32 $0x7F, v14;
	v16 =	vadd.s32 v12, v15  }
0x52d: {  	v15 =	vadd.s32 v13, v15;
	v16 =	vor.u32 v14, v16  }
0x52e: {  	v14 =	vor.u32 v14, v15  }
0x52f: {  	s15 =	sadd.s32 @p1 $0x1, s15;
	s16 =	smov.u32 s28  }
0x530: {  	s16 =	smov.u32 @p1 s15  }
0x531: {  	s15 =	sshll.u32 s16, $0x7  }
0x532: {  	v63 =	vor.u32 s15, v4;
	v15 =	vld.idx.msk [tilespmem:v16+s17+$0x0], $0xffff  }
0x533: {  	v17 =	vor.u32 s15, v8;
	v14 =	vld.idx.msk [tilespmem:v14+s17+$0x0], $0xffff;
	_ =	sdelay $0x3  }
0x534: {  	[tilespmem:v63+s21+$0x0] =	vst.idx.msk $0xffff, v15  }
0x535: {  	[tilespmem:v17+s21+$0x0] =	vst.idx.msk $0xffff, v14  }
.LBB2_67:
0x536: {  	s28 =	sadd.s32 s28, s3  }
.LBB2_68:
0x537: {  	s2 =	sadd.s32 $0x1, s2  }
0x538: {  	p1 =	sne.s32 s2, s26  }
.Ltmp54:
0x539: {  	_ = 	snop;
	(pc) =	sbr.rel @!p1 .LBB2_69-.Ltmp54, $1  }
0x53a: {  	_ =	sdelay $0x3  }
.LBB2_45:
0x53b: {  	s3 =	sshll.u32 s2, $0x4  }
0x53c: {  	v14 =	vld [tilespmem:s3+$0x4000];
	_ =	sdelay $0x3  }
0x53d: {  	v15 =	vor.u32 s3, v4  }
0x53e: {  	vm1 =	vlt.s32 v15, v9;
	vm0 =	vlt.s32 v14, v11  }
0x53f: {  	vm2 =	vge.s32 v14, v10;
	vm0 =	vmand vm0, vm1  }
0x540: {  	vm0 =	vmand vm0, vm2  }
0x541: {  	v15 =	vsel vm0, $0x3F800000, v2  }
0x542: {  	(xrf0) =	vmax.scan.msk.f32 $0xffff, v15;
	_ =	sdelay $0x5  }
0x543: {  	v15, _, _ =	vpop (xrf0)  }
0x544: {  	(v2sf) =	vpush v15, $0xF;
	_ =	sdelay $0xe  }
0x545: {  	s15 =	spop (v2sf)  }
0x546: {  	p1 =	sgt.f32 s15, $0.0e+00  }
.Ltmp55:
0x547: {  	_ = 	snop;
	(pc) =	sbr.rel @!p1 .LBB2_68-.Ltmp55, $2  }
0x548: {  	_ =	sdelay $0x2  }
0x549: {  	v15 =	vld [tilespmem:s3+$0x8080]  }
0x54a: {  	p1 =	slt.s32 s28, $0xF1  }
0x54b: {  	v16 =	vld @!p1 [tilespmem:$0x1E600]  }
0x54c: {  	v17 =	vld @!p1 [tilespmem:$0x1E610]  }
0x54d: {  	v18 =	vld @!p1 [tilespmem:$0x1E620]  }
0x54e: {  	v19 =	vld @!p1 [tilespmem:$0x1E630]  }
0x54f: {  	v20 =	vld @!p1 [tilespmem:$0x1E640]  }
0x550: {  	[tilespmem:$0x1E780] =	vst @!p1 v16;
	v16 =	vld @!p1 [tilespmem:$0x1E650]  }
0x551: {  	[tilespmem:$0x1E790] =	vst @!p1 v17;
	v17 =	vld @!p1 [tilespmem:$0x1E660]  }
0x552: {  	[tilespmem:$0x1E7A0] =	vst @!p1 v18;
	v18 =	vld @!p1 [tilespmem:$0x1E670]  }
0x553: {  	[tilespmem:$0x1E7B0] =	vst @!p1 v19;
	v19 =	vld @!p1 [tilespmem:$0x1E680]  }
0x554: {  	[tilespmem:$0x1E7C0] =	vst @!p1 v20;
	v20 =	vld @!p1 [tilespmem:$0x1E690]  }
0x555: {  	[tilespmem:$0x1E7D0] =	vst @!p1 v16;
	v16 =	vld @!p1 [tilespmem:$0x1E6A0]  }
0x556: {  	[tilespmem:$0x1E7E0] =	vst @!p1 v17;
	v17 =	vld @!p1 [tilespmem:$0x1E6B0]  }
0x557: {  	[tilespmem:$0x1E7F0] =	vst @!p1 v18;
	v18 =	vld @!p1 [tilespmem:$0x1E6C0]  }
0x558: {  	[tilespmem:$0x1E800] =	vst @!p1 v19;
	v19 =	vld @!p1 [tilespmem:$0x1E6D0]  }
0x559: {  	[tilespmem:$0x1E810] =	vst @!p1 v20;
	v20 =	vld @!p1 [tilespmem:$0x1E6E0]  }
0x55a: {  	[tilespmem:$0x1E820] =	vst @!p1 v16;
	v16 =	vld @!p1 [tilespmem:$0x1E6F0]  }
0x55b: {  	[tilespmem:$0x1E830] =	vst @!p1 v17  }
0x55c: {  	[tilespmem:$0x1E840] =	vst @!p1 v18  }
0x55d: {  	[tilespmem:$0x1E850] =	vst @!p1 v19  }
0x55e: {  	[tilespmem:$0x1E860] =	vst @!p1 v20  }
0x55f: {  	s3 =	simm.s32 @!p1 $0x100;
	s15 =	simm.s32 @!p1 $0x1E780;
	s16 =	simm.s32 @!p1 $0x16600;
	[tilespmem:$0x1E870] =	vst @!p1 v16  }
0x560: {  	[hbm4b:s10+s3] =	stream.indirect.scatter @!p1 [tilespmem:s16], [sflag:$0x3], $0x80, s15, s3, $0xb8;
	[tilespmem:$0x1EA00] =	vst v63  }
0x561: {  	s3 =	simm.s32 @!p1 $0x3  }
0x562: {  	v62 =	vsel vm0, $0x1, v7;
	_ =	swait.ge @!p1 [sflag:s3], $0x8000  }
0x563: {  	(xrf0) =	vadd.scan.msk.s32 $0xffff, v62;
	_ =	sdelay $0x5  }
0x564: {  	v16, _, _ =	vpop (xrf0)  }
0x565: {  	(v2sf) =	vpush v16, $0xF;
	_ =	sdelay $0x5  }
0x566: {  	p2 =	sgt.s32 s28, $0xF0  }
0x567: {  	s28 =	simm.s32 @p2 $0x0  }
0x568: {  	v63 =	vmov s28  }
0x569: {  	v17 =	vadd.s32 $0xFFFFFFFF, v63  }
0x56a: {  	v17 =	vbroadcast v17, $0x0;
	_ =	sdelay $0x1  }
0x56b: {  	v16 =	vadd.s32 v16, v17  }
0x56c: {  	vm1 =	vlt.s32 v16, $0x108  }
0x56d: {  	[sflag:s3] =	ssyncset.done @!p1 $0x0;
	v16 =	vnsel vm1, $0x108, v16  }
0x56e: {  	[sflag:s3] =	ssyncadd.s32 @!p1 $0xFFFF8000;
	v16 =	vnsel vm0, $0x108, v16;
	s3 =	spop (v2sf)  }
0x56f: {  	p1 =	slt.s32 s3, $0x1  }
.Ltmp56:
0x570: {  	_ = 	snop;
	(pc) =	sbr.rel @p1 .LBB2_67-.Ltmp56, $3  }
0x571: {  	_ =	sdelay $0x1  }
0x572: {  	v14 =	vsub.s32 v14, v10;
	[tilespmem:v16+s19+$0x0] =	vst.idx.msk $0xffff, v15  }
0x573: {  	[tilespmem:v16+s20+$0x0] =	vst.idx.msk $0xffff, v14  }
0x574: {  	s15 =	sshll.u32 s28, $0x2  }
0x575: {  	s15 =	sshra.s32 s15, $0x2  }
0x576: {  	p2 =	sne.s32 s3, $0x1;
	s15 =	sadd.s32 $0x1E880, s15  }
.Ltmp57:
0x577: {  	v14 =	vld.msk [tilespmem:s15+$0x0 ss:$0x0], $0xffff;
	(pc) =	sbr.rel @!p2 .LBB2_48-.Ltmp57, $2  }
0x578: {  	_ =	sdelay $0x2  }
0x579: {  	s22 =	sadd.s32 $0xFFFFFFFF, s3;
	p1 =	por $0x0, $0x0  }
0x57a: {  	v15 =	vshll.u32 v14, $0x3  }
0x57b: {  	v15 =	vand.u32 $0xFFFFFC00, v15  }
0x57c: {  	v14 =	vand.u32 $0x7F, v14;
	v16 =	vadd.s32 v12, v15  }
0x57d: {  	v15 =	vadd.s32 v13, v15;
	v16 =	vor.u32 v14, v16  }
0x57e: {  	v14 =	vor.u32 v14, v15;
	_ =	sdelay $0x2  }
0x57f: {  	s16 =	sshll.u32 s28, $0x7  }
0x580: {  	v63 =	vor.u32 s16, v4;
	v15 =	vld.idx.msk [tilespmem:v16+s17+$0x0], $0xffff  }
0x581: {  	v17 =	vor.u32 s16, v8;
	v14 =	vld.idx.msk [tilespmem:v14+s17+$0x0], $0xffff;
	_ =	sdelay $0x3  }
0x582: {  	[tilespmem:v63+s21+$0x0] =	vst.idx.msk $0xffff, v15  }
0x583: {  	p2 =	sne.s32 s22, $0x1;
	s16 =	sadd.s32 $0x1, s15;
	[tilespmem:v17+s21+$0x0] =	vst.idx.msk $0xffff, v14  }
.Ltmp58:
0x584: {  	v14 =	vld.msk [tilespmem:s16+$0x0 ss:$0x0], $0xffff;
	(pc) =	sbr.rel @!p2 .LBB2_64-.Ltmp58, $2  }
0x585: {  	_ =	sdelay $0x2  }
0x586: {  	s22 =	sadd.s32 $0xFFFFFFFF, s22;
	p1 =	por $0x1, $0x1;
	s15 =	smov.u32 s28  }
.LBB2_65:
0x587: {  	p2 =	sne.s32 s22, $0x1;
	_ =	sdelay $0x3  }
0x588: {  	v15 =	vshll.u32 v14, $0x3  }
0x589: {  	v15 =	vand.u32 $0xFFFFFC00, v15  }
0x58a: {  	v14 =	vand.u32 $0x7F, v14;
	v16 =	vadd.s32 v12, v15  }
0x58b: {  	v15 =	vadd.s32 v13, v15;
	v16 =	vor.u32 v14, v16  }
0x58c: {  	v14 =	vor.u32 v14, v15;
	_ =	sdelay $0x2  }
0x58d: {  	s15 =	sadd.s32 $0x1, s15  }
0x58e: {  	s23 =	sshll.u32 s15, $0x7;
	v15 =	vld.idx.msk [tilespmem:v16+s17+$0x0], $0xffff  }
0x58f: {  	v16 =	vor.u32 s23, v4;
	v14 =	vld.idx.msk [tilespmem:v14+s17+$0x0], $0xffff  }
0x590: {  	v17 =	vor.u32 s23, v8;
	_ =	sdelay $0x2  }
.Ltmp59:
0x591: {  	(pc) =	sbr.rel @p2 .LBB2_65-.Ltmp59, $4  }
0x592: {  	[tilespmem:v16+s21+$0x0] =	vst.idx.msk $0xffff, v15  }
0x593: {  	s16 =	sadd.s32 $0x1, s16;
	[tilespmem:v17+s21+$0x0] =	vst.idx.msk $0xffff, v14  }
0x594: {  	v14 =	vld.msk [tilespmem:s16+$0x0 ss:$0x0], $0xffff  }
0x595: {  	s22 =	sadd.s32 $0xFFFFFFFF, s22  }
.Ltmp60:
0x596: {  	_ = 	snop;
	(pc) =	sbr.rel .LBB2_66-.Ltmp60, $1  }
0x597: {  	_ =	sdelay $0x3  }
.LBB2_64:
.Ltmp61:
0x598: {  	(pc) =	sbr.rel .LBB2_66-.Ltmp61, $2  }
0x599: {  	_ =	sdelay $0x2  }
0x59a: {  	s15 =	smov.u32 s28  }
.LBB2_72:
0x59b: {  	_ =	sfence.sel $0x180000  }
0x59c: {  	[bflag:$0x0] =	sbarrier.arrive $0xFFFF  }
0x59d: {  	_ =	strace $0x90000047  }
0x59e: {  	s0 =	stileid.u32;
	[bflag:$0x2] =	sbarrier.arrive $0xFFFF  }
0x59f: {  	p0 =	sne.s32 s0, $0x0;
	s0 =	rddreg [dreg:$0x5]  }
0x5a0: {  	s0 =	sadd.s32 @!p0 $0x100000, s0  }
0x5a1: {  	[sflag:s0] =	ssyncadd.tile.s32 @!p0 $0x1;
	_ =	shalt  }
.Lfunc_end2:
_tile_overlayer_lowered:
.L_overlay_start_2:
0x5a2: {  	(tag) =	ssettag $0x2  }
0x5a3: {  	s0 =	rddreg [dreg:$0x0];
	s2 =	stileid.u32  }
0x5a4: {  	s1 =	rddreg [dreg:$0x1];
	p0 =	sne.s32 s2, $0x0  }
0x5a5: {  	s3 =	rddreg [dreg:$0x2];
	[bflag:$0x3] =	sbarrier.arrive $0xFFFF;
	s2 =	simm.s32 @!p0 $0x1C04  }
0x5a6: {  	[timem:s3], [sflag:s2] =	dma.local @!p0 [hbm:s0], s1  }
0x5a7: {  	s0 =	simm.s32 @!p0 $0x4  }
0x5a8: {  	_ =	swait.ge @!p0 [sflag:s0], s1  }
0x5a9: {  	s1 =	ssub.s32 @!p0 $0x0, s1;
	[sflag:s0] =	ssyncset.done @!p0 $0x0  }
0x5aa: {  	[sflag:s0] =	ssyncadd.s32 @!p0 s1  }
0x5ab: {  	[bflag:$0x3] =	sbarrier.arrive $0xFFFF  }
0x5ac: {  	_ =	shalt  }

</sc_bundles>
